<compile_context>
chip_gen: v7x
topology: tpu7x:2x2x1
jax: 0.10.2.dev20260603
libtpu: 0.0.44.dev20260713+nightly
codegen_flags: <defaults>
</compile_context>

<pallas_src>
import functools

import jax
import jax.numpy as jnp
from jax import lax
from jax.experimental import pallas as pl
from jax.experimental.pallas import tpu as pltpu
from jax.experimental.pallas import tpu_sc as plsc

_B = 2
_N = 20000
_NPAD = 20480
_ROWS = 160
_LANES = 128
_OUT = 500
_OUTPAD = 512
_IOU_THR = 0.3
_SCORE_THR = 0.7
_NEG = -1e30

_NW = 32
_PER_W = (_B * _NPAD) // _NW
_CHUNK = 128
_NCHUNK = _PER_W // _CHUNK


def _sc_gather(tables, idx):
    mesh = plsc.VectorSubcoreMesh(core_axis_name="c", subcore_axis_name="s")

    @functools.partial(
        pl.kernel,
        out_type=jax.ShapeDtypeStruct((4, _NW, _NCHUNK, _CHUNK), jnp.float32),
        mesh=mesh,
        scratch_types=[
            pltpu.VMEM((_NCHUNK, _CHUNK), jnp.int32),
            pltpu.VMEM((4, _NCHUNK, _CHUNK), jnp.float32),
            pltpu.SemaphoreType.DMA,
        ],
        compiler_params=pltpu.CompilerParams(use_tc_tiling_on_sc=False),
    )
    def gather_kernel(tables_hbm, idx_hbm, out_hbm, idx_v, rows_v, sem):
        wid = lax.axis_index("s") * 2 + lax.axis_index("c")
        pltpu.sync_copy(idx_hbm.at[wid], idx_v)
        copies = []
        for d in range(4):
            for k in range(_NCHUNK):
                copies.append(pltpu.async_copy(
                    tables_hbm.at[d].at[idx_v.at[k]],
                    rows_v.at[d].at[k], sem))
        for c in copies:
            c.wait()
        pltpu.sync_copy(rows_v, out_hbm.at[:, wid])

    return gather_kernel(tables, idx)


def _nms_body(d0, d1, l0, l1, a0, a1, a2, a3, out_ref,
              sw_ref, y1_ref, y2_ref, ar_ref, fg_ref):
    f32 = jnp.float32
    i32 = jnp.int32
    row_i = lax.broadcasted_iota(i32, (_ROWS, _LANES), 0)
    lane_i = lax.broadcasted_iota(i32, (_ROWS, _LANES), 1)
    slot = row_i * _LANES + lane_i
    lane_row = lax.broadcasted_iota(i32, (1, _LANES), 1)
    slotf = slot.astype(f32)
    rowf_i = row_i.astype(f32)
    lanef_row = lane_row.astype(f32)
    ones_mat = jnp.ones((_LANES, _LANES), f32)

    for b in range(_B):
        l0v = l0[b]
        l1v = l1[b]
        m = jnp.maximum(l0v, l1v)
        e0 = jnp.exp(l0v - m)
        e1 = jnp.exp(l1v - m)
        fg = e1 / (e0 + e1)

        a0v = a0[b]
        a2v = a2[b]
        h = a2v - a0v
        cy = (a2v + a0v) * f32(0.5)
        dy = d0[b] * f32(0.1)
        dh = d1[b] * f32(0.2)
        cy = cy + dy * h
        h = h * jnp.exp(dh)
        y1 = cy - h * f32(0.5)
        y2 = cy + h * f32(0.5)
        x1p = a1[b]
        x2p = a3[b]

        sw0 = jnp.where((fg >= f32(_SCORE_THR)) & (slot < _N), fg, f32(_NEG))
        areas = jnp.maximum(f32(0.0), y2 - y1) * jnp.maximum(f32(0.0), x2p - x1p)

        sw_ref[b] = sw0
        y1_ref[b] = y1
        y2_ref[b] = y2
        ar_ref[b] = areas
        fg_ref[b] = fg

    def step(i, carry):
        sws = [sw_ref[b] for b in range(_B)]
        lanemaxs = [jnp.max(sws[b], axis=0, keepdims=True) for b in range(_B)]
        mvals = [jnp.max(lanemaxs[b]) for b in range(_B)]
        rowwinfs = [jnp.min(jnp.where(sws[b] == lanemaxs[b], rowf_i, f32(_ROWS)),
                            axis=0, keepdims=True) for b in range(_B)]
        slotwfs = [rowwinfs[b] * f32(_LANES) + lanef_row for b in range(_B)]
        jfs = [jnp.min(jnp.where(lanemaxs[b] == mvals[b], slotwfs[b], f32(_NPAD)))
               for b in range(_B)]
        js = [jfs[b].astype(i32) for b in range(_B)]
        rs = [js[b] // _LANES for b in range(_B)]
        cs = [js[b] - rs[b] * _LANES for b in range(_B)]
        onehots = [(lane_row == cs[b]).astype(f32) for b in range(_B)]
        rows7s = [jnp.concatenate(
            [y1_ref[b, pl.ds(rs[b], 1), :],
             a1[b, pl.ds(rs[b], 1), :],
             y2_ref[b, pl.ds(rs[b], 1), :],
             a3[b, pl.ds(rs[b], 1), :],
             fg_ref[b, pl.ds(rs[b], 1), :],
             l0[b, pl.ds(rs[b], 1), :],
             l1[b, pl.ds(rs[b], 1), :]], axis=0) for b in range(_B)]
        bvalss = [jnp.sum(rows7s[b] * onehots[b], axis=1, keepdims=True)
                  for b in range(_B)]
        for b in range(_B):
            sw = sws[b]
            j = js[b]
            bvals = bvalss[b]
            by1 = bvals[0:1, 0:1]
            bx1 = bvals[1:2, 0:1]
            by2 = bvals[2:3, 0:1]
            bx2 = bvals[3:4, 0:1]
            bs = bvals[4:5, 0:1]
            bl0 = bvals[5:6, 0:1]
            bl1 = bvals[6:7, 0:1]

            y1p = y1_ref[b]
            y2p = y2_ref[b]
            x1p = a1[b]
            x2p = a3[b]
            yy1 = jnp.maximum(by1, y1p)
            xx1 = jnp.maximum(bx1, x1p)
            yy2 = jnp.minimum(by2, y2p)
            xx2 = jnp.minimum(bx2, x2p)
            inter = jnp.maximum(f32(0.0), yy2 - yy1) * jnp.maximum(f32(0.0), xx2 - xx1)
            barea = jnp.maximum(f32(0.0), by2 - by1) * jnp.maximum(f32(0.0), bx2 - bx1)
            union = barea + ar_ref[b] - inter
            iou = jnp.where(union > f32(0.0), inter / union, f32(0.0))
            suppress = (iou > f32(_IOU_THR)) | (slotf == jfs[b])
            sw_ref[b] = jnp.where(suppress, f32(_NEG), sw)

            flagv = jnp.where(mvals[b] > f32(-1e29), f32(1.0), f32(0.0))

            def oh(k):
                return (lane_row == k).astype(f32)

            row = (oh(0) * by1 + oh(1) * bx1 + oh(2) * by2 + oh(3) * bx2
                   + oh(5) * bs + oh(7) * bl0 + oh(8) * bl1
                   + oh(4) + oh(6) + oh(9)) * flagv
            out_ref[b, pl.ds(i, 1), :] = row
        return carry

    lax.fori_loop(0, _OUT, step, 0, unroll=4)


def _nms_call(d0, d1, l0, l1, a0, a1, a2, a3):
    return pl.pallas_call(
        _nms_body,
        out_shape=jax.ShapeDtypeStruct((_B, _OUTPAD, _LANES), jnp.float32),
        scratch_shapes=[pltpu.VMEM((_B, _ROWS, _LANES), jnp.float32)] * 5,
    )(d0, d1, l0, l1, a0, a1, a2, a3)


def kernel(deltas, class_logits, anchors, valid_anchors_indices):
    tables = jnp.stack(
        [deltas[..., 0], deltas[..., 1],
         class_logits[..., 0], class_logits[..., 1]]).reshape(4, _B * _N)
    idx = valid_anchors_indices.astype(jnp.int32)
    idx = idx + (jnp.arange(_B, dtype=jnp.int32) * _N)[:, None]
    idx = jnp.pad(idx, ((0, 0), (0, _NPAD - _N)))
    idx = idx.reshape(_NW, _NCHUNK, _CHUNK)

    gathered = _sc_gather(tables, idx)
    g = gathered.reshape(4, _B, _ROWS, _LANES)
    d0, d1, l0, l1 = g[0], g[1], g[2], g[3]

    ap = jnp.pad(anchors, ((0, 0), (0, _NPAD - _N), (0, 0)))
    a = ap.reshape(_B, _ROWS, _LANES, 4).transpose(0, 3, 1, 2)
    a0, a1, a2, a3 = a[:, 0], a[:, 1], a[:, 2], a[:, 3]

    out = _nms_call(d0, d1, l0, l1, a0, a1, a2, a3)
    boxes = out[:, :_OUT, 0:5]
    scores = out[:, :_OUT, 5:7]
    logits = out[:, :_OUT, 7:10]
    return (boxes, scores, logits)

# --- scband reference (transcript-rebuilt; emitter-appended) ---
"""Pipeline reference for scband-text-proposal-43430709297349 (READ-ONLY COPY).

The authoritative reference and input builder live on the scoring server;
editing this copy changes nothing except your own understanding.
"""

import jax, jax.numpy as jnp
import numpy as np
from jax import lax

BATCH_SIZE = 2
NUM_ANCHORS = 20000
NUM_CLASSES = 2
OUTPUT_BOX_NUM = 500
IOU_THRESHOLD = 0.3
SCORE_THRESHOLD = 0.7


def apply_regress(deltas, anchors):
    h = anchors[:, 2] - anchors[:, 0]
    cy = (anchors[:, 2] + anchors[:, 0]) * 0.5
    d = deltas * jnp.array([0.1, 0.2], dtype=deltas.dtype)
    dy, dh = d[:, 0], d[:, 1]
    cy = cy + dy * h
    h = h * jnp.exp(dh)
    y1 = cy - h * 0.5
    y2 = cy + h * 0.5
    return jnp.stack([y1, anchors[:, 1], y2, anchors[:, 3]], axis=1)


def _iou_one_to_many(box, boxes):
    yy1 = jnp.maximum(box[0], boxes[:, 0])
    xx1 = jnp.maximum(box[1], boxes[:, 1])
    yy2 = jnp.minimum(box[2], boxes[:, 2])
    xx2 = jnp.minimum(box[3], boxes[:, 3])
    inter = jnp.maximum(0.0, yy2 - yy1) * jnp.maximum(0.0, xx2 - xx1)
    a1 = jnp.maximum(0.0, box[2] - box[0]) * jnp.maximum(0.0, box[3] - box[1])
    a2 = jnp.maximum(0.0, boxes[:, 2] - boxes[:, 0]) * jnp.maximum(0.0, boxes[:, 3] - boxes[:, 1])
    union = a1 + a2 - inter
    return jnp.where(union > 0.0, inter / union, 0.0)


def _nms_single(boxes, scores, class_logits):
    n = boxes.shape[0]
    neg = jnp.float32(-1e30)
    sw0 = jnp.where(scores >= SCORE_THRESHOLD, scores, neg)
    arange_n = jnp.arange(n)

    def step(sw, _):
        j = jnp.argmax(sw)
        v = sw[j] > jnp.float32(-1e29)
        ious = _iou_one_to_many(boxes[j], boxes)
        suppress = (ious > IOU_THRESHOLD) | (arange_n == j)
        sw = jnp.where(suppress, neg, sw)
        return sw, (j, v)

    _, (sel, valid) = lax.scan(step, sw0, None, length=OUTPUT_BOX_NUM)
    flag = valid.astype(boxes.dtype)[:, None]
    out_boxes = jnp.take(boxes, sel, axis=0) * flag
    out_scores = jnp.take(scores, sel, axis=0)[:, None] * flag
    out_logits = jnp.take(class_logits, sel, axis=0) * flag
    # pad_to_fixed_size semantics: append validity flag column (1 real / 0 pad)
    return (jnp.concatenate([out_boxes, flag], axis=1),
            jnp.concatenate([out_scores, flag], axis=1),
            jnp.concatenate([out_logits, flag], axis=1))


def _single_image(deltas, class_logits, anchors, idx):
    # get_valid_predicts: gather deltas and class logits by valid anchor indices
    d = jnp.take(deltas, idx, axis=0)
    l = jnp.take(class_logits, idx, axis=0)
    class_scores = jax.nn.softmax(l, axis=-1)
    fg_scores = jnp.max(class_scores[:, 1:], axis=-1)
    proposals = apply_regress(d, anchors)
    return _nms_single(proposals, fg_scores, l)


def setup_inputs(seed: int = 0):
    key = jax.random.key(seed)
    k1, k2, k3, k4, k5, k6, k7 = jax.random.split(key, 7)
    deltas = jax.random.normal(k1, (BATCH_SIZE, NUM_ANCHORS, 2), dtype=jnp.float32) * 0.5
    class_logits = jax.random.normal(k2, (BATCH_SIZE, NUM_ANCHORS, NUM_CLASSES), dtype=jnp.float32) * 2.0
    cy = jax.random.uniform(k3, (BATCH_SIZE, NUM_ANCHORS), dtype=jnp.float32) * 2048.0
    h = jax.random.uniform(k4, (BATCH_SIZE, NUM_ANCHORS), dtype=jnp.float32) * 56.0 + 8.0
    x1 = jax.random.uniform(k5, (BATCH_SIZE, NUM_ANCHORS), dtype=jnp.float32) * 2048.0
    w = jax.random.uniform(k6, (BATCH_SIZE, NUM_ANCHORS), dtype=jnp.float32) * 120.0 + 8.0
    anchors = jnp.stack([cy - 0.5 * h, x1, cy + 0.5 * h, x1 + w], axis=-1)
    valid_anchors_indices = jax.random.randint(k7, (BATCH_SIZE, NUM_ANCHORS), 0, NUM_ANCHORS)
    return {"deltas": deltas, "class_logits": class_logits, "anchors": anchors,
            "valid_anchors_indices": valid_anchors_indices}


def reference(deltas, class_logits, anchors, valid_anchors_indices):
    boxes, scores, logits = jax.vmap(_single_image)(deltas, class_logits, anchors, valid_anchors_indices)
    return (boxes, scores, logits)

if __name__ == "__main__":
    import jax
    _d = setup_inputs()
    print(jax.jit(kernel)(*tuple(_d.values())))

</pallas_src>

<mosaic_0001>
#map = affine_map<(d0, d1) -> (0, 0)>
#map1 = affine_map<(d0, d1) -> (0, 0, 0)>
#map2 = affine_map<(d0, d1) -> (0, 0, 0, 0)>
module attributes {stable_mosaic.version = 14 : i64} {
  func.func @gather_kernel(%arg0: i32, %arg1: i32, %arg2: memref<4x40000xf32, #tpu.memory_space<hbm>>, %arg3: memref<32x10x128xi32, #tpu.memory_space<hbm>>, %arg4: memref<4x32x10x128xf32, #tpu.memory_space<hbm>>, %arg5: memref<10x128xi32, #tpu.memory_space<vmem>>, %arg6: memref<4x10x128xf32, #tpu.memory_space<vmem>>, %arg7: memref<!tpu.dma_semaphore, #tpu.memory_space<semaphore_mem>>) attributes {dimension_semantics = [#tpu.dimension_semantics<core_parallel>, #tpu.dimension_semantics<subcore_parallel>], iteration_bounds = array<i64: 2, 16>, scalar_prefetch = 0 : i64, scratch_operands = 3 : i64, tpu.core_type = #tpu.core_type<sc_vector_subcore>, window_params = [{transform_indices = #map}, {transform_indices = #map1}, {transform_indices = #map2}]} {
    %mul3A = arith.constant 2 : i32
    %mul3A_0 = arith.muli %arg1, %mul3A : i32
    %add3A = arith.addi %mul3A_0, %arg0 : i32
    "tpu.region"() ({
      %run_scoped3A = tpu.sem_alloc : memref<!tpu.dma_semaphore, #tpu.memory_space<semaphore_mem>>
      %dma_start3A_1519 = arith.constant 0 : i32
      %dma_start3A_1520 = arith.constant 0 : i32
      %dma_start3A_1521 = tpu.memref_slice %arg3[%add3A, %dma_start3A_1519, %dma_start3A_1520] : memref<32x10x128xi32, #tpu.memory_space<hbm>> -> memref<1x10x128xi32, #tpu.memory_space<hbm>>
      %dma_start3A_1522 = tpu.memref_squeeze %dma_start3A_1521 : memref<1x10x128xi32, #tpu.memory_space<hbm>> -> memref<10x128xi32, #tpu.memory_space<hbm>>
      %dma_start3A_1523 = arith.constant 0 : i32
      %dma_start3A_1524 = arith.constant 0 : i32
      %dma_start3A_1525 = tpu.memref_slice %arg3[%add3A, %dma_start3A_1523, %dma_start3A_1524] : memref<32x10x128xi32, #tpu.memory_space<hbm>> -> memref<1x10x128xi32, #tpu.memory_space<hbm>>
      %dma_start3A_1526 = tpu.memref_squeeze %dma_start3A_1525 : memref<1x10x128xi32, #tpu.memory_space<hbm>> -> memref<10x128xi32, #tpu.memory_space<hbm>>
      tpu.enqueue_dma source(%dma_start3A_1526 : memref<10x128xi32, #tpu.memory_space<hbm>>) target(%arg5 : memref<10x128xi32, #tpu.memory_space<vmem>>) target_semaphore(%run_scoped3A : memref<!tpu.dma_semaphore, #tpu.memory_space<semaphore_mem>>)
      %dma_wait3A_1527 = arith.constant 0 : i32
      %dma_wait3A_1528 = arith.constant 0 : i32
      %dma_wait3A_1529 = tpu.memref_slice %arg3[%add3A, %dma_wait3A_1527, %dma_wait3A_1528] : memref<32x10x128xi32, #tpu.memory_space<hbm>> -> memref<1x10x128xi32, #tpu.memory_space<hbm>>
      %dma_wait3A_1530 = tpu.memref_squeeze %dma_wait3A_1529 : memref<1x10x128xi32, #tpu.memory_space<hbm>> -> memref<10x128xi32, #tpu.memory_space<hbm>>
      %dma_wait3A_1531 = arith.constant 0 : i32
      %dma_wait3A_1532 = arith.constant 0 : i32
      %dma_wait3A_1533 = tpu.memref_slice %arg3[%add3A, %dma_wait3A_1531, %dma_wait3A_1532] : memref<32x10x128xi32, #tpu.memory_space<hbm>> -> memref<1x10x128xi32, #tpu.memory_space<hbm>>
      %dma_wait3A_1534 = tpu.memref_squeeze %dma_wait3A_1533 : memref<1x10x128xi32, #tpu.memory_space<hbm>> -> memref<10x128xi32, #tpu.memory_space<hbm>>
      tpu.wait_dma2 semaphore(%run_scoped3A : memref<!tpu.dma_semaphore, #tpu.memory_space<semaphore_mem>>) src(%dma_wait3A_1534 : memref<10x128xi32, #tpu.memory_space<hbm>>) dst(%arg5 : memref<10x128xi32, #tpu.memory_space<vmem>>)
      tpu.yield
    }) : () -> ()
    %dma_start3A = arith.constant 0 : i32
    %dma_start3A_1 = arith.constant 0 : i32
    %dma_start3A_2 = arith.constant 0 : i32
    %dma_start3A_3 = arith.constant 0 : i32
    %dma_start3A_4 = arith.constant 0 : i32
    %dma_start3A_5 = arith.constant 0 : i32
    %dma_start3A_6 = tpu.memref_slice %arg6[%dma_start3A_2, %dma_start3A_4, %dma_start3A_5] : memref<4x10x128xf32, #tpu.memory_space<vmem>> -> memref<1x10x128xf32, #tpu.memory_space<vmem>>
    %dma_start3A_7 = tpu.memref_squeeze %dma_start3A_6 : memref<1x10x128xf32, #tpu.memory_space<vmem>> -> memref<10x128xf32, #tpu.memory_space<vmem>>
    %dma_start3A_8 = arith.constant 0 : i32
    %dma_start3A_9 = tpu.memref_slice %dma_start3A_7[%dma_start3A_3, %dma_start3A_8] : memref<10x128xf32, #tpu.memory_space<vmem>> -> memref<1x128xf32, #tpu.memory_space<vmem>>
    %dma_start3A_10 = tpu.memref_squeeze %dma_start3A_9 : memref<1x128xf32, #tpu.memory_space<vmem>> -> memref<128xf32, #tpu.memory_space<vmem>>
    %dma_start3A_11 = arith.constant 0 : i32
    %dma_start3A_12 = tpu.memref_slice %arg5[%dma_start3A_1, %dma_start3A_11] : memref<10x128xi32, #tpu.memory_space<vmem>> -> memref<1x128xi32, #tpu.memory_space<vmem>>
    %dma_start3A_13 = tpu.memref_squeeze %dma_start3A_12 : memref<1x128xi32, #tpu.memory_space<vmem>> -> memref<128xi32, #tpu.memory_space<vmem>>
    %dma_start3A_14 = arith.constant 0 : i32
    %dma_start3A_15 = tpu.memref_slice %arg2[%dma_start3A, %dma_start3A_14] : memref<4x40000xf32, #tpu.memory_space<hbm>> -> memref<1x40000xf32, #tpu.memory_space<hbm>>
    %dma_start3A_16 = tpu.memref_squeeze %dma_start3A_15 : memref<1x40000xf32, #tpu.memory_space<hbm>> -> memref<40000xf32, #tpu.memory_space<hbm>>
    %dma_start3A_17 = arith.constant 0 : i32
    %dma_start3A_18 = tpu.memref_slice %dma_start3A_16[%dma_start3A_17] : memref<40000xf32, #tpu.memory_space<hbm>> -> memref<40000xf32, #tpu.memory_space<hbm>>
    tpu.enqueue_indirect_dma source(%dma_start3A_18 : memref<40000xf32, #tpu.memory_space<hbm>>) target(%dma_start3A_10 : memref<128xf32, #tpu.memory_space<vmem>>) offsets(%dma_start3A_13 : memref<128xi32, #tpu.memory_space<vmem>>) semaphore(%arg7 : memref<!tpu.dma_semaphore, #tpu.memory_space<semaphore_mem>>)
    %dma_start3A_19 = arith.constant 0 : i32
    %dma_start3A_20 = arith.constant 1 : i32
    %dma_start3A_21 = arith.constant 0 : i32
    %dma_start3A_22 = arith.constant 1 : i32
    %dma_start3A_23 = arith.constant 0 : i32
    %dma_start3A_24 = arith.constant 0 : i32
    %dma_start3A_25 = tpu.memref_slice %arg6[%dma_start3A_21, %dma_start3A_23, %dma_start3A_24] : memref<4x10x128xf32, #tpu.memory_space<vmem>> -> memref<1x10x128xf32, #tpu.memory_space<vmem>>
    %dma_start3A_26 = tpu.memref_squeeze %dma_start3A_25 : memref<1x10x128xf32, #tpu.memory_space<vmem>> -> memref<10x128xf32, #tpu.memory_space<vmem>>
    %dma_start3A_27 = arith.constant 0 : i32
    %dma_start3A_28 = tpu.memref_slice %dma_start3A_26[%dma_start3A_22, %dma_start3A_27] : memref<10x128xf32, #tpu.memory_space<vmem>> -> memref<1x128xf32, #tpu.memory_space<vmem>>
    %dma_start3A_29 = tpu.memref_squeeze %dma_start3A_28 : memref<1x128xf32, #tpu.memory_space<vmem>> -> memref<128xf32, #tpu.memory_space<vmem>>
    %dma_start3A_30 = arith.constant 0 : i32
    %dma_start3A_31 = tpu.memref_slice %arg5[%dma_start3A_20, %dma_start3A_30] : memref<10x128xi32, #tpu.memory_space<vmem>> -> memref<1x128xi32, #tpu.memory_space<vmem>>
    %dma_start3A_32 = tpu.memref_squeeze %dma_start3A_31 : memref<1x128xi32, #tpu.memory_space<vmem>> -> memref<128xi32, #tpu.memory_space<vmem>>
    %dma_start3A_33 = arith.constant 0 : i32
    %dma_start3A_34 = tpu.memref_slice %arg2[%dma_start3A_19, %dma_start3A_33] : memref<4x40000xf32, #tpu.memory_space<hbm>> -> memref<1x40000xf32, #tpu.memory_space<hbm>>
    %dma_start3A_35 = tpu.memref_squeeze %dma_start3A_34 : memref<1x40000xf32, #tpu.memory_space<hbm>> -> memref<40000xf32, #tpu.memory_space<hbm>>
    %dma_start3A_36 = arith.constant 0 : i32
    %dma_start3A_37 = tpu.memref_slice %dma_start3A_35[%dma_start3A_36] : memref<40000xf32, #tpu.memory_space<hbm>> -> memref<40000xf32, #tpu.memory_space<hbm>>
    tpu.enqueue_indirect_dma source(%dma_start3A_37 : memref<40000xf32, #tpu.memory_space<hbm>>) target(%dma_start3A_29 : memref<128xf32, #tpu.memory_space<vmem>>) offsets(%dma_start3A_32 : memref<128xi32, #tpu.memory_space<vmem>>) semaphore(%arg7 : memref<!tpu.dma_semaphore, #tpu.memory_space<semaphore_mem>>)
    %dma_start3A_38 = arith.constant 0 : i32
    %dma_start3A_39 = arith.constant 2 : i32
    %dma_start3A_40 = arith.constant 0 : i32
    %dma_start3A_41 = arith.constant 2 : i32
    %dma_start3A_42 = arith.constant 0 : i32
    %dma_start3A_43 = arith.constant 0 : i32
    %dma_start3A_44 = tpu.memref_slice %arg6[%dma_start3A_40, %dma_start3A_42, %dma_start3A_43] : memref<4x10x128xf32, #tpu.memory_space<vmem>> -> memref<1x10x128xf32, #tpu.memory_space<vmem>>
    %dma_start3A_45 = tpu.memref_squeeze %dma_start3A_44 : memref<1x10x128xf32, #tpu.memory_space<vmem>> -> memref<10x128xf32, #tpu.memory_space<vmem>>
    %dma_start3A_46 = arith.constant 0 : i32
    %dma_start3A_47 = tpu.memref_slice %dma_start3A_45[%dma_start3A_41, %dma_start3A_46] : memref<10x128xf32, #tpu.memory_space<vmem>> -> memref<1x128xf32, #tpu.memory_space<vmem>>
    %dma_start3A_48 = tpu.memref_squeeze %dma_start3A_47 : memref<1x128xf32, #tpu.memory_space<vmem>> -> memref<128xf32, #tpu.memory_space<vmem>>
    %dma_start3A_49 = arith.constant 0 : i32
    %dma_start3A_50 = tpu.memref_slice %arg5[%dma_start3A_39, %dma_start3A_49] : memref<10x128xi32, #tpu.memory_space<vmem>> -> memref<1x128xi32, #tpu.memory_space<vmem>>
    %dma_start3A_51 = tpu.memref_squeeze %dma_start3A_50 : memref<1x128xi32, #tpu.memory_space<vmem>> -> memref<128xi32, #tpu.memory_space<vmem>>
    %dma_start3A_52 = arith.constant 0 : i32
    %dma_start3A_53 = tpu.memref_slice %arg2[%dma_start3A_38, %dma_start3A_52] : memref<4x40000xf32, #tpu.memory_space<hbm>> -> memref<1x40000xf32, #tpu.memory_space<hbm>>
    %dma_start3A_54 = tpu.memref_squeeze %dma_start3A_53 : memref<1x40000xf32, #tpu.memory_space<hbm>> -> memref<40000xf32, #tpu.memory_space<hbm>>
    %dma_start3A_55 = arith.constant 0 : i32
    %dma_start3A_56 = tpu.memref_slice %dma_start3A_54[%dma_start3A_55] : memref<40000xf32, #tpu.memory_space<hbm>> -> memref<40000xf32, #tpu.memory_space<hbm>>
    tpu.enqueue_indirect_dma source(%dma_start3A_56 : memref<40000xf32, #tpu.memory_space<hbm>>) target(%dma_start3A_48 : memref<128xf32, #tpu.memory_space<vmem>>) offsets(%dma_start3A_51 : memref<128xi32, #tpu.memory_space<vmem>>) semaphore(%arg7 : memref<!tpu.dma_semaphore, #tpu.memory_space<semaphore_mem>>)
    %dma_start3A_57 = arith.constant 0 : i32
    %dma_start3A_58 = arith.constant 3 : i32
    %dma_start3A_59 = arith.constant 0 : i32
    %dma_start3A_60 = arith.constant 3 : i32
    %dma_start3A_61 = arith.constant 0 : i32
    %dma_start3A_62 = arith.constant 0 : i32
    %dma_start3A_63 = tpu.memref_slice %arg6[%dma_start3A_59, %dma_start3A_61, %dma_start3A_62] : memref<4x10x128xf32, #tpu.memory_space<vmem>> -> memref<1x10x128xf32, #tpu.memory_space<vmem>>
    %dma_start3A_64 = tpu.memref_squeeze %dma_start3A_63 : memref<1x10x128xf32, #tpu.memory_space<vmem>> -> memref<10x128xf32, #tpu.memory_space<vmem>>
    %dma_start3A_65 = arith.constant 0 : i32
    %dma_start3A_66 = tpu.memref_slice %dma_start3A_64[%dma_start3A_60, %dma_start3A_65] : memref<10x128xf32, #tpu.memory_space<vmem>> -> memref<1x128xf32, #tpu.memory_space<vmem>>
    %dma_start3A_67 = tpu.memref_squeeze %dma_start3A_66 : memref<1x128xf32, #tpu.memory_space<vmem>> -> memref<128xf32, #tpu.memory_space<vmem>>
    %dma_start3A_68 = arith.constant 0 : i32
    %dma_start3A_69 = tpu.memref_slice %arg5[%dma_start3A_58, %dma_start3A_68] : memref<10x128xi32, #tpu.memory_space<vmem>> -> memref<1x128xi32, #tpu.memory_space<vmem>>
    %dma_start3A_70 = tpu.memref_squeeze %dma_start3A_69 : memref<1x128xi32, #tpu.memory_space<vmem>> -> memref<128xi32, #tpu.memory_space<vmem>>
    %dma_start3A_71 = arith.constant 0 : i32
    %dma_start3A_72 = tpu.memref_slice %arg2[%dma_start3A_57, %dma_start3A_71] : memref<4x40000xf32, #tpu.memory_space<hbm>> -> memref<1x40000xf32, #tpu.memory_space<hbm>>
    %dma_start3A_73 = tpu.memref_squeeze %dma_start3A_72 : memref<1x40000xf32, #tpu.memory_space<hbm>> -> memref<40000xf32, #tpu.memory_space<hbm>>
    %dma_start3A_74 = arith.constant 0 : i32
    %dma_start3A_75 = tpu.memref_slice %dma_start3A_73[%dma_start3A_74] : memref<40000xf32, #tpu.memory_space<hbm>> -> memref<40000xf32, #tpu.memory_space<hbm>>
    tpu.enqueue_indirect_dma source(%dma_start3A_75 : memref<40000xf32, #tpu.memory_space<hbm>>) target(%dma_start3A_67 : memref<128xf32, #tpu.memory_space<vmem>>) offsets(%dma_start3A_70 : memref<128xi32, #tpu.memory_space<vmem>>) semaphore(%arg7 : memref<!tpu.dma_semaphore, #tpu.memory_space<semaphore_mem>>)
    %dma_start3A_76 = arith.constant 0 : i32
    %dma_start3A_77 = arith.constant 4 : i32
    %dma_start3A_78 = arith.constant 0 : i32
    %dma_start3A_79 = arith.constant 4 : i32
    %dma_start3A_80 = arith.constant 0 : i32
    %dma_start3A_81 = arith.constant 0 : i32
    %dma_start3A_82 = tpu.memref_slice %arg6[%dma_start3A_78, %dma_start3A_80, %dma_start3A_81] : memref<4x10x128xf32, #tpu.memory_space<vmem>> -> memref<1x10x128xf32, #tpu.memory_space<vmem>>
    %dma_start3A_83 = tpu.memref_squeeze %dma_start3A_82 : memref<1x10x128xf32, #tpu.memory_space<vmem>> -> memref<10x128xf32, #tpu.memory_space<vmem>>
    %dma_start3A_84 = arith.constant 0 : i32
    %dma_start3A_85 = tpu.memref_slice %dma_start3A_83[%dma_start3A_79, %dma_start3A_84] : memref<10x128xf32, #tpu.memory_space<vmem>> -> memref<1x128xf32, #tpu.memory_space<vmem>>
    %dma_start3A_86 = tpu.memref_squeeze %dma_start3A_85 : memref<1x128xf32, #tpu.memory_space<vmem>> -> memref<128xf32, #tpu.memory_space<vmem>>
    %dma_start3A_87 = arith.constant 0 : i32
    %dma_start3A_88 = tpu.memref_slice %arg5[%dma_start3A_77, %dma_start3A_87] : memref<10x128xi32, #tpu.memory_space<vmem>> -> memref<1x128xi32, #tpu.memory_space<vmem>>
    %dma_start3A_89 = tpu.memref_squeeze %dma_start3A_88 : memref<1x128xi32, #tpu.memory_space<vmem>> -> memref<128xi32, #tpu.memory_space<vmem>>
    %dma_start3A_90 = arith.constant 0 : i32
    %dma_start3A_91 = tpu.memref_slice %arg2[%dma_start3A_76, %dma_start3A_90] : memref<4x40000xf32, #tpu.memory_space<hbm>> -> memref<1x40000xf32, #tpu.memory_space<hbm>>
    %dma_start3A_92 = tpu.memref_squeeze %dma_start3A_91 : memref<1x40000xf32, #tpu.memory_space<hbm>> -> memref<40000xf32, #tpu.memory_space<hbm>>
    %dma_start3A_93 = arith.constant 0 : i32
    %dma_start3A_94 = tpu.memref_slice %dma_start3A_92[%dma_start3A_93] : memref<40000xf32, #tpu.memory_space<hbm>> -> memref<40000xf32, #tpu.memory_space<hbm>>
    tpu.enqueue_indirect_dma source(%dma_start3A_94 : memref<40000xf32, #tpu.memory_space<hbm>>) target(%dma_start3A_86 : memref<128xf32, #tpu.memory_space<vmem>>) offsets(%dma_start3A_89 : memref<128xi32, #tpu.memory_space<vmem>>) semaphore(%arg7 : memref<!tpu.dma_semaphore, #tpu.memory_space<semaphore_mem>>)
    %dma_start3A_95 = arith.constant 0 : i32
    %dma_start3A_96 = arith.constant 5 : i32
    %dma_start3A_97 = arith.constant 0 : i32
    %dma_start3A_98 = arith.constant 5 : i32
    %dma_start3A_99 = arith.constant 0 : i32
    %dma_start3A_100 = arith.constant 0 : i32
    %dma_start3A_101 = tpu.memref_slice %arg6[%dma_start3A_97, %dma_start3A_99, %dma_start3A_100] : memref<4x10x128xf32, #tpu.memory_space<vmem>> -> memref<1x10x128xf32, #tpu.memory_space<vmem>>
    %dma_start3A_102 = tpu.memref_squeeze %dma_start3A_101 : memref<1x10x128xf32, #tpu.memory_space<vmem>> -> memref<10x128xf32, #tpu.memory_space<vmem>>
    %dma_start3A_103 = arith.constant 0 : i32
    %dma_start3A_104 = tpu.memref_slice %dma_start3A_102[%dma_start3A_98, %dma_start3A_103] : memref<10x128xf32, #tpu.memory_space<vmem>> -> memref<1x128xf32, #tpu.memory_space<vmem>>
    %dma_start3A_105 = tpu.memref_squeeze %dma_start3A_104 : memref<1x128xf32, #tpu.memory_space<vmem>> -> memref<128xf32, #tpu.memory_space<vmem>>
    %dma_start3A_106 = arith.constant 0 : i32
    %dma_start3A_107 = tpu.memref_slice %arg5[%dma_start3A_96, %dma_start3A_106] : memref<10x128xi32, #tpu.memory_space<vmem>> -> memref<1x128xi32, #tpu.memory_space<vmem>>
    %dma_start3A_108 = tpu.memref_squeeze %dma_start3A_107 : memref<1x128xi32, #tpu.memory_space<vmem>> -> memref<128xi32, #tpu.memory_space<vmem>>
    %dma_start3A_109 = arith.constant 0 : i32
    %dma_start3A_110 = tpu.memref_slice %arg2[%dma_start3A_95, %dma_start3A_109] : memref<4x40000xf32, #tpu.memory_space<hbm>> -> memref<1x40000xf32, #tpu.memory_space<hbm>>
    %dma_start3A_111 = tpu.memref_squeeze %dma_start3A_110 : memref<1x40000xf32, #tpu.memory_space<hbm>> -> memref<40000xf32, #tpu.memory_space<hbm>>
    %dma_start3A_112 = arith.constant 0 : i32
    %dma_start3A_113 = tpu.memref_slice %dma_start3A_111[%dma_start3A_112] : memref<40000xf32, #tpu.memory_space<hbm>> -> memref<40000xf32, #tpu.memory_space<hbm>>
    tpu.enqueue_indirect_dma source(%dma_start3A_113 : memref<40000xf32, #tpu.memory_space<hbm>>) target(%dma_start3A_105 : memref<128xf32, #tpu.memory_space<vmem>>) offsets(%dma_start3A_108 : memref<128xi32, #tpu.memory_space<vmem>>) semaphore(%arg7 : memref<!tpu.dma_semaphore, #tpu.memory_space<semaphore_mem>>)
    %dma_start3A_114 = arith.constant 0 : i32
    %dma_start3A_115 = arith.constant 6 : i32
    %dma_start3A_116 = arith.constant 0 : i32
    %dma_start3A_117 = arith.constant 6 : i32
    %dma_start3A_118 = arith.constant 0 : i32
    %dma_start3A_119 = arith.constant 0 : i32
    %dma_start3A_120 = tpu.memref_slice %arg6[%dma_start3A_116, %dma_start3A_118, %dma_start3A_119] : memref<4x10x128xf32, #tpu.memory_space<vmem>> -> memref<1x10x128xf32, #tpu.memory_space<vmem>>
    %dma_start3A_121 = tpu.memref_squeeze %dma_start3A_120 : memref<1x10x128xf32, #tpu.memory_space<vmem>> -> memref<10x128xf32, #tpu.memory_space<vmem>>
    %dma_start3A_122 = arith.constant 0 : i32
    %dma_start3A_123 = tpu.memref_slice %dma_start3A_121[%dma_start3A_117, %dma_start3A_122] : memref<10x128xf32, #tpu.memory_space<vmem>> -> memref<1x128xf32, #tpu.memory_space<vmem>>
    %dma_start3A_124 = tpu.memref_squeeze %dma_start3A_123 : memref<1x128xf32, #tpu.memory_space<vmem>> -> memref<128xf32, #tpu.memory_space<vmem>>
    %dma_start3A_125 = arith.constant 0 : i32
    %dma_start3A_126 = tpu.memref_slice %arg5[%dma_start3A_115, %dma_start3A_125] : memref<10x128xi32, #tpu.memory_space<vmem>> -> memref<1x128xi32, #tpu.memory_space<vmem>>
    %dma_start3A_127 = tpu.memref_squeeze %dma_start3A_126 : memref<1x128xi32, #tpu.memory_space<vmem>> -> memref<128xi32, #tpu.memory_space<vmem>>
    %dma_start3A_128 = arith.constant 0 : i32
    %dma_start3A_129 = tpu.memref_slice %arg2[%dma_start3A_114, %dma_start3A_128] : memref<4x40000xf32, #tpu.memory_space<hbm>> -> memref<1x40000xf32, #tpu.memory_space<hbm>>
    %dma_start3A_130 = tpu.memref_squeeze %dma_start3A_129 : memref<1x40000xf32, #tpu.memory_space<hbm>> -> memref<40000xf32, #tpu.memory_space<hbm>>
    %dma_start3A_131 = arith.constant 0 : i32
    %dma_start3A_132 = tpu.memref_slice %dma_start3A_130[%dma_start3A_131] : memref<40000xf32, #tpu.memory_space<hbm>> -> memref<40000xf32, #tpu.memory_space<hbm>>
    tpu.enqueue_indirect_dma source(%dma_start3A_132 : memref<40000xf32, #tpu.memory_space<hbm>>) target(%dma_start3A_124 : memref<128xf32, #tpu.memory_space<vmem>>) offsets(%dma_start3A_127 : memref<128xi32, #tpu.memory_space<vmem>>) semaphore(%arg7 : memref<!tpu.dma_semaphore, #tpu.memory_space<semaphore_mem>>)
    %dma_start3A_133 = arith.constant 0 : i32
    %dma_start3A_134 = arith.constant 7 : i32
    %dma_start3A_135 = arith.constant 0 : i32
    %dma_start3A_136 = arith.constant 7 : i32
    %dma_start3A_137 = arith.constant 0 : i32
    %dma_start3A_138 = arith.constant 0 : i32
    %dma_start3A_139 = tpu.memref_slice %arg6[%dma_start3A_135, %dma_start3A_137, %dma_start3A_138] : memref<4x10x128xf32, #tpu.memory_space<vmem>> -> memref<1x10x128xf32, #tpu.memory_space<vmem>>
    %dma_start3A_140 = tpu.memref_squeeze %dma_start3A_139 : memref<1x10x128xf32, #tpu.memory_space<vmem>> -> memref<10x128xf32, #tpu.memory_space<vmem>>
    %dma_start3A_141 = arith.constant 0 : i32
    %dma_start3A_142 = tpu.memref_slice %dma_start3A_140[%dma_start3A_136, %dma_start3A_141] : memref<10x128xf32, #tpu.memory_space<vmem>> -> memref<1x128xf32, #tpu.memory_space<vmem>>
    %dma_start3A_143 = tpu.memref_squeeze %dma_start3A_142 : memref<1x128xf32, #tpu.memory_space<vmem>> -> memref<128xf32, #tpu.memory_space<vmem>>
    %dma_start3A_144 = arith.constant 0 : i32
    %dma_start3A_145 = tpu.memref_slice %arg5[%dma_start3A_134, %dma_start3A_144] : memref<10x128xi32, #tpu.memory_space<vmem>> -> memref<1x128xi32, #tpu.memory_space<vmem>>
    %dma_start3A_146 = tpu.memref_squeeze %dma_start3A_145 : memref<1x128xi32, #tpu.memory_space<vmem>> -> memref<128xi32, #tpu.memory_space<vmem>>
    %dma_start3A_147 = arith.constant 0 : i32
    %dma_start3A_148 = tpu.memref_slice %arg2[%dma_start3A_133, %dma_start3A_147] : memref<4x40000xf32, #tpu.memory_space<hbm>> -> memref<1x40000xf32, #tpu.memory_space<hbm>>
    %dma_start3A_149 = tpu.memref_squeeze %dma_start3A_148 : memref<1x40000xf32, #tpu.memory_space<hbm>> -> memref<40000xf32, #tpu.memory_space<hbm>>
    %dma_start3A_150 = arith.constant 0 : i32
    %dma_start3A_151 = tpu.memref_slice %dma_start3A_149[%dma_start3A_150] : memref<40000xf32, #tpu.memory_space<hbm>> -> memref<40000xf32, #tpu.memory_space<hbm>>
    tpu.enqueue_indirect_dma source(%dma_start3A_151 : memref<40000xf32, #tpu.memory_space<hbm>>) target(%dma_start3A_143 : memref<128xf32, #tpu.memory_space<vmem>>) offsets(%dma_start3A_146 : memref<128xi32, #tpu.memory_space<vmem>>) semaphore(%arg7 : memref<!tpu.dma_semaphore, #tpu.memory_space<semaphore_mem>>)
    %dma_start3A_152 = arith.constant 0 : i32
    %dma_start3A_153 = arith.constant 8 : i32
    %dma_start3A_154 = arith.constant 0 : i32
    %dma_start3A_155 = arith.constant 8 : i32
    %dma_start3A_156 = arith.constant 0 : i32
    %dma_start3A_157 = arith.constant 0 : i32
    %dma_start3A_158 = tpu.memref_slice %arg6[%dma_start3A_154, %dma_start3A_156, %dma_start3A_157] : memref<4x10x128xf32, #tpu.memory_space<vmem>> -> memref<1x10x128xf32, #tpu.memory_space<vmem>>
    %dma_start3A_159 = tpu.memref_squeeze %dma_start3A_158 : memref<1x10x128xf32, #tpu.memory_space<vmem>> -> memref<10x128xf32, #tpu.memory_space<vmem>>
    %dma_start3A_160 = arith.constant 0 : i32
    %dma_start3A_161 = tpu.memref_slice %dma_start3A_159[%dma_start3A_155, %dma_start3A_160] : memref<10x128xf32, #tpu.memory_space<vmem>> -> memref<1x128xf32, #tpu.memory_space<vmem>>
    %dma_start3A_162 = tpu.memref_squeeze %dma_start3A_161 : memref<1x128xf32, #tpu.memory_space<vmem>> -> memref<128xf32, #tpu.memory_space<vmem>>
    %dma_start3A_163 = arith.constant 0 : i32
    %dma_start3A_164 = tpu.memref_slice %arg5[%dma_start3A_153, %dma_start3A_163] : memref<10x128xi32, #tpu.memory_space<vmem>> -> memref<1x128xi32, #tpu.memory_space<vmem>>
    %dma_start3A_165 = tpu.memref_squeeze %dma_start3A_164 : memref<1x128xi32, #tpu.memory_space<vmem>> -> memref<128xi32, #tpu.memory_space<vmem>>
    %dma_start3A_166 = arith.constant 0 : i32
    %dma_start3A_167 = tpu.memref_slice %arg2[%dma_start3A_152, %dma_start3A_166] : memref<4x40000xf32, #tpu.memory_space<hbm>> -> memref<1x40000xf32, #tpu.memory_space<hbm>>
    %dma_start3A_168 = tpu.memref_squeeze %dma_start3A_167 : memref<1x40000xf32, #tpu.memory_space<hbm>> -> memref<40000xf32, #tpu.memory_space<hbm>>
    %dma_start3A_169 = arith.constant 0 : i32
    %dma_start3A_170 = tpu.memref_slice %dma_start3A_168[%dma_start3A_169] : memref<40000xf32, #tpu.memory_space<hbm>> -> memref<40000xf32, #tpu.memory_space<hbm>>
    tpu.enqueue_indirect_dma source(%dma_start3A_170 : memref<40000xf32, #tpu.memory_space<hbm>>) target(%dma_start3A_162 : memref<128xf32, #tpu.memory_space<vmem>>) offsets(%dma_start3A_165 : memref<128xi32, #tpu.memory_space<vmem>>) semaphore(%arg7 : memref<!tpu.dma_semaphore, #tpu.memory_space<semaphore_mem>>)
    %dma_start3A_171 = arith.constant 0 : i32
    %dma_start3A_172 = arith.constant 9 : i32
    %dma_start3A_173 = arith.constant 0 : i32
    %dma_start3A_174 = arith.constant 9 : i32
    %dma_start3A_175 = arith.constant 0 : i32
    %dma_start3A_176 = arith.constant 0 : i32
    %dma_start3A_177 = tpu.memref_slice %arg6[%dma_start3A_173, %dma_start3A_175, %dma_start3A_176] : memref<4x10x128xf32, #tpu.memory_space<vmem>> -> memref<1x10x128xf32, #tpu.memory_space<vmem>>
    %dma_start3A_178 = tpu.memref_squeeze %dma_start3A_177 : memref<1x10x128xf32, #tpu.memory_space<vmem>> -> memref<10x128xf32, #tpu.memory_space<vmem>>
    %dma_start3A_179 = arith.constant 0 : i32
    %dma_start3A_180 = tpu.memref_slice %dma_start3A_178[%dma_start3A_174, %dma_start3A_179] : memref<10x128xf32, #tpu.memory_space<vmem>> -> memref<1x128xf32, #tpu.memory_space<vmem>>
    %dma_start3A_181 = tpu.memref_squeeze %dma_start3A_180 : memref<1x128xf32, #tpu.memory_space<vmem>> -> memref<128xf32, #tpu.memory_space<vmem>>
    %dma_start3A_182 = arith.constant 0 : i32
    %dma_start3A_183 = tpu.memref_slice %arg5[%dma_start3A_172, %dma_start3A_182] : memref<10x128xi32, #tpu.memory_space<vmem>> -> memref<1x128xi32, #tpu.memory_space<vmem>>
    %dma_start3A_184 = tpu.memref_squeeze %dma_start3A_183 : memref<1x128xi32, #tpu.memory_space<vmem>> -> memref<128xi32, #tpu.memory_space<vmem>>
    %dma_start3A_185 = arith.constant 0 : i32
    %dma_start3A_186 = tpu.memref_slice %arg2[%dma_start3A_171, %dma_start3A_185] : memref<4x40000xf32, #tpu.memory_space<hbm>> -> memref<1x40000xf32, #tpu.memory_space<hbm>>
    %dma_start3A_187 = tpu.memref_squeeze %dma_start3A_186 : memref<1x40000xf32, #tpu.memory_space<hbm>> -> memref<40000xf32, #tpu.memory_space<hbm>>
    %dma_start3A_188 = arith.constant 0 : i32
    %dma_start3A_189 = tpu.memref_slice %dma_start3A_187[%dma_start3A_188] : memref<40000xf32, #tpu.memory_space<hbm>> -> memref<40000xf32, #tpu.memory_space<hbm>>
    tpu.enqueue_indirect_dma source(%dma_start3A_189 : memref<40000xf32, #tpu.memory_space<hbm>>) target(%dma_start3A_181 : memref<128xf32, #tpu.memory_space<vmem>>) offsets(%dma_start3A_184 : memref<128xi32, #tpu.memory_space<vmem>>) semaphore(%arg7 : memref<!tpu.dma_semaphore, #tpu.memory_space<semaphore_mem>>)
    %dma_start3A_190 = arith.constant 1 : i32
    %dma_start3A_191 = arith.constant 0 : i32
    %dma_start3A_192 = arith.constant 1 : i32
    %dma_start3A_193 = arith.constant 0 : i32
    %dma_start3A_194 = arith.constant 0 : i32
    %dma_start3A_195 = arith.constant 0 : i32
    %dma_start3A_196 = tpu.memref_slice %arg6[%dma_start3A_192, %dma_start3A_194, %dma_start3A_195] : memref<4x10x128xf32, #tpu.memory_space<vmem>> -> memref<1x10x128xf32, #tpu.memory_space<vmem>>
    %dma_start3A_197 = tpu.memref_squeeze %dma_start3A_196 : memref<1x10x128xf32, #tpu.memory_space<vmem>> -> memref<10x128xf32, #tpu.memory_space<vmem>>
    %dma_start3A_198 = arith.constant 0 : i32
    %dma_start3A_199 = tpu.memref_slice %dma_start3A_197[%dma_start3A_193, %dma_start3A_198] : memref<10x128xf32, #tpu.memory_space<vmem>> -> memref<1x128xf32, #tpu.memory_space<vmem>>
    %dma_start3A_200 = tpu.memref_squeeze %dma_start3A_199 : memref<1x128xf32, #tpu.memory_space<vmem>> -> memref<128xf32, #tpu.memory_space<vmem>>
    %dma_start3A_201 = arith.constant 0 : i32
    %dma_start3A_202 = tpu.memref_slice %arg5[%dma_start3A_191, %dma_start3A_201] : memref<10x128xi32, #tpu.memory_space<vmem>> -> memref<1x128xi32, #tpu.memory_space<vmem>>
    %dma_start3A_203 = tpu.memref_squeeze %dma_start3A_202 : memref<1x128xi32, #tpu.memory_space<vmem>> -> memref<128xi32, #tpu.memory_space<vmem>>
    %dma_start3A_204 = arith.constant 0 : i32
    %dma_start3A_205 = tpu.memref_slice %arg2[%dma_start3A_190, %dma_start3A_204] : memref<4x40000xf32, #tpu.memory_space<hbm>> -> memref<1x40000xf32, #tpu.memory_space<hbm>>
    %dma_start3A_206 = tpu.memref_squeeze %dma_start3A_205 : memref<1x40000xf32, #tpu.memory_space<hbm>> -> memref<40000xf32, #tpu.memory_space<hbm>>
    %dma_start3A_207 = arith.constant 0 : i32
    %dma_start3A_208 = tpu.memref_slice %dma_start3A_206[%dma_start3A_207] : memref<40000xf32, #tpu.memory_space<hbm>> -> memref<40000xf32, #tpu.memory_space<hbm>>
    tpu.enqueue_indirect_dma source(%dma_start3A_208 : memref<40000xf32, #tpu.memory_space<hbm>>) target(%dma_start3A_200 : memref<128xf32, #tpu.memory_space<vmem>>) offsets(%dma_start3A_203 : memref<128xi32, #tpu.memory_space<vmem>>) semaphore(%arg7 : memref<!tpu.dma_semaphore, #tpu.memory_space<semaphore_mem>>)
    %dma_start3A_209 = arith.constant 1 : i32
    %dma_start3A_210 = arith.constant 1 : i32
    %dma_start3A_211 = arith.constant 1 : i32
    %dma_start3A_212 = arith.constant 1 : i32
    %dma_start3A_213 = arith.constant 0 : i32
    %dma_start3A_214 = arith.constant 0 : i32
    %dma_start3A_215 = tpu.memref_slice %arg6[%dma_start3A_211, %dma_start3A_213, %dma_start3A_214] : memref<4x10x128xf32, #tpu.memory_space<vmem>> -> memref<1x10x128xf32, #tpu.memory_space<vmem>>
    %dma_start3A_216 = tpu.memref_squeeze %dma_start3A_215 : memref<1x10x128xf32, #tpu.memory_space<vmem>> -> memref<10x128xf32, #tpu.memory_space<vmem>>
    %dma_start3A_217 = arith.constant 0 : i32
    %dma_start3A_218 = tpu.memref_slice %dma_start3A_216[%dma_start3A_212, %dma_start3A_217] : memref<10x128xf32, #tpu.memory_space<vmem>> -> memref<1x128xf32, #tpu.memory_space<vmem>>
    %dma_start3A_219 = tpu.memref_squeeze %dma_start3A_218 : memref<1x128xf32, #tpu.memory_space<vmem>> -> memref<128xf32, #tpu.memory_space<vmem>>
    %dma_start3A_220 = arith.constant 0 : i32
    %dma_start3A_221 = tpu.memref_slice %arg5[%dma_start3A_210, %dma_start3A_220] : memref<10x128xi32, #tpu.memory_space<vmem>> -> memref<1x128xi32, #tpu.memory_space<vmem>>
    %dma_start3A_222 = tpu.memref_squeeze %dma_start3A_221 : memref<1x128xi32, #tpu.memory_space<vmem>> -> memref<128xi32, #tpu.memory_space<vmem>>
    %dma_start3A_223 = arith.constant 0 : i32
    %dma_start3A_224 = tpu.memref_slice %arg2[%dma_start3A_209, %dma_start3A_223] : memref<4x40000xf32, #tpu.memory_space<hbm>> -> memref<1x40000xf32, #tpu.memory_space<hbm>>
    %dma_start3A_225 = tpu.memref_squeeze %dma_start3A_224 : memref<1x40000xf32, #tpu.memory_space<hbm>> -> memref<40000xf32, #tpu.memory_space<hbm>>
    %dma_start3A_226 = arith.constant 0 : i32
    %dma_start3A_227 = tpu.memref_slice %dma_start3A_225[%dma_start3A_226] : memref<40000xf32, #tpu.memory_space<hbm>> -> memref<40000xf32, #tpu.memory_space<hbm>>
    tpu.enqueue_indirect_dma source(%dma_start3A_227 : memref<40000xf32, #tpu.memory_space<hbm>>) target(%dma_start3A_219 : memref<128xf32, #tpu.memory_space<vmem>>) offsets(%dma_start3A_222 : memref<128xi32, #tpu.memory_space<vmem>>) semaphore(%arg7 : memref<!tpu.dma_semaphore, #tpu.memory_space<semaphore_mem>>)
    %dma_start3A_228 = arith.constant 1 : i32
    %dma_start3A_229 = arith.constant 2 : i32
    %dma_start3A_230 = arith.constant 1 : i32
    %dma_start3A_231 = arith.constant 2 : i32
    %dma_start3A_232 = arith.constant 0 : i32
    %dma_start3A_233 = arith.constant 0 : i32
    %dma_start3A_234 = tpu.memref_slice %arg6[%dma_start3A_230, %dma_start3A_232, %dma_start3A_233] : memref<4x10x128xf32, #tpu.memory_space<vmem>> -> memref<1x10x128xf32, #tpu.memory_space<vmem>>
    %dma_start3A_235 = tpu.memref_squeeze %dma_start3A_234 : memref<1x10x128xf32, #tpu.memory_space<vmem>> -> memref<10x128xf32, #tpu.memory_space<vmem>>
    %dma_start3A_236 = arith.constant 0 : i32
    %dma_start3A_237 = tpu.memref_slice %dma_start3A_235[%dma_start3A_231, %dma_start3A_236] : memref<10x128xf32, #tpu.memory_space<vmem>> -> memref<1x128xf32, #tpu.memory_space<vmem>>
    %dma_start3A_238 = tpu.memref_squeeze %dma_start3A_237 : memref<1x128xf32, #tpu.memory_space<vmem>> -> memref<128xf32, #tpu.memory_space<vmem>>
    %dma_start3A_239 = arith.constant 0 : i32
    %dma_start3A_240 = tpu.memref_slice %arg5[%dma_start3A_229, %dma_start3A_239] : memref<10x128xi32, #tpu.memory_space<vmem>> -> memref<1x128xi32, #tpu.memory_space<vmem>>
    %dma_start3A_241 = tpu.memref_squeeze %dma_start3A_240 : memref<1x128xi32, #tpu.memory_space<vmem>> -> memref<128xi32, #tpu.memory_space<vmem>>
    %dma_start3A_242 = arith.constant 0 : i32
    %dma_start3A_243 = tpu.memref_slice %arg2[%dma_start3A_228, %dma_start3A_242] : memref<4x40000xf32, #tpu.memory_space<hbm>> -> memref<1x40000xf32, #tpu.memory_space<hbm>>
    %dma_start3A_244 = tpu.memref_squeeze %dma_start3A_243 : memref<1x40000xf32, #tpu.memory_space<hbm>> -> memref<40000xf32, #tpu.memory_space<hbm>>
    %dma_start3A_245 = arith.constant 0 : i32
    %dma_start3A_246 = tpu.memref_slice %dma_start3A_244[%dma_start3A_245] : memref<40000xf32, #tpu.memory_space<hbm>> -> memref<40000xf32, #tpu.memory_space<hbm>>
    tpu.enqueue_indirect_dma source(%dma_start3A_246 : memref<40000xf32, #tpu.memory_space<hbm>>) target(%dma_start3A_238 : memref<128xf32, #tpu.memory_space<vmem>>) offsets(%dma_start3A_241 : memref<128xi32, #tpu.memory_space<vmem>>) semaphore(%arg7 : memref<!tpu.dma_semaphore, #tpu.memory_space<semaphore_mem>>)
    %dma_start3A_247 = arith.constant 1 : i32
    %dma_start3A_248 = arith.constant 3 : i32
    %dma_start3A_249 = arith.constant 1 : i32
    %dma_start3A_250 = arith.constant 3 : i32
    %dma_start3A_251 = arith.constant 0 : i32
    %dma_start3A_252 = arith.constant 0 : i32
    %dma_start3A_253 = tpu.memref_slice %arg6[%dma_start3A_249, %dma_start3A_251, %dma_start3A_252] : memref<4x10x128xf32, #tpu.memory_space<vmem>> -> memref<1x10x128xf32, #tpu.memory_space<vmem>>
    %dma_start3A_254 = tpu.memref_squeeze %dma_start3A_253 : memref<1x10x128xf32, #tpu.memory_space<vmem>> -> memref<10x128xf32, #tpu.memory_space<vmem>>
    %dma_start3A_255 = arith.constant 0 : i32
    %dma_start3A_256 = tpu.memref_slice %dma_start3A_254[%dma_start3A_250, %dma_start3A_255] : memref<10x128xf32, #tpu.memory_space<vmem>> -> memref<1x128xf32, #tpu.memory_space<vmem>>
    %dma_start3A_257 = tpu.memref_squeeze %dma_start3A_256 : memref<1x128xf32, #tpu.memory_space<vmem>> -> memref<128xf32, #tpu.memory_space<vmem>>
    %dma_start3A_258 = arith.constant 0 : i32
    %dma_start3A_259 = tpu.memref_slice %arg5[%dma_start3A_248, %dma_start3A_258] : memref<10x128xi32, #tpu.memory_space<vmem>> -> memref<1x128xi32, #tpu.memory_space<vmem>>
    %dma_start3A_260 = tpu.memref_squeeze %dma_start3A_259 : memref<1x128xi32, #tpu.memory_space<vmem>> -> memref<128xi32, #tpu.memory_space<vmem>>
    %dma_start3A_261 = arith.constant 0 : i32
    %dma_start3A_262 = tpu.memref_slice %arg2[%dma_start3A_247, %dma_start3A_261] : memref<4x40000xf32, #tpu.memory_space<hbm>> -> memref<1x40000xf32, #tpu.memory_space<hbm>>
    %dma_start3A_263 = tpu.memref_squeeze %dma_start3A_262 : memref<1x40000xf32, #tpu.memory_space<hbm>> -> memref<40000xf32, #tpu.memory_space<hbm>>
    %dma_start3A_264 = arith.constant 0 : i32
    %dma_start3A_265 = tpu.memref_slice %dma_start3A_263[%dma_start3A_264] : memref<40000xf32, #tpu.memory_space<hbm>> -> memref<40000xf32, #tpu.memory_space<hbm>>
    tpu.enqueue_indirect_dma source(%dma_start3A_265 : memref<40000xf32, #tpu.memory_space<hbm>>) target(%dma_start3A_257 : memref<128xf32, #tpu.memory_space<vmem>>) offsets(%dma_start3A_260 : memref<128xi32, #tpu.memory_space<vmem>>) semaphore(%arg7 : memref<!tpu.dma_semaphore, #tpu.memory_space<semaphore_mem>>)
    %dma_start3A_266 = arith.constant 1 : i32
    %dma_start3A_267 = arith.constant 4 : i32
    %dma_start3A_268 = arith.constant 1 : i32
    %dma_start3A_269 = arith.constant 4 : i32
    %dma_start3A_270 = arith.constant 0 : i32
    %dma_start3A_271 = arith.constant 0 : i32
    %dma_start3A_272 = tpu.memref_slice %arg6[%dma_start3A_268, %dma_start3A_270, %dma_start3A_271] : memref<4x10x128xf32, #tpu.memory_space<vmem>> -> memref<1x10x128xf32, #tpu.memory_space<vmem>>
    %dma_start3A_273 = tpu.memref_squeeze %dma_start3A_272 : memref<1x10x128xf32, #tpu.memory_space<vmem>> -> memref<10x128xf32, #tpu.memory_space<vmem>>
    %dma_start3A_274 = arith.constant 0 : i32
    %dma_start3A_275 = tpu.memref_slice %dma_start3A_273[%dma_start3A_269, %dma_start3A_274] : memref<10x128xf32, #tpu.memory_space<vmem>> -> memref<1x128xf32, #tpu.memory_space<vmem>>
    %dma_start3A_276 = tpu.memref_squeeze %dma_start3A_275 : memref<1x128xf32, #tpu.memory_space<vmem>> -> memref<128xf32, #tpu.memory_space<vmem>>
    %dma_start3A_277 = arith.constant 0 : i32
    %dma_start3A_278 = tpu.memref_slice %arg5[%dma_start3A_267, %dma_start3A_277] : memref<10x128xi32, #tpu.memory_space<vmem>> -> memref<1x128xi32, #tpu.memory_space<vmem>>
    %dma_start3A_279 = tpu.memref_squeeze %dma_start3A_278 : memref<1x128xi32, #tpu.memory_space<vmem>> -> memref<128xi32, #tpu.memory_space<vmem>>
    %dma_start3A_280 = arith.constant 0 : i32
    %dma_start3A_281 = tpu.memref_slice %arg2[%dma_start3A_266, %dma_start3A_280] : memref<4x40000xf32, #tpu.memory_space<hbm>> -> memref<1x40000xf32, #tpu.memory_space<hbm>>
    %dma_start3A_282 = tpu.memref_squeeze %dma_start3A_281 : memref<1x40000xf32, #tpu.memory_space<hbm>> -> memref<40000xf32, #tpu.memory_space<hbm>>
    %dma_start3A_283 = arith.constant 0 : i32
    %dma_start3A_284 = tpu.memref_slice %dma_start3A_282[%dma_start3A_283] : memref<40000xf32, #tpu.memory_space<hbm>> -> memref<40000xf32, #tpu.memory_space<hbm>>
    tpu.enqueue_indirect_dma source(%dma_start3A_284 : memref<40000xf32, #tpu.memory_space<hbm>>) target(%dma_start3A_276 : memref<128xf32, #tpu.memory_space<vmem>>) offsets(%dma_start3A_279 : memref<128xi32, #tpu.memory_space<vmem>>) semaphore(%arg7 : memref<!tpu.dma_semaphore, #tpu.memory_space<semaphore_mem>>)
    %dma_start3A_285 = arith.constant 1 : i32
    %dma_start3A_286 = arith.constant 5 : i32
    %dma_start3A_287 = arith.constant 1 : i32
    %dma_start3A_288 = arith.constant 5 : i32
    %dma_start3A_289 = arith.constant 0 : i32
    %dma_start3A_290 = arith.constant 0 : i32
    %dma_start3A_291 = tpu.memref_slice %arg6[%dma_start3A_287, %dma_start3A_289, %dma_start3A_290] : memref<4x10x128xf32, #tpu.memory_space<vmem>> -> memref<1x10x128xf32, #tpu.memory_space<vmem>>
    %dma_start3A_292 = tpu.memref_squeeze %dma_start3A_291 : memref<1x10x128xf32, #tpu.memory_space<vmem>> -> memref<10x128xf32, #tpu.memory_space<vmem>>
    %dma_start3A_293 = arith.constant 0 : i32
    %dma_start3A_294 = tpu.memref_slice %dma_start3A_292[%dma_start3A_288, %dma_start3A_293] : memref<10x128xf32, #tpu.memory_space<vmem>> -> memref<1x128xf32, #tpu.memory_space<vmem>>
    %dma_start3A_295 = tpu.memref_squeeze %dma_start3A_294 : memref<1x128xf32, #tpu.memory_space<vmem>> -> memref<128xf32, #tpu.memory_space<vmem>>
    %dma_start3A_296 = arith.constant 0 : i32
    %dma_start3A_297 = tpu.memref_slice %arg5[%dma_start3A_286, %dma_start3A_296] : memref<10x128xi32, #tpu.memory_space<vmem>> -> memref<1x128xi32, #tpu.memory_space<vmem>>
    %dma_start3A_298 = tpu.memref_squeeze %dma_start3A_297 : memref<1x128xi32, #tpu.memory_space<vmem>> -> memref<128xi32, #tpu.memory_space<vmem>>
    %dma_start3A_299 = arith.constant 0 : i32
    %dma_start3A_300 = tpu.memref_slice %arg2[%dma_start3A_285, %dma_start3A_299] : memref<4x40000xf32, #tpu.memory_space<hbm>> -> memref<1x40000xf32, #tpu.memory_space<hbm>>
    %dma_start3A_301 = tpu.memref_squeeze %dma_start3A_300 : memref<1x40000xf32, #tpu.memory_space<hbm>> -> memref<40000xf32, #tpu.memory_space<hbm>>
    %dma_start3A_302 = arith.constant 0 : i32
    %dma_start3A_303 = tpu.memref_slice %dma_start3A_301[%dma_start3A_302] : memref<40000xf32, #tpu.memory_space<hbm>> -> memref<40000xf32, #tpu.memory_space<hbm>>
    tpu.enqueue_indirect_dma source(%dma_start3A_303 : memref<40000xf32, #tpu.memory_space<hbm>>) target(%dma_start3A_295 : memref<128xf32, #tpu.memory_space<vmem>>) offsets(%dma_start3A_298 : memref<128xi32, #tpu.memory_space<vmem>>) semaphore(%arg7 : memref<!tpu.dma_semaphore, #tpu.memory_space<semaphore_mem>>)
    %dma_start3A_304 = arith.constant 1 : i32
    %dma_start3A_305 = arith.constant 6 : i32
    %dma_start3A_306 = arith.constant 1 : i32
    %dma_start3A_307 = arith.constant 6 : i32
    %dma_start3A_308 = arith.constant 0 : i32
    %dma_start3A_309 = arith.constant 0 : i32
    %dma_start3A_310 = tpu.memref_slice %arg6[%dma_start3A_306, %dma_start3A_308, %dma_start3A_309] : memref<4x10x128xf32, #tpu.memory_space<vmem>> -> memref<1x10x128xf32, #tpu.memory_space<vmem>>
    %dma_start3A_311 = tpu.memref_squeeze %dma_start3A_310 : memref<1x10x128xf32, #tpu.memory_space<vmem>> -> memref<10x128xf32, #tpu.memory_space<vmem>>
    %dma_start3A_312 = arith.constant 0 : i32
    %dma_start3A_313 = tpu.memref_slice %dma_start3A_311[%dma_start3A_307, %dma_start3A_312] : memref<10x128xf32, #tpu.memory_space<vmem>> -> memref<1x128xf32, #tpu.memory_space<vmem>>
    %dma_start3A_314 = tpu.memref_squeeze %dma_start3A_313 : memref<1x128xf32, #tpu.memory_space<vmem>> -> memref<128xf32, #tpu.memory_space<vmem>>
    %dma_start3A_315 = arith.constant 0 : i32
    %dma_start3A_316 = tpu.memref_slice %arg5[%dma_start3A_305, %dma_start3A_315] : memref<10x128xi32, #tpu.memory_space<vmem>> -> memref<1x128xi32, #tpu.memory_space<vmem>>
    %dma_start3A_317 = tpu.memref_squeeze %dma_start3A_316 : memref<1x128xi32, #tpu.memory_space<vmem>> -> memref<128xi32, #tpu.memory_space<vmem>>
    %dma_start3A_318 = arith.constant 0 : i32
    %dma_start3A_319 = tpu.memref_slice %arg2[%dma_start3A_304, %dma_start3A_318] : memref<4x40000xf32, #tpu.memory_space<hbm>> -> memref<1x40000xf32, #tpu.memory_space<hbm>>
    %dma_start3A_320 = tpu.memref_squeeze %dma_start3A_319 : memref<1x40000xf32, #tpu.memory_space<hbm>> -> memref<40000xf32, #tpu.memory_space<hbm>>
    %dma_start3A_321 = arith.constant 0 : i32
    %dma_start3A_322 = tpu.memref_slice %dma_start3A_320[%dma_start3A_321] : memref<40000xf32, #tpu.memory_space<hbm>> -> memref<40000xf32, #tpu.memory_space<hbm>>
    tpu.enqueue_indirect_dma source(%dma_start3A_322 : memref<40000xf32, #tpu.memory_space<hbm>>) target(%dma_start3A_314 : memref<128xf32, #tpu.memory_space<vmem>>) offsets(%dma_start3A_317 : memref<128xi32, #tpu.memory_space<vmem>>) semaphore(%arg7 : memref<!tpu.dma_semaphore, #tpu.memory_space<semaphore_mem>>)
    %dma_start3A_323 = arith.constant 1 : i32
    %dma_start3A_324 = arith.constant 7 : i32
    %dma_start3A_325 = arith.constant 1 : i32
    %dma_start3A_326 = arith.constant 7 : i32
    %dma_start3A_327 = arith.constant 0 : i32
    %dma_start3A_328 = arith.constant 0 : i32
    %dma_start3A_329 = tpu.memref_slice %arg6[%dma_start3A_325, %dma_start3A_327, %dma_start3A_328] : memref<4x10x128xf32, #tpu.memory_space<vmem>> -> memref<1x10x128xf32, #tpu.memory_space<vmem>>
    %dma_start3A_330 = tpu.memref_squeeze %dma_start3A_329 : memref<1x10x128xf32, #tpu.memory_space<vmem>> -> memref<10x128xf32, #tpu.memory_space<vmem>>
    %dma_start3A_331 = arith.constant 0 : i32
    %dma_start3A_332 = tpu.memref_slice %dma_start3A_330[%dma_start3A_326, %dma_start3A_331] : memref<10x128xf32, #tpu.memory_space<vmem>> -> memref<1x128xf32, #tpu.memory_space<vmem>>
    %dma_start3A_333 = tpu.memref_squeeze %dma_start3A_332 : memref<1x128xf32, #tpu.memory_space<vmem>> -> memref<128xf32, #tpu.memory_space<vmem>>
    %dma_start3A_334 = arith.constant 0 : i32
    %dma_start3A_335 = tpu.memref_slice %arg5[%dma_start3A_324, %dma_start3A_334] : memref<10x128xi32, #tpu.memory_space<vmem>> -> memref<1x128xi32, #tpu.memory_space<vmem>>
    %dma_start3A_336 = tpu.memref_squeeze %dma_start3A_335 : memref<1x128xi32, #tpu.memory_space<vmem>> -> memref<128xi32, #tpu.memory_space<vmem>>
    %dma_start3A_337 = arith.constant 0 : i32
    %dma_start3A_338 = tpu.memref_slice %arg2[%dma_start3A_323, %dma_start3A_337] : memref<4x40000xf32, #tpu.memory_space<hbm>> -> memref<1x40000xf32, #tpu.memory_space<hbm>>
    %dma_start3A_339 = tpu.memref_squeeze %dma_start3A_338 : memref<1x40000xf32, #tpu.memory_space<hbm>> -> memref<40000xf32, #tpu.memory_space<hbm>>
    %dma_start3A_340 = arith.constant 0 : i32
    %dma_start3A_341 = tpu.memref_slice %dma_start3A_339[%dma_start3A_340] : memref<40000xf32, #tpu.memory_space<hbm>> -> memref<40000xf32, #tpu.memory_space<hbm>>
    tpu.enqueue_indirect_dma source(%dma_start3A_341 : memref<40000xf32, #tpu.memory_space<hbm>>) target(%dma_start3A_333 : memref<128xf32, #tpu.memory_space<vmem>>) offsets(%dma_start3A_336 : memref<128xi32, #tpu.memory_space<vmem>>) semaphore(%arg7 : memref<!tpu.dma_semaphore, #tpu.memory_space<semaphore_mem>>)
    %dma_start3A_342 = arith.constant 1 : i32
    %dma_start3A_343 = arith.constant 8 : i32
    %dma_start3A_344 = arith.constant 1 : i32
    %dma_start3A_345 = arith.constant 8 : i32
    %dma_start3A_346 = arith.constant 0 : i32
    %dma_start3A_347 = arith.constant 0 : i32
    %dma_start3A_348 = tpu.memref_slice %arg6[%dma_start3A_344, %dma_start3A_346, %dma_start3A_347] : memref<4x10x128xf32, #tpu.memory_space<vmem>> -> memref<1x10x128xf32, #tpu.memory_space<vmem>>
    %dma_start3A_349 = tpu.memref_squeeze %dma_start3A_348 : memref<1x10x128xf32, #tpu.memory_space<vmem>> -> memref<10x128xf32, #tpu.memory_space<vmem>>
    %dma_start3A_350 = arith.constant 0 : i32
    %dma_start3A_351 = tpu.memref_slice %dma_start3A_349[%dma_start3A_345, %dma_start3A_350] : memref<10x128xf32, #tpu.memory_space<vmem>> -> memref<1x128xf32, #tpu.memory_space<vmem>>
    %dma_start3A_352 = tpu.memref_squeeze %dma_start3A_351 : memref<1x128xf32, #tpu.memory_space<vmem>> -> memref<128xf32, #tpu.memory_space<vmem>>
    %dma_start3A_353 = arith.constant 0 : i32
    %dma_start3A_354 = tpu.memref_slice %arg5[%dma_start3A_343, %dma_start3A_353] : memref<10x128xi32, #tpu.memory_space<vmem>> -> memref<1x128xi32, #tpu.memory_space<vmem>>
    %dma_start3A_355 = tpu.memref_squeeze %dma_start3A_354 : memref<1x128xi32, #tpu.memory_space<vmem>> -> memref<128xi32, #tpu.memory_space<vmem>>
    %dma_start3A_356 = arith.constant 0 : i32
    %dma_start3A_357 = tpu.memref_slice %arg2[%dma_start3A_342, %dma_start3A_356] : memref<4x40000xf32, #tpu.memory_space<hbm>> -> memref<1x40000xf32, #tpu.memory_space<hbm>>
    %dma_start3A_358 = tpu.memref_squeeze %dma_start3A_357 : memref<1x40000xf32, #tpu.memory_space<hbm>> -> memref<40000xf32, #tpu.memory_space<hbm>>
    %dma_start3A_359 = arith.constant 0 : i32
    %dma_start3A_360 = tpu.memref_slice %dma_start3A_358[%dma_start3A_359] : memref<40000xf32, #tpu.memory_space<hbm>> -> memref<40000xf32, #tpu.memory_space<hbm>>
    tpu.enqueue_indirect_dma source(%dma_start3A_360 : memref<40000xf32, #tpu.memory_space<hbm>>) target(%dma_start3A_352 : memref<128xf32, #tpu.memory_space<vmem>>) offsets(%dma_start3A_355 : memref<128xi32, #tpu.memory_space<vmem>>) semaphore(%arg7 : memref<!tpu.dma_semaphore, #tpu.memory_space<semaphore_mem>>)
    %dma_start3A_361 = arith.constant 1 : i32
    %dma_start3A_362 = arith.constant 9 : i32
    %dma_start3A_363 = arith.constant 1 : i32
    %dma_start3A_364 = arith.constant 9 : i32
    %dma_start3A_365 = arith.constant 0 : i32
    %dma_start3A_366 = arith.constant 0 : i32
    %dma_start3A_367 = tpu.memref_slice %arg6[%dma_start3A_363, %dma_start3A_365, %dma_start3A_366] : memref<4x10x128xf32, #tpu.memory_space<vmem>> -> memref<1x10x128xf32, #tpu.memory_space<vmem>>
    %dma_start3A_368 = tpu.memref_squeeze %dma_start3A_367 : memref<1x10x128xf32, #tpu.memory_space<vmem>> -> memref<10x128xf32, #tpu.memory_space<vmem>>
    %dma_start3A_369 = arith.constant 0 : i32
    %dma_start3A_370 = tpu.memref_slice %dma_start3A_368[%dma_start3A_364, %dma_start3A_369] : memref<10x128xf32, #tpu.memory_space<vmem>> -> memref<1x128xf32, #tpu.memory_space<vmem>>
    %dma_start3A_371 = tpu.memref_squeeze %dma_start3A_370 : memref<1x128xf32, #tpu.memory_space<vmem>> -> memref<128xf32, #tpu.memory_space<vmem>>
    %dma_start3A_372 = arith.constant 0 : i32
    %dma_start3A_373 = tpu.memref_slice %arg5[%dma_start3A_362, %dma_start3A_372] : memref<10x128xi32, #tpu.memory_space<vmem>> -> memref<1x128xi32, #tpu.memory_space<vmem>>
    %dma_start3A_374 = tpu.memref_squeeze %dma_start3A_373 : memref<1x128xi32, #tpu.memory_space<vmem>> -> memref<128xi32, #tpu.memory_space<vmem>>
    %dma_start3A_375 = arith.constant 0 : i32
    %dma_start3A_376 = tpu.memref_slice %arg2[%dma_start3A_361, %dma_start3A_375] : memref<4x40000xf32, #tpu.memory_space<hbm>> -> memref<1x40000xf32, #tpu.memory_space<hbm>>
    %dma_start3A_377 = tpu.memref_squeeze %dma_start3A_376 : memref<1x40000xf32, #tpu.memory_space<hbm>> -> memref<40000xf32, #tpu.memory_space<hbm>>
    %dma_start3A_378 = arith.constant 0 : i32
    %dma_start3A_379 = tpu.memref_slice %dma_start3A_377[%dma_start3A_378] : memref<40000xf32, #tpu.memory_space<hbm>> -> memref<40000xf32, #tpu.memory_space<hbm>>
    tpu.enqueue_indirect_dma source(%dma_start3A_379 : memref<40000xf32, #tpu.memory_space<hbm>>) target(%dma_start3A_371 : memref<128xf32, #tpu.memory_space<vmem>>) offsets(%dma_start3A_374 : memref<128xi32, #tpu.memory_space<vmem>>) semaphore(%arg7 : memref<!tpu.dma_semaphore, #tpu.memory_space<semaphore_mem>>)
    %dma_start3A_380 = arith.constant 2 : i32
    %dma_start3A_381 = arith.constant 0 : i32
    %dma_start3A_382 = arith.constant 2 : i32
    %dma_start3A_383 = arith.constant 0 : i32
    %dma_start3A_384 = arith.constant 0 : i32
    %dma_start3A_385 = arith.constant 0 : i32
    %dma_start3A_386 = tpu.memref_slice %arg6[%dma_start3A_382, %dma_start3A_384, %dma_start3A_385] : memref<4x10x128xf32, #tpu.memory_space<vmem>> -> memref<1x10x128xf32, #tpu.memory_space<vmem>>
    %dma_start3A_387 = tpu.memref_squeeze %dma_start3A_386 : memref<1x10x128xf32, #tpu.memory_space<vmem>> -> memref<10x128xf32, #tpu.memory_space<vmem>>
    %dma_start3A_388 = arith.constant 0 : i32
    %dma_start3A_389 = tpu.memref_slice %dma_start3A_387[%dma_start3A_383, %dma_start3A_388] : memref<10x128xf32, #tpu.memory_space<vmem>> -> memref<1x128xf32, #tpu.memory_space<vmem>>
    %dma_start3A_390 = tpu.memref_squeeze %dma_start3A_389 : memref<1x128xf32, #tpu.memory_space<vmem>> -> memref<128xf32, #tpu.memory_space<vmem>>
    %dma_start3A_391 = arith.constant 0 : i32
    %dma_start3A_392 = tpu.memref_slice %arg5[%dma_start3A_381, %dma_start3A_391] : memref<10x128xi32, #tpu.memory_space<vmem>> -> memref<1x128xi32, #tpu.memory_space<vmem>>
    %dma_start3A_393 = tpu.memref_squeeze %dma_start3A_392 : memref<1x128xi32, #tpu.memory_space<vmem>> -> memref<128xi32, #tpu.memory_space<vmem>>
    %dma_start3A_394 = arith.constant 0 : i32
    %dma_start3A_395 = tpu.memref_slice %arg2[%dma_start3A_380, %dma_start3A_394] : memref<4x40000xf32, #tpu.memory_space<hbm>> -> memref<1x40000xf32, #tpu.memory_space<hbm>>
    %dma_start3A_396 = tpu.memref_squeeze %dma_start3A_395 : memref<1x40000xf32, #tpu.memory_space<hbm>> -> memref<40000xf32, #tpu.memory_space<hbm>>
    %dma_start3A_397 = arith.constant 0 : i32
    %dma_start3A_398 = tpu.memref_slice %dma_start3A_396[%dma_start3A_397] : memref<40000xf32, #tpu.memory_space<hbm>> -> memref<40000xf32, #tpu.memory_space<hbm>>
    tpu.enqueue_indirect_dma source(%dma_start3A_398 : memref<40000xf32, #tpu.memory_space<hbm>>) target(%dma_start3A_390 : memref<128xf32, #tpu.memory_space<vmem>>) offsets(%dma_start3A_393 : memref<128xi32, #tpu.memory_space<vmem>>) semaphore(%arg7 : memref<!tpu.dma_semaphore, #tpu.memory_space<semaphore_mem>>)
    %dma_start3A_399 = arith.constant 2 : i32
    %dma_start3A_400 = arith.constant 1 : i32
    %dma_start3A_401 = arith.constant 2 : i32
    %dma_start3A_402 = arith.constant 1 : i32
    %dma_start3A_403 = arith.constant 0 : i32
    %dma_start3A_404 = arith.constant 0 : i32
    %dma_start3A_405 = tpu.memref_slice %arg6[%dma_start3A_401, %dma_start3A_403, %dma_start3A_404] : memref<4x10x128xf32, #tpu.memory_space<vmem>> -> memref<1x10x128xf32, #tpu.memory_space<vmem>>
    %dma_start3A_406 = tpu.memref_squeeze %dma_start3A_405 : memref<1x10x128xf32, #tpu.memory_space<vmem>> -> memref<10x128xf32, #tpu.memory_space<vmem>>
    %dma_start3A_407 = arith.constant 0 : i32
    %dma_start3A_408 = tpu.memref_slice %dma_start3A_406[%dma_start3A_402, %dma_start3A_407] : memref<10x128xf32, #tpu.memory_space<vmem>> -> memref<1x128xf32, #tpu.memory_space<vmem>>
    %dma_start3A_409 = tpu.memref_squeeze %dma_start3A_408 : memref<1x128xf32, #tpu.memory_space<vmem>> -> memref<128xf32, #tpu.memory_space<vmem>>
    %dma_start3A_410 = arith.constant 0 : i32
    %dma_start3A_411 = tpu.memref_slice %arg5[%dma_start3A_400, %dma_start3A_410] : memref<10x128xi32, #tpu.memory_space<vmem>> -> memref<1x128xi32, #tpu.memory_space<vmem>>
    %dma_start3A_412 = tpu.memref_squeeze %dma_start3A_411 : memref<1x128xi32, #tpu.memory_space<vmem>> -> memref<128xi32, #tpu.memory_space<vmem>>
    %dma_start3A_413 = arith.constant 0 : i32
    %dma_start3A_414 = tpu.memref_slice %arg2[%dma_start3A_399, %dma_start3A_413] : memref<4x40000xf32, #tpu.memory_space<hbm>> -> memref<1x40000xf32, #tpu.memory_space<hbm>>
    %dma_start3A_415 = tpu.memref_squeeze %dma_start3A_414 : memref<1x40000xf32, #tpu.memory_space<hbm>> -> memref<40000xf32, #tpu.memory_space<hbm>>
    %dma_start3A_416 = arith.constant 0 : i32
    %dma_start3A_417 = tpu.memref_slice %dma_start3A_415[%dma_start3A_416] : memref<40000xf32, #tpu.memory_space<hbm>> -> memref<40000xf32, #tpu.memory_space<hbm>>
    tpu.enqueue_indirect_dma source(%dma_start3A_417 : memref<40000xf32, #tpu.memory_space<hbm>>) target(%dma_start3A_409 : memref<128xf32, #tpu.memory_space<vmem>>) offsets(%dma_start3A_412 : memref<128xi32, #tpu.memory_space<vmem>>) semaphore(%arg7 : memref<!tpu.dma_semaphore, #tpu.memory_space<semaphore_mem>>)
    %dma_start3A_418 = arith.constant 2 : i32
    %dma_start3A_419 = arith.constant 2 : i32
    %dma_start3A_420 = arith.constant 2 : i32
    %dma_start3A_421 = arith.constant 2 : i32
    %dma_start3A_422 = arith.constant 0 : i32
    %dma_start3A_423 = arith.constant 0 : i32
    %dma_start3A_424 = tpu.memref_slice %arg6[%dma_start3A_420, %dma_start3A_422, %dma_start3A_423] : memref<4x10x128xf32, #tpu.memory_space<vmem>> -> memref<1x10x128xf32, #tpu.memory_space<vmem>>
    %dma_start3A_425 = tpu.memref_squeeze %dma_start3A_424 : memref<1x10x128xf32, #tpu.memory_space<vmem>> -> memref<10x128xf32, #tpu.memory_space<vmem>>
    %dma_start3A_426 = arith.constant 0 : i32
    %dma_start3A_427 = tpu.memref_slice %dma_start3A_425[%dma_start3A_421, %dma_start3A_426] : memref<10x128xf32, #tpu.memory_space<vmem>> -> memref<1x128xf32, #tpu.memory_space<vmem>>
    %dma_start3A_428 = tpu.memref_squeeze %dma_start3A_427 : memref<1x128xf32, #tpu.memory_space<vmem>> -> memref<128xf32, #tpu.memory_space<vmem>>
    %dma_start3A_429 = arith.constant 0 : i32
    %dma_start3A_430 = tpu.memref_slice %arg5[%dma_start3A_419, %dma_start3A_429] : memref<10x128xi32, #tpu.memory_space<vmem>> -> memref<1x128xi32, #tpu.memory_space<vmem>>
    %dma_start3A_431 = tpu.memref_squeeze %dma_start3A_430 : memref<1x128xi32, #tpu.memory_space<vmem>> -> memref<128xi32, #tpu.memory_space<vmem>>
    %dma_start3A_432 = arith.constant 0 : i32
    %dma_start3A_433 = tpu.memref_slice %arg2[%dma_start3A_418, %dma_start3A_432] : memref<4x40000xf32, #tpu.memory_space<hbm>> -> memref<1x40000xf32, #tpu.memory_space<hbm>>
    %dma_start3A_434 = tpu.memref_squeeze %dma_start3A_433 : memref<1x40000xf32, #tpu.memory_space<hbm>> -> memref<40000xf32, #tpu.memory_space<hbm>>
    %dma_start3A_435 = arith.constant 0 : i32
    %dma_start3A_436 = tpu.memref_slice %dma_start3A_434[%dma_start3A_435] : memref<40000xf32, #tpu.memory_space<hbm>> -> memref<40000xf32, #tpu.memory_space<hbm>>
    tpu.enqueue_indirect_dma source(%dma_start3A_436 : memref<40000xf32, #tpu.memory_space<hbm>>) target(%dma_start3A_428 : memref<128xf32, #tpu.memory_space<vmem>>) offsets(%dma_start3A_431 : memref<128xi32, #tpu.memory_space<vmem>>) semaphore(%arg7 : memref<!tpu.dma_semaphore, #tpu.memory_space<semaphore_mem>>)
    %dma_start3A_437 = arith.constant 2 : i32
    %dma_start3A_438 = arith.constant 3 : i32
    %dma_start3A_439 = arith.constant 2 : i32
    %dma_start3A_440 = arith.constant 3 : i32
    %dma_start3A_441 = arith.constant 0 : i32
    %dma_start3A_442 = arith.constant 0 : i32
    %dma_start3A_443 = tpu.memref_slice %arg6[%dma_start3A_439, %dma_start3A_441, %dma_start3A_442] : memref<4x10x128xf32, #tpu.memory_space<vmem>> -> memref<1x10x128xf32, #tpu.memory_space<vmem>>
    %dma_start3A_444 = tpu.memref_squeeze %dma_start3A_443 : memref<1x10x128xf32, #tpu.memory_space<vmem>> -> memref<10x128xf32, #tpu.memory_space<vmem>>
    %dma_start3A_445 = arith.constant 0 : i32
    %dma_start3A_446 = tpu.memref_slice %dma_start3A_444[%dma_start3A_440, %dma_start3A_445] : memref<10x128xf32, #tpu.memory_space<vmem>> -> memref<1x128xf32, #tpu.memory_space<vmem>>
    %dma_start3A_447 = tpu.memref_squeeze %dma_start3A_446 : memref<1x128xf32, #tpu.memory_space<vmem>> -> memref<128xf32, #tpu.memory_space<vmem>>
    %dma_start3A_448 = arith.constant 0 : i32
    %dma_start3A_449 = tpu.memref_slice %arg5[%dma_start3A_438, %dma_start3A_448] : memref<10x128xi32, #tpu.memory_space<vmem>> -> memref<1x128xi32, #tpu.memory_space<vmem>>
    %dma_start3A_450 = tpu.memref_squeeze %dma_start3A_449 : memref<1x128xi32, #tpu.memory_space<vmem>> -> memref<128xi32, #tpu.memory_space<vmem>>
    %dma_start3A_451 = arith.constant 0 : i32
    %dma_start3A_452 = tpu.memref_slice %arg2[%dma_start3A_437, %dma_start3A_451] : memref<4x40000xf32, #tpu.memory_space<hbm>> -> memref<1x40000xf32, #tpu.memory_space<hbm>>
    %dma_start3A_453 = tpu.memref_squeeze %dma_start3A_452 : memref<1x40000xf32, #tpu.memory_space<hbm>> -> memref<40000xf32, #tpu.memory_space<hbm>>
    %dma_start3A_454 = arith.constant 0 : i32
    %dma_start3A_455 = tpu.memref_slice %dma_start3A_453[%dma_start3A_454] : memref<40000xf32, #tpu.memory_space<hbm>> -> memref<40000xf32, #tpu.memory_space<hbm>>
    tpu.enqueue_indirect_dma source(%dma_start3A_455 : memref<40000xf32, #tpu.memory_space<hbm>>) target(%dma_start3A_447 : memref<128xf32, #tpu.memory_space<vmem>>) offsets(%dma_start3A_450 : memref<128xi32, #tpu.memory_space<vmem>>) semaphore(%arg7 : memref<!tpu.dma_semaphore, #tpu.memory_space<semaphore_mem>>)
    %dma_start3A_456 = arith.constant 2 : i32
    %dma_start3A_457 = arith.constant 4 : i32
    %dma_start3A_458 = arith.constant 2 : i32
    %dma_start3A_459 = arith.constant 4 : i32
    %dma_start3A_460 = arith.constant 0 : i32
    %dma_start3A_461 = arith.constant 0 : i32
    %dma_start3A_462 = tpu.memref_slice %arg6[%dma_start3A_458, %dma_start3A_460, %dma_start3A_461] : memref<4x10x128xf32, #tpu.memory_space<vmem>> -> memref<1x10x128xf32, #tpu.memory_space<vmem>>
    %dma_start3A_463 = tpu.memref_squeeze %dma_start3A_462 : memref<1x10x128xf32, #tpu.memory_space<vmem>> -> memref<10x128xf32, #tpu.memory_space<vmem>>
    %dma_start3A_464 = arith.constant 0 : i32
    %dma_start3A_465 = tpu.memref_slice %dma_start3A_463[%dma_start3A_459, %dma_start3A_464] : memref<10x128xf32, #tpu.memory_space<vmem>> -> memref<1x128xf32, #tpu.memory_space<vmem>>
    %dma_start3A_466 = tpu.memref_squeeze %dma_start3A_465 : memref<1x128xf32, #tpu.memory_space<vmem>> -> memref<128xf32, #tpu.memory_space<vmem>>
    %dma_start3A_467 = arith.constant 0 : i32
    %dma_start3A_468 = tpu.memref_slice %arg5[%dma_start3A_457, %dma_start3A_467] : memref<10x128xi32, #tpu.memory_space<vmem>> -> memref<1x128xi32, #tpu.memory_space<vmem>>
    %dma_start3A_469 = tpu.memref_squeeze %dma_start3A_468 : memref<1x128xi32, #tpu.memory_space<vmem>> -> memref<128xi32, #tpu.memory_space<vmem>>
    %dma_start3A_470 = arith.constant 0 : i32
    %dma_start3A_471 = tpu.memref_slice %arg2[%dma_start3A_456, %dma_start3A_470] : memref<4x40000xf32, #tpu.memory_space<hbm>> -> memref<1x40000xf32, #tpu.memory_space<hbm>>
    %dma_start3A_472 = tpu.memref_squeeze %dma_start3A_471 : memref<1x40000xf32, #tpu.memory_space<hbm>> -> memref<40000xf32, #tpu.memory_space<hbm>>
    %dma_start3A_473 = arith.constant 0 : i32
    %dma_start3A_474 = tpu.memref_slice %dma_start3A_472[%dma_start3A_473] : memref<40000xf32, #tpu.memory_space<hbm>> -> memref<40000xf32, #tpu.memory_space<hbm>>
    tpu.enqueue_indirect_dma source(%dma_start3A_474 : memref<40000xf32, #tpu.memory_space<hbm>>) target(%dma_start3A_466 : memref<128xf32, #tpu.memory_space<vmem>>) offsets(%dma_start3A_469 : memref<128xi32, #tpu.memory_space<vmem>>) semaphore(%arg7 : memref<!tpu.dma_semaphore, #tpu.memory_space<semaphore_mem>>)
    %dma_start3A_475 = arith.constant 2 : i32
    %dma_start3A_476 = arith.constant 5 : i32
    %dma_start3A_477 = arith.constant 2 : i32
    %dma_start3A_478 = arith.constant 5 : i32
    %dma_start3A_479 = arith.constant 0 : i32
    %dma_start3A_480 = arith.constant 0 : i32
    %dma_start3A_481 = tpu.memref_slice %arg6[%dma_start3A_477, %dma_start3A_479, %dma_start3A_480] : memref<4x10x128xf32, #tpu.memory_space<vmem>> -> memref<1x10x128xf32, #tpu.memory_space<vmem>>
    %dma_start3A_482 = tpu.memref_squeeze %dma_start3A_481 : memref<1x10x128xf32, #tpu.memory_space<vmem>> -> memref<10x128xf32, #tpu.memory_space<vmem>>
    %dma_start3A_483 = arith.constant 0 : i32
    %dma_start3A_484 = tpu.memref_slice %dma_start3A_482[%dma_start3A_478, %dma_start3A_483] : memref<10x128xf32, #tpu.memory_space<vmem>> -> memref<1x128xf32, #tpu.memory_space<vmem>>
    %dma_start3A_485 = tpu.memref_squeeze %dma_start3A_484 : memref<1x128xf32, #tpu.memory_space<vmem>> -> memref<128xf32, #tpu.memory_space<vmem>>
    %dma_start3A_486 = arith.constant 0 : i32
    %dma_start3A_487 = tpu.memref_slice %arg5[%dma_start3A_476, %dma_start3A_486] : memref<10x128xi32, #tpu.memory_space<vmem>> -> memref<1x128xi32, #tpu.memory_space<vmem>>
    %dma_start3A_488 = tpu.memref_squeeze %dma_start3A_487 : memref<1x128xi32, #tpu.memory_space<vmem>> -> memref<128xi32, #tpu.memory_space<vmem>>
    %dma_start3A_489 = arith.constant 0 : i32
    %dma_start3A_490 = tpu.memref_slice %arg2[%dma_start3A_475, %dma_start3A_489] : memref<4x40000xf32, #tpu.memory_space<hbm>> -> memref<1x40000xf32, #tpu.memory_space<hbm>>
    %dma_start3A_491 = tpu.memref_squeeze %dma_start3A_490 : memref<1x40000xf32, #tpu.memory_space<hbm>> -> memref<40000xf32, #tpu.memory_space<hbm>>
    %dma_start3A_492 = arith.constant 0 : i32
    %dma_start3A_493 = tpu.memref_slice %dma_start3A_491[%dma_start3A_492] : memref<40000xf32, #tpu.memory_space<hbm>> -> memref<40000xf32, #tpu.memory_space<hbm>>
    tpu.enqueue_indirect_dma source(%dma_start3A_493 : memref<40000xf32, #tpu.memory_space<hbm>>) target(%dma_start3A_485 : memref<128xf32, #tpu.memory_space<vmem>>) offsets(%dma_start3A_488 : memref<128xi32, #tpu.memory_space<vmem>>) semaphore(%arg7 : memref<!tpu.dma_semaphore, #tpu.memory_space<semaphore_mem>>)
    %dma_start3A_494 = arith.constant 2 : i32
    %dma_start3A_495 = arith.constant 6 : i32
    %dma_start3A_496 = arith.constant 2 : i32
    %dma_start3A_497 = arith.constant 6 : i32
    %dma_start3A_498 = arith.constant 0 : i32
    %dma_start3A_499 = arith.constant 0 : i32
    %dma_start3A_500 = tpu.memref_slice %arg6[%dma_start3A_496, %dma_start3A_498, %dma_start3A_499] : memref<4x10x128xf32, #tpu.memory_space<vmem>> -> memref<1x10x128xf32, #tpu.memory_space<vmem>>
    %dma_start3A_501 = tpu.memref_squeeze %dma_start3A_500 : memref<1x10x128xf32, #tpu.memory_space<vmem>> -> memref<10x128xf32, #tpu.memory_space<vmem>>
    %dma_start3A_502 = arith.constant 0 : i32
    %dma_start3A_503 = tpu.memref_slice %dma_start3A_501[%dma_start3A_497, %dma_start3A_502] : memref<10x128xf32, #tpu.memory_space<vmem>> -> memref<1x128xf32, #tpu.memory_space<vmem>>
    %dma_start3A_504 = tpu.memref_squeeze %dma_start3A_503 : memref<1x128xf32, #tpu.memory_space<vmem>> -> memref<128xf32, #tpu.memory_space<vmem>>
    %dma_start3A_505 = arith.constant 0 : i32
    %dma_start3A_506 = tpu.memref_slice %arg5[%dma_start3A_495, %dma_start3A_505] : memref<10x128xi32, #tpu.memory_space<vmem>> -> memref<1x128xi32, #tpu.memory_space<vmem>>
    %dma_start3A_507 = tpu.memref_squeeze %dma_start3A_506 : memref<1x128xi32, #tpu.memory_space<vmem>> -> memref<128xi32, #tpu.memory_space<vmem>>
    %dma_start3A_508 = arith.constant 0 : i32
    %dma_start3A_509 = tpu.memref_slice %arg2[%dma_start3A_494, %dma_start3A_508] : memref<4x40000xf32, #tpu.memory_space<hbm>> -> memref<1x40000xf32, #tpu.memory_space<hbm>>
    %dma_start3A_510 = tpu.memref_squeeze %dma_start3A_509 : memref<1x40000xf32, #tpu.memory_space<hbm>> -> memref<40000xf32, #tpu.memory_space<hbm>>
    %dma_start3A_511 = arith.constant 0 : i32
    %dma_start3A_512 = tpu.memref_slice %dma_start3A_510[%dma_start3A_511] : memref<40000xf32, #tpu.memory_space<hbm>> -> memref<40000xf32, #tpu.memory_space<hbm>>
    tpu.enqueue_indirect_dma source(%dma_start3A_512 : memref<40000xf32, #tpu.memory_space<hbm>>) target(%dma_start3A_504 : memref<128xf32, #tpu.memory_space<vmem>>) offsets(%dma_start3A_507 : memref<128xi32, #tpu.memory_space<vmem>>) semaphore(%arg7 : memref<!tpu.dma_semaphore, #tpu.memory_space<semaphore_mem>>)
    %dma_start3A_513 = arith.constant 2 : i32
    %dma_start3A_514 = arith.constant 7 : i32
    %dma_start3A_515 = arith.constant 2 : i32
    %dma_start3A_516 = arith.constant 7 : i32
    %dma_start3A_517 = arith.constant 0 : i32
    %dma_start3A_518 = arith.constant 0 : i32
    %dma_start3A_519 = tpu.memref_slice %arg6[%dma_start3A_515, %dma_start3A_517, %dma_start3A_518] : memref<4x10x128xf32, #tpu.memory_space<vmem>> -> memref<1x10x128xf32, #tpu.memory_space<vmem>>
    %dma_start3A_520 = tpu.memref_squeeze %dma_start3A_519 : memref<1x10x128xf32, #tpu.memory_space<vmem>> -> memref<10x128xf32, #tpu.memory_space<vmem>>
    %dma_start3A_521 = arith.constant 0 : i32
    %dma_start3A_522 = tpu.memref_slice %dma_start3A_520[%dma_start3A_516, %dma_start3A_521] : memref<10x128xf32, #tpu.memory_space<vmem>> -> memref<1x128xf32, #tpu.memory_space<vmem>>
    %dma_start3A_523 = tpu.memref_squeeze %dma_start3A_522 : memref<1x128xf32, #tpu.memory_space<vmem>> -> memref<128xf32, #tpu.memory_space<vmem>>
    %dma_start3A_524 = arith.constant 0 : i32
    %dma_start3A_525 = tpu.memref_slice %arg5[%dma_start3A_514, %dma_start3A_524] : memref<10x128xi32, #tpu.memory_space<vmem>> -> memref<1x128xi32, #tpu.memory_space<vmem>>
    %dma_start3A_526 = tpu.memref_squeeze %dma_start3A_525 : memref<1x128xi32, #tpu.memory_space<vmem>> -> memref<128xi32, #tpu.memory_space<vmem>>
    %dma_start3A_527 = arith.constant 0 : i32
    %dma_start3A_528 = tpu.memref_slice %arg2[%dma_start3A_513, %dma_start3A_527] : memref<4x40000xf32, #tpu.memory_space<hbm>> -> memref<1x40000xf32, #tpu.memory_space<hbm>>
    %dma_start3A_529 = tpu.memref_squeeze %dma_start3A_528 : memref<1x40000xf32, #tpu.memory_space<hbm>> -> memref<40000xf32, #tpu.memory_space<hbm>>
    %dma_start3A_530 = arith.constant 0 : i32
    %dma_start3A_531 = tpu.memref_slice %dma_start3A_529[%dma_start3A_530] : memref<40000xf32, #tpu.memory_space<hbm>> -> memref<40000xf32, #tpu.memory_space<hbm>>
    tpu.enqueue_indirect_dma source(%dma_start3A_531 : memref<40000xf32, #tpu.memory_space<hbm>>) target(%dma_start3A_523 : memref<128xf32, #tpu.memory_space<vmem>>) offsets(%dma_start3A_526 : memref<128xi32, #tpu.memory_space<vmem>>) semaphore(%arg7 : memref<!tpu.dma_semaphore, #tpu.memory_space<semaphore_mem>>)
    %dma_start3A_532 = arith.constant 2 : i32
    %dma_start3A_533 = arith.constant 8 : i32
    %dma_start3A_534 = arith.constant 2 : i32
    %dma_start3A_535 = arith.constant 8 : i32
    %dma_start3A_536 = arith.constant 0 : i32
    %dma_start3A_537 = arith.constant 0 : i32
    %dma_start3A_538 = tpu.memref_slice %arg6[%dma_start3A_534, %dma_start3A_536, %dma_start3A_537] : memref<4x10x128xf32, #tpu.memory_space<vmem>> -> memref<1x10x128xf32, #tpu.memory_space<vmem>>
    %dma_start3A_539 = tpu.memref_squeeze %dma_start3A_538 : memref<1x10x128xf32, #tpu.memory_space<vmem>> -> memref<10x128xf32, #tpu.memory_space<vmem>>
    %dma_start3A_540 = arith.constant 0 : i32
    %dma_start3A_541 = tpu.memref_slice %dma_start3A_539[%dma_start3A_535, %dma_start3A_540] : memref<10x128xf32, #tpu.memory_space<vmem>> -> memref<1x128xf32, #tpu.memory_space<vmem>>
    %dma_start3A_542 = tpu.memref_squeeze %dma_start3A_541 : memref<1x128xf32, #tpu.memory_space<vmem>> -> memref<128xf32, #tpu.memory_space<vmem>>
    %dma_start3A_543 = arith.constant 0 : i32
    %dma_start3A_544 = tpu.memref_slice %arg5[%dma_start3A_533, %dma_start3A_543] : memref<10x128xi32, #tpu.memory_space<vmem>> -> memref<1x128xi32, #tpu.memory_space<vmem>>
    %dma_start3A_545 = tpu.memref_squeeze %dma_start3A_544 : memref<1x128xi32, #tpu.memory_space<vmem>> -> memref<128xi32, #tpu.memory_space<vmem>>
    %dma_start3A_546 = arith.constant 0 : i32
    %dma_start3A_547 = tpu.memref_slice %arg2[%dma_start3A_532, %dma_start3A_546] : memref<4x40000xf32, #tpu.memory_space<hbm>> -> memref<1x40000xf32, #tpu.memory_space<hbm>>
    %dma_start3A_548 = tpu.memref_squeeze %dma_start3A_547 : memref<1x40000xf32, #tpu.memory_space<hbm>> -> memref<40000xf32, #tpu.memory_space<hbm>>
    %dma_start3A_549 = arith.constant 0 : i32
    %dma_start3A_550 = tpu.memref_slice %dma_start3A_548[%dma_start3A_549] : memref<40000xf32, #tpu.memory_space<hbm>> -> memref<40000xf32, #tpu.memory_space<hbm>>
    tpu.enqueue_indirect_dma source(%dma_start3A_550 : memref<40000xf32, #tpu.memory_space<hbm>>) target(%dma_start3A_542 : memref<128xf32, #tpu.memory_space<vmem>>) offsets(%dma_start3A_545 : memref<128xi32, #tpu.memory_space<vmem>>) semaphore(%arg7 : memref<!tpu.dma_semaphore, #tpu.memory_space<semaphore_mem>>)
    %dma_start3A_551 = arith.constant 2 : i32
    %dma_start3A_552 = arith.constant 9 : i32
    %dma_start3A_553 = arith.constant 2 : i32
    %dma_start3A_554 = arith.constant 9 : i32
    %dma_start3A_555 = arith.constant 0 : i32
    %dma_start3A_556 = arith.constant 0 : i32
    %dma_start3A_557 = tpu.memref_slice %arg6[%dma_start3A_553, %dma_start3A_555, %dma_start3A_556] : memref<4x10x128xf32, #tpu.memory_space<vmem>> -> memref<1x10x128xf32, #tpu.memory_space<vmem>>
    %dma_start3A_558 = tpu.memref_squeeze %dma_start3A_557 : memref<1x10x128xf32, #tpu.memory_space<vmem>> -> memref<10x128xf32, #tpu.memory_space<vmem>>
    %dma_start3A_559 = arith.constant 0 : i32
    %dma_start3A_560 = tpu.memref_slice %dma_start3A_558[%dma_start3A_554, %dma_start3A_559] : memref<10x128xf32, #tpu.memory_space<vmem>> -> memref<1x128xf32, #tpu.memory_space<vmem>>
    %dma_start3A_561 = tpu.memref_squeeze %dma_start3A_560 : memref<1x128xf32, #tpu.memory_space<vmem>> -> memref<128xf32, #tpu.memory_space<vmem>>
    %dma_start3A_562 = arith.constant 0 : i32
    %dma_start3A_563 = tpu.memref_slice %arg5[%dma_start3A_552, %dma_start3A_562] : memref<10x128xi32, #tpu.memory_space<vmem>> -> memref<1x128xi32, #tpu.memory_space<vmem>>
    %dma_start3A_564 = tpu.memref_squeeze %dma_start3A_563 : memref<1x128xi32, #tpu.memory_space<vmem>> -> memref<128xi32, #tpu.memory_space<vmem>>
    %dma_start3A_565 = arith.constant 0 : i32
    %dma_start3A_566 = tpu.memref_slice %arg2[%dma_start3A_551, %dma_start3A_565] : memref<4x40000xf32, #tpu.memory_space<hbm>> -> memref<1x40000xf32, #tpu.memory_space<hbm>>
    %dma_start3A_567 = tpu.memref_squeeze %dma_start3A_566 : memref<1x40000xf32, #tpu.memory_space<hbm>> -> memref<40000xf32, #tpu.memory_space<hbm>>
    %dma_start3A_568 = arith.constant 0 : i32
    %dma_start3A_569 = tpu.memref_slice %dma_start3A_567[%dma_start3A_568] : memref<40000xf32, #tpu.memory_space<hbm>> -> memref<40000xf32, #tpu.memory_space<hbm>>
    tpu.enqueue_indirect_dma source(%dma_start3A_569 : memref<40000xf32, #tpu.memory_space<hbm>>) target(%dma_start3A_561 : memref<128xf32, #tpu.memory_space<vmem>>) offsets(%dma_start3A_564 : memref<128xi32, #tpu.memory_space<vmem>>) semaphore(%arg7 : memref<!tpu.dma_semaphore, #tpu.memory_space<semaphore_mem>>)
    %dma_start3A_570 = arith.constant 3 : i32
    %dma_start3A_571 = arith.constant 0 : i32
    %dma_start3A_572 = arith.constant 3 : i32
    %dma_start3A_573 = arith.constant 0 : i32
    %dma_start3A_574 = arith.constant 0 : i32
    %dma_start3A_575 = arith.constant 0 : i32
    %dma_start3A_576 = tpu.memref_slice %arg6[%dma_start3A_572, %dma_start3A_574, %dma_start3A_575] : memref<4x10x128xf32, #tpu.memory_space<vmem>> -> memref<1x10x128xf32, #tpu.memory_space<vmem>>
    %dma_start3A_577 = tpu.memref_squeeze %dma_start3A_576 : memref<1x10x128xf32, #tpu.memory_space<vmem>> -> memref<10x128xf32, #tpu.memory_space<vmem>>
    %dma_start3A_578 = arith.constant 0 : i32
    %dma_start3A_579 = tpu.memref_slice %dma_start3A_577[%dma_start3A_573, %dma_start3A_578] : memref<10x128xf32, #tpu.memory_space<vmem>> -> memref<1x128xf32, #tpu.memory_space<vmem>>
    %dma_start3A_580 = tpu.memref_squeeze %dma_start3A_579 : memref<1x128xf32, #tpu.memory_space<vmem>> -> memref<128xf32, #tpu.memory_space<vmem>>
    %dma_start3A_581 = arith.constant 0 : i32
    %dma_start3A_582 = tpu.memref_slice %arg5[%dma_start3A_571, %dma_start3A_581] : memref<10x128xi32, #tpu.memory_space<vmem>> -> memref<1x128xi32, #tpu.memory_space<vmem>>
    %dma_start3A_583 = tpu.memref_squeeze %dma_start3A_582 : memref<1x128xi32, #tpu.memory_space<vmem>> -> memref<128xi32, #tpu.memory_space<vmem>>
    %dma_start3A_584 = arith.constant 0 : i32
    %dma_start3A_585 = tpu.memref_slice %arg2[%dma_start3A_570, %dma_start3A_584] : memref<4x40000xf32, #tpu.memory_space<hbm>> -> memref<1x40000xf32, #tpu.memory_space<hbm>>
    %dma_start3A_586 = tpu.memref_squeeze %dma_start3A_585 : memref<1x40000xf32, #tpu.memory_space<hbm>> -> memref<40000xf32, #tpu.memory_space<hbm>>
    %dma_start3A_587 = arith.constant 0 : i32
    %dma_start3A_588 = tpu.memref_slice %dma_start3A_586[%dma_start3A_587] : memref<40000xf32, #tpu.memory_space<hbm>> -> memref<40000xf32, #tpu.memory_space<hbm>>
    tpu.enqueue_indirect_dma source(%dma_start3A_588 : memref<40000xf32, #tpu.memory_space<hbm>>) target(%dma_start3A_580 : memref<128xf32, #tpu.memory_space<vmem>>) offsets(%dma_start3A_583 : memref<128xi32, #tpu.memory_space<vmem>>) semaphore(%arg7 : memref<!tpu.dma_semaphore, #tpu.memory_space<semaphore_mem>>)
    %dma_start3A_589 = arith.constant 3 : i32
    %dma_start3A_590 = arith.constant 1 : i32
    %dma_start3A_591 = arith.constant 3 : i32
    %dma_start3A_592 = arith.constant 1 : i32
    %dma_start3A_593 = arith.constant 0 : i32
    %dma_start3A_594 = arith.constant 0 : i32
    %dma_start3A_595 = tpu.memref_slice %arg6[%dma_start3A_591, %dma_start3A_593, %dma_start3A_594] : memref<4x10x128xf32, #tpu.memory_space<vmem>> -> memref<1x10x128xf32, #tpu.memory_space<vmem>>
    %dma_start3A_596 = tpu.memref_squeeze %dma_start3A_595 : memref<1x10x128xf32, #tpu.memory_space<vmem>> -> memref<10x128xf32, #tpu.memory_space<vmem>>
    %dma_start3A_597 = arith.constant 0 : i32
    %dma_start3A_598 = tpu.memref_slice %dma_start3A_596[%dma_start3A_592, %dma_start3A_597] : memref<10x128xf32, #tpu.memory_space<vmem>> -> memref<1x128xf32, #tpu.memory_space<vmem>>
    %dma_start3A_599 = tpu.memref_squeeze %dma_start3A_598 : memref<1x128xf32, #tpu.memory_space<vmem>> -> memref<128xf32, #tpu.memory_space<vmem>>
    %dma_start3A_600 = arith.constant 0 : i32
    %dma_start3A_601 = tpu.memref_slice %arg5[%dma_start3A_590, %dma_start3A_600] : memref<10x128xi32, #tpu.memory_space<vmem>> -> memref<1x128xi32, #tpu.memory_space<vmem>>
    %dma_start3A_602 = tpu.memref_squeeze %dma_start3A_601 : memref<1x128xi32, #tpu.memory_space<vmem>> -> memref<128xi32, #tpu.memory_space<vmem>>
    %dma_start3A_603 = arith.constant 0 : i32
    %dma_start3A_604 = tpu.memref_slice %arg2[%dma_start3A_589, %dma_start3A_603] : memref<4x40000xf32, #tpu.memory_space<hbm>> -> memref<1x40000xf32, #tpu.memory_space<hbm>>
    %dma_start3A_605 = tpu.memref_squeeze %dma_start3A_604 : memref<1x40000xf32, #tpu.memory_space<hbm>> -> memref<40000xf32, #tpu.memory_space<hbm>>
    %dma_start3A_606 = arith.constant 0 : i32
    %dma_start3A_607 = tpu.memref_slice %dma_start3A_605[%dma_start3A_606] : memref<40000xf32, #tpu.memory_space<hbm>> -> memref<40000xf32, #tpu.memory_space<hbm>>
    tpu.enqueue_indirect_dma source(%dma_start3A_607 : memref<40000xf32, #tpu.memory_space<hbm>>) target(%dma_start3A_599 : memref<128xf32, #tpu.memory_space<vmem>>) offsets(%dma_start3A_602 : memref<128xi32, #tpu.memory_space<vmem>>) semaphore(%arg7 : memref<!tpu.dma_semaphore, #tpu.memory_space<semaphore_mem>>)
    %dma_start3A_608 = arith.constant 3 : i32
    %dma_start3A_609 = arith.constant 2 : i32
    %dma_start3A_610 = arith.constant 3 : i32
    %dma_start3A_611 = arith.constant 2 : i32
    %dma_start3A_612 = arith.constant 0 : i32
    %dma_start3A_613 = arith.constant 0 : i32
    %dma_start3A_614 = tpu.memref_slice %arg6[%dma_start3A_610, %dma_start3A_612, %dma_start3A_613] : memref<4x10x128xf32, #tpu.memory_space<vmem>> -> memref<1x10x128xf32, #tpu.memory_space<vmem>>
    %dma_start3A_615 = tpu.memref_squeeze %dma_start3A_614 : memref<1x10x128xf32, #tpu.memory_space<vmem>> -> memref<10x128xf32, #tpu.memory_space<vmem>>
    %dma_start3A_616 = arith.constant 0 : i32
    %dma_start3A_617 = tpu.memref_slice %dma_start3A_615[%dma_start3A_611, %dma_start3A_616] : memref<10x128xf32, #tpu.memory_space<vmem>> -> memref<1x128xf32, #tpu.memory_space<vmem>>
    %dma_start3A_618 = tpu.memref_squeeze %dma_start3A_617 : memref<1x128xf32, #tpu.memory_space<vmem>> -> memref<128xf32, #tpu.memory_space<vmem>>
    %dma_start3A_619 = arith.constant 0 : i32
    %dma_start3A_620 = tpu.memref_slice %arg5[%dma_start3A_609, %dma_start3A_619] : memref<10x128xi32, #tpu.memory_space<vmem>> -> memref<1x128xi32, #tpu.memory_space<vmem>>
    %dma_start3A_621 = tpu.memref_squeeze %dma_start3A_620 : memref<1x128xi32, #tpu.memory_space<vmem>> -> memref<128xi32, #tpu.memory_space<vmem>>
    %dma_start3A_622 = arith.constant 0 : i32
    %dma_start3A_623 = tpu.memref_slice %arg2[%dma_start3A_608, %dma_start3A_622] : memref<4x40000xf32, #tpu.memory_space<hbm>> -> memref<1x40000xf32, #tpu.memory_space<hbm>>
    %dma_start3A_624 = tpu.memref_squeeze %dma_start3A_623 : memref<1x40000xf32, #tpu.memory_space<hbm>> -> memref<40000xf32, #tpu.memory_space<hbm>>
    %dma_start3A_625 = arith.constant 0 : i32
    %dma_start3A_626 = tpu.memref_slice %dma_start3A_624[%dma_start3A_625] : memref<40000xf32, #tpu.memory_space<hbm>> -> memref<40000xf32, #tpu.memory_space<hbm>>
    tpu.enqueue_indirect_dma source(%dma_start3A_626 : memref<40000xf32, #tpu.memory_space<hbm>>) target(%dma_start3A_618 : memref<128xf32, #tpu.memory_space<vmem>>) offsets(%dma_start3A_621 : memref<128xi32, #tpu.memory_space<vmem>>) semaphore(%arg7 : memref<!tpu.dma_semaphore, #tpu.memory_space<semaphore_mem>>)
    %dma_start3A_627 = arith.constant 3 : i32
    %dma_start3A_628 = arith.constant 3 : i32
    %dma_start3A_629 = arith.constant 3 : i32
    %dma_start3A_630 = arith.constant 3 : i32
    %dma_start3A_631 = arith.constant 0 : i32
    %dma_start3A_632 = arith.constant 0 : i32
    %dma_start3A_633 = tpu.memref_slice %arg6[%dma_start3A_629, %dma_start3A_631, %dma_start3A_632] : memref<4x10x128xf32, #tpu.memory_space<vmem>> -> memref<1x10x128xf32, #tpu.memory_space<vmem>>
    %dma_start3A_634 = tpu.memref_squeeze %dma_start3A_633 : memref<1x10x128xf32, #tpu.memory_space<vmem>> -> memref<10x128xf32, #tpu.memory_space<vmem>>
    %dma_start3A_635 = arith.constant 0 : i32
    %dma_start3A_636 = tpu.memref_slice %dma_start3A_634[%dma_start3A_630, %dma_start3A_635] : memref<10x128xf32, #tpu.memory_space<vmem>> -> memref<1x128xf32, #tpu.memory_space<vmem>>
    %dma_start3A_637 = tpu.memref_squeeze %dma_start3A_636 : memref<1x128xf32, #tpu.memory_space<vmem>> -> memref<128xf32, #tpu.memory_space<vmem>>
    %dma_start3A_638 = arith.constant 0 : i32
    %dma_start3A_639 = tpu.memref_slice %arg5[%dma_start3A_628, %dma_start3A_638] : memref<10x128xi32, #tpu.memory_space<vmem>> -> memref<1x128xi32, #tpu.memory_space<vmem>>
    %dma_start3A_640 = tpu.memref_squeeze %dma_start3A_639 : memref<1x128xi32, #tpu.memory_space<vmem>> -> memref<128xi32, #tpu.memory_space<vmem>>
    %dma_start3A_641 = arith.constant 0 : i32
    %dma_start3A_642 = tpu.memref_slice %arg2[%dma_start3A_627, %dma_start3A_641] : memref<4x40000xf32, #tpu.memory_space<hbm>> -> memref<1x40000xf32, #tpu.memory_space<hbm>>
    %dma_start3A_643 = tpu.memref_squeeze %dma_start3A_642 : memref<1x40000xf32, #tpu.memory_space<hbm>> -> memref<40000xf32, #tpu.memory_space<hbm>>
    %dma_start3A_644 = arith.constant 0 : i32
    %dma_start3A_645 = tpu.memref_slice %dma_start3A_643[%dma_start3A_644] : memref<40000xf32, #tpu.memory_space<hbm>> -> memref<40000xf32, #tpu.memory_space<hbm>>
    tpu.enqueue_indirect_dma source(%dma_start3A_645 : memref<40000xf32, #tpu.memory_space<hbm>>) target(%dma_start3A_637 : memref<128xf32, #tpu.memory_space<vmem>>) offsets(%dma_start3A_640 : memref<128xi32, #tpu.memory_space<vmem>>) semaphore(%arg7 : memref<!tpu.dma_semaphore, #tpu.memory_space<semaphore_mem>>)
    %dma_start3A_646 = arith.constant 3 : i32
    %dma_start3A_647 = arith.constant 4 : i32
    %dma_start3A_648 = arith.constant 3 : i32
    %dma_start3A_649 = arith.constant 4 : i32
    %dma_start3A_650 = arith.constant 0 : i32
    %dma_start3A_651 = arith.constant 0 : i32
    %dma_start3A_652 = tpu.memref_slice %arg6[%dma_start3A_648, %dma_start3A_650, %dma_start3A_651] : memref<4x10x128xf32, #tpu.memory_space<vmem>> -> memref<1x10x128xf32, #tpu.memory_space<vmem>>
    %dma_start3A_653 = tpu.memref_squeeze %dma_start3A_652 : memref<1x10x128xf32, #tpu.memory_space<vmem>> -> memref<10x128xf32, #tpu.memory_space<vmem>>
    %dma_start3A_654 = arith.constant 0 : i32
    %dma_start3A_655 = tpu.memref_slice %dma_start3A_653[%dma_start3A_649, %dma_start3A_654] : memref<10x128xf32, #tpu.memory_space<vmem>> -> memref<1x128xf32, #tpu.memory_space<vmem>>
    %dma_start3A_656 = tpu.memref_squeeze %dma_start3A_655 : memref<1x128xf32, #tpu.memory_space<vmem>> -> memref<128xf32, #tpu.memory_space<vmem>>
    %dma_start3A_657 = arith.constant 0 : i32
    %dma_start3A_658 = tpu.memref_slice %arg5[%dma_start3A_647, %dma_start3A_657] : memref<10x128xi32, #tpu.memory_space<vmem>> -> memref<1x128xi32, #tpu.memory_space<vmem>>
    %dma_start3A_659 = tpu.memref_squeeze %dma_start3A_658 : memref<1x128xi32, #tpu.memory_space<vmem>> -> memref<128xi32, #tpu.memory_space<vmem>>
    %dma_start3A_660 = arith.constant 0 : i32
    %dma_start3A_661 = tpu.memref_slice %arg2[%dma_start3A_646, %dma_start3A_660] : memref<4x40000xf32, #tpu.memory_space<hbm>> -> memref<1x40000xf32, #tpu.memory_space<hbm>>
    %dma_start3A_662 = tpu.memref_squeeze %dma_start3A_661 : memref<1x40000xf32, #tpu.memory_space<hbm>> -> memref<40000xf32, #tpu.memory_space<hbm>>
    %dma_start3A_663 = arith.constant 0 : i32
    %dma_start3A_664 = tpu.memref_slice %dma_start3A_662[%dma_start3A_663] : memref<40000xf32, #tpu.memory_space<hbm>> -> memref<40000xf32, #tpu.memory_space<hbm>>
    tpu.enqueue_indirect_dma source(%dma_start3A_664 : memref<40000xf32, #tpu.memory_space<hbm>>) target(%dma_start3A_656 : memref<128xf32, #tpu.memory_space<vmem>>) offsets(%dma_start3A_659 : memref<128xi32, #tpu.memory_space<vmem>>) semaphore(%arg7 : memref<!tpu.dma_semaphore, #tpu.memory_space<semaphore_mem>>)
    %dma_start3A_665 = arith.constant 3 : i32
    %dma_start3A_666 = arith.constant 5 : i32
    %dma_start3A_667 = arith.constant 3 : i32
    %dma_start3A_668 = arith.constant 5 : i32
    %dma_start3A_669 = arith.constant 0 : i32
    %dma_start3A_670 = arith.constant 0 : i32
    %dma_start3A_671 = tpu.memref_slice %arg6[%dma_start3A_667, %dma_start3A_669, %dma_start3A_670] : memref<4x10x128xf32, #tpu.memory_space<vmem>> -> memref<1x10x128xf32, #tpu.memory_space<vmem>>
    %dma_start3A_672 = tpu.memref_squeeze %dma_start3A_671 : memref<1x10x128xf32, #tpu.memory_space<vmem>> -> memref<10x128xf32, #tpu.memory_space<vmem>>
    %dma_start3A_673 = arith.constant 0 : i32
    %dma_start3A_674 = tpu.memref_slice %dma_start3A_672[%dma_start3A_668, %dma_start3A_673] : memref<10x128xf32, #tpu.memory_space<vmem>> -> memref<1x128xf32, #tpu.memory_space<vmem>>
    %dma_start3A_675 = tpu.memref_squeeze %dma_start3A_674 : memref<1x128xf32, #tpu.memory_space<vmem>> -> memref<128xf32, #tpu.memory_space<vmem>>
    %dma_start3A_676 = arith.constant 0 : i32
    %dma_start3A_677 = tpu.memref_slice %arg5[%dma_start3A_666, %dma_start3A_676] : memref<10x128xi32, #tpu.memory_space<vmem>> -> memref<1x128xi32, #tpu.memory_space<vmem>>
    %dma_start3A_678 = tpu.memref_squeeze %dma_start3A_677 : memref<1x128xi32, #tpu.memory_space<vmem>> -> memref<128xi32, #tpu.memory_space<vmem>>
    %dma_start3A_679 = arith.constant 0 : i32
    %dma_start3A_680 = tpu.memref_slice %arg2[%dma_start3A_665, %dma_start3A_679] : memref<4x40000xf32, #tpu.memory_space<hbm>> -> memref<1x40000xf32, #tpu.memory_space<hbm>>
    %dma_start3A_681 = tpu.memref_squeeze %dma_start3A_680 : memref<1x40000xf32, #tpu.memory_space<hbm>> -> memref<40000xf32, #tpu.memory_space<hbm>>
    %dma_start3A_682 = arith.constant 0 : i32
    %dma_start3A_683 = tpu.memref_slice %dma_start3A_681[%dma_start3A_682] : memref<40000xf32, #tpu.memory_space<hbm>> -> memref<40000xf32, #tpu.memory_space<hbm>>
    tpu.enqueue_indirect_dma source(%dma_start3A_683 : memref<40000xf32, #tpu.memory_space<hbm>>) target(%dma_start3A_675 : memref<128xf32, #tpu.memory_space<vmem>>) offsets(%dma_start3A_678 : memref<128xi32, #tpu.memory_space<vmem>>) semaphore(%arg7 : memref<!tpu.dma_semaphore, #tpu.memory_space<semaphore_mem>>)
    %dma_start3A_684 = arith.constant 3 : i32
    %dma_start3A_685 = arith.constant 6 : i32
    %dma_start3A_686 = arith.constant 3 : i32
    %dma_start3A_687 = arith.constant 6 : i32
    %dma_start3A_688 = arith.constant 0 : i32
    %dma_start3A_689 = arith.constant 0 : i32
    %dma_start3A_690 = tpu.memref_slice %arg6[%dma_start3A_686, %dma_start3A_688, %dma_start3A_689] : memref<4x10x128xf32, #tpu.memory_space<vmem>> -> memref<1x10x128xf32, #tpu.memory_space<vmem>>
    %dma_start3A_691 = tpu.memref_squeeze %dma_start3A_690 : memref<1x10x128xf32, #tpu.memory_space<vmem>> -> memref<10x128xf32, #tpu.memory_space<vmem>>
    %dma_start3A_692 = arith.constant 0 : i32
    %dma_start3A_693 = tpu.memref_slice %dma_start3A_691[%dma_start3A_687, %dma_start3A_692] : memref<10x128xf32, #tpu.memory_space<vmem>> -> memref<1x128xf32, #tpu.memory_space<vmem>>
    %dma_start3A_694 = tpu.memref_squeeze %dma_start3A_693 : memref<1x128xf32, #tpu.memory_space<vmem>> -> memref<128xf32, #tpu.memory_space<vmem>>
    %dma_start3A_695 = arith.constant 0 : i32
    %dma_start3A_696 = tpu.memref_slice %arg5[%dma_start3A_685, %dma_start3A_695] : memref<10x128xi32, #tpu.memory_space<vmem>> -> memref<1x128xi32, #tpu.memory_space<vmem>>
    %dma_start3A_697 = tpu.memref_squeeze %dma_start3A_696 : memref<1x128xi32, #tpu.memory_space<vmem>> -> memref<128xi32, #tpu.memory_space<vmem>>
    %dma_start3A_698 = arith.constant 0 : i32
    %dma_start3A_699 = tpu.memref_slice %arg2[%dma_start3A_684, %dma_start3A_698] : memref<4x40000xf32, #tpu.memory_space<hbm>> -> memref<1x40000xf32, #tpu.memory_space<hbm>>
    %dma_start3A_700 = tpu.memref_squeeze %dma_start3A_699 : memref<1x40000xf32, #tpu.memory_space<hbm>> -> memref<40000xf32, #tpu.memory_space<hbm>>
    %dma_start3A_701 = arith.constant 0 : i32
    %dma_start3A_702 = tpu.memref_slice %dma_start3A_700[%dma_start3A_701] : memref<40000xf32, #tpu.memory_space<hbm>> -> memref<40000xf32, #tpu.memory_space<hbm>>
    tpu.enqueue_indirect_dma source(%dma_start3A_702 : memref<40000xf32, #tpu.memory_space<hbm>>) target(%dma_start3A_694 : memref<128xf32, #tpu.memory_space<vmem>>) offsets(%dma_start3A_697 : memref<128xi32, #tpu.memory_space<vmem>>) semaphore(%arg7 : memref<!tpu.dma_semaphore, #tpu.memory_space<semaphore_mem>>)
    %dma_start3A_703 = arith.constant 3 : i32
    %dma_start3A_704 = arith.constant 7 : i32
    %dma_start3A_705 = arith.constant 3 : i32
    %dma_start3A_706 = arith.constant 7 : i32
    %dma_start3A_707 = arith.constant 0 : i32
    %dma_start3A_708 = arith.constant 0 : i32
    %dma_start3A_709 = tpu.memref_slice %arg6[%dma_start3A_705, %dma_start3A_707, %dma_start3A_708] : memref<4x10x128xf32, #tpu.memory_space<vmem>> -> memref<1x10x128xf32, #tpu.memory_space<vmem>>
    %dma_start3A_710 = tpu.memref_squeeze %dma_start3A_709 : memref<1x10x128xf32, #tpu.memory_space<vmem>> -> memref<10x128xf32, #tpu.memory_space<vmem>>
    %dma_start3A_711 = arith.constant 0 : i32
    %dma_start3A_712 = tpu.memref_slice %dma_start3A_710[%dma_start3A_706, %dma_start3A_711] : memref<10x128xf32, #tpu.memory_space<vmem>> -> memref<1x128xf32, #tpu.memory_space<vmem>>
    %dma_start3A_713 = tpu.memref_squeeze %dma_start3A_712 : memref<1x128xf32, #tpu.memory_space<vmem>> -> memref<128xf32, #tpu.memory_space<vmem>>
    %dma_start3A_714 = arith.constant 0 : i32
    %dma_start3A_715 = tpu.memref_slice %arg5[%dma_start3A_704, %dma_start3A_714] : memref<10x128xi32, #tpu.memory_space<vmem>> -> memref<1x128xi32, #tpu.memory_space<vmem>>
    %dma_start3A_716 = tpu.memref_squeeze %dma_start3A_715 : memref<1x128xi32, #tpu.memory_space<vmem>> -> memref<128xi32, #tpu.memory_space<vmem>>
    %dma_start3A_717 = arith.constant 0 : i32
    %dma_start3A_718 = tpu.memref_slice %arg2[%dma_start3A_703, %dma_start3A_717] : memref<4x40000xf32, #tpu.memory_space<hbm>> -> memref<1x40000xf32, #tpu.memory_space<hbm>>
    %dma_start3A_719 = tpu.memref_squeeze %dma_start3A_718 : memref<1x40000xf32, #tpu.memory_space<hbm>> -> memref<40000xf32, #tpu.memory_space<hbm>>
    %dma_start3A_720 = arith.constant 0 : i32
    %dma_start3A_721 = tpu.memref_slice %dma_start3A_719[%dma_start3A_720] : memref<40000xf32, #tpu.memory_space<hbm>> -> memref<40000xf32, #tpu.memory_space<hbm>>
    tpu.enqueue_indirect_dma source(%dma_start3A_721 : memref<40000xf32, #tpu.memory_space<hbm>>) target(%dma_start3A_713 : memref<128xf32, #tpu.memory_space<vmem>>) offsets(%dma_start3A_716 : memref<128xi32, #tpu.memory_space<vmem>>) semaphore(%arg7 : memref<!tpu.dma_semaphore, #tpu.memory_space<semaphore_mem>>)
    %dma_start3A_722 = arith.constant 3 : i32
    %dma_start3A_723 = arith.constant 8 : i32
    %dma_start3A_724 = arith.constant 3 : i32
    %dma_start3A_725 = arith.constant 8 : i32
    %dma_start3A_726 = arith.constant 0 : i32
    %dma_start3A_727 = arith.constant 0 : i32
    %dma_start3A_728 = tpu.memref_slice %arg6[%dma_start3A_724, %dma_start3A_726, %dma_start3A_727] : memref<4x10x128xf32, #tpu.memory_space<vmem>> -> memref<1x10x128xf32, #tpu.memory_space<vmem>>
    %dma_start3A_729 = tpu.memref_squeeze %dma_start3A_728 : memref<1x10x128xf32, #tpu.memory_space<vmem>> -> memref<10x128xf32, #tpu.memory_space<vmem>>
    %dma_start3A_730 = arith.constant 0 : i32
    %dma_start3A_731 = tpu.memref_slice %dma_start3A_729[%dma_start3A_725, %dma_start3A_730] : memref<10x128xf32, #tpu.memory_space<vmem>> -> memref<1x128xf32, #tpu.memory_space<vmem>>
    %dma_start3A_732 = tpu.memref_squeeze %dma_start3A_731 : memref<1x128xf32, #tpu.memory_space<vmem>> -> memref<128xf32, #tpu.memory_space<vmem>>
    %dma_start3A_733 = arith.constant 0 : i32
    %dma_start3A_734 = tpu.memref_slice %arg5[%dma_start3A_723, %dma_start3A_733] : memref<10x128xi32, #tpu.memory_space<vmem>> -> memref<1x128xi32, #tpu.memory_space<vmem>>
    %dma_start3A_735 = tpu.memref_squeeze %dma_start3A_734 : memref<1x128xi32, #tpu.memory_space<vmem>> -> memref<128xi32, #tpu.memory_space<vmem>>
    %dma_start3A_736 = arith.constant 0 : i32
    %dma_start3A_737 = tpu.memref_slice %arg2[%dma_start3A_722, %dma_start3A_736] : memref<4x40000xf32, #tpu.memory_space<hbm>> -> memref<1x40000xf32, #tpu.memory_space<hbm>>
    %dma_start3A_738 = tpu.memref_squeeze %dma_start3A_737 : memref<1x40000xf32, #tpu.memory_space<hbm>> -> memref<40000xf32, #tpu.memory_space<hbm>>
    %dma_start3A_739 = arith.constant 0 : i32
    %dma_start3A_740 = tpu.memref_slice %dma_start3A_738[%dma_start3A_739] : memref<40000xf32, #tpu.memory_space<hbm>> -> memref<40000xf32, #tpu.memory_space<hbm>>
    tpu.enqueue_indirect_dma source(%dma_start3A_740 : memref<40000xf32, #tpu.memory_space<hbm>>) target(%dma_start3A_732 : memref<128xf32, #tpu.memory_space<vmem>>) offsets(%dma_start3A_735 : memref<128xi32, #tpu.memory_space<vmem>>) semaphore(%arg7 : memref<!tpu.dma_semaphore, #tpu.memory_space<semaphore_mem>>)
    %dma_start3A_741 = arith.constant 3 : i32
    %dma_start3A_742 = arith.constant 9 : i32
    %dma_start3A_743 = arith.constant 3 : i32
    %dma_start3A_744 = arith.constant 9 : i32
    %dma_start3A_745 = arith.constant 0 : i32
    %dma_start3A_746 = arith.constant 0 : i32
    %dma_start3A_747 = tpu.memref_slice %arg6[%dma_start3A_743, %dma_start3A_745, %dma_start3A_746] : memref<4x10x128xf32, #tpu.memory_space<vmem>> -> memref<1x10x128xf32, #tpu.memory_space<vmem>>
    %dma_start3A_748 = tpu.memref_squeeze %dma_start3A_747 : memref<1x10x128xf32, #tpu.memory_space<vmem>> -> memref<10x128xf32, #tpu.memory_space<vmem>>
    %dma_start3A_749 = arith.constant 0 : i32
    %dma_start3A_750 = tpu.memref_slice %dma_start3A_748[%dma_start3A_744, %dma_start3A_749] : memref<10x128xf32, #tpu.memory_space<vmem>> -> memref<1x128xf32, #tpu.memory_space<vmem>>
    %dma_start3A_751 = tpu.memref_squeeze %dma_start3A_750 : memref<1x128xf32, #tpu.memory_space<vmem>> -> memref<128xf32, #tpu.memory_space<vmem>>
    %dma_start3A_752 = arith.constant 0 : i32
    %dma_start3A_753 = tpu.memref_slice %arg5[%dma_start3A_742, %dma_start3A_752] : memref<10x128xi32, #tpu.memory_space<vmem>> -> memref<1x128xi32, #tpu.memory_space<vmem>>
    %dma_start3A_754 = tpu.memref_squeeze %dma_start3A_753 : memref<1x128xi32, #tpu.memory_space<vmem>> -> memref<128xi32, #tpu.memory_space<vmem>>
    %dma_start3A_755 = arith.constant 0 : i32
    %dma_start3A_756 = tpu.memref_slice %arg2[%dma_start3A_741, %dma_start3A_755] : memref<4x40000xf32, #tpu.memory_space<hbm>> -> memref<1x40000xf32, #tpu.memory_space<hbm>>
    %dma_start3A_757 = tpu.memref_squeeze %dma_start3A_756 : memref<1x40000xf32, #tpu.memory_space<hbm>> -> memref<40000xf32, #tpu.memory_space<hbm>>
    %dma_start3A_758 = arith.constant 0 : i32
    %dma_start3A_759 = tpu.memref_slice %dma_start3A_757[%dma_start3A_758] : memref<40000xf32, #tpu.memory_space<hbm>> -> memref<40000xf32, #tpu.memory_space<hbm>>
    tpu.enqueue_indirect_dma source(%dma_start3A_759 : memref<40000xf32, #tpu.memory_space<hbm>>) target(%dma_start3A_751 : memref<128xf32, #tpu.memory_space<vmem>>) offsets(%dma_start3A_754 : memref<128xi32, #tpu.memory_space<vmem>>) semaphore(%arg7 : memref<!tpu.dma_semaphore, #tpu.memory_space<semaphore_mem>>)
    %dma_wait3A = arith.constant 0 : i32
    %dma_wait3A_760 = arith.constant 0 : i32
    %dma_wait3A_761 = arith.constant 0 : i32
    %dma_wait3A_762 = arith.constant 0 : i32
    %dma_wait3A_763 = arith.constant 0 : i32
    %dma_wait3A_764 = arith.constant 0 : i32
    %dma_wait3A_765 = tpu.memref_slice %arg6[%dma_wait3A_761, %dma_wait3A_763, %dma_wait3A_764] : memref<4x10x128xf32, #tpu.memory_space<vmem>> -> memref<1x10x128xf32, #tpu.memory_space<vmem>>
    %dma_wait3A_766 = tpu.memref_squeeze %dma_wait3A_765 : memref<1x10x128xf32, #tpu.memory_space<vmem>> -> memref<10x128xf32, #tpu.memory_space<vmem>>
    %dma_wait3A_767 = arith.constant 0 : i32
    %dma_wait3A_768 = tpu.memref_slice %dma_wait3A_766[%dma_wait3A_762, %dma_wait3A_767] : memref<10x128xf32, #tpu.memory_space<vmem>> -> memref<1x128xf32, #tpu.memory_space<vmem>>
    %dma_wait3A_769 = tpu.memref_squeeze %dma_wait3A_768 : memref<1x128xf32, #tpu.memory_space<vmem>> -> memref<128xf32, #tpu.memory_space<vmem>>
    %dma_wait3A_770 = arith.constant 0 : i32
    %dma_wait3A_771 = tpu.memref_slice %arg5[%dma_wait3A_760, %dma_wait3A_770] : memref<10x128xi32, #tpu.memory_space<vmem>> -> memref<1x128xi32, #tpu.memory_space<vmem>>
    %dma_wait3A_772 = tpu.memref_squeeze %dma_wait3A_771 : memref<1x128xi32, #tpu.memory_space<vmem>> -> memref<128xi32, #tpu.memory_space<vmem>>
    %dma_wait3A_773 = arith.constant 0 : i32
    %dma_wait3A_774 = tpu.memref_slice %arg2[%dma_wait3A, %dma_wait3A_773] : memref<4x40000xf32, #tpu.memory_space<hbm>> -> memref<1x40000xf32, #tpu.memory_space<hbm>>
    %dma_wait3A_775 = tpu.memref_squeeze %dma_wait3A_774 : memref<1x40000xf32, #tpu.memory_space<hbm>> -> memref<40000xf32, #tpu.memory_space<hbm>>
    %dma_wait3A_776 = arith.constant 0 : i32
    %dma_wait3A_777 = tpu.memref_slice %dma_wait3A_775[%dma_wait3A_776] : memref<40000xf32, #tpu.memory_space<hbm>> -> memref<40000xf32, #tpu.memory_space<hbm>>
    tpu.wait_indirect_dma semaphore(%arg7 : memref<!tpu.dma_semaphore, #tpu.memory_space<semaphore_mem>>) src(%dma_wait3A_777 : memref<40000xf32, #tpu.memory_space<hbm>>) dst(%dma_wait3A_769 : memref<128xf32, #tpu.memory_space<vmem>>)
    %dma_wait3A_778 = arith.constant 0 : i32
    %dma_wait3A_779 = arith.constant 1 : i32
    %dma_wait3A_780 = arith.constant 0 : i32
    %dma_wait3A_781 = arith.constant 1 : i32
    %dma_wait3A_782 = arith.constant 0 : i32
    %dma_wait3A_783 = arith.constant 0 : i32
    %dma_wait3A_784 = tpu.memref_slice %arg6[%dma_wait3A_780, %dma_wait3A_782, %dma_wait3A_783] : memref<4x10x128xf32, #tpu.memory_space<vmem>> -> memref<1x10x128xf32, #tpu.memory_space<vmem>>
    %dma_wait3A_785 = tpu.memref_squeeze %dma_wait3A_784 : memref<1x10x128xf32, #tpu.memory_space<vmem>> -> memref<10x128xf32, #tpu.memory_space<vmem>>
    %dma_wait3A_786 = arith.constant 0 : i32
    %dma_wait3A_787 = tpu.memref_slice %dma_wait3A_785[%dma_wait3A_781, %dma_wait3A_786] : memref<10x128xf32, #tpu.memory_space<vmem>> -> memref<1x128xf32, #tpu.memory_space<vmem>>
    %dma_wait3A_788 = tpu.memref_squeeze %dma_wait3A_787 : memref<1x128xf32, #tpu.memory_space<vmem>> -> memref<128xf32, #tpu.memory_space<vmem>>
    %dma_wait3A_789 = arith.constant 0 : i32
    %dma_wait3A_790 = tpu.memref_slice %arg5[%dma_wait3A_779, %dma_wait3A_789] : memref<10x128xi32, #tpu.memory_space<vmem>> -> memref<1x128xi32, #tpu.memory_space<vmem>>
    %dma_wait3A_791 = tpu.memref_squeeze %dma_wait3A_790 : memref<1x128xi32, #tpu.memory_space<vmem>> -> memref<128xi32, #tpu.memory_space<vmem>>
    %dma_wait3A_792 = arith.constant 0 : i32
    %dma_wait3A_793 = tpu.memref_slice %arg2[%dma_wait3A_778, %dma_wait3A_792] : memref<4x40000xf32, #tpu.memory_space<hbm>> -> memref<1x40000xf32, #tpu.memory_space<hbm>>
    %dma_wait3A_794 = tpu.memref_squeeze %dma_wait3A_793 : memref<1x40000xf32, #tpu.memory_space<hbm>> -> memref<40000xf32, #tpu.memory_space<hbm>>
    %dma_wait3A_795 = arith.constant 0 : i32
    %dma_wait3A_796 = tpu.memref_slice %dma_wait3A_794[%dma_wait3A_795] : memref<40000xf32, #tpu.memory_space<hbm>> -> memref<40000xf32, #tpu.memory_space<hbm>>
    tpu.wait_indirect_dma semaphore(%arg7 : memref<!tpu.dma_semaphore, #tpu.memory_space<semaphore_mem>>) src(%dma_wait3A_796 : memref<40000xf32, #tpu.memory_space<hbm>>) dst(%dma_wait3A_788 : memref<128xf32, #tpu.memory_space<vmem>>)
    %dma_wait3A_797 = arith.constant 0 : i32
    %dma_wait3A_798 = arith.constant 2 : i32
    %dma_wait3A_799 = arith.constant 0 : i32
    %dma_wait3A_800 = arith.constant 2 : i32
    %dma_wait3A_801 = arith.constant 0 : i32
    %dma_wait3A_802 = arith.constant 0 : i32
    %dma_wait3A_803 = tpu.memref_slice %arg6[%dma_wait3A_799, %dma_wait3A_801, %dma_wait3A_802] : memref<4x10x128xf32, #tpu.memory_space<vmem>> -> memref<1x10x128xf32, #tpu.memory_space<vmem>>
    %dma_wait3A_804 = tpu.memref_squeeze %dma_wait3A_803 : memref<1x10x128xf32, #tpu.memory_space<vmem>> -> memref<10x128xf32, #tpu.memory_space<vmem>>
    %dma_wait3A_805 = arith.constant 0 : i32
    %dma_wait3A_806 = tpu.memref_slice %dma_wait3A_804[%dma_wait3A_800, %dma_wait3A_805] : memref<10x128xf32, #tpu.memory_space<vmem>> -> memref<1x128xf32, #tpu.memory_space<vmem>>
    %dma_wait3A_807 = tpu.memref_squeeze %dma_wait3A_806 : memref<1x128xf32, #tpu.memory_space<vmem>> -> memref<128xf32, #tpu.memory_space<vmem>>
    %dma_wait3A_808 = arith.constant 0 : i32
    %dma_wait3A_809 = tpu.memref_slice %arg5[%dma_wait3A_798, %dma_wait3A_808] : memref<10x128xi32, #tpu.memory_space<vmem>> -> memref<1x128xi32, #tpu.memory_space<vmem>>
    %dma_wait3A_810 = tpu.memref_squeeze %dma_wait3A_809 : memref<1x128xi32, #tpu.memory_space<vmem>> -> memref<128xi32, #tpu.memory_space<vmem>>
    %dma_wait3A_811 = arith.constant 0 : i32
    %dma_wait3A_812 = tpu.memref_slice %arg2[%dma_wait3A_797, %dma_wait3A_811] : memref<4x40000xf32, #tpu.memory_space<hbm>> -> memref<1x40000xf32, #tpu.memory_space<hbm>>
    %dma_wait3A_813 = tpu.memref_squeeze %dma_wait3A_812 : memref<1x40000xf32, #tpu.memory_space<hbm>> -> memref<40000xf32, #tpu.memory_space<hbm>>
    %dma_wait3A_814 = arith.constant 0 : i32
    %dma_wait3A_815 = tpu.memref_slice %dma_wait3A_813[%dma_wait3A_814] : memref<40000xf32, #tpu.memory_space<hbm>> -> memref<40000xf32, #tpu.memory_space<hbm>>
    tpu.wait_indirect_dma semaphore(%arg7 : memref<!tpu.dma_semaphore, #tpu.memory_space<semaphore_mem>>) src(%dma_wait3A_815 : memref<40000xf32, #tpu.memory_space<hbm>>) dst(%dma_wait3A_807 : memref<128xf32, #tpu.memory_space<vmem>>)
    %dma_wait3A_816 = arith.constant 0 : i32
    %dma_wait3A_817 = arith.constant 3 : i32
    %dma_wait3A_818 = arith.constant 0 : i32
    %dma_wait3A_819 = arith.constant 3 : i32
    %dma_wait3A_820 = arith.constant 0 : i32
    %dma_wait3A_821 = arith.constant 0 : i32
    %dma_wait3A_822 = tpu.memref_slice %arg6[%dma_wait3A_818, %dma_wait3A_820, %dma_wait3A_821] : memref<4x10x128xf32, #tpu.memory_space<vmem>> -> memref<1x10x128xf32, #tpu.memory_space<vmem>>
    %dma_wait3A_823 = tpu.memref_squeeze %dma_wait3A_822 : memref<1x10x128xf32, #tpu.memory_space<vmem>> -> memref<10x128xf32, #tpu.memory_space<vmem>>
    %dma_wait3A_824 = arith.constant 0 : i32
    %dma_wait3A_825 = tpu.memref_slice %dma_wait3A_823[%dma_wait3A_819, %dma_wait3A_824] : memref<10x128xf32, #tpu.memory_space<vmem>> -> memref<1x128xf32, #tpu.memory_space<vmem>>
    %dma_wait3A_826 = tpu.memref_squeeze %dma_wait3A_825 : memref<1x128xf32, #tpu.memory_space<vmem>> -> memref<128xf32, #tpu.memory_space<vmem>>
    %dma_wait3A_827 = arith.constant 0 : i32
    %dma_wait3A_828 = tpu.memref_slice %arg5[%dma_wait3A_817, %dma_wait3A_827] : memref<10x128xi32, #tpu.memory_space<vmem>> -> memref<1x128xi32, #tpu.memory_space<vmem>>
    %dma_wait3A_829 = tpu.memref_squeeze %dma_wait3A_828 : memref<1x128xi32, #tpu.memory_space<vmem>> -> memref<128xi32, #tpu.memory_space<vmem>>
    %dma_wait3A_830 = arith.constant 0 : i32
    %dma_wait3A_831 = tpu.memref_slice %arg2[%dma_wait3A_816, %dma_wait3A_830] : memref<4x40000xf32, #tpu.memory_space<hbm>> -> memref<1x40000xf32, #tpu.memory_space<hbm>>
    %dma_wait3A_832 = tpu.memref_squeeze %dma_wait3A_831 : memref<1x40000xf32, #tpu.memory_space<hbm>> -> memref<40000xf32, #tpu.memory_space<hbm>>
    %dma_wait3A_833 = arith.constant 0 : i32
    %dma_wait3A_834 = tpu.memref_slice %dma_wait3A_832[%dma_wait3A_833] : memref<40000xf32, #tpu.memory_space<hbm>> -> memref<40000xf32, #tpu.memory_space<hbm>>
    tpu.wait_indirect_dma semaphore(%arg7 : memref<!tpu.dma_semaphore, #tpu.memory_space<semaphore_mem>>) src(%dma_wait3A_834 : memref<40000xf32, #tpu.memory_space<hbm>>) dst(%dma_wait3A_826 : memref<128xf32, #tpu.memory_space<vmem>>)
    %dma_wait3A_835 = arith.constant 0 : i32
    %dma_wait3A_836 = arith.constant 4 : i32
    %dma_wait3A_837 = arith.constant 0 : i32
    %dma_wait3A_838 = arith.constant 4 : i32
    %dma_wait3A_839 = arith.constant 0 : i32
    %dma_wait3A_840 = arith.constant 0 : i32
    %dma_wait3A_841 = tpu.memref_slice %arg6[%dma_wait3A_837, %dma_wait3A_839, %dma_wait3A_840] : memref<4x10x128xf32, #tpu.memory_space<vmem>> -> memref<1x10x128xf32, #tpu.memory_space<vmem>>
    %dma_wait3A_842 = tpu.memref_squeeze %dma_wait3A_841 : memref<1x10x128xf32, #tpu.memory_space<vmem>> -> memref<10x128xf32, #tpu.memory_space<vmem>>
    %dma_wait3A_843 = arith.constant 0 : i32
    %dma_wait3A_844 = tpu.memref_slice %dma_wait3A_842[%dma_wait3A_838, %dma_wait3A_843] : memref<10x128xf32, #tpu.memory_space<vmem>> -> memref<1x128xf32, #tpu.memory_space<vmem>>
    %dma_wait3A_845 = tpu.memref_squeeze %dma_wait3A_844 : memref<1x128xf32, #tpu.memory_space<vmem>> -> memref<128xf32, #tpu.memory_space<vmem>>
    %dma_wait3A_846 = arith.constant 0 : i32
    %dma_wait3A_847 = tpu.memref_slice %arg5[%dma_wait3A_836, %dma_wait3A_846] : memref<10x128xi32, #tpu.memory_space<vmem>> -> memref<1x128xi32, #tpu.memory_space<vmem>>
    %dma_wait3A_848 = tpu.memref_squeeze %dma_wait3A_847 : memref<1x128xi32, #tpu.memory_space<vmem>> -> memref<128xi32, #tpu.memory_space<vmem>>
    %dma_wait3A_849 = arith.constant 0 : i32
    %dma_wait3A_850 = tpu.memref_slice %arg2[%dma_wait3A_835, %dma_wait3A_849] : memref<4x40000xf32, #tpu.memory_space<hbm>> -> memref<1x40000xf32, #tpu.memory_space<hbm>>
    %dma_wait3A_851 = tpu.memref_squeeze %dma_wait3A_850 : memref<1x40000xf32, #tpu.memory_space<hbm>> -> memref<40000xf32, #tpu.memory_space<hbm>>
    %dma_wait3A_852 = arith.constant 0 : i32
    %dma_wait3A_853 = tpu.memref_slice %dma_wait3A_851[%dma_wait3A_852] : memref<40000xf32, #tpu.memory_space<hbm>> -> memref<40000xf32, #tpu.memory_space<hbm>>
    tpu.wait_indirect_dma semaphore(%arg7 : memref<!tpu.dma_semaphore, #tpu.memory_space<semaphore_mem>>) src(%dma_wait3A_853 : memref<40000xf32, #tpu.memory_space<hbm>>) dst(%dma_wait3A_845 : memref<128xf32, #tpu.memory_space<vmem>>)
    %dma_wait3A_854 = arith.constant 0 : i32
    %dma_wait3A_855 = arith.constant 5 : i32
    %dma_wait3A_856 = arith.constant 0 : i32
    %dma_wait3A_857 = arith.constant 5 : i32
    %dma_wait3A_858 = arith.constant 0 : i32
    %dma_wait3A_859 = arith.constant 0 : i32
    %dma_wait3A_860 = tpu.memref_slice %arg6[%dma_wait3A_856, %dma_wait3A_858, %dma_wait3A_859] : memref<4x10x128xf32, #tpu.memory_space<vmem>> -> memref<1x10x128xf32, #tpu.memory_space<vmem>>
    %dma_wait3A_861 = tpu.memref_squeeze %dma_wait3A_860 : memref<1x10x128xf32, #tpu.memory_space<vmem>> -> memref<10x128xf32, #tpu.memory_space<vmem>>
    %dma_wait3A_862 = arith.constant 0 : i32
    %dma_wait3A_863 = tpu.memref_slice %dma_wait3A_861[%dma_wait3A_857, %dma_wait3A_862] : memref<10x128xf32, #tpu.memory_space<vmem>> -> memref<1x128xf32, #tpu.memory_space<vmem>>
    %dma_wait3A_864 = tpu.memref_squeeze %dma_wait3A_863 : memref<1x128xf32, #tpu.memory_space<vmem>> -> memref<128xf32, #tpu.memory_space<vmem>>
    %dma_wait3A_865 = arith.constant 0 : i32
    %dma_wait3A_866 = tpu.memref_slice %arg5[%dma_wait3A_855, %dma_wait3A_865] : memref<10x128xi32, #tpu.memory_space<vmem>> -> memref<1x128xi32, #tpu.memory_space<vmem>>
    %dma_wait3A_867 = tpu.memref_squeeze %dma_wait3A_866 : memref<1x128xi32, #tpu.memory_space<vmem>> -> memref<128xi32, #tpu.memory_space<vmem>>
    %dma_wait3A_868 = arith.constant 0 : i32
    %dma_wait3A_869 = tpu.memref_slice %arg2[%dma_wait3A_854, %dma_wait3A_868] : memref<4x40000xf32, #tpu.memory_space<hbm>> -> memref<1x40000xf32, #tpu.memory_space<hbm>>
    %dma_wait3A_870 = tpu.memref_squeeze %dma_wait3A_869 : memref<1x40000xf32, #tpu.memory_space<hbm>> -> memref<40000xf32, #tpu.memory_space<hbm>>
    %dma_wait3A_871 = arith.constant 0 : i32
    %dma_wait3A_872 = tpu.memref_slice %dma_wait3A_870[%dma_wait3A_871] : memref<40000xf32, #tpu.memory_space<hbm>> -> memref<40000xf32, #tpu.memory_space<hbm>>
    tpu.wait_indirect_dma semaphore(%arg7 : memref<!tpu.dma_semaphore, #tpu.memory_space<semaphore_mem>>) src(%dma_wait3A_872 : memref<40000xf32, #tpu.memory_space<hbm>>) dst(%dma_wait3A_864 : memref<128xf32, #tpu.memory_space<vmem>>)
    %dma_wait3A_873 = arith.constant 0 : i32
    %dma_wait3A_874 = arith.constant 6 : i32
    %dma_wait3A_875 = arith.constant 0 : i32
    %dma_wait3A_876 = arith.constant 6 : i32
    %dma_wait3A_877 = arith.constant 0 : i32
    %dma_wait3A_878 = arith.constant 0 : i32
    %dma_wait3A_879 = tpu.memref_slice %arg6[%dma_wait3A_875, %dma_wait3A_877, %dma_wait3A_878] : memref<4x10x128xf32, #tpu.memory_space<vmem>> -> memref<1x10x128xf32, #tpu.memory_space<vmem>>
    %dma_wait3A_880 = tpu.memref_squeeze %dma_wait3A_879 : memref<1x10x128xf32, #tpu.memory_space<vmem>> -> memref<10x128xf32, #tpu.memory_space<vmem>>
    %dma_wait3A_881 = arith.constant 0 : i32
    %dma_wait3A_882 = tpu.memref_slice %dma_wait3A_880[%dma_wait3A_876, %dma_wait3A_881] : memref<10x128xf32, #tpu.memory_space<vmem>> -> memref<1x128xf32, #tpu.memory_space<vmem>>
    %dma_wait3A_883 = tpu.memref_squeeze %dma_wait3A_882 : memref<1x128xf32, #tpu.memory_space<vmem>> -> memref<128xf32, #tpu.memory_space<vmem>>
    %dma_wait3A_884 = arith.constant 0 : i32
    %dma_wait3A_885 = tpu.memref_slice %arg5[%dma_wait3A_874, %dma_wait3A_884] : memref<10x128xi32, #tpu.memory_space<vmem>> -> memref<1x128xi32, #tpu.memory_space<vmem>>
    %dma_wait3A_886 = tpu.memref_squeeze %dma_wait3A_885 : memref<1x128xi32, #tpu.memory_space<vmem>> -> memref<128xi32, #tpu.memory_space<vmem>>
    %dma_wait3A_887 = arith.constant 0 : i32
    %dma_wait3A_888 = tpu.memref_slice %arg2[%dma_wait3A_873, %dma_wait3A_887] : memref<4x40000xf32, #tpu.memory_space<hbm>> -> memref<1x40000xf32, #tpu.memory_space<hbm>>
    %dma_wait3A_889 = tpu.memref_squeeze %dma_wait3A_888 : memref<1x40000xf32, #tpu.memory_space<hbm>> -> memref<40000xf32, #tpu.memory_space<hbm>>
    %dma_wait3A_890 = arith.constant 0 : i32
    %dma_wait3A_891 = tpu.memref_slice %dma_wait3A_889[%dma_wait3A_890] : memref<40000xf32, #tpu.memory_space<hbm>> -> memref<40000xf32, #tpu.memory_space<hbm>>
    tpu.wait_indirect_dma semaphore(%arg7 : memref<!tpu.dma_semaphore, #tpu.memory_space<semaphore_mem>>) src(%dma_wait3A_891 : memref<40000xf32, #tpu.memory_space<hbm>>) dst(%dma_wait3A_883 : memref<128xf32, #tpu.memory_space<vmem>>)
    %dma_wait3A_892 = arith.constant 0 : i32
    %dma_wait3A_893 = arith.constant 7 : i32
    %dma_wait3A_894 = arith.constant 0 : i32
    %dma_wait3A_895 = arith.constant 7 : i32
    %dma_wait3A_896 = arith.constant 0 : i32
    %dma_wait3A_897 = arith.constant 0 : i32
    %dma_wait3A_898 = tpu.memref_slice %arg6[%dma_wait3A_894, %dma_wait3A_896, %dma_wait3A_897] : memref<4x10x128xf32, #tpu.memory_space<vmem>> -> memref<1x10x128xf32, #tpu.memory_space<vmem>>
    %dma_wait3A_899 = tpu.memref_squeeze %dma_wait3A_898 : memref<1x10x128xf32, #tpu.memory_space<vmem>> -> memref<10x128xf32, #tpu.memory_space<vmem>>
    %dma_wait3A_900 = arith.constant 0 : i32
    %dma_wait3A_901 = tpu.memref_slice %dma_wait3A_899[%dma_wait3A_895, %dma_wait3A_900] : memref<10x128xf32, #tpu.memory_space<vmem>> -> memref<1x128xf32, #tpu.memory_space<vmem>>
    %dma_wait3A_902 = tpu.memref_squeeze %dma_wait3A_901 : memref<1x128xf32, #tpu.memory_space<vmem>> -> memref<128xf32, #tpu.memory_space<vmem>>
    %dma_wait3A_903 = arith.constant 0 : i32
    %dma_wait3A_904 = tpu.memref_slice %arg5[%dma_wait3A_893, %dma_wait3A_903] : memref<10x128xi32, #tpu.memory_space<vmem>> -> memref<1x128xi32, #tpu.memory_space<vmem>>
    %dma_wait3A_905 = tpu.memref_squeeze %dma_wait3A_904 : memref<1x128xi32, #tpu.memory_space<vmem>> -> memref<128xi32, #tpu.memory_space<vmem>>
    %dma_wait3A_906 = arith.constant 0 : i32
    %dma_wait3A_907 = tpu.memref_slice %arg2[%dma_wait3A_892, %dma_wait3A_906] : memref<4x40000xf32, #tpu.memory_space<hbm>> -> memref<1x40000xf32, #tpu.memory_space<hbm>>
    %dma_wait3A_908 = tpu.memref_squeeze %dma_wait3A_907 : memref<1x40000xf32, #tpu.memory_space<hbm>> -> memref<40000xf32, #tpu.memory_space<hbm>>
    %dma_wait3A_909 = arith.constant 0 : i32
    %dma_wait3A_910 = tpu.memref_slice %dma_wait3A_908[%dma_wait3A_909] : memref<40000xf32, #tpu.memory_space<hbm>> -> memref<40000xf32, #tpu.memory_space<hbm>>
    tpu.wait_indirect_dma semaphore(%arg7 : memref<!tpu.dma_semaphore, #tpu.memory_space<semaphore_mem>>) src(%dma_wait3A_910 : memref<40000xf32, #tpu.memory_space<hbm>>) dst(%dma_wait3A_902 : memref<128xf32, #tpu.memory_space<vmem>>)
    %dma_wait3A_911 = arith.constant 0 : i32
    %dma_wait3A_912 = arith.constant 8 : i32
    %dma_wait3A_913 = arith.constant 0 : i32
    %dma_wait3A_914 = arith.constant 8 : i32
    %dma_wait3A_915 = arith.constant 0 : i32
    %dma_wait3A_916 = arith.constant 0 : i32
    %dma_wait3A_917 = tpu.memref_slice %arg6[%dma_wait3A_913, %dma_wait3A_915, %dma_wait3A_916] : memref<4x10x128xf32, #tpu.memory_space<vmem>> -> memref<1x10x128xf32, #tpu.memory_space<vmem>>
    %dma_wait3A_918 = tpu.memref_squeeze %dma_wait3A_917 : memref<1x10x128xf32, #tpu.memory_space<vmem>> -> memref<10x128xf32, #tpu.memory_space<vmem>>
    %dma_wait3A_919 = arith.constant 0 : i32
    %dma_wait3A_920 = tpu.memref_slice %dma_wait3A_918[%dma_wait3A_914, %dma_wait3A_919] : memref<10x128xf32, #tpu.memory_space<vmem>> -> memref<1x128xf32, #tpu.memory_space<vmem>>
    %dma_wait3A_921 = tpu.memref_squeeze %dma_wait3A_920 : memref<1x128xf32, #tpu.memory_space<vmem>> -> memref<128xf32, #tpu.memory_space<vmem>>
    %dma_wait3A_922 = arith.constant 0 : i32
    %dma_wait3A_923 = tpu.memref_slice %arg5[%dma_wait3A_912, %dma_wait3A_922] : memref<10x128xi32, #tpu.memory_space<vmem>> -> memref<1x128xi32, #tpu.memory_space<vmem>>
    %dma_wait3A_924 = tpu.memref_squeeze %dma_wait3A_923 : memref<1x128xi32, #tpu.memory_space<vmem>> -> memref<128xi32, #tpu.memory_space<vmem>>
    %dma_wait3A_925 = arith.constant 0 : i32
    %dma_wait3A_926 = tpu.memref_slice %arg2[%dma_wait3A_911, %dma_wait3A_925] : memref<4x40000xf32, #tpu.memory_space<hbm>> -> memref<1x40000xf32, #tpu.memory_space<hbm>>
    %dma_wait3A_927 = tpu.memref_squeeze %dma_wait3A_926 : memref<1x40000xf32, #tpu.memory_space<hbm>> -> memref<40000xf32, #tpu.memory_space<hbm>>
    %dma_wait3A_928 = arith.constant 0 : i32
    %dma_wait3A_929 = tpu.memref_slice %dma_wait3A_927[%dma_wait3A_928] : memref<40000xf32, #tpu.memory_space<hbm>> -> memref<40000xf32, #tpu.memory_space<hbm>>
    tpu.wait_indirect_dma semaphore(%arg7 : memref<!tpu.dma_semaphore, #tpu.memory_space<semaphore_mem>>) src(%dma_wait3A_929 : memref<40000xf32, #tpu.memory_space<hbm>>) dst(%dma_wait3A_921 : memref<128xf32, #tpu.memory_space<vmem>>)
    %dma_wait3A_930 = arith.constant 0 : i32
    %dma_wait3A_931 = arith.constant 9 : i32
    %dma_wait3A_932 = arith.constant 0 : i32
    %dma_wait3A_933 = arith.constant 9 : i32
    %dma_wait3A_934 = arith.constant 0 : i32
    %dma_wait3A_935 = arith.constant 0 : i32
    %dma_wait3A_936 = tpu.memref_slice %arg6[%dma_wait3A_932, %dma_wait3A_934, %dma_wait3A_935] : memref<4x10x128xf32, #tpu.memory_space<vmem>> -> memref<1x10x128xf32, #tpu.memory_space<vmem>>
    %dma_wait3A_937 = tpu.memref_squeeze %dma_wait3A_936 : memref<1x10x128xf32, #tpu.memory_space<vmem>> -> memref<10x128xf32, #tpu.memory_space<vmem>>
    %dma_wait3A_938 = arith.constant 0 : i32
    %dma_wait3A_939 = tpu.memref_slice %dma_wait3A_937[%dma_wait3A_933, %dma_wait3A_938] : memref<10x128xf32, #tpu.memory_space<vmem>> -> memref<1x128xf32, #tpu.memory_space<vmem>>
    %dma_wait3A_940 = tpu.memref_squeeze %dma_wait3A_939 : memref<1x128xf32, #tpu.memory_space<vmem>> -> memref<128xf32, #tpu.memory_space<vmem>>
    %dma_wait3A_941 = arith.constant 0 : i32
    %dma_wait3A_942 = tpu.memref_slice %arg5[%dma_wait3A_931, %dma_wait3A_941] : memref<10x128xi32, #tpu.memory_space<vmem>> -> memref<1x128xi32, #tpu.memory_space<vmem>>
    %dma_wait3A_943 = tpu.memref_squeeze %dma_wait3A_942 : memref<1x128xi32, #tpu.memory_space<vmem>> -> memref<128xi32, #tpu.memory_space<vmem>>
    %dma_wait3A_944 = arith.constant 0 : i32
    %dma_wait3A_945 = tpu.memref_slice %arg2[%dma_wait3A_930, %dma_wait3A_944] : memref<4x40000xf32, #tpu.memory_space<hbm>> -> memref<1x40000xf32, #tpu.memory_space<hbm>>
    %dma_wait3A_946 = tpu.memref_squeeze %dma_wait3A_945 : memref<1x40000xf32, #tpu.memory_space<hbm>> -> memref<40000xf32, #tpu.memory_space<hbm>>
    %dma_wait3A_947 = arith.constant 0 : i32
    %dma_wait3A_948 = tpu.memref_slice %dma_wait3A_946[%dma_wait3A_947] : memref<40000xf32, #tpu.memory_space<hbm>> -> memref<40000xf32, #tpu.memory_space<hbm>>
    tpu.wait_indirect_dma semaphore(%arg7 : memref<!tpu.dma_semaphore, #tpu.memory_space<semaphore_mem>>) src(%dma_wait3A_948 : memref<40000xf32, #tpu.memory_space<hbm>>) dst(%dma_wait3A_940 : memref<128xf32, #tpu.memory_space<vmem>>)
    %dma_wait3A_949 = arith.constant 1 : i32
    %dma_wait3A_950 = arith.constant 0 : i32
    %dma_wait3A_951 = arith.constant 1 : i32
    %dma_wait3A_952 = arith.constant 0 : i32
    %dma_wait3A_953 = arith.constant 0 : i32
    %dma_wait3A_954 = arith.constant 0 : i32
    %dma_wait3A_955 = tpu.memref_slice %arg6[%dma_wait3A_951, %dma_wait3A_953, %dma_wait3A_954] : memref<4x10x128xf32, #tpu.memory_space<vmem>> -> memref<1x10x128xf32, #tpu.memory_space<vmem>>
    %dma_wait3A_956 = tpu.memref_squeeze %dma_wait3A_955 : memref<1x10x128xf32, #tpu.memory_space<vmem>> -> memref<10x128xf32, #tpu.memory_space<vmem>>
    %dma_wait3A_957 = arith.constant 0 : i32
    %dma_wait3A_958 = tpu.memref_slice %dma_wait3A_956[%dma_wait3A_952, %dma_wait3A_957] : memref<10x128xf32, #tpu.memory_space<vmem>> -> memref<1x128xf32, #tpu.memory_space<vmem>>
    %dma_wait3A_959 = tpu.memref_squeeze %dma_wait3A_958 : memref<1x128xf32, #tpu.memory_space<vmem>> -> memref<128xf32, #tpu.memory_space<vmem>>
    %dma_wait3A_960 = arith.constant 0 : i32
    %dma_wait3A_961 = tpu.memref_slice %arg5[%dma_wait3A_950, %dma_wait3A_960] : memref<10x128xi32, #tpu.memory_space<vmem>> -> memref<1x128xi32, #tpu.memory_space<vmem>>
    %dma_wait3A_962 = tpu.memref_squeeze %dma_wait3A_961 : memref<1x128xi32, #tpu.memory_space<vmem>> -> memref<128xi32, #tpu.memory_space<vmem>>
    %dma_wait3A_963 = arith.constant 0 : i32
    %dma_wait3A_964 = tpu.memref_slice %arg2[%dma_wait3A_949, %dma_wait3A_963] : memref<4x40000xf32, #tpu.memory_space<hbm>> -> memref<1x40000xf32, #tpu.memory_space<hbm>>
    %dma_wait3A_965 = tpu.memref_squeeze %dma_wait3A_964 : memref<1x40000xf32, #tpu.memory_space<hbm>> -> memref<40000xf32, #tpu.memory_space<hbm>>
    %dma_wait3A_966 = arith.constant 0 : i32
    %dma_wait3A_967 = tpu.memref_slice %dma_wait3A_965[%dma_wait3A_966] : memref<40000xf32, #tpu.memory_space<hbm>> -> memref<40000xf32, #tpu.memory_space<hbm>>
    tpu.wait_indirect_dma semaphore(%arg7 : memref<!tpu.dma_semaphore, #tpu.memory_space<semaphore_mem>>) src(%dma_wait3A_967 : memref<40000xf32, #tpu.memory_space<hbm>>) dst(%dma_wait3A_959 : memref<128xf32, #tpu.memory_space<vmem>>)
    %dma_wait3A_968 = arith.constant 1 : i32
    %dma_wait3A_969 = arith.constant 1 : i32
    %dma_wait3A_970 = arith.constant 1 : i32
    %dma_wait3A_971 = arith.constant 1 : i32
    %dma_wait3A_972 = arith.constant 0 : i32
    %dma_wait3A_973 = arith.constant 0 : i32
    %dma_wait3A_974 = tpu.memref_slice %arg6[%dma_wait3A_970, %dma_wait3A_972, %dma_wait3A_973] : memref<4x10x128xf32, #tpu.memory_space<vmem>> -> memref<1x10x128xf32, #tpu.memory_space<vmem>>
    %dma_wait3A_975 = tpu.memref_squeeze %dma_wait3A_974 : memref<1x10x128xf32, #tpu.memory_space<vmem>> -> memref<10x128xf32, #tpu.memory_space<vmem>>
    %dma_wait3A_976 = arith.constant 0 : i32
    %dma_wait3A_977 = tpu.memref_slice %dma_wait3A_975[%dma_wait3A_971, %dma_wait3A_976] : memref<10x128xf32, #tpu.memory_space<vmem>> -> memref<1x128xf32, #tpu.memory_space<vmem>>
    %dma_wait3A_978 = tpu.memref_squeeze %dma_wait3A_977 : memref<1x128xf32, #tpu.memory_space<vmem>> -> memref<128xf32, #tpu.memory_space<vmem>>
    %dma_wait3A_979 = arith.constant 0 : i32
    %dma_wait3A_980 = tpu.memref_slice %arg5[%dma_wait3A_969, %dma_wait3A_979] : memref<10x128xi32, #tpu.memory_space<vmem>> -> memref<1x128xi32, #tpu.memory_space<vmem>>
    %dma_wait3A_981 = tpu.memref_squeeze %dma_wait3A_980 : memref<1x128xi32, #tpu.memory_space<vmem>> -> memref<128xi32, #tpu.memory_space<vmem>>
    %dma_wait3A_982 = arith.constant 0 : i32
    %dma_wait3A_983 = tpu.memref_slice %arg2[%dma_wait3A_968, %dma_wait3A_982] : memref<4x40000xf32, #tpu.memory_space<hbm>> -> memref<1x40000xf32, #tpu.memory_space<hbm>>
    %dma_wait3A_984 = tpu.memref_squeeze %dma_wait3A_983 : memref<1x40000xf32, #tpu.memory_space<hbm>> -> memref<40000xf32, #tpu.memory_space<hbm>>
    %dma_wait3A_985 = arith.constant 0 : i32
    %dma_wait3A_986 = tpu.memref_slice %dma_wait3A_984[%dma_wait3A_985] : memref<40000xf32, #tpu.memory_space<hbm>> -> memref<40000xf32, #tpu.memory_space<hbm>>
    tpu.wait_indirect_dma semaphore(%arg7 : memref<!tpu.dma_semaphore, #tpu.memory_space<semaphore_mem>>) src(%dma_wait3A_986 : memref<40000xf32, #tpu.memory_space<hbm>>) dst(%dma_wait3A_978 : memref<128xf32, #tpu.memory_space<vmem>>)
    %dma_wait3A_987 = arith.constant 1 : i32
    %dma_wait3A_988 = arith.constant 2 : i32
    %dma_wait3A_989 = arith.constant 1 : i32
    %dma_wait3A_990 = arith.constant 2 : i32
    %dma_wait3A_991 = arith.constant 0 : i32
    %dma_wait3A_992 = arith.constant 0 : i32
    %dma_wait3A_993 = tpu.memref_slice %arg6[%dma_wait3A_989, %dma_wait3A_991, %dma_wait3A_992] : memref<4x10x128xf32, #tpu.memory_space<vmem>> -> memref<1x10x128xf32, #tpu.memory_space<vmem>>
    %dma_wait3A_994 = tpu.memref_squeeze %dma_wait3A_993 : memref<1x10x128xf32, #tpu.memory_space<vmem>> -> memref<10x128xf32, #tpu.memory_space<vmem>>
    %dma_wait3A_995 = arith.constant 0 : i32
    %dma_wait3A_996 = tpu.memref_slice %dma_wait3A_994[%dma_wait3A_990, %dma_wait3A_995] : memref<10x128xf32, #tpu.memory_space<vmem>> -> memref<1x128xf32, #tpu.memory_space<vmem>>
    %dma_wait3A_997 = tpu.memref_squeeze %dma_wait3A_996 : memref<1x128xf32, #tpu.memory_space<vmem>> -> memref<128xf32, #tpu.memory_space<vmem>>
    %dma_wait3A_998 = arith.constant 0 : i32
    %dma_wait3A_999 = tpu.memref_slice %arg5[%dma_wait3A_988, %dma_wait3A_998] : memref<10x128xi32, #tpu.memory_space<vmem>> -> memref<1x128xi32, #tpu.memory_space<vmem>>
    %dma_wait3A_1000 = tpu.memref_squeeze %dma_wait3A_999 : memref<1x128xi32, #tpu.memory_space<vmem>> -> memref<128xi32, #tpu.memory_space<vmem>>
    %dma_wait3A_1001 = arith.constant 0 : i32
    %dma_wait3A_1002 = tpu.memref_slice %arg2[%dma_wait3A_987, %dma_wait3A_1001] : memref<4x40000xf32, #tpu.memory_space<hbm>> -> memref<1x40000xf32, #tpu.memory_space<hbm>>
    %dma_wait3A_1003 = tpu.memref_squeeze %dma_wait3A_1002 : memref<1x40000xf32, #tpu.memory_space<hbm>> -> memref<40000xf32, #tpu.memory_space<hbm>>
    %dma_wait3A_1004 = arith.constant 0 : i32
    %dma_wait3A_1005 = tpu.memref_slice %dma_wait3A_1003[%dma_wait3A_1004] : memref<40000xf32, #tpu.memory_space<hbm>> -> memref<40000xf32, #tpu.memory_space<hbm>>
    tpu.wait_indirect_dma semaphore(%arg7 : memref<!tpu.dma_semaphore, #tpu.memory_space<semaphore_mem>>) src(%dma_wait3A_1005 : memref<40000xf32, #tpu.memory_space<hbm>>) dst(%dma_wait3A_997 : memref<128xf32, #tpu.memory_space<vmem>>)
    %dma_wait3A_1006 = arith.constant 1 : i32
    %dma_wait3A_1007 = arith.constant 3 : i32
    %dma_wait3A_1008 = arith.constant 1 : i32
    %dma_wait3A_1009 = arith.constant 3 : i32
    %dma_wait3A_1010 = arith.constant 0 : i32
    %dma_wait3A_1011 = arith.constant 0 : i32
    %dma_wait3A_1012 = tpu.memref_slice %arg6[%dma_wait3A_1008, %dma_wait3A_1010, %dma_wait3A_1011] : memref<4x10x128xf32, #tpu.memory_space<vmem>> -> memref<1x10x128xf32, #tpu.memory_space<vmem>>
    %dma_wait3A_1013 = tpu.memref_squeeze %dma_wait3A_1012 : memref<1x10x128xf32, #tpu.memory_space<vmem>> -> memref<10x128xf32, #tpu.memory_space<vmem>>
    %dma_wait3A_1014 = arith.constant 0 : i32
    %dma_wait3A_1015 = tpu.memref_slice %dma_wait3A_1013[%dma_wait3A_1009, %dma_wait3A_1014] : memref<10x128xf32, #tpu.memory_space<vmem>> -> memref<1x128xf32, #tpu.memory_space<vmem>>
    %dma_wait3A_1016 = tpu.memref_squeeze %dma_wait3A_1015 : memref<1x128xf32, #tpu.memory_space<vmem>> -> memref<128xf32, #tpu.memory_space<vmem>>
    %dma_wait3A_1017 = arith.constant 0 : i32
    %dma_wait3A_1018 = tpu.memref_slice %arg5[%dma_wait3A_1007, %dma_wait3A_1017] : memref<10x128xi32, #tpu.memory_space<vmem>> -> memref<1x128xi32, #tpu.memory_space<vmem>>
    %dma_wait3A_1019 = tpu.memref_squeeze %dma_wait3A_1018 : memref<1x128xi32, #tpu.memory_space<vmem>> -> memref<128xi32, #tpu.memory_space<vmem>>
    %dma_wait3A_1020 = arith.constant 0 : i32
    %dma_wait3A_1021 = tpu.memref_slice %arg2[%dma_wait3A_1006, %dma_wait3A_1020] : memref<4x40000xf32, #tpu.memory_space<hbm>> -> memref<1x40000xf32, #tpu.memory_space<hbm>>
    %dma_wait3A_1022 = tpu.memref_squeeze %dma_wait3A_1021 : memref<1x40000xf32, #tpu.memory_space<hbm>> -> memref<40000xf32, #tpu.memory_space<hbm>>
    %dma_wait3A_1023 = arith.constant 0 : i32
    %dma_wait3A_1024 = tpu.memref_slice %dma_wait3A_1022[%dma_wait3A_1023] : memref<40000xf32, #tpu.memory_space<hbm>> -> memref<40000xf32, #tpu.memory_space<hbm>>
    tpu.wait_indirect_dma semaphore(%arg7 : memref<!tpu.dma_semaphore, #tpu.memory_space<semaphore_mem>>) src(%dma_wait3A_1024 : memref<40000xf32, #tpu.memory_space<hbm>>) dst(%dma_wait3A_1016 : memref<128xf32, #tpu.memory_space<vmem>>)
    %dma_wait3A_1025 = arith.constant 1 : i32
    %dma_wait3A_1026 = arith.constant 4 : i32
    %dma_wait3A_1027 = arith.constant 1 : i32
    %dma_wait3A_1028 = arith.constant 4 : i32
    %dma_wait3A_1029 = arith.constant 0 : i32
    %dma_wait3A_1030 = arith.constant 0 : i32
    %dma_wait3A_1031 = tpu.memref_slice %arg6[%dma_wait3A_1027, %dma_wait3A_1029, %dma_wait3A_1030] : memref<4x10x128xf32, #tpu.memory_space<vmem>> -> memref<1x10x128xf32, #tpu.memory_space<vmem>>
    %dma_wait3A_1032 = tpu.memref_squeeze %dma_wait3A_1031 : memref<1x10x128xf32, #tpu.memory_space<vmem>> -> memref<10x128xf32, #tpu.memory_space<vmem>>
    %dma_wait3A_1033 = arith.constant 0 : i32
    %dma_wait3A_1034 = tpu.memref_slice %dma_wait3A_1032[%dma_wait3A_1028, %dma_wait3A_1033] : memref<10x128xf32, #tpu.memory_space<vmem>> -> memref<1x128xf32, #tpu.memory_space<vmem>>
    %dma_wait3A_1035 = tpu.memref_squeeze %dma_wait3A_1034 : memref<1x128xf32, #tpu.memory_space<vmem>> -> memref<128xf32, #tpu.memory_space<vmem>>
    %dma_wait3A_1036 = arith.constant 0 : i32
    %dma_wait3A_1037 = tpu.memref_slice %arg5[%dma_wait3A_1026, %dma_wait3A_1036] : memref<10x128xi32, #tpu.memory_space<vmem>> -> memref<1x128xi32, #tpu.memory_space<vmem>>
    %dma_wait3A_1038 = tpu.memref_squeeze %dma_wait3A_1037 : memref<1x128xi32, #tpu.memory_space<vmem>> -> memref<128xi32, #tpu.memory_space<vmem>>
    %dma_wait3A_1039 = arith.constant 0 : i32
    %dma_wait3A_1040 = tpu.memref_slice %arg2[%dma_wait3A_1025, %dma_wait3A_1039] : memref<4x40000xf32, #tpu.memory_space<hbm>> -> memref<1x40000xf32, #tpu.memory_space<hbm>>
    %dma_wait3A_1041 = tpu.memref_squeeze %dma_wait3A_1040 : memref<1x40000xf32, #tpu.memory_space<hbm>> -> memref<40000xf32, #tpu.memory_space<hbm>>
    %dma_wait3A_1042 = arith.constant 0 : i32
    %dma_wait3A_1043 = tpu.memref_slice %dma_wait3A_1041[%dma_wait3A_1042] : memref<40000xf32, #tpu.memory_space<hbm>> -> memref<40000xf32, #tpu.memory_space<hbm>>
    tpu.wait_indirect_dma semaphore(%arg7 : memref<!tpu.dma_semaphore, #tpu.memory_space<semaphore_mem>>) src(%dma_wait3A_1043 : memref<40000xf32, #tpu.memory_space<hbm>>) dst(%dma_wait3A_1035 : memref<128xf32, #tpu.memory_space<vmem>>)
    %dma_wait3A_1044 = arith.constant 1 : i32
    %dma_wait3A_1045 = arith.constant 5 : i32
    %dma_wait3A_1046 = arith.constant 1 : i32
    %dma_wait3A_1047 = arith.constant 5 : i32
    %dma_wait3A_1048 = arith.constant 0 : i32
    %dma_wait3A_1049 = arith.constant 0 : i32
    %dma_wait3A_1050 = tpu.memref_slice %arg6[%dma_wait3A_1046, %dma_wait3A_1048, %dma_wait3A_1049] : memref<4x10x128xf32, #tpu.memory_space<vmem>> -> memref<1x10x128xf32, #tpu.memory_space<vmem>>
    %dma_wait3A_1051 = tpu.memref_squeeze %dma_wait3A_1050 : memref<1x10x128xf32, #tpu.memory_space<vmem>> -> memref<10x128xf32, #tpu.memory_space<vmem>>
    %dma_wait3A_1052 = arith.constant 0 : i32
    %dma_wait3A_1053 = tpu.memref_slice %dma_wait3A_1051[%dma_wait3A_1047, %dma_wait3A_1052] : memref<10x128xf32, #tpu.memory_space<vmem>> -> memref<1x128xf32, #tpu.memory_space<vmem>>
    %dma_wait3A_1054 = tpu.memref_squeeze %dma_wait3A_1053 : memref<1x128xf32, #tpu.memory_space<vmem>> -> memref<128xf32, #tpu.memory_space<vmem>>
    %dma_wait3A_1055 = arith.constant 0 : i32
    %dma_wait3A_1056 = tpu.memref_slice %arg5[%dma_wait3A_1045, %dma_wait3A_1055] : memref<10x128xi32, #tpu.memory_space<vmem>> -> memref<1x128xi32, #tpu.memory_space<vmem>>
    %dma_wait3A_1057 = tpu.memref_squeeze %dma_wait3A_1056 : memref<1x128xi32, #tpu.memory_space<vmem>> -> memref<128xi32, #tpu.memory_space<vmem>>
    %dma_wait3A_1058 = arith.constant 0 : i32
    %dma_wait3A_1059 = tpu.memref_slice %arg2[%dma_wait3A_1044, %dma_wait3A_1058] : memref<4x40000xf32, #tpu.memory_space<hbm>> -> memref<1x40000xf32, #tpu.memory_space<hbm>>
    %dma_wait3A_1060 = tpu.memref_squeeze %dma_wait3A_1059 : memref<1x40000xf32, #tpu.memory_space<hbm>> -> memref<40000xf32, #tpu.memory_space<hbm>>
    %dma_wait3A_1061 = arith.constant 0 : i32
    %dma_wait3A_1062 = tpu.memref_slice %dma_wait3A_1060[%dma_wait3A_1061] : memref<40000xf32, #tpu.memory_space<hbm>> -> memref<40000xf32, #tpu.memory_space<hbm>>
    tpu.wait_indirect_dma semaphore(%arg7 : memref<!tpu.dma_semaphore, #tpu.memory_space<semaphore_mem>>) src(%dma_wait3A_1062 : memref<40000xf32, #tpu.memory_space<hbm>>) dst(%dma_wait3A_1054 : memref<128xf32, #tpu.memory_space<vmem>>)
    %dma_wait3A_1063 = arith.constant 1 : i32
    %dma_wait3A_1064 = arith.constant 6 : i32
    %dma_wait3A_1065 = arith.constant 1 : i32
    %dma_wait3A_1066 = arith.constant 6 : i32
    %dma_wait3A_1067 = arith.constant 0 : i32
    %dma_wait3A_1068 = arith.constant 0 : i32
    %dma_wait3A_1069 = tpu.memref_slice %arg6[%dma_wait3A_1065, %dma_wait3A_1067, %dma_wait3A_1068] : memref<4x10x128xf32, #tpu.memory_space<vmem>> -> memref<1x10x128xf32, #tpu.memory_space<vmem>>
    %dma_wait3A_1070 = tpu.memref_squeeze %dma_wait3A_1069 : memref<1x10x128xf32, #tpu.memory_space<vmem>> -> memref<10x128xf32, #tpu.memory_space<vmem>>
    %dma_wait3A_1071 = arith.constant 0 : i32
    %dma_wait3A_1072 = tpu.memref_slice %dma_wait3A_1070[%dma_wait3A_1066, %dma_wait3A_1071] : memref<10x128xf32, #tpu.memory_space<vmem>> -> memref<1x128xf32, #tpu.memory_space<vmem>>
    %dma_wait3A_1073 = tpu.memref_squeeze %dma_wait3A_1072 : memref<1x128xf32, #tpu.memory_space<vmem>> -> memref<128xf32, #tpu.memory_space<vmem>>
    %dma_wait3A_1074 = arith.constant 0 : i32
    %dma_wait3A_1075 = tpu.memref_slice %arg5[%dma_wait3A_1064, %dma_wait3A_1074] : memref<10x128xi32, #tpu.memory_space<vmem>> -> memref<1x128xi32, #tpu.memory_space<vmem>>
    %dma_wait3A_1076 = tpu.memref_squeeze %dma_wait3A_1075 : memref<1x128xi32, #tpu.memory_space<vmem>> -> memref<128xi32, #tpu.memory_space<vmem>>
    %dma_wait3A_1077 = arith.constant 0 : i32
    %dma_wait3A_1078 = tpu.memref_slice %arg2[%dma_wait3A_1063, %dma_wait3A_1077] : memref<4x40000xf32, #tpu.memory_space<hbm>> -> memref<1x40000xf32, #tpu.memory_space<hbm>>
    %dma_wait3A_1079 = tpu.memref_squeeze %dma_wait3A_1078 : memref<1x40000xf32, #tpu.memory_space<hbm>> -> memref<40000xf32, #tpu.memory_space<hbm>>
    %dma_wait3A_1080 = arith.constant 0 : i32
    %dma_wait3A_1081 = tpu.memref_slice %dma_wait3A_1079[%dma_wait3A_1080] : memref<40000xf32, #tpu.memory_space<hbm>> -> memref<40000xf32, #tpu.memory_space<hbm>>
    tpu.wait_indirect_dma semaphore(%arg7 : memref<!tpu.dma_semaphore, #tpu.memory_space<semaphore_mem>>) src(%dma_wait3A_1081 : memref<40000xf32, #tpu.memory_space<hbm>>) dst(%dma_wait3A_1073 : memref<128xf32, #tpu.memory_space<vmem>>)
    %dma_wait3A_1082 = arith.constant 1 : i32
    %dma_wait3A_1083 = arith.constant 7 : i32
    %dma_wait3A_1084 = arith.constant 1 : i32
    %dma_wait3A_1085 = arith.constant 7 : i32
    %dma_wait3A_1086 = arith.constant 0 : i32
    %dma_wait3A_1087 = arith.constant 0 : i32
    %dma_wait3A_1088 = tpu.memref_slice %arg6[%dma_wait3A_1084, %dma_wait3A_1086, %dma_wait3A_1087] : memref<4x10x128xf32, #tpu.memory_space<vmem>> -> memref<1x10x128xf32, #tpu.memory_space<vmem>>
    %dma_wait3A_1089 = tpu.memref_squeeze %dma_wait3A_1088 : memref<1x10x128xf32, #tpu.memory_space<vmem>> -> memref<10x128xf32, #tpu.memory_space<vmem>>
    %dma_wait3A_1090 = arith.constant 0 : i32
    %dma_wait3A_1091 = tpu.memref_slice %dma_wait3A_1089[%dma_wait3A_1085, %dma_wait3A_1090] : memref<10x128xf32, #tpu.memory_space<vmem>> -> memref<1x128xf32, #tpu.memory_space<vmem>>
    %dma_wait3A_1092 = tpu.memref_squeeze %dma_wait3A_1091 : memref<1x128xf32, #tpu.memory_space<vmem>> -> memref<128xf32, #tpu.memory_space<vmem>>
    %dma_wait3A_1093 = arith.constant 0 : i32
    %dma_wait3A_1094 = tpu.memref_slice %arg5[%dma_wait3A_1083, %dma_wait3A_1093] : memref<10x128xi32, #tpu.memory_space<vmem>> -> memref<1x128xi32, #tpu.memory_space<vmem>>
    %dma_wait3A_1095 = tpu.memref_squeeze %dma_wait3A_1094 : memref<1x128xi32, #tpu.memory_space<vmem>> -> memref<128xi32, #tpu.memory_space<vmem>>
    %dma_wait3A_1096 = arith.constant 0 : i32
    %dma_wait3A_1097 = tpu.memref_slice %arg2[%dma_wait3A_1082, %dma_wait3A_1096] : memref<4x40000xf32, #tpu.memory_space<hbm>> -> memref<1x40000xf32, #tpu.memory_space<hbm>>
    %dma_wait3A_1098 = tpu.memref_squeeze %dma_wait3A_1097 : memref<1x40000xf32, #tpu.memory_space<hbm>> -> memref<40000xf32, #tpu.memory_space<hbm>>
    %dma_wait3A_1099 = arith.constant 0 : i32
    %dma_wait3A_1100 = tpu.memref_slice %dma_wait3A_1098[%dma_wait3A_1099] : memref<40000xf32, #tpu.memory_space<hbm>> -> memref<40000xf32, #tpu.memory_space<hbm>>
    tpu.wait_indirect_dma semaphore(%arg7 : memref<!tpu.dma_semaphore, #tpu.memory_space<semaphore_mem>>) src(%dma_wait3A_1100 : memref<40000xf32, #tpu.memory_space<hbm>>) dst(%dma_wait3A_1092 : memref<128xf32, #tpu.memory_space<vmem>>)
    %dma_wait3A_1101 = arith.constant 1 : i32
    %dma_wait3A_1102 = arith.constant 8 : i32
    %dma_wait3A_1103 = arith.constant 1 : i32
    %dma_wait3A_1104 = arith.constant 8 : i32
    %dma_wait3A_1105 = arith.constant 0 : i32
    %dma_wait3A_1106 = arith.constant 0 : i32
    %dma_wait3A_1107 = tpu.memref_slice %arg6[%dma_wait3A_1103, %dma_wait3A_1105, %dma_wait3A_1106] : memref<4x10x128xf32, #tpu.memory_space<vmem>> -> memref<1x10x128xf32, #tpu.memory_space<vmem>>
    %dma_wait3A_1108 = tpu.memref_squeeze %dma_wait3A_1107 : memref<1x10x128xf32, #tpu.memory_space<vmem>> -> memref<10x128xf32, #tpu.memory_space<vmem>>
    %dma_wait3A_1109 = arith.constant 0 : i32
    %dma_wait3A_1110 = tpu.memref_slice %dma_wait3A_1108[%dma_wait3A_1104, %dma_wait3A_1109] : memref<10x128xf32, #tpu.memory_space<vmem>> -> memref<1x128xf32, #tpu.memory_space<vmem>>
    %dma_wait3A_1111 = tpu.memref_squeeze %dma_wait3A_1110 : memref<1x128xf32, #tpu.memory_space<vmem>> -> memref<128xf32, #tpu.memory_space<vmem>>
    %dma_wait3A_1112 = arith.constant 0 : i32
    %dma_wait3A_1113 = tpu.memref_slice %arg5[%dma_wait3A_1102, %dma_wait3A_1112] : memref<10x128xi32, #tpu.memory_space<vmem>> -> memref<1x128xi32, #tpu.memory_space<vmem>>
    %dma_wait3A_1114 = tpu.memref_squeeze %dma_wait3A_1113 : memref<1x128xi32, #tpu.memory_space<vmem>> -> memref<128xi32, #tpu.memory_space<vmem>>
    %dma_wait3A_1115 = arith.constant 0 : i32
    %dma_wait3A_1116 = tpu.memref_slice %arg2[%dma_wait3A_1101, %dma_wait3A_1115] : memref<4x40000xf32, #tpu.memory_space<hbm>> -> memref<1x40000xf32, #tpu.memory_space<hbm>>
    %dma_wait3A_1117 = tpu.memref_squeeze %dma_wait3A_1116 : memref<1x40000xf32, #tpu.memory_space<hbm>> -> memref<40000xf32, #tpu.memory_space<hbm>>
    %dma_wait3A_1118 = arith.constant 0 : i32
    %dma_wait3A_1119 = tpu.memref_slice %dma_wait3A_1117[%dma_wait3A_1118] : memref<40000xf32, #tpu.memory_space<hbm>> -> memref<40000xf32, #tpu.memory_space<hbm>>
    tpu.wait_indirect_dma semaphore(%arg7 : memref<!tpu.dma_semaphore, #tpu.memory_space<semaphore_mem>>) src(%dma_wait3A_1119 : memref<40000xf32, #tpu.memory_space<hbm>>) dst(%dma_wait3A_1111 : memref<128xf32, #tpu.memory_space<vmem>>)
    %dma_wait3A_1120 = arith.constant 1 : i32
    %dma_wait3A_1121 = arith.constant 9 : i32
    %dma_wait3A_1122 = arith.constant 1 : i32
    %dma_wait3A_1123 = arith.constant 9 : i32
    %dma_wait3A_1124 = arith.constant 0 : i32
    %dma_wait3A_1125 = arith.constant 0 : i32
    %dma_wait3A_1126 = tpu.memref_slice %arg6[%dma_wait3A_1122, %dma_wait3A_1124, %dma_wait3A_1125] : memref<4x10x128xf32, #tpu.memory_space<vmem>> -> memref<1x10x128xf32, #tpu.memory_space<vmem>>
    %dma_wait3A_1127 = tpu.memref_squeeze %dma_wait3A_1126 : memref<1x10x128xf32, #tpu.memory_space<vmem>> -> memref<10x128xf32, #tpu.memory_space<vmem>>
    %dma_wait3A_1128 = arith.constant 0 : i32
    %dma_wait3A_1129 = tpu.memref_slice %dma_wait3A_1127[%dma_wait3A_1123, %dma_wait3A_1128] : memref<10x128xf32, #tpu.memory_space<vmem>> -> memref<1x128xf32, #tpu.memory_space<vmem>>
    %dma_wait3A_1130 = tpu.memref_squeeze %dma_wait3A_1129 : memref<1x128xf32, #tpu.memory_space<vmem>> -> memref<128xf32, #tpu.memory_space<vmem>>
    %dma_wait3A_1131 = arith.constant 0 : i32
    %dma_wait3A_1132 = tpu.memref_slice %arg5[%dma_wait3A_1121, %dma_wait3A_1131] : memref<10x128xi32, #tpu.memory_space<vmem>> -> memref<1x128xi32, #tpu.memory_space<vmem>>
    %dma_wait3A_1133 = tpu.memref_squeeze %dma_wait3A_1132 : memref<1x128xi32, #tpu.memory_space<vmem>> -> memref<128xi32, #tpu.memory_space<vmem>>
    %dma_wait3A_1134 = arith.constant 0 : i32
    %dma_wait3A_1135 = tpu.memref_slice %arg2[%dma_wait3A_1120, %dma_wait3A_1134] : memref<4x40000xf32, #tpu.memory_space<hbm>> -> memref<1x40000xf32, #tpu.memory_space<hbm>>
    %dma_wait3A_1136 = tpu.memref_squeeze %dma_wait3A_1135 : memref<1x40000xf32, #tpu.memory_space<hbm>> -> memref<40000xf32, #tpu.memory_space<hbm>>
    %dma_wait3A_1137 = arith.constant 0 : i32
    %dma_wait3A_1138 = tpu.memref_slice %dma_wait3A_1136[%dma_wait3A_1137] : memref<40000xf32, #tpu.memory_space<hbm>> -> memref<40000xf32, #tpu.memory_space<hbm>>
    tpu.wait_indirect_dma semaphore(%arg7 : memref<!tpu.dma_semaphore, #tpu.memory_space<semaphore_mem>>) src(%dma_wait3A_1138 : memref<40000xf32, #tpu.memory_space<hbm>>) dst(%dma_wait3A_1130 : memref<128xf32, #tpu.memory_space<vmem>>)
    %dma_wait3A_1139 = arith.constant 2 : i32
    %dma_wait3A_1140 = arith.constant 0 : i32
    %dma_wait3A_1141 = arith.constant 2 : i32
    %dma_wait3A_1142 = arith.constant 0 : i32
    %dma_wait3A_1143 = arith.constant 0 : i32
    %dma_wait3A_1144 = arith.constant 0 : i32
    %dma_wait3A_1145 = tpu.memref_slice %arg6[%dma_wait3A_1141, %dma_wait3A_1143, %dma_wait3A_1144] : memref<4x10x128xf32, #tpu.memory_space<vmem>> -> memref<1x10x128xf32, #tpu.memory_space<vmem>>
    %dma_wait3A_1146 = tpu.memref_squeeze %dma_wait3A_1145 : memref<1x10x128xf32, #tpu.memory_space<vmem>> -> memref<10x128xf32, #tpu.memory_space<vmem>>
    %dma_wait3A_1147 = arith.constant 0 : i32
    %dma_wait3A_1148 = tpu.memref_slice %dma_wait3A_1146[%dma_wait3A_1142, %dma_wait3A_1147] : memref<10x128xf32, #tpu.memory_space<vmem>> -> memref<1x128xf32, #tpu.memory_space<vmem>>
    %dma_wait3A_1149 = tpu.memref_squeeze %dma_wait3A_1148 : memref<1x128xf32, #tpu.memory_space<vmem>> -> memref<128xf32, #tpu.memory_space<vmem>>
    %dma_wait3A_1150 = arith.constant 0 : i32
    %dma_wait3A_1151 = tpu.memref_slice %arg5[%dma_wait3A_1140, %dma_wait3A_1150] : memref<10x128xi32, #tpu.memory_space<vmem>> -> memref<1x128xi32, #tpu.memory_space<vmem>>
    %dma_wait3A_1152 = tpu.memref_squeeze %dma_wait3A_1151 : memref<1x128xi32, #tpu.memory_space<vmem>> -> memref<128xi32, #tpu.memory_space<vmem>>
    %dma_wait3A_1153 = arith.constant 0 : i32
    %dma_wait3A_1154 = tpu.memref_slice %arg2[%dma_wait3A_1139, %dma_wait3A_1153] : memref<4x40000xf32, #tpu.memory_space<hbm>> -> memref<1x40000xf32, #tpu.memory_space<hbm>>
    %dma_wait3A_1155 = tpu.memref_squeeze %dma_wait3A_1154 : memref<1x40000xf32, #tpu.memory_space<hbm>> -> memref<40000xf32, #tpu.memory_space<hbm>>
    %dma_wait3A_1156 = arith.constant 0 : i32
    %dma_wait3A_1157 = tpu.memref_slice %dma_wait3A_1155[%dma_wait3A_1156] : memref<40000xf32, #tpu.memory_space<hbm>> -> memref<40000xf32, #tpu.memory_space<hbm>>
    tpu.wait_indirect_dma semaphore(%arg7 : memref<!tpu.dma_semaphore, #tpu.memory_space<semaphore_mem>>) src(%dma_wait3A_1157 : memref<40000xf32, #tpu.memory_space<hbm>>) dst(%dma_wait3A_1149 : memref<128xf32, #tpu.memory_space<vmem>>)
    %dma_wait3A_1158 = arith.constant 2 : i32
    %dma_wait3A_1159 = arith.constant 1 : i32
    %dma_wait3A_1160 = arith.constant 2 : i32
    %dma_wait3A_1161 = arith.constant 1 : i32
    %dma_wait3A_1162 = arith.constant 0 : i32
    %dma_wait3A_1163 = arith.constant 0 : i32
    %dma_wait3A_1164 = tpu.memref_slice %arg6[%dma_wait3A_1160, %dma_wait3A_1162, %dma_wait3A_1163] : memref<4x10x128xf32, #tpu.memory_space<vmem>> -> memref<1x10x128xf32, #tpu.memory_space<vmem>>
    %dma_wait3A_1165 = tpu.memref_squeeze %dma_wait3A_1164 : memref<1x10x128xf32, #tpu.memory_space<vmem>> -> memref<10x128xf32, #tpu.memory_space<vmem>>
    %dma_wait3A_1166 = arith.constant 0 : i32
    %dma_wait3A_1167 = tpu.memref_slice %dma_wait3A_1165[%dma_wait3A_1161, %dma_wait3A_1166] : memref<10x128xf32, #tpu.memory_space<vmem>> -> memref<1x128xf32, #tpu.memory_space<vmem>>
    %dma_wait3A_1168 = tpu.memref_squeeze %dma_wait3A_1167 : memref<1x128xf32, #tpu.memory_space<vmem>> -> memref<128xf32, #tpu.memory_space<vmem>>
    %dma_wait3A_1169 = arith.constant 0 : i32
    %dma_wait3A_1170 = tpu.memref_slice %arg5[%dma_wait3A_1159, %dma_wait3A_1169] : memref<10x128xi32, #tpu.memory_space<vmem>> -> memref<1x128xi32, #tpu.memory_space<vmem>>
    %dma_wait3A_1171 = tpu.memref_squeeze %dma_wait3A_1170 : memref<1x128xi32, #tpu.memory_space<vmem>> -> memref<128xi32, #tpu.memory_space<vmem>>
    %dma_wait3A_1172 = arith.constant 0 : i32
    %dma_wait3A_1173 = tpu.memref_slice %arg2[%dma_wait3A_1158, %dma_wait3A_1172] : memref<4x40000xf32, #tpu.memory_space<hbm>> -> memref<1x40000xf32, #tpu.memory_space<hbm>>
    %dma_wait3A_1174 = tpu.memref_squeeze %dma_wait3A_1173 : memref<1x40000xf32, #tpu.memory_space<hbm>> -> memref<40000xf32, #tpu.memory_space<hbm>>
    %dma_wait3A_1175 = arith.constant 0 : i32
    %dma_wait3A_1176 = tpu.memref_slice %dma_wait3A_1174[%dma_wait3A_1175] : memref<40000xf32, #tpu.memory_space<hbm>> -> memref<40000xf32, #tpu.memory_space<hbm>>
    tpu.wait_indirect_dma semaphore(%arg7 : memref<!tpu.dma_semaphore, #tpu.memory_space<semaphore_mem>>) src(%dma_wait3A_1176 : memref<40000xf32, #tpu.memory_space<hbm>>) dst(%dma_wait3A_1168 : memref<128xf32, #tpu.memory_space<vmem>>)
    %dma_wait3A_1177 = arith.constant 2 : i32
    %dma_wait3A_1178 = arith.constant 2 : i32
    %dma_wait3A_1179 = arith.constant 2 : i32
    %dma_wait3A_1180 = arith.constant 2 : i32
    %dma_wait3A_1181 = arith.constant 0 : i32
    %dma_wait3A_1182 = arith.constant 0 : i32
    %dma_wait3A_1183 = tpu.memref_slice %arg6[%dma_wait3A_1179, %dma_wait3A_1181, %dma_wait3A_1182] : memref<4x10x128xf32, #tpu.memory_space<vmem>> -> memref<1x10x128xf32, #tpu.memory_space<vmem>>
    %dma_wait3A_1184 = tpu.memref_squeeze %dma_wait3A_1183 : memref<1x10x128xf32, #tpu.memory_space<vmem>> -> memref<10x128xf32, #tpu.memory_space<vmem>>
    %dma_wait3A_1185 = arith.constant 0 : i32
    %dma_wait3A_1186 = tpu.memref_slice %dma_wait3A_1184[%dma_wait3A_1180, %dma_wait3A_1185] : memref<10x128xf32, #tpu.memory_space<vmem>> -> memref<1x128xf32, #tpu.memory_space<vmem>>
    %dma_wait3A_1187 = tpu.memref_squeeze %dma_wait3A_1186 : memref<1x128xf32, #tpu.memory_space<vmem>> -> memref<128xf32, #tpu.memory_space<vmem>>
    %dma_wait3A_1188 = arith.constant 0 : i32
    %dma_wait3A_1189 = tpu.memref_slice %arg5[%dma_wait3A_1178, %dma_wait3A_1188] : memref<10x128xi32, #tpu.memory_space<vmem>> -> memref<1x128xi32, #tpu.memory_space<vmem>>
    %dma_wait3A_1190 = tpu.memref_squeeze %dma_wait3A_1189 : memref<1x128xi32, #tpu.memory_space<vmem>> -> memref<128xi32, #tpu.memory_space<vmem>>
    %dma_wait3A_1191 = arith.constant 0 : i32
    %dma_wait3A_1192 = tpu.memref_slice %arg2[%dma_wait3A_1177, %dma_wait3A_1191] : memref<4x40000xf32, #tpu.memory_space<hbm>> -> memref<1x40000xf32, #tpu.memory_space<hbm>>
    %dma_wait3A_1193 = tpu.memref_squeeze %dma_wait3A_1192 : memref<1x40000xf32, #tpu.memory_space<hbm>> -> memref<40000xf32, #tpu.memory_space<hbm>>
    %dma_wait3A_1194 = arith.constant 0 : i32
    %dma_wait3A_1195 = tpu.memref_slice %dma_wait3A_1193[%dma_wait3A_1194] : memref<40000xf32, #tpu.memory_space<hbm>> -> memref<40000xf32, #tpu.memory_space<hbm>>
    tpu.wait_indirect_dma semaphore(%arg7 : memref<!tpu.dma_semaphore, #tpu.memory_space<semaphore_mem>>) src(%dma_wait3A_1195 : memref<40000xf32, #tpu.memory_space<hbm>>) dst(%dma_wait3A_1187 : memref<128xf32, #tpu.memory_space<vmem>>)
    %dma_wait3A_1196 = arith.constant 2 : i32
    %dma_wait3A_1197 = arith.constant 3 : i32
    %dma_wait3A_1198 = arith.constant 2 : i32
    %dma_wait3A_1199 = arith.constant 3 : i32
    %dma_wait3A_1200 = arith.constant 0 : i32
    %dma_wait3A_1201 = arith.constant 0 : i32
    %dma_wait3A_1202 = tpu.memref_slice %arg6[%dma_wait3A_1198, %dma_wait3A_1200, %dma_wait3A_1201] : memref<4x10x128xf32, #tpu.memory_space<vmem>> -> memref<1x10x128xf32, #tpu.memory_space<vmem>>
    %dma_wait3A_1203 = tpu.memref_squeeze %dma_wait3A_1202 : memref<1x10x128xf32, #tpu.memory_space<vmem>> -> memref<10x128xf32, #tpu.memory_space<vmem>>
    %dma_wait3A_1204 = arith.constant 0 : i32
    %dma_wait3A_1205 = tpu.memref_slice %dma_wait3A_1203[%dma_wait3A_1199, %dma_wait3A_1204] : memref<10x128xf32, #tpu.memory_space<vmem>> -> memref<1x128xf32, #tpu.memory_space<vmem>>
    %dma_wait3A_1206 = tpu.memref_squeeze %dma_wait3A_1205 : memref<1x128xf32, #tpu.memory_space<vmem>> -> memref<128xf32, #tpu.memory_space<vmem>>
    %dma_wait3A_1207 = arith.constant 0 : i32
    %dma_wait3A_1208 = tpu.memref_slice %arg5[%dma_wait3A_1197, %dma_wait3A_1207] : memref<10x128xi32, #tpu.memory_space<vmem>> -> memref<1x128xi32, #tpu.memory_space<vmem>>
    %dma_wait3A_1209 = tpu.memref_squeeze %dma_wait3A_1208 : memref<1x128xi32, #tpu.memory_space<vmem>> -> memref<128xi32, #tpu.memory_space<vmem>>
    %dma_wait3A_1210 = arith.constant 0 : i32
    %dma_wait3A_1211 = tpu.memref_slice %arg2[%dma_wait3A_1196, %dma_wait3A_1210] : memref<4x40000xf32, #tpu.memory_space<hbm>> -> memref<1x40000xf32, #tpu.memory_space<hbm>>
    %dma_wait3A_1212 = tpu.memref_squeeze %dma_wait3A_1211 : memref<1x40000xf32, #tpu.memory_space<hbm>> -> memref<40000xf32, #tpu.memory_space<hbm>>
    %dma_wait3A_1213 = arith.constant 0 : i32
    %dma_wait3A_1214 = tpu.memref_slice %dma_wait3A_1212[%dma_wait3A_1213] : memref<40000xf32, #tpu.memory_space<hbm>> -> memref<40000xf32, #tpu.memory_space<hbm>>
    tpu.wait_indirect_dma semaphore(%arg7 : memref<!tpu.dma_semaphore, #tpu.memory_space<semaphore_mem>>) src(%dma_wait3A_1214 : memref<40000xf32, #tpu.memory_space<hbm>>) dst(%dma_wait3A_1206 : memref<128xf32, #tpu.memory_space<vmem>>)
    %dma_wait3A_1215 = arith.constant 2 : i32
    %dma_wait3A_1216 = arith.constant 4 : i32
    %dma_wait3A_1217 = arith.constant 2 : i32
    %dma_wait3A_1218 = arith.constant 4 : i32
    %dma_wait3A_1219 = arith.constant 0 : i32
    %dma_wait3A_1220 = arith.constant 0 : i32
    %dma_wait3A_1221 = tpu.memref_slice %arg6[%dma_wait3A_1217, %dma_wait3A_1219, %dma_wait3A_1220] : memref<4x10x128xf32, #tpu.memory_space<vmem>> -> memref<1x10x128xf32, #tpu.memory_space<vmem>>
    %dma_wait3A_1222 = tpu.memref_squeeze %dma_wait3A_1221 : memref<1x10x128xf32, #tpu.memory_space<vmem>> -> memref<10x128xf32, #tpu.memory_space<vmem>>
    %dma_wait3A_1223 = arith.constant 0 : i32
    %dma_wait3A_1224 = tpu.memref_slice %dma_wait3A_1222[%dma_wait3A_1218, %dma_wait3A_1223] : memref<10x128xf32, #tpu.memory_space<vmem>> -> memref<1x128xf32, #tpu.memory_space<vmem>>
    %dma_wait3A_1225 = tpu.memref_squeeze %dma_wait3A_1224 : memref<1x128xf32, #tpu.memory_space<vmem>> -> memref<128xf32, #tpu.memory_space<vmem>>
    %dma_wait3A_1226 = arith.constant 0 : i32
    %dma_wait3A_1227 = tpu.memref_slice %arg5[%dma_wait3A_1216, %dma_wait3A_1226] : memref<10x128xi32, #tpu.memory_space<vmem>> -> memref<1x128xi32, #tpu.memory_space<vmem>>
    %dma_wait3A_1228 = tpu.memref_squeeze %dma_wait3A_1227 : memref<1x128xi32, #tpu.memory_space<vmem>> -> memref<128xi32, #tpu.memory_space<vmem>>
    %dma_wait3A_1229 = arith.constant 0 : i32
    %dma_wait3A_1230 = tpu.memref_slice %arg2[%dma_wait3A_1215, %dma_wait3A_1229] : memref<4x40000xf32, #tpu.memory_space<hbm>> -> memref<1x40000xf32, #tpu.memory_space<hbm>>
    %dma_wait3A_1231 = tpu.memref_squeeze %dma_wait3A_1230 : memref<1x40000xf32, #tpu.memory_space<hbm>> -> memref<40000xf32, #tpu.memory_space<hbm>>
    %dma_wait3A_1232 = arith.constant 0 : i32
    %dma_wait3A_1233 = tpu.memref_slice %dma_wait3A_1231[%dma_wait3A_1232] : memref<40000xf32, #tpu.memory_space<hbm>> -> memref<40000xf32, #tpu.memory_space<hbm>>
    tpu.wait_indirect_dma semaphore(%arg7 : memref<!tpu.dma_semaphore, #tpu.memory_space<semaphore_mem>>) src(%dma_wait3A_1233 : memref<40000xf32, #tpu.memory_space<hbm>>) dst(%dma_wait3A_1225 : memref<128xf32, #tpu.memory_space<vmem>>)
    %dma_wait3A_1234 = arith.constant 2 : i32
    %dma_wait3A_1235 = arith.constant 5 : i32
    %dma_wait3A_1236 = arith.constant 2 : i32
    %dma_wait3A_1237 = arith.constant 5 : i32
    %dma_wait3A_1238 = arith.constant 0 : i32
    %dma_wait3A_1239 = arith.constant 0 : i32
    %dma_wait3A_1240 = tpu.memref_slice %arg6[%dma_wait3A_1236, %dma_wait3A_1238, %dma_wait3A_1239] : memref<4x10x128xf32, #tpu.memory_space<vmem>> -> memref<1x10x128xf32, #tpu.memory_space<vmem>>
    %dma_wait3A_1241 = tpu.memref_squeeze %dma_wait3A_1240 : memref<1x10x128xf32, #tpu.memory_space<vmem>> -> memref<10x128xf32, #tpu.memory_space<vmem>>
    %dma_wait3A_1242 = arith.constant 0 : i32
    %dma_wait3A_1243 = tpu.memref_slice %dma_wait3A_1241[%dma_wait3A_1237, %dma_wait3A_1242] : memref<10x128xf32, #tpu.memory_space<vmem>> -> memref<1x128xf32, #tpu.memory_space<vmem>>
    %dma_wait3A_1244 = tpu.memref_squeeze %dma_wait3A_1243 : memref<1x128xf32, #tpu.memory_space<vmem>> -> memref<128xf32, #tpu.memory_space<vmem>>
    %dma_wait3A_1245 = arith.constant 0 : i32
    %dma_wait3A_1246 = tpu.memref_slice %arg5[%dma_wait3A_1235, %dma_wait3A_1245] : memref<10x128xi32, #tpu.memory_space<vmem>> -> memref<1x128xi32, #tpu.memory_space<vmem>>
    %dma_wait3A_1247 = tpu.memref_squeeze %dma_wait3A_1246 : memref<1x128xi32, #tpu.memory_space<vmem>> -> memref<128xi32, #tpu.memory_space<vmem>>
    %dma_wait3A_1248 = arith.constant 0 : i32
    %dma_wait3A_1249 = tpu.memref_slice %arg2[%dma_wait3A_1234, %dma_wait3A_1248] : memref<4x40000xf32, #tpu.memory_space<hbm>> -> memref<1x40000xf32, #tpu.memory_space<hbm>>
    %dma_wait3A_1250 = tpu.memref_squeeze %dma_wait3A_1249 : memref<1x40000xf32, #tpu.memory_space<hbm>> -> memref<40000xf32, #tpu.memory_space<hbm>>
    %dma_wait3A_1251 = arith.constant 0 : i32
    %dma_wait3A_1252 = tpu.memref_slice %dma_wait3A_1250[%dma_wait3A_1251] : memref<40000xf32, #tpu.memory_space<hbm>> -> memref<40000xf32, #tpu.memory_space<hbm>>
    tpu.wait_indirect_dma semaphore(%arg7 : memref<!tpu.dma_semaphore, #tpu.memory_space<semaphore_mem>>) src(%dma_wait3A_1252 : memref<40000xf32, #tpu.memory_space<hbm>>) dst(%dma_wait3A_1244 : memref<128xf32, #tpu.memory_space<vmem>>)
    %dma_wait3A_1253 = arith.constant 2 : i32
    %dma_wait3A_1254 = arith.constant 6 : i32
    %dma_wait3A_1255 = arith.constant 2 : i32
    %dma_wait3A_1256 = arith.constant 6 : i32
    %dma_wait3A_1257 = arith.constant 0 : i32
    %dma_wait3A_1258 = arith.constant 0 : i32
    %dma_wait3A_1259 = tpu.memref_slice %arg6[%dma_wait3A_1255, %dma_wait3A_1257, %dma_wait3A_1258] : memref<4x10x128xf32, #tpu.memory_space<vmem>> -> memref<1x10x128xf32, #tpu.memory_space<vmem>>
    %dma_wait3A_1260 = tpu.memref_squeeze %dma_wait3A_1259 : memref<1x10x128xf32, #tpu.memory_space<vmem>> -> memref<10x128xf32, #tpu.memory_space<vmem>>
    %dma_wait3A_1261 = arith.constant 0 : i32
    %dma_wait3A_1262 = tpu.memref_slice %dma_wait3A_1260[%dma_wait3A_1256, %dma_wait3A_1261] : memref<10x128xf32, #tpu.memory_space<vmem>> -> memref<1x128xf32, #tpu.memory_space<vmem>>
    %dma_wait3A_1263 = tpu.memref_squeeze %dma_wait3A_1262 : memref<1x128xf32, #tpu.memory_space<vmem>> -> memref<128xf32, #tpu.memory_space<vmem>>
    %dma_wait3A_1264 = arith.constant 0 : i32
    %dma_wait3A_1265 = tpu.memref_slice %arg5[%dma_wait3A_1254, %dma_wait3A_1264] : memref<10x128xi32, #tpu.memory_space<vmem>> -> memref<1x128xi32, #tpu.memory_space<vmem>>
    %dma_wait3A_1266 = tpu.memref_squeeze %dma_wait3A_1265 : memref<1x128xi32, #tpu.memory_space<vmem>> -> memref<128xi32, #tpu.memory_space<vmem>>
    %dma_wait3A_1267 = arith.constant 0 : i32
    %dma_wait3A_1268 = tpu.memref_slice %arg2[%dma_wait3A_1253, %dma_wait3A_1267] : memref<4x40000xf32, #tpu.memory_space<hbm>> -> memref<1x40000xf32, #tpu.memory_space<hbm>>
    %dma_wait3A_1269 = tpu.memref_squeeze %dma_wait3A_1268 : memref<1x40000xf32, #tpu.memory_space<hbm>> -> memref<40000xf32, #tpu.memory_space<hbm>>
    %dma_wait3A_1270 = arith.constant 0 : i32
    %dma_wait3A_1271 = tpu.memref_slice %dma_wait3A_1269[%dma_wait3A_1270] : memref<40000xf32, #tpu.memory_space<hbm>> -> memref<40000xf32, #tpu.memory_space<hbm>>
    tpu.wait_indirect_dma semaphore(%arg7 : memref<!tpu.dma_semaphore, #tpu.memory_space<semaphore_mem>>) src(%dma_wait3A_1271 : memref<40000xf32, #tpu.memory_space<hbm>>) dst(%dma_wait3A_1263 : memref<128xf32, #tpu.memory_space<vmem>>)
    %dma_wait3A_1272 = arith.constant 2 : i32
    %dma_wait3A_1273 = arith.constant 7 : i32
    %dma_wait3A_1274 = arith.constant 2 : i32
    %dma_wait3A_1275 = arith.constant 7 : i32
    %dma_wait3A_1276 = arith.constant 0 : i32
    %dma_wait3A_1277 = arith.constant 0 : i32
    %dma_wait3A_1278 = tpu.memref_slice %arg6[%dma_wait3A_1274, %dma_wait3A_1276, %dma_wait3A_1277] : memref<4x10x128xf32, #tpu.memory_space<vmem>> -> memref<1x10x128xf32, #tpu.memory_space<vmem>>
    %dma_wait3A_1279 = tpu.memref_squeeze %dma_wait3A_1278 : memref<1x10x128xf32, #tpu.memory_space<vmem>> -> memref<10x128xf32, #tpu.memory_space<vmem>>
    %dma_wait3A_1280 = arith.constant 0 : i32
    %dma_wait3A_1281 = tpu.memref_slice %dma_wait3A_1279[%dma_wait3A_1275, %dma_wait3A_1280] : memref<10x128xf32, #tpu.memory_space<vmem>> -> memref<1x128xf32, #tpu.memory_space<vmem>>
    %dma_wait3A_1282 = tpu.memref_squeeze %dma_wait3A_1281 : memref<1x128xf32, #tpu.memory_space<vmem>> -> memref<128xf32, #tpu.memory_space<vmem>>
    %dma_wait3A_1283 = arith.constant 0 : i32
    %dma_wait3A_1284 = tpu.memref_slice %arg5[%dma_wait3A_1273, %dma_wait3A_1283] : memref<10x128xi32, #tpu.memory_space<vmem>> -> memref<1x128xi32, #tpu.memory_space<vmem>>
    %dma_wait3A_1285 = tpu.memref_squeeze %dma_wait3A_1284 : memref<1x128xi32, #tpu.memory_space<vmem>> -> memref<128xi32, #tpu.memory_space<vmem>>
    %dma_wait3A_1286 = arith.constant 0 : i32
    %dma_wait3A_1287 = tpu.memref_slice %arg2[%dma_wait3A_1272, %dma_wait3A_1286] : memref<4x40000xf32, #tpu.memory_space<hbm>> -> memref<1x40000xf32, #tpu.memory_space<hbm>>
    %dma_wait3A_1288 = tpu.memref_squeeze %dma_wait3A_1287 : memref<1x40000xf32, #tpu.memory_space<hbm>> -> memref<40000xf32, #tpu.memory_space<hbm>>
    %dma_wait3A_1289 = arith.constant 0 : i32
    %dma_wait3A_1290 = tpu.memref_slice %dma_wait3A_1288[%dma_wait3A_1289] : memref<40000xf32, #tpu.memory_space<hbm>> -> memref<40000xf32, #tpu.memory_space<hbm>>
    tpu.wait_indirect_dma semaphore(%arg7 : memref<!tpu.dma_semaphore, #tpu.memory_space<semaphore_mem>>) src(%dma_wait3A_1290 : memref<40000xf32, #tpu.memory_space<hbm>>) dst(%dma_wait3A_1282 : memref<128xf32, #tpu.memory_space<vmem>>)
    %dma_wait3A_1291 = arith.constant 2 : i32
    %dma_wait3A_1292 = arith.constant 8 : i32
    %dma_wait3A_1293 = arith.constant 2 : i32
    %dma_wait3A_1294 = arith.constant 8 : i32
    %dma_wait3A_1295 = arith.constant 0 : i32
    %dma_wait3A_1296 = arith.constant 0 : i32
    %dma_wait3A_1297 = tpu.memref_slice %arg6[%dma_wait3A_1293, %dma_wait3A_1295, %dma_wait3A_1296] : memref<4x10x128xf32, #tpu.memory_space<vmem>> -> memref<1x10x128xf32, #tpu.memory_space<vmem>>
    %dma_wait3A_1298 = tpu.memref_squeeze %dma_wait3A_1297 : memref<1x10x128xf32, #tpu.memory_space<vmem>> -> memref<10x128xf32, #tpu.memory_space<vmem>>
    %dma_wait3A_1299 = arith.constant 0 : i32
    %dma_wait3A_1300 = tpu.memref_slice %dma_wait3A_1298[%dma_wait3A_1294, %dma_wait3A_1299] : memref<10x128xf32, #tpu.memory_space<vmem>> -> memref<1x128xf32, #tpu.memory_space<vmem>>
    %dma_wait3A_1301 = tpu.memref_squeeze %dma_wait3A_1300 : memref<1x128xf32, #tpu.memory_space<vmem>> -> memref<128xf32, #tpu.memory_space<vmem>>
    %dma_wait3A_1302 = arith.constant 0 : i32
    %dma_wait3A_1303 = tpu.memref_slice %arg5[%dma_wait3A_1292, %dma_wait3A_1302] : memref<10x128xi32, #tpu.memory_space<vmem>> -> memref<1x128xi32, #tpu.memory_space<vmem>>
    %dma_wait3A_1304 = tpu.memref_squeeze %dma_wait3A_1303 : memref<1x128xi32, #tpu.memory_space<vmem>> -> memref<128xi32, #tpu.memory_space<vmem>>
    %dma_wait3A_1305 = arith.constant 0 : i32
    %dma_wait3A_1306 = tpu.memref_slice %arg2[%dma_wait3A_1291, %dma_wait3A_1305] : memref<4x40000xf32, #tpu.memory_space<hbm>> -> memref<1x40000xf32, #tpu.memory_space<hbm>>
    %dma_wait3A_1307 = tpu.memref_squeeze %dma_wait3A_1306 : memref<1x40000xf32, #tpu.memory_space<hbm>> -> memref<40000xf32, #tpu.memory_space<hbm>>
    %dma_wait3A_1308 = arith.constant 0 : i32
    %dma_wait3A_1309 = tpu.memref_slice %dma_wait3A_1307[%dma_wait3A_1308] : memref<40000xf32, #tpu.memory_space<hbm>> -> memref<40000xf32, #tpu.memory_space<hbm>>
    tpu.wait_indirect_dma semaphore(%arg7 : memref<!tpu.dma_semaphore, #tpu.memory_space<semaphore_mem>>) src(%dma_wait3A_1309 : memref<40000xf32, #tpu.memory_space<hbm>>) dst(%dma_wait3A_1301 : memref<128xf32, #tpu.memory_space<vmem>>)
    %dma_wait3A_1310 = arith.constant 2 : i32
    %dma_wait3A_1311 = arith.constant 9 : i32
    %dma_wait3A_1312 = arith.constant 2 : i32
    %dma_wait3A_1313 = arith.constant 9 : i32
    %dma_wait3A_1314 = arith.constant 0 : i32
    %dma_wait3A_1315 = arith.constant 0 : i32
    %dma_wait3A_1316 = tpu.memref_slice %arg6[%dma_wait3A_1312, %dma_wait3A_1314, %dma_wait3A_1315] : memref<4x10x128xf32, #tpu.memory_space<vmem>> -> memref<1x10x128xf32, #tpu.memory_space<vmem>>
    %dma_wait3A_1317 = tpu.memref_squeeze %dma_wait3A_1316 : memref<1x10x128xf32, #tpu.memory_space<vmem>> -> memref<10x128xf32, #tpu.memory_space<vmem>>
    %dma_wait3A_1318 = arith.constant 0 : i32
    %dma_wait3A_1319 = tpu.memref_slice %dma_wait3A_1317[%dma_wait3A_1313, %dma_wait3A_1318] : memref<10x128xf32, #tpu.memory_space<vmem>> -> memref<1x128xf32, #tpu.memory_space<vmem>>
    %dma_wait3A_1320 = tpu.memref_squeeze %dma_wait3A_1319 : memref<1x128xf32, #tpu.memory_space<vmem>> -> memref<128xf32, #tpu.memory_space<vmem>>
    %dma_wait3A_1321 = arith.constant 0 : i32
    %dma_wait3A_1322 = tpu.memref_slice %arg5[%dma_wait3A_1311, %dma_wait3A_1321] : memref<10x128xi32, #tpu.memory_space<vmem>> -> memref<1x128xi32, #tpu.memory_space<vmem>>
    %dma_wait3A_1323 = tpu.memref_squeeze %dma_wait3A_1322 : memref<1x128xi32, #tpu.memory_space<vmem>> -> memref<128xi32, #tpu.memory_space<vmem>>
    %dma_wait3A_1324 = arith.constant 0 : i32
    %dma_wait3A_1325 = tpu.memref_slice %arg2[%dma_wait3A_1310, %dma_wait3A_1324] : memref<4x40000xf32, #tpu.memory_space<hbm>> -> memref<1x40000xf32, #tpu.memory_space<hbm>>
    %dma_wait3A_1326 = tpu.memref_squeeze %dma_wait3A_1325 : memref<1x40000xf32, #tpu.memory_space<hbm>> -> memref<40000xf32, #tpu.memory_space<hbm>>
    %dma_wait3A_1327 = arith.constant 0 : i32
    %dma_wait3A_1328 = tpu.memref_slice %dma_wait3A_1326[%dma_wait3A_1327] : memref<40000xf32, #tpu.memory_space<hbm>> -> memref<40000xf32, #tpu.memory_space<hbm>>
    tpu.wait_indirect_dma semaphore(%arg7 : memref<!tpu.dma_semaphore, #tpu.memory_space<semaphore_mem>>) src(%dma_wait3A_1328 : memref<40000xf32, #tpu.memory_space<hbm>>) dst(%dma_wait3A_1320 : memref<128xf32, #tpu.memory_space<vmem>>)
    %dma_wait3A_1329 = arith.constant 3 : i32
    %dma_wait3A_1330 = arith.constant 0 : i32
    %dma_wait3A_1331 = arith.constant 3 : i32
    %dma_wait3A_1332 = arith.constant 0 : i32
    %dma_wait3A_1333 = arith.constant 0 : i32
    %dma_wait3A_1334 = arith.constant 0 : i32
    %dma_wait3A_1335 = tpu.memref_slice %arg6[%dma_wait3A_1331, %dma_wait3A_1333, %dma_wait3A_1334] : memref<4x10x128xf32, #tpu.memory_space<vmem>> -> memref<1x10x128xf32, #tpu.memory_space<vmem>>
    %dma_wait3A_1336 = tpu.memref_squeeze %dma_wait3A_1335 : memref<1x10x128xf32, #tpu.memory_space<vmem>> -> memref<10x128xf32, #tpu.memory_space<vmem>>
    %dma_wait3A_1337 = arith.constant 0 : i32
    %dma_wait3A_1338 = tpu.memref_slice %dma_wait3A_1336[%dma_wait3A_1332, %dma_wait3A_1337] : memref<10x128xf32, #tpu.memory_space<vmem>> -> memref<1x128xf32, #tpu.memory_space<vmem>>
    %dma_wait3A_1339 = tpu.memref_squeeze %dma_wait3A_1338 : memref<1x128xf32, #tpu.memory_space<vmem>> -> memref<128xf32, #tpu.memory_space<vmem>>
    %dma_wait3A_1340 = arith.constant 0 : i32
    %dma_wait3A_1341 = tpu.memref_slice %arg5[%dma_wait3A_1330, %dma_wait3A_1340] : memref<10x128xi32, #tpu.memory_space<vmem>> -> memref<1x128xi32, #tpu.memory_space<vmem>>
    %dma_wait3A_1342 = tpu.memref_squeeze %dma_wait3A_1341 : memref<1x128xi32, #tpu.memory_space<vmem>> -> memref<128xi32, #tpu.memory_space<vmem>>
    %dma_wait3A_1343 = arith.constant 0 : i32
    %dma_wait3A_1344 = tpu.memref_slice %arg2[%dma_wait3A_1329, %dma_wait3A_1343] : memref<4x40000xf32, #tpu.memory_space<hbm>> -> memref<1x40000xf32, #tpu.memory_space<hbm>>
    %dma_wait3A_1345 = tpu.memref_squeeze %dma_wait3A_1344 : memref<1x40000xf32, #tpu.memory_space<hbm>> -> memref<40000xf32, #tpu.memory_space<hbm>>
    %dma_wait3A_1346 = arith.constant 0 : i32
    %dma_wait3A_1347 = tpu.memref_slice %dma_wait3A_1345[%dma_wait3A_1346] : memref<40000xf32, #tpu.memory_space<hbm>> -> memref<40000xf32, #tpu.memory_space<hbm>>
    tpu.wait_indirect_dma semaphore(%arg7 : memref<!tpu.dma_semaphore, #tpu.memory_space<semaphore_mem>>) src(%dma_wait3A_1347 : memref<40000xf32, #tpu.memory_space<hbm>>) dst(%dma_wait3A_1339 : memref<128xf32, #tpu.memory_space<vmem>>)
    %dma_wait3A_1348 = arith.constant 3 : i32
    %dma_wait3A_1349 = arith.constant 1 : i32
    %dma_wait3A_1350 = arith.constant 3 : i32
    %dma_wait3A_1351 = arith.constant 1 : i32
    %dma_wait3A_1352 = arith.constant 0 : i32
    %dma_wait3A_1353 = arith.constant 0 : i32
    %dma_wait3A_1354 = tpu.memref_slice %arg6[%dma_wait3A_1350, %dma_wait3A_1352, %dma_wait3A_1353] : memref<4x10x128xf32, #tpu.memory_space<vmem>> -> memref<1x10x128xf32, #tpu.memory_space<vmem>>
    %dma_wait3A_1355 = tpu.memref_squeeze %dma_wait3A_1354 : memref<1x10x128xf32, #tpu.memory_space<vmem>> -> memref<10x128xf32, #tpu.memory_space<vmem>>
    %dma_wait3A_1356 = arith.constant 0 : i32
    %dma_wait3A_1357 = tpu.memref_slice %dma_wait3A_1355[%dma_wait3A_1351, %dma_wait3A_1356] : memref<10x128xf32, #tpu.memory_space<vmem>> -> memref<1x128xf32, #tpu.memory_space<vmem>>
    %dma_wait3A_1358 = tpu.memref_squeeze %dma_wait3A_1357 : memref<1x128xf32, #tpu.memory_space<vmem>> -> memref<128xf32, #tpu.memory_space<vmem>>
    %dma_wait3A_1359 = arith.constant 0 : i32
    %dma_wait3A_1360 = tpu.memref_slice %arg5[%dma_wait3A_1349, %dma_wait3A_1359] : memref<10x128xi32, #tpu.memory_space<vmem>> -> memref<1x128xi32, #tpu.memory_space<vmem>>
    %dma_wait3A_1361 = tpu.memref_squeeze %dma_wait3A_1360 : memref<1x128xi32, #tpu.memory_space<vmem>> -> memref<128xi32, #tpu.memory_space<vmem>>
    %dma_wait3A_1362 = arith.constant 0 : i32
    %dma_wait3A_1363 = tpu.memref_slice %arg2[%dma_wait3A_1348, %dma_wait3A_1362] : memref<4x40000xf32, #tpu.memory_space<hbm>> -> memref<1x40000xf32, #tpu.memory_space<hbm>>
    %dma_wait3A_1364 = tpu.memref_squeeze %dma_wait3A_1363 : memref<1x40000xf32, #tpu.memory_space<hbm>> -> memref<40000xf32, #tpu.memory_space<hbm>>
    %dma_wait3A_1365 = arith.constant 0 : i32
    %dma_wait3A_1366 = tpu.memref_slice %dma_wait3A_1364[%dma_wait3A_1365] : memref<40000xf32, #tpu.memory_space<hbm>> -> memref<40000xf32, #tpu.memory_space<hbm>>
    tpu.wait_indirect_dma semaphore(%arg7 : memref<!tpu.dma_semaphore, #tpu.memory_space<semaphore_mem>>) src(%dma_wait3A_1366 : memref<40000xf32, #tpu.memory_space<hbm>>) dst(%dma_wait3A_1358 : memref<128xf32, #tpu.memory_space<vmem>>)
    %dma_wait3A_1367 = arith.constant 3 : i32
    %dma_wait3A_1368 = arith.constant 2 : i32
    %dma_wait3A_1369 = arith.constant 3 : i32
    %dma_wait3A_1370 = arith.constant 2 : i32
    %dma_wait3A_1371 = arith.constant 0 : i32
    %dma_wait3A_1372 = arith.constant 0 : i32
    %dma_wait3A_1373 = tpu.memref_slice %arg6[%dma_wait3A_1369, %dma_wait3A_1371, %dma_wait3A_1372] : memref<4x10x128xf32, #tpu.memory_space<vmem>> -> memref<1x10x128xf32, #tpu.memory_space<vmem>>
    %dma_wait3A_1374 = tpu.memref_squeeze %dma_wait3A_1373 : memref<1x10x128xf32, #tpu.memory_space<vmem>> -> memref<10x128xf32, #tpu.memory_space<vmem>>
    %dma_wait3A_1375 = arith.constant 0 : i32
    %dma_wait3A_1376 = tpu.memref_slice %dma_wait3A_1374[%dma_wait3A_1370, %dma_wait3A_1375] : memref<10x128xf32, #tpu.memory_space<vmem>> -> memref<1x128xf32, #tpu.memory_space<vmem>>
    %dma_wait3A_1377 = tpu.memref_squeeze %dma_wait3A_1376 : memref<1x128xf32, #tpu.memory_space<vmem>> -> memref<128xf32, #tpu.memory_space<vmem>>
    %dma_wait3A_1378 = arith.constant 0 : i32
    %dma_wait3A_1379 = tpu.memref_slice %arg5[%dma_wait3A_1368, %dma_wait3A_1378] : memref<10x128xi32, #tpu.memory_space<vmem>> -> memref<1x128xi32, #tpu.memory_space<vmem>>
    %dma_wait3A_1380 = tpu.memref_squeeze %dma_wait3A_1379 : memref<1x128xi32, #tpu.memory_space<vmem>> -> memref<128xi32, #tpu.memory_space<vmem>>
    %dma_wait3A_1381 = arith.constant 0 : i32
    %dma_wait3A_1382 = tpu.memref_slice %arg2[%dma_wait3A_1367, %dma_wait3A_1381] : memref<4x40000xf32, #tpu.memory_space<hbm>> -> memref<1x40000xf32, #tpu.memory_space<hbm>>
    %dma_wait3A_1383 = tpu.memref_squeeze %dma_wait3A_1382 : memref<1x40000xf32, #tpu.memory_space<hbm>> -> memref<40000xf32, #tpu.memory_space<hbm>>
    %dma_wait3A_1384 = arith.constant 0 : i32
    %dma_wait3A_1385 = tpu.memref_slice %dma_wait3A_1383[%dma_wait3A_1384] : memref<40000xf32, #tpu.memory_space<hbm>> -> memref<40000xf32, #tpu.memory_space<hbm>>
    tpu.wait_indirect_dma semaphore(%arg7 : memref<!tpu.dma_semaphore, #tpu.memory_space<semaphore_mem>>) src(%dma_wait3A_1385 : memref<40000xf32, #tpu.memory_space<hbm>>) dst(%dma_wait3A_1377 : memref<128xf32, #tpu.memory_space<vmem>>)
    %dma_wait3A_1386 = arith.constant 3 : i32
    %dma_wait3A_1387 = arith.constant 3 : i32
    %dma_wait3A_1388 = arith.constant 3 : i32
    %dma_wait3A_1389 = arith.constant 3 : i32
    %dma_wait3A_1390 = arith.constant 0 : i32
    %dma_wait3A_1391 = arith.constant 0 : i32
    %dma_wait3A_1392 = tpu.memref_slice %arg6[%dma_wait3A_1388, %dma_wait3A_1390, %dma_wait3A_1391] : memref<4x10x128xf32, #tpu.memory_space<vmem>> -> memref<1x10x128xf32, #tpu.memory_space<vmem>>
    %dma_wait3A_1393 = tpu.memref_squeeze %dma_wait3A_1392 : memref<1x10x128xf32, #tpu.memory_space<vmem>> -> memref<10x128xf32, #tpu.memory_space<vmem>>
    %dma_wait3A_1394 = arith.constant 0 : i32
    %dma_wait3A_1395 = tpu.memref_slice %dma_wait3A_1393[%dma_wait3A_1389, %dma_wait3A_1394] : memref<10x128xf32, #tpu.memory_space<vmem>> -> memref<1x128xf32, #tpu.memory_space<vmem>>
    %dma_wait3A_1396 = tpu.memref_squeeze %dma_wait3A_1395 : memref<1x128xf32, #tpu.memory_space<vmem>> -> memref<128xf32, #tpu.memory_space<vmem>>
    %dma_wait3A_1397 = arith.constant 0 : i32
    %dma_wait3A_1398 = tpu.memref_slice %arg5[%dma_wait3A_1387, %dma_wait3A_1397] : memref<10x128xi32, #tpu.memory_space<vmem>> -> memref<1x128xi32, #tpu.memory_space<vmem>>
    %dma_wait3A_1399 = tpu.memref_squeeze %dma_wait3A_1398 : memref<1x128xi32, #tpu.memory_space<vmem>> -> memref<128xi32, #tpu.memory_space<vmem>>
    %dma_wait3A_1400 = arith.constant 0 : i32
    %dma_wait3A_1401 = tpu.memref_slice %arg2[%dma_wait3A_1386, %dma_wait3A_1400] : memref<4x40000xf32, #tpu.memory_space<hbm>> -> memref<1x40000xf32, #tpu.memory_space<hbm>>
    %dma_wait3A_1402 = tpu.memref_squeeze %dma_wait3A_1401 : memref<1x40000xf32, #tpu.memory_space<hbm>> -> memref<40000xf32, #tpu.memory_space<hbm>>
    %dma_wait3A_1403 = arith.constant 0 : i32
    %dma_wait3A_1404 = tpu.memref_slice %dma_wait3A_1402[%dma_wait3A_1403] : memref<40000xf32, #tpu.memory_space<hbm>> -> memref<40000xf32, #tpu.memory_space<hbm>>
    tpu.wait_indirect_dma semaphore(%arg7 : memref<!tpu.dma_semaphore, #tpu.memory_space<semaphore_mem>>) src(%dma_wait3A_1404 : memref<40000xf32, #tpu.memory_space<hbm>>) dst(%dma_wait3A_1396 : memref<128xf32, #tpu.memory_space<vmem>>)
    %dma_wait3A_1405 = arith.constant 3 : i32
    %dma_wait3A_1406 = arith.constant 4 : i32
    %dma_wait3A_1407 = arith.constant 3 : i32
    %dma_wait3A_1408 = arith.constant 4 : i32
    %dma_wait3A_1409 = arith.constant 0 : i32
    %dma_wait3A_1410 = arith.constant 0 : i32
    %dma_wait3A_1411 = tpu.memref_slice %arg6[%dma_wait3A_1407, %dma_wait3A_1409, %dma_wait3A_1410] : memref<4x10x128xf32, #tpu.memory_space<vmem>> -> memref<1x10x128xf32, #tpu.memory_space<vmem>>
    %dma_wait3A_1412 = tpu.memref_squeeze %dma_wait3A_1411 : memref<1x10x128xf32, #tpu.memory_space<vmem>> -> memref<10x128xf32, #tpu.memory_space<vmem>>
    %dma_wait3A_1413 = arith.constant 0 : i32
    %dma_wait3A_1414 = tpu.memref_slice %dma_wait3A_1412[%dma_wait3A_1408, %dma_wait3A_1413] : memref<10x128xf32, #tpu.memory_space<vmem>> -> memref<1x128xf32, #tpu.memory_space<vmem>>
    %dma_wait3A_1415 = tpu.memref_squeeze %dma_wait3A_1414 : memref<1x128xf32, #tpu.memory_space<vmem>> -> memref<128xf32, #tpu.memory_space<vmem>>
    %dma_wait3A_1416 = arith.constant 0 : i32
    %dma_wait3A_1417 = tpu.memref_slice %arg5[%dma_wait3A_1406, %dma_wait3A_1416] : memref<10x128xi32, #tpu.memory_space<vmem>> -> memref<1x128xi32, #tpu.memory_space<vmem>>
    %dma_wait3A_1418 = tpu.memref_squeeze %dma_wait3A_1417 : memref<1x128xi32, #tpu.memory_space<vmem>> -> memref<128xi32, #tpu.memory_space<vmem>>
    %dma_wait3A_1419 = arith.constant 0 : i32
    %dma_wait3A_1420 = tpu.memref_slice %arg2[%dma_wait3A_1405, %dma_wait3A_1419] : memref<4x40000xf32, #tpu.memory_space<hbm>> -> memref<1x40000xf32, #tpu.memory_space<hbm>>
    %dma_wait3A_1421 = tpu.memref_squeeze %dma_wait3A_1420 : memref<1x40000xf32, #tpu.memory_space<hbm>> -> memref<40000xf32, #tpu.memory_space<hbm>>
    %dma_wait3A_1422 = arith.constant 0 : i32
    %dma_wait3A_1423 = tpu.memref_slice %dma_wait3A_1421[%dma_wait3A_1422] : memref<40000xf32, #tpu.memory_space<hbm>> -> memref<40000xf32, #tpu.memory_space<hbm>>
    tpu.wait_indirect_dma semaphore(%arg7 : memref<!tpu.dma_semaphore, #tpu.memory_space<semaphore_mem>>) src(%dma_wait3A_1423 : memref<40000xf32, #tpu.memory_space<hbm>>) dst(%dma_wait3A_1415 : memref<128xf32, #tpu.memory_space<vmem>>)
    %dma_wait3A_1424 = arith.constant 3 : i32
    %dma_wait3A_1425 = arith.constant 5 : i32
    %dma_wait3A_1426 = arith.constant 3 : i32
    %dma_wait3A_1427 = arith.constant 5 : i32
    %dma_wait3A_1428 = arith.constant 0 : i32
    %dma_wait3A_1429 = arith.constant 0 : i32
    %dma_wait3A_1430 = tpu.memref_slice %arg6[%dma_wait3A_1426, %dma_wait3A_1428, %dma_wait3A_1429] : memref<4x10x128xf32, #tpu.memory_space<vmem>> -> memref<1x10x128xf32, #tpu.memory_space<vmem>>
    %dma_wait3A_1431 = tpu.memref_squeeze %dma_wait3A_1430 : memref<1x10x128xf32, #tpu.memory_space<vmem>> -> memref<10x128xf32, #tpu.memory_space<vmem>>
    %dma_wait3A_1432 = arith.constant 0 : i32
    %dma_wait3A_1433 = tpu.memref_slice %dma_wait3A_1431[%dma_wait3A_1427, %dma_wait3A_1432] : memref<10x128xf32, #tpu.memory_space<vmem>> -> memref<1x128xf32, #tpu.memory_space<vmem>>
    %dma_wait3A_1434 = tpu.memref_squeeze %dma_wait3A_1433 : memref<1x128xf32, #tpu.memory_space<vmem>> -> memref<128xf32, #tpu.memory_space<vmem>>
    %dma_wait3A_1435 = arith.constant 0 : i32
    %dma_wait3A_1436 = tpu.memref_slice %arg5[%dma_wait3A_1425, %dma_wait3A_1435] : memref<10x128xi32, #tpu.memory_space<vmem>> -> memref<1x128xi32, #tpu.memory_space<vmem>>
    %dma_wait3A_1437 = tpu.memref_squeeze %dma_wait3A_1436 : memref<1x128xi32, #tpu.memory_space<vmem>> -> memref<128xi32, #tpu.memory_space<vmem>>
    %dma_wait3A_1438 = arith.constant 0 : i32
    %dma_wait3A_1439 = tpu.memref_slice %arg2[%dma_wait3A_1424, %dma_wait3A_1438] : memref<4x40000xf32, #tpu.memory_space<hbm>> -> memref<1x40000xf32, #tpu.memory_space<hbm>>
    %dma_wait3A_1440 = tpu.memref_squeeze %dma_wait3A_1439 : memref<1x40000xf32, #tpu.memory_space<hbm>> -> memref<40000xf32, #tpu.memory_space<hbm>>
    %dma_wait3A_1441 = arith.constant 0 : i32
    %dma_wait3A_1442 = tpu.memref_slice %dma_wait3A_1440[%dma_wait3A_1441] : memref<40000xf32, #tpu.memory_space<hbm>> -> memref<40000xf32, #tpu.memory_space<hbm>>
    tpu.wait_indirect_dma semaphore(%arg7 : memref<!tpu.dma_semaphore, #tpu.memory_space<semaphore_mem>>) src(%dma_wait3A_1442 : memref<40000xf32, #tpu.memory_space<hbm>>) dst(%dma_wait3A_1434 : memref<128xf32, #tpu.memory_space<vmem>>)
    %dma_wait3A_1443 = arith.constant 3 : i32
    %dma_wait3A_1444 = arith.constant 6 : i32
    %dma_wait3A_1445 = arith.constant 3 : i32
    %dma_wait3A_1446 = arith.constant 6 : i32
    %dma_wait3A_1447 = arith.constant 0 : i32
    %dma_wait3A_1448 = arith.constant 0 : i32
    %dma_wait3A_1449 = tpu.memref_slice %arg6[%dma_wait3A_1445, %dma_wait3A_1447, %dma_wait3A_1448] : memref<4x10x128xf32, #tpu.memory_space<vmem>> -> memref<1x10x128xf32, #tpu.memory_space<vmem>>
    %dma_wait3A_1450 = tpu.memref_squeeze %dma_wait3A_1449 : memref<1x10x128xf32, #tpu.memory_space<vmem>> -> memref<10x128xf32, #tpu.memory_space<vmem>>
    %dma_wait3A_1451 = arith.constant 0 : i32
    %dma_wait3A_1452 = tpu.memref_slice %dma_wait3A_1450[%dma_wait3A_1446, %dma_wait3A_1451] : memref<10x128xf32, #tpu.memory_space<vmem>> -> memref<1x128xf32, #tpu.memory_space<vmem>>
    %dma_wait3A_1453 = tpu.memref_squeeze %dma_wait3A_1452 : memref<1x128xf32, #tpu.memory_space<vmem>> -> memref<128xf32, #tpu.memory_space<vmem>>
    %dma_wait3A_1454 = arith.constant 0 : i32
    %dma_wait3A_1455 = tpu.memref_slice %arg5[%dma_wait3A_1444, %dma_wait3A_1454] : memref<10x128xi32, #tpu.memory_space<vmem>> -> memref<1x128xi32, #tpu.memory_space<vmem>>
    %dma_wait3A_1456 = tpu.memref_squeeze %dma_wait3A_1455 : memref<1x128xi32, #tpu.memory_space<vmem>> -> memref<128xi32, #tpu.memory_space<vmem>>
    %dma_wait3A_1457 = arith.constant 0 : i32
    %dma_wait3A_1458 = tpu.memref_slice %arg2[%dma_wait3A_1443, %dma_wait3A_1457] : memref<4x40000xf32, #tpu.memory_space<hbm>> -> memref<1x40000xf32, #tpu.memory_space<hbm>>
    %dma_wait3A_1459 = tpu.memref_squeeze %dma_wait3A_1458 : memref<1x40000xf32, #tpu.memory_space<hbm>> -> memref<40000xf32, #tpu.memory_space<hbm>>
    %dma_wait3A_1460 = arith.constant 0 : i32
    %dma_wait3A_1461 = tpu.memref_slice %dma_wait3A_1459[%dma_wait3A_1460] : memref<40000xf32, #tpu.memory_space<hbm>> -> memref<40000xf32, #tpu.memory_space<hbm>>
    tpu.wait_indirect_dma semaphore(%arg7 : memref<!tpu.dma_semaphore, #tpu.memory_space<semaphore_mem>>) src(%dma_wait3A_1461 : memref<40000xf32, #tpu.memory_space<hbm>>) dst(%dma_wait3A_1453 : memref<128xf32, #tpu.memory_space<vmem>>)
    %dma_wait3A_1462 = arith.constant 3 : i32
    %dma_wait3A_1463 = arith.constant 7 : i32
    %dma_wait3A_1464 = arith.constant 3 : i32
    %dma_wait3A_1465 = arith.constant 7 : i32
    %dma_wait3A_1466 = arith.constant 0 : i32
    %dma_wait3A_1467 = arith.constant 0 : i32
    %dma_wait3A_1468 = tpu.memref_slice %arg6[%dma_wait3A_1464, %dma_wait3A_1466, %dma_wait3A_1467] : memref<4x10x128xf32, #tpu.memory_space<vmem>> -> memref<1x10x128xf32, #tpu.memory_space<vmem>>
    %dma_wait3A_1469 = tpu.memref_squeeze %dma_wait3A_1468 : memref<1x10x128xf32, #tpu.memory_space<vmem>> -> memref<10x128xf32, #tpu.memory_space<vmem>>
    %dma_wait3A_1470 = arith.constant 0 : i32
    %dma_wait3A_1471 = tpu.memref_slice %dma_wait3A_1469[%dma_wait3A_1465, %dma_wait3A_1470] : memref<10x128xf32, #tpu.memory_space<vmem>> -> memref<1x128xf32, #tpu.memory_space<vmem>>
    %dma_wait3A_1472 = tpu.memref_squeeze %dma_wait3A_1471 : memref<1x128xf32, #tpu.memory_space<vmem>> -> memref<128xf32, #tpu.memory_space<vmem>>
    %dma_wait3A_1473 = arith.constant 0 : i32
    %dma_wait3A_1474 = tpu.memref_slice %arg5[%dma_wait3A_1463, %dma_wait3A_1473] : memref<10x128xi32, #tpu.memory_space<vmem>> -> memref<1x128xi32, #tpu.memory_space<vmem>>
    %dma_wait3A_1475 = tpu.memref_squeeze %dma_wait3A_1474 : memref<1x128xi32, #tpu.memory_space<vmem>> -> memref<128xi32, #tpu.memory_space<vmem>>
    %dma_wait3A_1476 = arith.constant 0 : i32
    %dma_wait3A_1477 = tpu.memref_slice %arg2[%dma_wait3A_1462, %dma_wait3A_1476] : memref<4x40000xf32, #tpu.memory_space<hbm>> -> memref<1x40000xf32, #tpu.memory_space<hbm>>
    %dma_wait3A_1478 = tpu.memref_squeeze %dma_wait3A_1477 : memref<1x40000xf32, #tpu.memory_space<hbm>> -> memref<40000xf32, #tpu.memory_space<hbm>>
    %dma_wait3A_1479 = arith.constant 0 : i32
    %dma_wait3A_1480 = tpu.memref_slice %dma_wait3A_1478[%dma_wait3A_1479] : memref<40000xf32, #tpu.memory_space<hbm>> -> memref<40000xf32, #tpu.memory_space<hbm>>
    tpu.wait_indirect_dma semaphore(%arg7 : memref<!tpu.dma_semaphore, #tpu.memory_space<semaphore_mem>>) src(%dma_wait3A_1480 : memref<40000xf32, #tpu.memory_space<hbm>>) dst(%dma_wait3A_1472 : memref<128xf32, #tpu.memory_space<vmem>>)
    %dma_wait3A_1481 = arith.constant 3 : i32
    %dma_wait3A_1482 = arith.constant 8 : i32
    %dma_wait3A_1483 = arith.constant 3 : i32
    %dma_wait3A_1484 = arith.constant 8 : i32
    %dma_wait3A_1485 = arith.constant 0 : i32
    %dma_wait3A_1486 = arith.constant 0 : i32
    %dma_wait3A_1487 = tpu.memref_slice %arg6[%dma_wait3A_1483, %dma_wait3A_1485, %dma_wait3A_1486] : memref<4x10x128xf32, #tpu.memory_space<vmem>> -> memref<1x10x128xf32, #tpu.memory_space<vmem>>
    %dma_wait3A_1488 = tpu.memref_squeeze %dma_wait3A_1487 : memref<1x10x128xf32, #tpu.memory_space<vmem>> -> memref<10x128xf32, #tpu.memory_space<vmem>>
    %dma_wait3A_1489 = arith.constant 0 : i32
    %dma_wait3A_1490 = tpu.memref_slice %dma_wait3A_1488[%dma_wait3A_1484, %dma_wait3A_1489] : memref<10x128xf32, #tpu.memory_space<vmem>> -> memref<1x128xf32, #tpu.memory_space<vmem>>
    %dma_wait3A_1491 = tpu.memref_squeeze %dma_wait3A_1490 : memref<1x128xf32, #tpu.memory_space<vmem>> -> memref<128xf32, #tpu.memory_space<vmem>>
    %dma_wait3A_1492 = arith.constant 0 : i32
    %dma_wait3A_1493 = tpu.memref_slice %arg5[%dma_wait3A_1482, %dma_wait3A_1492] : memref<10x128xi32, #tpu.memory_space<vmem>> -> memref<1x128xi32, #tpu.memory_space<vmem>>
    %dma_wait3A_1494 = tpu.memref_squeeze %dma_wait3A_1493 : memref<1x128xi32, #tpu.memory_space<vmem>> -> memref<128xi32, #tpu.memory_space<vmem>>
    %dma_wait3A_1495 = arith.constant 0 : i32
    %dma_wait3A_1496 = tpu.memref_slice %arg2[%dma_wait3A_1481, %dma_wait3A_1495] : memref<4x40000xf32, #tpu.memory_space<hbm>> -> memref<1x40000xf32, #tpu.memory_space<hbm>>
    %dma_wait3A_1497 = tpu.memref_squeeze %dma_wait3A_1496 : memref<1x40000xf32, #tpu.memory_space<hbm>> -> memref<40000xf32, #tpu.memory_space<hbm>>
    %dma_wait3A_1498 = arith.constant 0 : i32
    %dma_wait3A_1499 = tpu.memref_slice %dma_wait3A_1497[%dma_wait3A_1498] : memref<40000xf32, #tpu.memory_space<hbm>> -> memref<40000xf32, #tpu.memory_space<hbm>>
    tpu.wait_indirect_dma semaphore(%arg7 : memref<!tpu.dma_semaphore, #tpu.memory_space<semaphore_mem>>) src(%dma_wait3A_1499 : memref<40000xf32, #tpu.memory_space<hbm>>) dst(%dma_wait3A_1491 : memref<128xf32, #tpu.memory_space<vmem>>)
    %dma_wait3A_1500 = arith.constant 3 : i32
    %dma_wait3A_1501 = arith.constant 9 : i32
    %dma_wait3A_1502 = arith.constant 3 : i32
    %dma_wait3A_1503 = arith.constant 9 : i32
    %dma_wait3A_1504 = arith.constant 0 : i32
    %dma_wait3A_1505 = arith.constant 0 : i32
    %dma_wait3A_1506 = tpu.memref_slice %arg6[%dma_wait3A_1502, %dma_wait3A_1504, %dma_wait3A_1505] : memref<4x10x128xf32, #tpu.memory_space<vmem>> -> memref<1x10x128xf32, #tpu.memory_space<vmem>>
    %dma_wait3A_1507 = tpu.memref_squeeze %dma_wait3A_1506 : memref<1x10x128xf32, #tpu.memory_space<vmem>> -> memref<10x128xf32, #tpu.memory_space<vmem>>
    %dma_wait3A_1508 = arith.constant 0 : i32
    %dma_wait3A_1509 = tpu.memref_slice %dma_wait3A_1507[%dma_wait3A_1503, %dma_wait3A_1508] : memref<10x128xf32, #tpu.memory_space<vmem>> -> memref<1x128xf32, #tpu.memory_space<vmem>>
    %dma_wait3A_1510 = tpu.memref_squeeze %dma_wait3A_1509 : memref<1x128xf32, #tpu.memory_space<vmem>> -> memref<128xf32, #tpu.memory_space<vmem>>
    %dma_wait3A_1511 = arith.constant 0 : i32
    %dma_wait3A_1512 = tpu.memref_slice %arg5[%dma_wait3A_1501, %dma_wait3A_1511] : memref<10x128xi32, #tpu.memory_space<vmem>> -> memref<1x128xi32, #tpu.memory_space<vmem>>
    %dma_wait3A_1513 = tpu.memref_squeeze %dma_wait3A_1512 : memref<1x128xi32, #tpu.memory_space<vmem>> -> memref<128xi32, #tpu.memory_space<vmem>>
    %dma_wait3A_1514 = arith.constant 0 : i32
    %dma_wait3A_1515 = tpu.memref_slice %arg2[%dma_wait3A_1500, %dma_wait3A_1514] : memref<4x40000xf32, #tpu.memory_space<hbm>> -> memref<1x40000xf32, #tpu.memory_space<hbm>>
    %dma_wait3A_1516 = tpu.memref_squeeze %dma_wait3A_1515 : memref<1x40000xf32, #tpu.memory_space<hbm>> -> memref<40000xf32, #tpu.memory_space<hbm>>
    %dma_wait3A_1517 = arith.constant 0 : i32
    %dma_wait3A_1518 = tpu.memref_slice %dma_wait3A_1516[%dma_wait3A_1517] : memref<40000xf32, #tpu.memory_space<hbm>> -> memref<40000xf32, #tpu.memory_space<hbm>>
    tpu.wait_indirect_dma semaphore(%arg7 : memref<!tpu.dma_semaphore, #tpu.memory_space<semaphore_mem>>) src(%dma_wait3A_1518 : memref<40000xf32, #tpu.memory_space<hbm>>) dst(%dma_wait3A_1510 : memref<128xf32, #tpu.memory_space<vmem>>)
    "tpu.region"() ({
      %run_scoped3A = tpu.sem_alloc : memref<!tpu.dma_semaphore, #tpu.memory_space<semaphore_mem>>
      %dma_start3A_1519 = arith.constant 0 : i32
      %dma_start3A_1520 = arith.constant 0 : i32
      %dma_start3A_1521 = arith.constant 0 : i32
      %dma_start3A_1522 = tpu.memref_slice %arg4[%dma_start3A_1519, %add3A, %dma_start3A_1520, %dma_start3A_1521] : memref<4x32x10x128xf32, #tpu.memory_space<hbm>> -> memref<4x1x10x128xf32, #tpu.memory_space<hbm>>
      %dma_start3A_1523 = tpu.memref_squeeze %dma_start3A_1522 : memref<4x1x10x128xf32, #tpu.memory_space<hbm>> -> memref<4x10x128xf32, #tpu.memory_space<hbm>>
      %dma_start3A_1524 = arith.constant 0 : i32
      %dma_start3A_1525 = arith.constant 0 : i32
      %dma_start3A_1526 = arith.constant 0 : i32
      %dma_start3A_1527 = tpu.memref_slice %arg4[%dma_start3A_1524, %add3A, %dma_start3A_1525, %dma_start3A_1526] : memref<4x32x10x128xf32, #tpu.memory_space<hbm>> -> memref<4x1x10x128xf32, #tpu.memory_space<hbm>>
      %dma_start3A_1528 = tpu.memref_squeeze %dma_start3A_1527 : memref<4x1x10x128xf32, #tpu.memory_space<hbm>> -> memref<4x10x128xf32, #tpu.memory_space<hbm>>
      tpu.enqueue_dma source(%arg6 : memref<4x10x128xf32, #tpu.memory_space<vmem>>) target(%dma_start3A_1528 : memref<4x10x128xf32, #tpu.memory_space<hbm>>) target_semaphore(%run_scoped3A : memref<!tpu.dma_semaphore, #tpu.memory_space<semaphore_mem>>)
      %dma_wait3A_1529 = arith.constant 0 : i32
      %dma_wait3A_1530 = arith.constant 0 : i32
      %dma_wait3A_1531 = arith.constant 0 : i32
      %dma_wait3A_1532 = tpu.memref_slice %arg4[%dma_wait3A_1529, %add3A, %dma_wait3A_1530, %dma_wait3A_1531] : memref<4x32x10x128xf32, #tpu.memory_space<hbm>> -> memref<4x1x10x128xf32, #tpu.memory_space<hbm>>
      %dma_wait3A_1533 = tpu.memref_squeeze %dma_wait3A_1532 : memref<4x1x10x128xf32, #tpu.memory_space<hbm>> -> memref<4x10x128xf32, #tpu.memory_space<hbm>>
      %dma_wait3A_1534 = arith.constant 0 : i32
      %dma_wait3A_1535 = arith.constant 0 : i32
      %dma_wait3A_1536 = arith.constant 0 : i32
      %dma_wait3A_1537 = tpu.memref_slice %arg4[%dma_wait3A_1534, %add3A, %dma_wait3A_1535, %dma_wait3A_1536] : memref<4x32x10x128xf32, #tpu.memory_space<hbm>> -> memref<4x1x10x128xf32, #tpu.memory_space<hbm>>
      %dma_wait3A_1538 = tpu.memref_squeeze %dma_wait3A_1537 : memref<4x1x10x128xf32, #tpu.memory_space<hbm>> -> memref<4x10x128xf32, #tpu.memory_space<hbm>>
      tpu.wait_dma2 semaphore(%run_scoped3A : memref<!tpu.dma_semaphore, #tpu.memory_space<semaphore_mem>>) src(%arg6 : memref<4x10x128xf32, #tpu.memory_space<vmem>>) dst(%dma_wait3A_1538 : memref<4x10x128xf32, #tpu.memory_space<hbm>>)
      tpu.yield
    }) : () -> ()
    return
  }
}

module attributes {stable_mosaic.version = 14 : i64} {
  func.func @_nms_body(%arg0: memref<2x160x128xf32, #tpu.memory_space<vmem>>, %arg1: memref<2x160x128xf32, #tpu.memory_space<vmem>>, %arg2: memref<2x160x128xf32, #tpu.memory_space<vmem>>, %arg3: memref<2x160x128xf32, #tpu.memory_space<vmem>>, %arg4: memref<2x160x128xf32, #tpu.memory_space<vmem>>, %arg5: memref<2x160x128xf32, #tpu.memory_space<vmem>>, %arg6: memref<2x160x128xf32, #tpu.memory_space<vmem>>, %arg7: memref<2x160x128xf32, #tpu.memory_space<vmem>>, %arg8: memref<2x512x128xf32, #tpu.memory_space<vmem>>, %arg9: memref<2x160x128xf32, #tpu.memory_space<vmem>>, %arg10: memref<2x160x128xf32, #tpu.memory_space<vmem>>, %arg11: memref<2x160x128xf32, #tpu.memory_space<vmem>>, %arg12: memref<2x160x128xf32, #tpu.memory_space<vmem>>, %arg13: memref<2x160x128xf32, #tpu.memory_space<vmem>>) attributes {dimension_semantics = [], scalar_prefetch = 0 : i64, scratch_operands = 5 : i64, tpu.core_type = #tpu.core_type<tc>} {
    %iota3A = tpu.iota {dimensions = array<i32: 0>} : vector<160x128xi32>
    %iota3A_0 = tpu.iota {dimensions = array<i32: 1>} : vector<160x128xi32>
    %mul3A = arith.constant 128 : i32
    %mul3A_1 = vector.broadcast %mul3A : i32 to vector<160x128xi32>
    %mul3A_2 = arith.muli %iota3A, %mul3A_1 : vector<160x128xi32>
    %add3A = arith.addi %mul3A_2, %iota3A_0 : vector<160x128xi32>
    %iota3A_3 = tpu.iota {dimensions = array<i32: 1>} : vector<1x128xi32>
    %convert_element_type3A = arith.sitofp %add3A : vector<160x128xi32> to vector<160x128xf32>
    %convert_element_type3A_4 = arith.sitofp %iota3A : vector<160x128xi32> to vector<160x128xf32>
    %convert_element_type3A_5 = arith.sitofp %iota3A_3 : vector<1x128xi32> to vector<1x128xf32>
    %get3A = arith.constant 0 : index
    %get3A_6 = arith.constant 0 : index
    %get3A_7 = arith.constant 0 : index
    %get3A_8 = vector.load %arg2[%get3A, %get3A_6, %get3A_7] : memref<2x160x128xf32, #tpu.memory_space<vmem>>, vector<1x160x128xf32>
    %get3A_9 = vector.shape_cast %get3A_8 : vector<1x160x128xf32> to vector<160x128xf32>
    %get3A_10 = arith.constant 0 : index
    %get3A_11 = arith.constant 0 : index
    %get3A_12 = arith.constant 0 : index
    %get3A_13 = vector.load %arg3[%get3A_10, %get3A_11, %get3A_12] : memref<2x160x128xf32, #tpu.memory_space<vmem>>, vector<1x160x128xf32>
    %get3A_14 = vector.shape_cast %get3A_13 : vector<1x160x128xf32> to vector<160x128xf32>
    %max3A = arith.maximumf %get3A_9, %get3A_14 : vector<160x128xf32>
    %sub3A = arith.subf %get3A_9, %max3A : vector<160x128xf32>
    %exp3A = math.exp %sub3A : vector<160x128xf32>
    %sub3A_15 = arith.subf %get3A_14, %max3A : vector<160x128xf32>
    %exp3A_16 = math.exp %sub3A_15 : vector<160x128xf32>
    %add3A_17 = arith.addf %exp3A, %exp3A_16 : vector<160x128xf32>
    %div3A = arith.divf %exp3A_16, %add3A_17 : vector<160x128xf32>
    %get3A_18 = arith.constant 0 : index
    %get3A_19 = arith.constant 0 : index
    %get3A_20 = arith.constant 0 : index
    %get3A_21 = vector.load %arg4[%get3A_18, %get3A_19, %get3A_20] : memref<2x160x128xf32, #tpu.memory_space<vmem>>, vector<1x160x128xf32>
    %get3A_22 = vector.shape_cast %get3A_21 : vector<1x160x128xf32> to vector<160x128xf32>
    %get3A_23 = arith.constant 0 : index
    %get3A_24 = arith.constant 0 : index
    %get3A_25 = arith.constant 0 : index
    %get3A_26 = vector.load %arg6[%get3A_23, %get3A_24, %get3A_25] : memref<2x160x128xf32, #tpu.memory_space<vmem>>, vector<1x160x128xf32>
    %get3A_27 = vector.shape_cast %get3A_26 : vector<1x160x128xf32> to vector<160x128xf32>
    %sub3A_28 = arith.subf %get3A_27, %get3A_22 : vector<160x128xf32>
    %add3A_29 = arith.addf %get3A_27, %get3A_22 : vector<160x128xf32>
    %mul3A_30 = arith.constant 5.000000e-01 : f32
    %mul3A_31 = vector.broadcast %mul3A_30 : f32 to vector<160x128xf32>
    %mul3A_32 = arith.mulf %add3A_29, %mul3A_31 : vector<160x128xf32>
    %get3A_33 = arith.constant 0 : index
    %get3A_34 = arith.constant 0 : index
    %get3A_35 = arith.constant 0 : index
    %get3A_36 = vector.load %arg0[%get3A_33, %get3A_34, %get3A_35] : memref<2x160x128xf32, #tpu.memory_space<vmem>>, vector<1x160x128xf32>
    %get3A_37 = vector.shape_cast %get3A_36 : vector<1x160x128xf32> to vector<160x128xf32>
    %mul3A_38 = arith.constant 1.000000e-01 : f32
    %mul3A_39 = vector.broadcast %mul3A_38 : f32 to vector<160x128xf32>
    %mul3A_40 = arith.mulf %get3A_37, %mul3A_39 : vector<160x128xf32>
    %get3A_41 = arith.constant 0 : index
    %get3A_42 = arith.constant 0 : index
    %get3A_43 = arith.constant 0 : index
    %get3A_44 = vector.load %arg1[%get3A_41, %get3A_42, %get3A_43] : memref<2x160x128xf32, #tpu.memory_space<vmem>>, vector<1x160x128xf32>
    %get3A_45 = vector.shape_cast %get3A_44 : vector<1x160x128xf32> to vector<160x128xf32>
    %mul3A_46 = arith.constant 2.000000e-01 : f32
    %mul3A_47 = vector.broadcast %mul3A_46 : f32 to vector<160x128xf32>
    %mul3A_48 = arith.mulf %get3A_45, %mul3A_47 : vector<160x128xf32>
    %mul3A_49 = arith.mulf %mul3A_40, %sub3A_28 : vector<160x128xf32>
    %add3A_50 = arith.addf %mul3A_32, %mul3A_49 : vector<160x128xf32>
    %exp3A_51 = math.exp %mul3A_48 : vector<160x128xf32>
    %mul3A_52 = arith.mulf %sub3A_28, %exp3A_51 : vector<160x128xf32>
    %mul3A_53 = arith.constant 5.000000e-01 : f32
    %mul3A_54 = vector.broadcast %mul3A_53 : f32 to vector<160x128xf32>
    %mul3A_55 = arith.mulf %mul3A_52, %mul3A_54 : vector<160x128xf32>
    %sub3A_56 = arith.subf %add3A_50, %mul3A_55 : vector<160x128xf32>
    %mul3A_57 = arith.constant 5.000000e-01 : f32
    %mul3A_58 = vector.broadcast %mul3A_57 : f32 to vector<160x128xf32>
    %mul3A_59 = arith.mulf %mul3A_52, %mul3A_58 : vector<160x128xf32>
    %add3A_60 = arith.addf %add3A_50, %mul3A_59 : vector<160x128xf32>
    %get3A_61 = arith.constant 0 : index
    %get3A_62 = arith.constant 0 : index
    %get3A_63 = arith.constant 0 : index
    %get3A_64 = vector.load %arg5[%get3A_61, %get3A_62, %get3A_63] : memref<2x160x128xf32, #tpu.memory_space<vmem>>, vector<1x160x128xf32>
    %get3A_65 = vector.shape_cast %get3A_64 : vector<1x160x128xf32> to vector<160x128xf32>
    %get3A_66 = arith.constant 0 : index
    %get3A_67 = arith.constant 0 : index
    %get3A_68 = arith.constant 0 : index
    %get3A_69 = vector.load %arg7[%get3A_66, %get3A_67, %get3A_68] : memref<2x160x128xf32, #tpu.memory_space<vmem>>, vector<1x160x128xf32>
    %get3A_70 = vector.shape_cast %get3A_69 : vector<1x160x128xf32> to vector<160x128xf32>
    %ge3A = arith.constant 0.699999988 : f32
    %ge3A_71 = vector.broadcast %ge3A : f32 to vector<160x128xf32>
    %ge3A_72 = arith.cmpf oge, %div3A, %ge3A_71 : vector<160x128xf32>
    %lt3A = arith.constant 20000 : i32
    %lt3A_73 = vector.broadcast %lt3A : i32 to vector<160x128xi32>
    %lt3A_74 = arith.cmpi slt, %add3A, %lt3A_73 : vector<160x128xi32>
    %and3A = arith.andi %ge3A_72, %lt3A_74 : vector<160x128xi1>
    %jit3A = arith.constant -1.000000e+30 : f32
    %broadcast_in_dim3A = vector.broadcast %jit3A : f32 to vector<160x128xf32>
    %select_n3A = arith.select %and3A, %div3A, %broadcast_in_dim3A : vector<160x128xi1>, vector<160x128xf32>
    %sub3A_75 = arith.subf %add3A_60, %sub3A_56 : vector<160x128xf32>
    %max3A_76 = arith.constant 0.000000e+00 : f32
    %max3A_77 = vector.broadcast %max3A_76 : f32 to vector<160x128xf32>
    %max3A_78 = arith.maximumf %max3A_77, %sub3A_75 : vector<160x128xf32>
    %sub3A_79 = arith.subf %get3A_70, %get3A_65 : vector<160x128xf32>
    %max3A_80 = arith.constant 0.000000e+00 : f32
    %max3A_81 = vector.broadcast %max3A_80 : f32 to vector<160x128xf32>
    %max3A_82 = arith.maximumf %max3A_81, %sub3A_79 : vector<160x128xf32>
    %mul3A_83 = arith.mulf %max3A_78, %max3A_82 : vector<160x128xf32>
    %swap3A = arith.constant 0 : index
    %swap3A_84 = arith.constant 0 : index
    %swap3A_85 = arith.constant 0 : index
    %swap3A_86 = vector.load %arg9[%swap3A, %swap3A_84, %swap3A_85] : memref<2x160x128xf32, #tpu.memory_space<vmem>>, vector<1x160x128xf32>
    %swap3A_87 = vector.shape_cast %swap3A_86 : vector<1x160x128xf32> to vector<160x128xf32>
    %swap3A_88 = vector.shape_cast %select_n3A : vector<160x128xf32> to vector<1x160x128xf32>
    tpu.vector_store %arg9[%swap3A, %swap3A_84, %swap3A_85], %swap3A_88 {strides = array<i32>} : memref<2x160x128xf32, #tpu.memory_space<vmem>>, vector<1x160x128xf32>,
    %swap3A_89 = arith.constant 0 : index
    %swap3A_90 = arith.constant 0 : index
    %swap3A_91 = arith.constant 0 : index
    %swap3A_92 = vector.load %arg10[%swap3A_89, %swap3A_90, %swap3A_91] : memref<2x160x128xf32, #tpu.memory_space<vmem>>, vector<1x160x128xf32>
    %swap3A_93 = vector.shape_cast %swap3A_92 : vector<1x160x128xf32> to vector<160x128xf32>
    %swap3A_94 = vector.shape_cast %sub3A_56 : vector<160x128xf32> to vector<1x160x128xf32>
    tpu.vector_store %arg10[%swap3A_89, %swap3A_90, %swap3A_91], %swap3A_94 {strides = array<i32>} : memref<2x160x128xf32, #tpu.memory_space<vmem>>, vector<1x160x128xf32>,
    %swap3A_95 = arith.constant 0 : index
    %swap3A_96 = arith.constant 0 : index
    %swap3A_97 = arith.constant 0 : index
    %swap3A_98 = vector.load %arg11[%swap3A_95, %swap3A_96, %swap3A_97] : memref<2x160x128xf32, #tpu.memory_space<vmem>>, vector<1x160x128xf32>
    %swap3A_99 = vector.shape_cast %swap3A_98 : vector<1x160x128xf32> to vector<160x128xf32>
    %swap3A_100 = vector.shape_cast %add3A_60 : vector<160x128xf32> to vector<1x160x128xf32>
    tpu.vector_store %arg11[%swap3A_95, %swap3A_96, %swap3A_97], %swap3A_100 {strides = array<i32>} : memref<2x160x128xf32, #tpu.memory_space<vmem>>, vector<1x160x128xf32>,
    %swap3A_101 = arith.constant 0 : index
    %swap3A_102 = arith.constant 0 : index
    %swap3A_103 = arith.constant 0 : index
    %swap3A_104 = vector.load %arg12[%swap3A_101, %swap3A_102, %swap3A_103] : memref<2x160x128xf32, #tpu.memory_space<vmem>>, vector<1x160x128xf32>
    %swap3A_105 = vector.shape_cast %swap3A_104 : vector<1x160x128xf32> to vector<160x128xf32>
    %swap3A_106 = vector.shape_cast %mul3A_83 : vector<160x128xf32> to vector<1x160x128xf32>
    tpu.vector_store %arg12[%swap3A_101, %swap3A_102, %swap3A_103], %swap3A_106 {strides = array<i32>} : memref<2x160x128xf32, #tpu.memory_space<vmem>>, vector<1x160x128xf32>,
    %swap3A_107 = arith.constant 0 : index
    %swap3A_108 = arith.constant 0 : index
    %swap3A_109 = arith.constant 0 : index
    %swap3A_110 = vector.load %arg13[%swap3A_107, %swap3A_108, %swap3A_109] : memref<2x160x128xf32, #tpu.memory_space<vmem>>, vector<1x160x128xf32>
    %swap3A_111 = vector.shape_cast %swap3A_110 : vector<1x160x128xf32> to vector<160x128xf32>
    %swap3A_112 = vector.shape_cast %div3A : vector<160x128xf32> to vector<1x160x128xf32>
    tpu.vector_store %arg13[%swap3A_107, %swap3A_108, %swap3A_109], %swap3A_112 {strides = array<i32>} : memref<2x160x128xf32, #tpu.memory_space<vmem>>, vector<1x160x128xf32>,
    %get3A_113 = arith.constant 1 : index
    %get3A_114 = arith.constant 0 : index
    %get3A_115 = arith.constant 0 : index
    %get3A_116 = vector.load %arg2[%get3A_113, %get3A_114, %get3A_115] : memref<2x160x128xf32, #tpu.memory_space<vmem>>, vector<1x160x128xf32>
    %get3A_117 = vector.shape_cast %get3A_116 : vector<1x160x128xf32> to vector<160x128xf32>
    %get3A_118 = arith.constant 1 : index
    %get3A_119 = arith.constant 0 : index
    %get3A_120 = arith.constant 0 : index
    %get3A_121 = vector.load %arg3[%get3A_118, %get3A_119, %get3A_120] : memref<2x160x128xf32, #tpu.memory_space<vmem>>, vector<1x160x128xf32>
    %get3A_122 = vector.shape_cast %get3A_121 : vector<1x160x128xf32> to vector<160x128xf32>
    %max3A_123 = arith.maximumf %get3A_117, %get3A_122 : vector<160x128xf32>
    %sub3A_124 = arith.subf %get3A_117, %max3A_123 : vector<160x128xf32>
    %exp3A_125 = math.exp %sub3A_124 : vector<160x128xf32>
    %sub3A_126 = arith.subf %get3A_122, %max3A_123 : vector<160x128xf32>
    %exp3A_127 = math.exp %sub3A_126 : vector<160x128xf32>
    %add3A_128 = arith.addf %exp3A_125, %exp3A_127 : vector<160x128xf32>
    %div3A_129 = arith.divf %exp3A_127, %add3A_128 : vector<160x128xf32>
    %get3A_130 = arith.constant 1 : index
    %get3A_131 = arith.constant 0 : index
    %get3A_132 = arith.constant 0 : index
    %get3A_133 = vector.load %arg4[%get3A_130, %get3A_131, %get3A_132] : memref<2x160x128xf32, #tpu.memory_space<vmem>>, vector<1x160x128xf32>
    %get3A_134 = vector.shape_cast %get3A_133 : vector<1x160x128xf32> to vector<160x128xf32>
    %get3A_135 = arith.constant 1 : index
    %get3A_136 = arith.constant 0 : index
    %get3A_137 = arith.constant 0 : index
    %get3A_138 = vector.load %arg6[%get3A_135, %get3A_136, %get3A_137] : memref<2x160x128xf32, #tpu.memory_space<vmem>>, vector<1x160x128xf32>
    %get3A_139 = vector.shape_cast %get3A_138 : vector<1x160x128xf32> to vector<160x128xf32>
    %sub3A_140 = arith.subf %get3A_139, %get3A_134 : vector<160x128xf32>
    %add3A_141 = arith.addf %get3A_139, %get3A_134 : vector<160x128xf32>
    %mul3A_142 = arith.constant 5.000000e-01 : f32
    %mul3A_143 = vector.broadcast %mul3A_142 : f32 to vector<160x128xf32>
    %mul3A_144 = arith.mulf %add3A_141, %mul3A_143 : vector<160x128xf32>
    %get3A_145 = arith.constant 1 : index
    %get3A_146 = arith.constant 0 : index
    %get3A_147 = arith.constant 0 : index
    %get3A_148 = vector.load %arg0[%get3A_145, %get3A_146, %get3A_147] : memref<2x160x128xf32, #tpu.memory_space<vmem>>, vector<1x160x128xf32>
    %get3A_149 = vector.shape_cast %get3A_148 : vector<1x160x128xf32> to vector<160x128xf32>
    %mul3A_150 = arith.constant 1.000000e-01 : f32
    %mul3A_151 = vector.broadcast %mul3A_150 : f32 to vector<160x128xf32>
    %mul3A_152 = arith.mulf %get3A_149, %mul3A_151 : vector<160x128xf32>
    %get3A_153 = arith.constant 1 : index
    %get3A_154 = arith.constant 0 : index
    %get3A_155 = arith.constant 0 : index
    %get3A_156 = vector.load %arg1[%get3A_153, %get3A_154, %get3A_155] : memref<2x160x128xf32, #tpu.memory_space<vmem>>, vector<1x160x128xf32>
    %get3A_157 = vector.shape_cast %get3A_156 : vector<1x160x128xf32> to vector<160x128xf32>
    %mul3A_158 = arith.constant 2.000000e-01 : f32
    %mul3A_159 = vector.broadcast %mul3A_158 : f32 to vector<160x128xf32>
    %mul3A_160 = arith.mulf %get3A_157, %mul3A_159 : vector<160x128xf32>
    %mul3A_161 = arith.mulf %mul3A_152, %sub3A_140 : vector<160x128xf32>
    %add3A_162 = arith.addf %mul3A_144, %mul3A_161 : vector<160x128xf32>
    %exp3A_163 = math.exp %mul3A_160 : vector<160x128xf32>
    %mul3A_164 = arith.mulf %sub3A_140, %exp3A_163 : vector<160x128xf32>
    %mul3A_165 = arith.constant 5.000000e-01 : f32
    %mul3A_166 = vector.broadcast %mul3A_165 : f32 to vector<160x128xf32>
    %mul3A_167 = arith.mulf %mul3A_164, %mul3A_166 : vector<160x128xf32>
    %sub3A_168 = arith.subf %add3A_162, %mul3A_167 : vector<160x128xf32>
    %mul3A_169 = arith.constant 5.000000e-01 : f32
    %mul3A_170 = vector.broadcast %mul3A_169 : f32 to vector<160x128xf32>
    %mul3A_171 = arith.mulf %mul3A_164, %mul3A_170 : vector<160x128xf32>
    %add3A_172 = arith.addf %add3A_162, %mul3A_171 : vector<160x128xf32>
    %get3A_173 = arith.constant 1 : index
    %get3A_174 = arith.constant 0 : index
    %get3A_175 = arith.constant 0 : index
    %get3A_176 = vector.load %arg5[%get3A_173, %get3A_174, %get3A_175] : memref<2x160x128xf32, #tpu.memory_space<vmem>>, vector<1x160x128xf32>
    %get3A_177 = vector.shape_cast %get3A_176 : vector<1x160x128xf32> to vector<160x128xf32>
    %get3A_178 = arith.constant 1 : index
    %get3A_179 = arith.constant 0 : index
    %get3A_180 = arith.constant 0 : index
    %get3A_181 = vector.load %arg7[%get3A_178, %get3A_179, %get3A_180] : memref<2x160x128xf32, #tpu.memory_space<vmem>>, vector<1x160x128xf32>
    %get3A_182 = vector.shape_cast %get3A_181 : vector<1x160x128xf32> to vector<160x128xf32>
    %ge3A_183 = arith.constant 0.699999988 : f32
    %ge3A_184 = vector.broadcast %ge3A_183 : f32 to vector<160x128xf32>
    %ge3A_185 = arith.cmpf oge, %div3A_129, %ge3A_184 : vector<160x128xf32>
    %lt3A_186 = arith.constant 20000 : i32
    %lt3A_187 = vector.broadcast %lt3A_186 : i32 to vector<160x128xi32>
    %lt3A_188 = arith.cmpi slt, %add3A, %lt3A_187 : vector<160x128xi32>
    %and3A_189 = arith.andi %ge3A_185, %lt3A_188 : vector<160x128xi1>
    %jit3A_190 = arith.constant -1.000000e+30 : f32
    %broadcast_in_dim3A_191 = vector.broadcast %jit3A_190 : f32 to vector<160x128xf32>
    %select_n3A_192 = arith.select %and3A_189, %div3A_129, %broadcast_in_dim3A_191 : vector<160x128xi1>, vector<160x128xf32>
    %sub3A_193 = arith.subf %add3A_172, %sub3A_168 : vector<160x128xf32>
    %max3A_194 = arith.constant 0.000000e+00 : f32
    %max3A_195 = vector.broadcast %max3A_194 : f32 to vector<160x128xf32>
    %max3A_196 = arith.maximumf %max3A_195, %sub3A_193 : vector<160x128xf32>
    %sub3A_197 = arith.subf %get3A_182, %get3A_177 : vector<160x128xf32>
    %max3A_198 = arith.constant 0.000000e+00 : f32
    %max3A_199 = vector.broadcast %max3A_198 : f32 to vector<160x128xf32>
    %max3A_200 = arith.maximumf %max3A_199, %sub3A_197 : vector<160x128xf32>
    %mul3A_201 = arith.mulf %max3A_196, %max3A_200 : vector<160x128xf32>
    %swap3A_202 = arith.constant 1 : index
    %swap3A_203 = arith.constant 0 : index
    %swap3A_204 = arith.constant 0 : index
    %swap3A_205 = vector.load %arg9[%swap3A_202, %swap3A_203, %swap3A_204] : memref<2x160x128xf32, #tpu.memory_space<vmem>>, vector<1x160x128xf32>
    %swap3A_206 = vector.shape_cast %swap3A_205 : vector<1x160x128xf32> to vector<160x128xf32>
    %swap3A_207 = vector.shape_cast %select_n3A_192 : vector<160x128xf32> to vector<1x160x128xf32>
    tpu.vector_store %arg9[%swap3A_202, %swap3A_203, %swap3A_204], %swap3A_207 {strides = array<i32>} : memref<2x160x128xf32, #tpu.memory_space<vmem>>, vector<1x160x128xf32>,
    %swap3A_208 = arith.constant 1 : index
    %swap3A_209 = arith.constant 0 : index
    %swap3A_210 = arith.constant 0 : index
    %swap3A_211 = vector.load %arg10[%swap3A_208, %swap3A_209, %swap3A_210] : memref<2x160x128xf32, #tpu.memory_space<vmem>>, vector<1x160x128xf32>
    %swap3A_212 = vector.shape_cast %swap3A_211 : vector<1x160x128xf32> to vector<160x128xf32>
    %swap3A_213 = vector.shape_cast %sub3A_168 : vector<160x128xf32> to vector<1x160x128xf32>
    tpu.vector_store %arg10[%swap3A_208, %swap3A_209, %swap3A_210], %swap3A_213 {strides = array<i32>} : memref<2x160x128xf32, #tpu.memory_space<vmem>>, vector<1x160x128xf32>,
    %swap3A_214 = arith.constant 1 : index
    %swap3A_215 = arith.constant 0 : index
    %swap3A_216 = arith.constant 0 : index
    %swap3A_217 = vector.load %arg11[%swap3A_214, %swap3A_215, %swap3A_216] : memref<2x160x128xf32, #tpu.memory_space<vmem>>, vector<1x160x128xf32>
    %swap3A_218 = vector.shape_cast %swap3A_217 : vector<1x160x128xf32> to vector<160x128xf32>
    %swap3A_219 = vector.shape_cast %add3A_172 : vector<160x128xf32> to vector<1x160x128xf32>
    tpu.vector_store %arg11[%swap3A_214, %swap3A_215, %swap3A_216], %swap3A_219 {strides = array<i32>} : memref<2x160x128xf32, #tpu.memory_space<vmem>>, vector<1x160x128xf32>,
    %swap3A_220 = arith.constant 1 : index
    %swap3A_221 = arith.constant 0 : index
    %swap3A_222 = arith.constant 0 : index
    %swap3A_223 = vector.load %arg12[%swap3A_220, %swap3A_221, %swap3A_222] : memref<2x160x128xf32, #tpu.memory_space<vmem>>, vector<1x160x128xf32>
    %swap3A_224 = vector.shape_cast %swap3A_223 : vector<1x160x128xf32> to vector<160x128xf32>
    %swap3A_225 = vector.shape_cast %mul3A_201 : vector<160x128xf32> to vector<1x160x128xf32>
    tpu.vector_store %arg12[%swap3A_220, %swap3A_221, %swap3A_222], %swap3A_225 {strides = array<i32>} : memref<2x160x128xf32, #tpu.memory_space<vmem>>, vector<1x160x128xf32>,
    %swap3A_226 = arith.constant 1 : index
    %swap3A_227 = arith.constant 0 : index
    %swap3A_228 = arith.constant 0 : index
    %swap3A_229 = vector.load %arg13[%swap3A_226, %swap3A_227, %swap3A_228] : memref<2x160x128xf32, #tpu.memory_space<vmem>>, vector<1x160x128xf32>
    %swap3A_230 = vector.shape_cast %swap3A_229 : vector<1x160x128xf32> to vector<160x128xf32>
    %swap3A_231 = vector.shape_cast %div3A_129 : vector<160x128xf32> to vector<1x160x128xf32>
    tpu.vector_store %arg13[%swap3A_226, %swap3A_227, %swap3A_228], %swap3A_231 {strides = array<i32>} : memref<2x160x128xf32, #tpu.memory_space<vmem>>, vector<1x160x128xf32>,
    %scan3A = arith.constant 0 : i32
    %scan3A_232 = arith.constant 500 : i32
    %scan3A_233 = arith.addi %scan3A, %scan3A_232 : i32
    %scan3A_234 = arith.constant 4 : i32
    scf.for %scan3A_236 = %scan3A to %scan3A_233 step %scan3A_234  : i32 {
      %get3A_237 = arith.constant 0 : index
      %get3A_238 = arith.constant 0 : index
      %get3A_239 = arith.constant 0 : index
      %get3A_240 = vector.load %arg9[%get3A_237, %get3A_238, %get3A_239] : memref<2x160x128xf32, #tpu.memory_space<vmem>>, vector<1x160x128xf32>
      %get3A_241 = vector.shape_cast %get3A_240 : vector<1x160x128xf32> to vector<160x128xf32>
      %get3A_242 = arith.constant 1 : index
      %get3A_243 = arith.constant 0 : index
      %get3A_244 = arith.constant 0 : index
      %get3A_245 = vector.load %arg9[%get3A_242, %get3A_243, %get3A_244] : memref<2x160x128xf32, #tpu.memory_space<vmem>>, vector<1x160x128xf32>
      %get3A_246 = vector.shape_cast %get3A_245 : vector<1x160x128xf32> to vector<160x128xf32>
      %reduce_max3A = arith.constant dense<0xFF800000> : vector<128xf32>
      %reduce_max3A_247 = vector.multi_reduction <maximumf>, %get3A_241, %reduce_max3A [0] : vector<160x128xf32> to vector<128xf32>
      %broadcast_in_dim3A_248 = vector.shape_cast %reduce_max3A_247 : vector<128xf32> to vector<1x128xf32>
      %reduce_max3A_249 = arith.constant dense<0xFF800000> : vector<128xf32>
      %reduce_max3A_250 = vector.multi_reduction <maximumf>, %get3A_246, %reduce_max3A_249 [0] : vector<160x128xf32> to vector<128xf32>
      %broadcast_in_dim3A_251 = vector.shape_cast %reduce_max3A_250 : vector<128xf32> to vector<1x128xf32>
      %reduce_max3A_252 = vector.shape_cast %broadcast_in_dim3A_248 : vector<1x128xf32> to vector<1x1x128xf32>
      %reduce_max3A_253 = arith.constant dense<0xFF800000> : vector<1xf32>
      %reduce_max3A_254 = vector.multi_reduction <maximumf>, %reduce_max3A_252, %reduce_max3A_253 [1, 2] : vector<1x1x128xf32> to vector<1xf32>
      %reduce_max3A_255 = vector.shape_cast %reduce_max3A_254 : vector<1xf32> to vector<1x1x1xf32>
      %reduce_max3A_256 = vector.extract %reduce_max3A_255[0, 0, 0] : f32 from vector<1x1x1xf32>
      %reduce_max3A_257 = vector.shape_cast %broadcast_in_dim3A_251 : vector<1x128xf32> to vector<1x1x128xf32>
      %reduce_max3A_258 = arith.constant dense<0xFF800000> : vector<1xf32>
      %reduce_max3A_259 = vector.multi_reduction <maximumf>, %reduce_max3A_257, %reduce_max3A_258 [1, 2] : vector<1x1x128xf32> to vector<1xf32>
      %reduce_max3A_260 = vector.shape_cast %reduce_max3A_259 : vector<1xf32> to vector<1x1x1xf32>
      %reduce_max3A_261 = vector.extract %reduce_max3A_260[0, 0, 0] : f32 from vector<1x1x1xf32>
      %eq3A = vector.broadcast %broadcast_in_dim3A_248 : vector<1x128xf32> to vector<160x128xf32>
      %eq3A_262 = arith.cmpf oeq, %get3A_241, %eq3A : vector<160x128xf32>
      %jit3A_263 = arith.constant 1.600000e+02 : f32
      %broadcast_in_dim3A_264 = vector.broadcast %jit3A_263 : f32 to vector<160x128xf32>
      %select_n3A_265 = arith.select %eq3A_262, %convert_element_type3A_4, %broadcast_in_dim3A_264 : vector<160x128xi1>, vector<160x128xf32>
      %reduce_min3A = arith.constant dense<0x7F800000> : vector<128xf32>
      %reduce_min3A_266 = vector.multi_reduction <minimumf>, %select_n3A_265, %reduce_min3A [0] : vector<160x128xf32> to vector<128xf32>
      %broadcast_in_dim3A_267 = vector.shape_cast %reduce_min3A_266 : vector<128xf32> to vector<1x128xf32>
      %eq3A_268 = vector.broadcast %broadcast_in_dim3A_251 : vector<1x128xf32> to vector<160x128xf32>
      %eq3A_269 = arith.cmpf oeq, %get3A_246, %eq3A_268 : vector<160x128xf32>
      %jit3A_270 = arith.constant 1.600000e+02 : f32
      %broadcast_in_dim3A_271 = vector.broadcast %jit3A_270 : f32 to vector<160x128xf32>
      %select_n3A_272 = arith.select %eq3A_269, %convert_element_type3A_4, %broadcast_in_dim3A_271 : vector<160x128xi1>, vector<160x128xf32>
      %reduce_min3A_273 = arith.constant dense<0x7F800000> : vector<128xf32>
      %reduce_min3A_274 = vector.multi_reduction <minimumf>, %select_n3A_272, %reduce_min3A_273 [0] : vector<160x128xf32> to vector<128xf32>
      %broadcast_in_dim3A_275 = vector.shape_cast %reduce_min3A_274 : vector<128xf32> to vector<1x128xf32>
      %mul3A_276 = arith.constant 1.280000e+02 : f32
      %mul3A_277 = vector.broadcast %mul3A_276 : f32 to vector<1x128xf32>
      %mul3A_278 = arith.mulf %broadcast_in_dim3A_267, %mul3A_277 : vector<1x128xf32>
      %add3A_279 = arith.addf %mul3A_278, %convert_element_type3A_5 : vector<1x128xf32>
      %mul3A_280 = arith.constant 1.280000e+02 : f32
      %mul3A_281 = vector.broadcast %mul3A_280 : f32 to vector<1x128xf32>
      %mul3A_282 = arith.mulf %broadcast_in_dim3A_275, %mul3A_281 : vector<1x128xf32>
      %add3A_283 = arith.addf %mul3A_282, %convert_element_type3A_5 : vector<1x128xf32>
      %eq3A_284 = vector.broadcast %reduce_max3A_256 : f32 to vector<1x128xf32>
      %eq3A_285 = arith.cmpf oeq, %broadcast_in_dim3A_248, %eq3A_284 : vector<1x128xf32>
      %jit3A_286 = arith.constant 2.048000e+04 : f32
      %broadcast_in_dim3A_287 = vector.broadcast %jit3A_286 : f32 to vector<1x128xf32>
      %select_n3A_288 = arith.select %eq3A_285, %add3A_279, %broadcast_in_dim3A_287 : vector<1x128xi1>, vector<1x128xf32>
      %reduce_min3A_289 = vector.shape_cast %select_n3A_288 : vector<1x128xf32> to vector<1x1x128xf32>
      %reduce_min3A_290 = arith.constant dense<0x7F800000> : vector<1xf32>
      %reduce_min3A_291 = vector.multi_reduction <minimumf>, %reduce_min3A_289, %reduce_min3A_290 [1, 2] : vector<1x1x128xf32> to vector<1xf32>
      %reduce_min3A_292 = vector.shape_cast %reduce_min3A_291 : vector<1xf32> to vector<1x1x1xf32>
      %reduce_min3A_293 = vector.extract %reduce_min3A_292[0, 0, 0] : f32 from vector<1x1x1xf32>
      %eq3A_294 = vector.broadcast %reduce_max3A_261 : f32 to vector<1x128xf32>
      %eq3A_295 = arith.cmpf oeq, %broadcast_in_dim3A_251, %eq3A_294 : vector<1x128xf32>
      %jit3A_296 = arith.constant 2.048000e+04 : f32
      %broadcast_in_dim3A_297 = vector.broadcast %jit3A_296 : f32 to vector<1x128xf32>
      %select_n3A_298 = arith.select %eq3A_295, %add3A_283, %broadcast_in_dim3A_297 : vector<1x128xi1>, vector<1x128xf32>
      %reduce_min3A_299 = vector.shape_cast %select_n3A_298 : vector<1x128xf32> to vector<1x1x128xf32>
      %reduce_min3A_300 = arith.constant dense<0x7F800000> : vector<1xf32>
      %reduce_min3A_301 = vector.multi_reduction <minimumf>, %reduce_min3A_299, %reduce_min3A_300 [1, 2] : vector<1x1x128xf32> to vector<1xf32>
      %reduce_min3A_302 = vector.shape_cast %reduce_min3A_301 : vector<1xf32> to vector<1x1x1xf32>
      %reduce_min3A_303 = vector.extract %reduce_min3A_302[0, 0, 0] : f32 from vector<1x1x1xf32>
      %convert_element_type3A_304 = arith.fptosi %reduce_min3A_293 : f32 to i32
      %convert_element_type3A_305 = arith.fptosi %reduce_min3A_303 : f32 to i32
      %jit3A_306 = arith.constant 128 : i32
      %div3A_307 = arith.divsi %convert_element_type3A_304, %jit3A_306 : i32
      %sign3A = arith.constant 0 : i32
      %sign3A_308 = arith.cmpi sgt, %convert_element_type3A_304, %sign3A : i32
      %sign3A_309 = arith.extui %sign3A_308 : i1 to i32
      %sign3A_310 = arith.constant 0 : i32
      %sign3A_311 = arith.cmpi slt, %convert_element_type3A_304, %sign3A_310 : i32
      %sign3A_312 = arith.extui %sign3A_311 : i1 to i32
      %sign3A_313 = arith.subi %sign3A_309, %sign3A_312 : i32
      %sign3A_314 = arith.constant 0 : i32
      %sign3A_315 = arith.cmpi sgt, %jit3A_306, %sign3A_314 : i32
      %sign3A_316 = arith.extui %sign3A_315 : i1 to i32
      %sign3A_317 = arith.constant 0 : i32
      %sign3A_318 = arith.cmpi slt, %jit3A_306, %sign3A_317 : i32
      %sign3A_319 = arith.extui %sign3A_318 : i1 to i32
      %sign3A_320 = arith.subi %sign3A_316, %sign3A_319 : i32
      %ne3A = arith.cmpi ne, %sign3A_313, %sign3A_320 : i32
      %rem3A = arith.remsi %convert_element_type3A_304, %jit3A_306 : i32
      %ne3A_321 = arith.constant 0 : i32
      %ne3A_322 = arith.cmpi ne, %rem3A, %ne3A_321 : i32
      %and3A_323 = arith.andi %ne3A, %ne3A_322 : i1
      %sub3A_324 = arith.constant 1 : i32
      %sub3A_325 = arith.subi %div3A_307, %sub3A_324 : i32
      %select_n3A_326 = arith.select %and3A_323, %sub3A_325, %div3A_307 : i32
      %jit3A_327 = arith.constant 128 : i32
      %div3A_328 = arith.divsi %convert_element_type3A_305, %jit3A_327 : i32
      %sign3A_329 = arith.constant 0 : i32
      %sign3A_330 = arith.cmpi sgt, %convert_element_type3A_305, %sign3A_329 : i32
      %sign3A_331 = arith.extui %sign3A_330 : i1 to i32
      %sign3A_332 = arith.constant 0 : i32
      %sign3A_333 = arith.cmpi slt, %convert_element_type3A_305, %sign3A_332 : i32
      %sign3A_334 = arith.extui %sign3A_333 : i1 to i32
      %sign3A_335 = arith.subi %sign3A_331, %sign3A_334 : i32
      %sign3A_336 = arith.constant 0 : i32
      %sign3A_337 = arith.cmpi sgt, %jit3A_327, %sign3A_336 : i32
      %sign3A_338 = arith.extui %sign3A_337 : i1 to i32
      %sign3A_339 = arith.constant 0 : i32
      %sign3A_340 = arith.cmpi slt, %jit3A_327, %sign3A_339 : i32
      %sign3A_341 = arith.extui %sign3A_340 : i1 to i32
      %sign3A_342 = arith.subi %sign3A_338, %sign3A_341 : i32
      %ne3A_343 = arith.cmpi ne, %sign3A_335, %sign3A_342 : i32
      %rem3A_344 = arith.remsi %convert_element_type3A_305, %jit3A_327 : i32
      %ne3A_345 = arith.constant 0 : i32
      %ne3A_346 = arith.cmpi ne, %rem3A_344, %ne3A_345 : i32
      %and3A_347 = arith.andi %ne3A_343, %ne3A_346 : i1
      %sub3A_348 = arith.constant 1 : i32
      %sub3A_349 = arith.subi %div3A_328, %sub3A_348 : i32
      %select_n3A_350 = arith.select %and3A_347, %sub3A_349, %div3A_328 : i32
      %mul3A_351 = arith.constant 128 : i32
      %mul3A_352 = arith.muli %select_n3A_326, %mul3A_351 : i32
      %sub3A_353 = arith.subi %convert_element_type3A_304, %mul3A_352 : i32
      %mul3A_354 = arith.constant 128 : i32
      %mul3A_355 = arith.muli %select_n3A_350, %mul3A_354 : i32
      %sub3A_356 = arith.subi %convert_element_type3A_305, %mul3A_355 : i32
      %eq3A_357 = vector.broadcast %sub3A_353 : i32 to vector<1x128xi32>
      %eq3A_358 = arith.cmpi eq, %iota3A_3, %eq3A_357 : vector<1x128xi32>
      %convert_element_type3A_359 = arith.extui %eq3A_358 : vector<1x128xi1> to vector<1x128xi32>
      %convert_element_type3A_360 = arith.sitofp %convert_element_type3A_359 : vector<1x128xi32> to vector<1x128xf32>
      %eq3A_361 = vector.broadcast %sub3A_356 : i32 to vector<1x128xi32>
      %eq3A_362 = arith.cmpi eq, %iota3A_3, %eq3A_361 : vector<1x128xi32>
      %convert_element_type3A_363 = arith.extui %eq3A_362 : vector<1x128xi1> to vector<1x128xi32>
      %convert_element_type3A_364 = arith.sitofp %convert_element_type3A_363 : vector<1x128xi32> to vector<1x128xf32>
      %get3A_365 = arith.constant 0 : index
      %get3A_366 = arith.index_cast %select_n3A_326 : i32 to index
      %get3A_367 = arith.constant 0 : index
      %get3A_368 = vector.load %arg10[%get3A_365, %get3A_366, %get3A_367] : memref<2x160x128xf32, #tpu.memory_space<vmem>>, vector<1x1x128xf32>
      %get3A_369 = vector.shape_cast %get3A_368 : vector<1x1x128xf32> to vector<1x128xf32>
      %get3A_370 = arith.constant 0 : index
      %get3A_371 = arith.index_cast %select_n3A_326 : i32 to index
      %get3A_372 = arith.constant 0 : index
      %get3A_373 = vector.load %arg5[%get3A_370, %get3A_371, %get3A_372] : memref<2x160x128xf32, #tpu.memory_space<vmem>>, vector<1x1x128xf32>
      %get3A_374 = vector.shape_cast %get3A_373 : vector<1x1x128xf32> to vector<1x128xf32>
      %get3A_375 = arith.constant 0 : index
      %get3A_376 = arith.index_cast %select_n3A_326 : i32 to index
      %get3A_377 = arith.constant 0 : index
      %get3A_378 = vector.load %arg11[%get3A_375, %get3A_376, %get3A_377] : memref<2x160x128xf32, #tpu.memory_space<vmem>>, vector<1x1x128xf32>
      %get3A_379 = vector.shape_cast %get3A_378 : vector<1x1x128xf32> to vector<1x128xf32>
      %get3A_380 = arith.constant 0 : index
      %get3A_381 = arith.index_cast %select_n3A_326 : i32 to index
      %get3A_382 = arith.constant 0 : index
      %get3A_383 = vector.load %arg7[%get3A_380, %get3A_381, %get3A_382] : memref<2x160x128xf32, #tpu.memory_space<vmem>>, vector<1x1x128xf32>
      %get3A_384 = vector.shape_cast %get3A_383 : vector<1x1x128xf32> to vector<1x128xf32>
      %get3A_385 = arith.constant 0 : index
      %get3A_386 = arith.index_cast %select_n3A_326 : i32 to index
      %get3A_387 = arith.constant 0 : index
      %get3A_388 = vector.load %arg13[%get3A_385, %get3A_386, %get3A_387] : memref<2x160x128xf32, #tpu.memory_space<vmem>>, vector<1x1x128xf32>
      %get3A_389 = vector.shape_cast %get3A_388 : vector<1x1x128xf32> to vector<1x128xf32>
      %get3A_390 = arith.constant 0 : index
      %get3A_391 = arith.index_cast %select_n3A_326 : i32 to index
      %get3A_392 = arith.constant 0 : index
      %get3A_393 = vector.load %arg2[%get3A_390, %get3A_391, %get3A_392] : memref<2x160x128xf32, #tpu.memory_space<vmem>>, vector<1x1x128xf32>
      %get3A_394 = vector.shape_cast %get3A_393 : vector<1x1x128xf32> to vector<1x128xf32>
      %get3A_395 = arith.constant 0 : index
      %get3A_396 = arith.index_cast %select_n3A_326 : i32 to index
      %get3A_397 = arith.constant 0 : index
      %get3A_398 = vector.load %arg3[%get3A_395, %get3A_396, %get3A_397] : memref<2x160x128xf32, #tpu.memory_space<vmem>>, vector<1x1x128xf32>
      %get3A_399 = vector.shape_cast %get3A_398 : vector<1x1x128xf32> to vector<1x128xf32>
      %concatenate3A = tpu.concatenate %get3A_369, %get3A_374, %get3A_379, %get3A_384, %get3A_389, %get3A_394, %get3A_399 in 0 : vector<1x128xf32>, vector<1x128xf32>, vector<1x128xf32>, vector<1x128xf32>, vector<1x128xf32>, vector<1x128xf32>, vector<1x128xf32> -> vector<7x128xf32>
      %get3A_400 = arith.constant 1 : index
      %get3A_401 = arith.index_cast %select_n3A_350 : i32 to index
      %get3A_402 = arith.constant 0 : index
      %get3A_403 = vector.load %arg10[%get3A_400, %get3A_401, %get3A_402] : memref<2x160x128xf32, #tpu.memory_space<vmem>>, vector<1x1x128xf32>
      %get3A_404 = vector.shape_cast %get3A_403 : vector<1x1x128xf32> to vector<1x128xf32>
      %get3A_405 = arith.constant 1 : index
      %get3A_406 = arith.index_cast %select_n3A_350 : i32 to index
      %get3A_407 = arith.constant 0 : index
      %get3A_408 = vector.load %arg5[%get3A_405, %get3A_406, %get3A_407] : memref<2x160x128xf32, #tpu.memory_space<vmem>>, vector<1x1x128xf32>
      %get3A_409 = vector.shape_cast %get3A_408 : vector<1x1x128xf32> to vector<1x128xf32>
      %get3A_410 = arith.constant 1 : index
      %get3A_411 = arith.index_cast %select_n3A_350 : i32 to index
      %get3A_412 = arith.constant 0 : index
      %get3A_413 = vector.load %arg11[%get3A_410, %get3A_411, %get3A_412] : memref<2x160x128xf32, #tpu.memory_space<vmem>>, vector<1x1x128xf32>
      %get3A_414 = vector.shape_cast %get3A_413 : vector<1x1x128xf32> to vector<1x128xf32>
      %get3A_415 = arith.constant 1 : index
      %get3A_416 = arith.index_cast %select_n3A_350 : i32 to index
      %get3A_417 = arith.constant 0 : index
      %get3A_418 = vector.load %arg7[%get3A_415, %get3A_416, %get3A_417] : memref<2x160x128xf32, #tpu.memory_space<vmem>>, vector<1x1x128xf32>
      %get3A_419 = vector.shape_cast %get3A_418 : vector<1x1x128xf32> to vector<1x128xf32>
      %get3A_420 = arith.constant 1 : index
      %get3A_421 = arith.index_cast %select_n3A_350 : i32 to index
      %get3A_422 = arith.constant 0 : index
      %get3A_423 = vector.load %arg13[%get3A_420, %get3A_421, %get3A_422] : memref<2x160x128xf32, #tpu.memory_space<vmem>>, vector<1x1x128xf32>
      %get3A_424 = vector.shape_cast %get3A_423 : vector<1x1x128xf32> to vector<1x128xf32>
      %get3A_425 = arith.constant 1 : index
      %get3A_426 = arith.index_cast %select_n3A_350 : i32 to index
      %get3A_427 = arith.constant 0 : index
      %get3A_428 = vector.load %arg2[%get3A_425, %get3A_426, %get3A_427] : memref<2x160x128xf32, #tpu.memory_space<vmem>>, vector<1x1x128xf32>
      %get3A_429 = vector.shape_cast %get3A_428 : vector<1x1x128xf32> to vector<1x128xf32>
      %get3A_430 = arith.constant 1 : index
      %get3A_431 = arith.index_cast %select_n3A_350 : i32 to index
      %get3A_432 = arith.constant 0 : index
      %get3A_433 = vector.load %arg3[%get3A_430, %get3A_431, %get3A_432] : memref<2x160x128xf32, #tpu.memory_space<vmem>>, vector<1x1x128xf32>
      %get3A_434 = vector.shape_cast %get3A_433 : vector<1x1x128xf32> to vector<1x128xf32>
      %concatenate3A_435 = tpu.concatenate %get3A_404, %get3A_409, %get3A_414, %get3A_419, %get3A_424, %get3A_429, %get3A_434 in 0 : vector<1x128xf32>, vector<1x128xf32>, vector<1x128xf32>, vector<1x128xf32>, vector<1x128xf32>, vector<1x128xf32>, vector<1x128xf32> -> vector<7x128xf32>
      %mul3A_436 = vector.broadcast %convert_element_type3A_360 : vector<1x128xf32> to vector<7x128xf32>
      %mul3A_437 = arith.mulf %concatenate3A, %mul3A_436 : vector<7x128xf32>
      %reduce_sum3A = arith.constant dense<0.000000e+00> : vector<7xf32>
      %reduce_sum3A_438 = vector.multi_reduction <add>, %mul3A_437, %reduce_sum3A [1] : vector<7x128xf32> to vector<7xf32>
      %broadcast_in_dim3A_439 = vector.shape_cast %reduce_sum3A_438 : vector<7xf32> to vector<7x1xf32>
      %mul3A_440 = vector.broadcast %convert_element_type3A_364 : vector<1x128xf32> to vector<7x128xf32>
      %mul3A_441 = arith.mulf %concatenate3A_435, %mul3A_440 : vector<7x128xf32>
      %reduce_sum3A_442 = arith.constant dense<0.000000e+00> : vector<7xf32>
      %reduce_sum3A_443 = vector.multi_reduction <add>, %mul3A_441, %reduce_sum3A_442 [1] : vector<7x128xf32> to vector<7xf32>
      %broadcast_in_dim3A_444 = vector.shape_cast %reduce_sum3A_443 : vector<7xf32> to vector<7x1xf32>
      %slice3A = vector.extract_strided_slice %broadcast_in_dim3A_439 {offsets = [0, 0], sizes = [1, 1], strides = [1, 1]} : vector<7x1xf32> to vector<1x1xf32>
      %slice3A_445 = vector.extract_strided_slice %broadcast_in_dim3A_439 {offsets = [1, 0], sizes = [1, 1], strides = [1, 1]} : vector<7x1xf32> to vector<1x1xf32>
      %slice3A_446 = vector.extract_strided_slice %broadcast_in_dim3A_439 {offsets = [2, 0], sizes = [1, 1], strides = [1, 1]} : vector<7x1xf32> to vector<1x1xf32>
      %slice3A_447 = vector.extract_strided_slice %broadcast_in_dim3A_439 {offsets = [3, 0], sizes = [1, 1], strides = [1, 1]} : vector<7x1xf32> to vector<1x1xf32>
      %slice3A_448 = vector.extract_strided_slice %broadcast_in_dim3A_439 {offsets = [4, 0], sizes = [1, 1], strides = [1, 1]} : vector<7x1xf32> to vector<1x1xf32>
      %slice3A_449 = vector.extract_strided_slice %broadcast_in_dim3A_439 {offsets = [5, 0], sizes = [1, 1], strides = [1, 1]} : vector<7x1xf32> to vector<1x1xf32>
      %slice3A_450 = vector.extract_strided_slice %broadcast_in_dim3A_439 {offsets = [6, 0], sizes = [1, 1], strides = [1, 1]} : vector<7x1xf32> to vector<1x1xf32>
      %get3A_451 = arith.constant 0 : index
      %get3A_452 = arith.constant 0 : index
      %get3A_453 = arith.constant 0 : index
      %get3A_454 = vector.load %arg10[%get3A_451, %get3A_452, %get3A_453] : memref<2x160x128xf32, #tpu.memory_space<vmem>>, vector<1x160x128xf32>
      %get3A_455 = vector.shape_cast %get3A_454 : vector<1x160x128xf32> to vector<160x128xf32>
      %get3A_456 = arith.constant 0 : index
      %get3A_457 = arith.constant 0 : index
      %get3A_458 = arith.constant 0 : index
      %get3A_459 = vector.load %arg11[%get3A_456, %get3A_457, %get3A_458] : memref<2x160x128xf32, #tpu.memory_space<vmem>>, vector<1x160x128xf32>
      %get3A_460 = vector.shape_cast %get3A_459 : vector<1x160x128xf32> to vector<160x128xf32>
      %get3A_461 = arith.constant 0 : index
      %get3A_462 = arith.constant 0 : index
      %get3A_463 = arith.constant 0 : index
      %get3A_464 = vector.load %arg5[%get3A_461, %get3A_462, %get3A_463] : memref<2x160x128xf32, #tpu.memory_space<vmem>>, vector<1x160x128xf32>
      %get3A_465 = vector.shape_cast %get3A_464 : vector<1x160x128xf32> to vector<160x128xf32>
      %get3A_466 = arith.constant 0 : index
      %get3A_467 = arith.constant 0 : index
      %get3A_468 = arith.constant 0 : index
      %get3A_469 = vector.load %arg7[%get3A_466, %get3A_467, %get3A_468] : memref<2x160x128xf32, #tpu.memory_space<vmem>>, vector<1x160x128xf32>
      %get3A_470 = vector.shape_cast %get3A_469 : vector<1x160x128xf32> to vector<160x128xf32>
      %max3A_471 = vector.broadcast %slice3A : vector<1x1xf32> to vector<160x128xf32>
      %max3A_472 = arith.maximumf %max3A_471, %get3A_455 : vector<160x128xf32>
      %max3A_473 = vector.broadcast %slice3A_445 : vector<1x1xf32> to vector<160x128xf32>
      %max3A_474 = arith.maximumf %max3A_473, %get3A_465 : vector<160x128xf32>
      %min3A = vector.broadcast %slice3A_446 : vector<1x1xf32> to vector<160x128xf32>
      %min3A_475 = arith.minimumf %min3A, %get3A_460 : vector<160x128xf32>
      %min3A_476 = vector.broadcast %slice3A_447 : vector<1x1xf32> to vector<160x128xf32>
      %min3A_477 = arith.minimumf %min3A_476, %get3A_470 : vector<160x128xf32>
      %sub3A_478 = arith.subf %min3A_475, %max3A_472 : vector<160x128xf32>
      %max3A_479 = arith.constant 0.000000e+00 : f32
      %max3A_480 = vector.broadcast %max3A_479 : f32 to vector<160x128xf32>
      %max3A_481 = arith.maximumf %max3A_480, %sub3A_478 : vector<160x128xf32>
      %sub3A_482 = arith.subf %min3A_477, %max3A_474 : vector<160x128xf32>
      %max3A_483 = arith.constant 0.000000e+00 : f32
      %max3A_484 = vector.broadcast %max3A_483 : f32 to vector<160x128xf32>
      %max3A_485 = arith.maximumf %max3A_484, %sub3A_482 : vector<160x128xf32>
      %mul3A_486 = arith.mulf %max3A_481, %max3A_485 : vector<160x128xf32>
      %sub3A_487 = arith.subf %slice3A_446, %slice3A : vector<1x1xf32>
      %max3A_488 = arith.constant 0.000000e+00 : f32
      %max3A_489 = vector.broadcast %max3A_488 : f32 to vector<1x1xf32>
      %max3A_490 = arith.maximumf %max3A_489, %sub3A_487 : vector<1x1xf32>
      %sub3A_491 = arith.subf %slice3A_447, %slice3A_445 : vector<1x1xf32>
      %max3A_492 = arith.constant 0.000000e+00 : f32
      %max3A_493 = vector.broadcast %max3A_492 : f32 to vector<1x1xf32>
      %max3A_494 = arith.maximumf %max3A_493, %sub3A_491 : vector<1x1xf32>
      %mul3A_495 = arith.mulf %max3A_490, %max3A_494 : vector<1x1xf32>
      %get3A_496 = arith.constant 0 : index
      %get3A_497 = arith.constant 0 : index
      %get3A_498 = arith.constant 0 : index
      %get3A_499 = vector.load %arg12[%get3A_496, %get3A_497, %get3A_498] : memref<2x160x128xf32, #tpu.memory_space<vmem>>, vector<1x160x128xf32>
      %get3A_500 = vector.shape_cast %get3A_499 : vector<1x160x128xf32> to vector<160x128xf32>
      %add3A_501 = vector.broadcast %mul3A_495 : vector<1x1xf32> to vector<160x128xf32>
      %add3A_502 = arith.addf %add3A_501, %get3A_500 : vector<160x128xf32>
      %sub3A_503 = arith.subf %add3A_502, %mul3A_486 : vector<160x128xf32>
      %gt3A = arith.constant 0.000000e+00 : f32
      %gt3A_504 = vector.broadcast %gt3A : f32 to vector<160x128xf32>
      %gt3A_505 = arith.cmpf ogt, %sub3A_503, %gt3A_504 : vector<160x128xf32>
      %div3A_506 = arith.divf %mul3A_486, %sub3A_503 : vector<160x128xf32>
      %jit3A_507 = arith.constant 0.000000e+00 : f32
      %broadcast_in_dim3A_508 = vector.broadcast %jit3A_507 : f32 to vector<160x128xf32>
      %select_n3A_509 = arith.select %gt3A_505, %div3A_506, %broadcast_in_dim3A_508 : vector<160x128xi1>, vector<160x128xf32>
      %gt3A_510 = arith.constant 3.000000e-01 : f32
      %gt3A_511 = vector.broadcast %gt3A_510 : f32 to vector<160x128xf32>
      %gt3A_512 = arith.cmpf ogt, %select_n3A_509, %gt3A_511 : vector<160x128xf32>
      %eq3A_513 = vector.broadcast %reduce_min3A_293 : f32 to vector<160x128xf32>
      %eq3A_514 = arith.cmpf oeq, %convert_element_type3A, %eq3A_513 : vector<160x128xf32>
      %or3A = arith.ori %gt3A_512, %eq3A_514 : vector<160x128xi1>
      %jit3A_515 = arith.constant -1.000000e+30 : f32
      %broadcast_in_dim3A_516 = vector.broadcast %jit3A_515 : f32 to vector<160x128xf32>
      %select_n3A_517 = arith.select %or3A, %broadcast_in_dim3A_516, %get3A_241 : vector<160x128xi1>, vector<160x128xf32>
      %swap3A_518 = arith.constant 0 : index
      %swap3A_519 = arith.constant 0 : index
      %swap3A_520 = arith.constant 0 : index
      %swap3A_521 = vector.load %arg9[%swap3A_518, %swap3A_519, %swap3A_520] : memref<2x160x128xf32, #tpu.memory_space<vmem>>, vector<1x160x128xf32>
      %swap3A_522 = vector.shape_cast %swap3A_521 : vector<1x160x128xf32> to vector<160x128xf32>
      %swap3A_523 = vector.shape_cast %select_n3A_517 : vector<160x128xf32> to vector<1x160x128xf32>
      tpu.vector_store %arg9[%swap3A_518, %swap3A_519, %swap3A_520], %swap3A_523 {strides = array<i32>} : memref<2x160x128xf32, #tpu.memory_space<vmem>>, vector<1x160x128xf32>,
      %gt3A_524 = arith.constant -1.000000e+29 : f32
      %gt3A_525 = arith.cmpf ogt, %reduce_max3A_256, %gt3A_524 : f32
      %jit3A_526 = arith.constant 1.000000e+00 : f32
      %jit3A_527 = arith.constant 0.000000e+00 : f32
      %select_n3A_528 = arith.select %gt3A_525, %jit3A_526, %jit3A_527 : f32
      %eq3A_529 = arith.constant 0 : i32
      %eq3A_530 = vector.broadcast %eq3A_529 : i32 to vector<1x128xi32>
      %eq3A_531 = arith.cmpi eq, %iota3A_3, %eq3A_530 : vector<1x128xi32>
      %convert_element_type3A_532 = arith.extui %eq3A_531 : vector<1x128xi1> to vector<1x128xi32>
      %convert_element_type3A_533 = arith.sitofp %convert_element_type3A_532 : vector<1x128xi32> to vector<1x128xf32>
      %mul3A_534 = vector.broadcast %slice3A : vector<1x1xf32> to vector<1x128xf32>
      %mul3A_535 = arith.mulf %convert_element_type3A_533, %mul3A_534 : vector<1x128xf32>
      %eq3A_536 = arith.constant 1 : i32
      %eq3A_537 = vector.broadcast %eq3A_536 : i32 to vector<1x128xi32>
      %eq3A_538 = arith.cmpi eq, %iota3A_3, %eq3A_537 : vector<1x128xi32>
      %convert_element_type3A_539 = arith.extui %eq3A_538 : vector<1x128xi1> to vector<1x128xi32>
      %convert_element_type3A_540 = arith.sitofp %convert_element_type3A_539 : vector<1x128xi32> to vector<1x128xf32>
      %mul3A_541 = vector.broadcast %slice3A_445 : vector<1x1xf32> to vector<1x128xf32>
      %mul3A_542 = arith.mulf %convert_element_type3A_540, %mul3A_541 : vector<1x128xf32>
      %add3A_543 = arith.addf %mul3A_535, %mul3A_542 : vector<1x128xf32>
      %eq3A_544 = arith.constant 2 : i32
      %eq3A_545 = vector.broadcast %eq3A_544 : i32 to vector<1x128xi32>
      %eq3A_546 = arith.cmpi eq, %iota3A_3, %eq3A_545 : vector<1x128xi32>
      %convert_element_type3A_547 = arith.extui %eq3A_546 : vector<1x128xi1> to vector<1x128xi32>
      %convert_element_type3A_548 = arith.sitofp %convert_element_type3A_547 : vector<1x128xi32> to vector<1x128xf32>
      %mul3A_549 = vector.broadcast %slice3A_446 : vector<1x1xf32> to vector<1x128xf32>
      %mul3A_550 = arith.mulf %convert_element_type3A_548, %mul3A_549 : vector<1x128xf32>
      %add3A_551 = arith.addf %add3A_543, %mul3A_550 : vector<1x128xf32>
      %eq3A_552 = arith.constant 3 : i32
      %eq3A_553 = vector.broadcast %eq3A_552 : i32 to vector<1x128xi32>
      %eq3A_554 = arith.cmpi eq, %iota3A_3, %eq3A_553 : vector<1x128xi32>
      %convert_element_type3A_555 = arith.extui %eq3A_554 : vector<1x128xi1> to vector<1x128xi32>
      %convert_element_type3A_556 = arith.sitofp %convert_element_type3A_555 : vector<1x128xi32> to vector<1x128xf32>
      %mul3A_557 = vector.broadcast %slice3A_447 : vector<1x1xf32> to vector<1x128xf32>
      %mul3A_558 = arith.mulf %convert_element_type3A_556, %mul3A_557 : vector<1x128xf32>
      %add3A_559 = arith.addf %add3A_551, %mul3A_558 : vector<1x128xf32>
      %eq3A_560 = arith.constant 5 : i32
      %eq3A_561 = vector.broadcast %eq3A_560 : i32 to vector<1x128xi32>
      %eq3A_562 = arith.cmpi eq, %iota3A_3, %eq3A_561 : vector<1x128xi32>
      %convert_element_type3A_563 = arith.extui %eq3A_562 : vector<1x128xi1> to vector<1x128xi32>
      %convert_element_type3A_564 = arith.sitofp %convert_element_type3A_563 : vector<1x128xi32> to vector<1x128xf32>
      %mul3A_565 = vector.broadcast %slice3A_448 : vector<1x1xf32> to vector<1x128xf32>
      %mul3A_566 = arith.mulf %convert_element_type3A_564, %mul3A_565 : vector<1x128xf32>
      %add3A_567 = arith.addf %add3A_559, %mul3A_566 : vector<1x128xf32>
      %eq3A_568 = arith.constant 7 : i32
      %eq3A_569 = vector.broadcast %eq3A_568 : i32 to vector<1x128xi32>
      %eq3A_570 = arith.cmpi eq, %iota3A_3, %eq3A_569 : vector<1x128xi32>
      %convert_element_type3A_571 = arith.extui %eq3A_570 : vector<1x128xi1> to vector<1x128xi32>
      %convert_element_type3A_572 = arith.sitofp %convert_element_type3A_571 : vector<1x128xi32> to vector<1x128xf32>
      %mul3A_573 = vector.broadcast %slice3A_449 : vector<1x1xf32> to vector<1x128xf32>
      %mul3A_574 = arith.mulf %convert_element_type3A_572, %mul3A_573 : vector<1x128xf32>
      %add3A_575 = arith.addf %add3A_567, %mul3A_574 : vector<1x128xf32>
      %eq3A_576 = arith.constant 8 : i32
      %eq3A_577 = vector.broadcast %eq3A_576 : i32 to vector<1x128xi32>
      %eq3A_578 = arith.cmpi eq, %iota3A_3, %eq3A_577 : vector<1x128xi32>
      %convert_element_type3A_579 = arith.extui %eq3A_578 : vector<1x128xi1> to vector<1x128xi32>
      %convert_element_type3A_580 = arith.sitofp %convert_element_type3A_579 : vector<1x128xi32> to vector<1x128xf32>
      %mul3A_581 = vector.broadcast %slice3A_450 : vector<1x1xf32> to vector<1x128xf32>
      %mul3A_582 = arith.mulf %convert_element_type3A_580, %mul3A_581 : vector<1x128xf32>
      %add3A_583 = arith.addf %add3A_575, %mul3A_582 : vector<1x128xf32>
      %eq3A_584 = arith.constant 4 : i32
      %eq3A_585 = vector.broadcast %eq3A_584 : i32 to vector<1x128xi32>
      %eq3A_586 = arith.cmpi eq, %iota3A_3, %eq3A_585 : vector<1x128xi32>
      %convert_element_type3A_587 = arith.extui %eq3A_586 : vector<1x128xi1> to vector<1x128xi32>
      %convert_element_type3A_588 = arith.sitofp %convert_element_type3A_587 : vector<1x128xi32> to vector<1x128xf32>
      %add3A_589 = arith.addf %add3A_583, %convert_element_type3A_588 : vector<1x128xf32>
      %eq3A_590 = arith.constant 6 : i32
      %eq3A_591 = vector.broadcast %eq3A_590 : i32 to vector<1x128xi32>
      %eq3A_592 = arith.cmpi eq, %iota3A_3, %eq3A_591 : vector<1x128xi32>
      %convert_element_type3A_593 = arith.extui %eq3A_592 : vector<1x128xi1> to vector<1x128xi32>
      %convert_element_type3A_594 = arith.sitofp %convert_element_type3A_593 : vector<1x128xi32> to vector<1x128xf32>
      %add3A_595 = arith.addf %add3A_589, %convert_element_type3A_594 : vector<1x128xf32>
      %eq3A_596 = arith.constant 9 : i32
      %eq3A_597 = vector.broadcast %eq3A_596 : i32 to vector<1x128xi32>
      %eq3A_598 = arith.cmpi eq, %iota3A_3, %eq3A_597 : vector<1x128xi32>
      %convert_element_type3A_599 = arith.extui %eq3A_598 : vector<1x128xi1> to vector<1x128xi32>
      %convert_element_type3A_600 = arith.sitofp %convert_element_type3A_599 : vector<1x128xi32> to vector<1x128xf32>
      %add3A_601 = arith.addf %add3A_595, %convert_element_type3A_600 : vector<1x128xf32>
      %mul3A_602 = vector.broadcast %select_n3A_528 : f32 to vector<1x128xf32>
      %mul3A_603 = arith.mulf %add3A_601, %mul3A_602 : vector<1x128xf32>
      %swap3A_604 = arith.constant 0 : index
      %swap3A_605 = arith.index_cast %scan3A_236 : i32 to index
      %swap3A_606 = arith.constant 0 : index
      %swap3A_607 = vector.load %arg8[%swap3A_604, %swap3A_605, %swap3A_606] : memref<2x512x128xf32, #tpu.memory_space<vmem>>, vector<1x1x128xf32>
      %swap3A_608 = vector.shape_cast %swap3A_607 : vector<1x1x128xf32> to vector<1x128xf32>
      %swap3A_609 = vector.shape_cast %mul3A_603 : vector<1x128xf32> to vector<1x1x128xf32>
      tpu.vector_store %arg8[%swap3A_604, %swap3A_605, %swap3A_606], %swap3A_609 {strides = array<i32>} : memref<2x512x128xf32, #tpu.memory_space<vmem>>, vector<1x1x128xf32>,
      %slice3A_610 = vector.extract_strided_slice %broadcast_in_dim3A_444 {offsets = [0, 0], sizes = [1, 1], strides = [1, 1]} : vector<7x1xf32> to vector<1x1xf32>
      %slice3A_611 = vector.extract_strided_slice %broadcast_in_dim3A_444 {offsets = [1, 0], sizes = [1, 1], strides = [1, 1]} : vector<7x1xf32> to vector<1x1xf32>
      %slice3A_612 = vector.extract_strided_slice %broadcast_in_dim3A_444 {offsets = [2, 0], sizes = [1, 1], strides = [1, 1]} : vector<7x1xf32> to vector<1x1xf32>
      %slice3A_613 = vector.extract_strided_slice %broadcast_in_dim3A_444 {offsets = [3, 0], sizes = [1, 1], strides = [1, 1]} : vector<7x1xf32> to vector<1x1xf32>
      %slice3A_614 = vector.extract_strided_slice %broadcast_in_dim3A_444 {offsets = [4, 0], sizes = [1, 1], strides = [1, 1]} : vector<7x1xf32> to vector<1x1xf32>
      %slice3A_615 = vector.extract_strided_slice %broadcast_in_dim3A_444 {offsets = [5, 0], sizes = [1, 1], strides = [1, 1]} : vector<7x1xf32> to vector<1x1xf32>
      %slice3A_616 = vector.extract_strided_slice %broadcast_in_dim3A_444 {offsets = [6, 0], sizes = [1, 1], strides = [1, 1]} : vector<7x1xf32> to vector<1x1xf32>
      %get3A_617 = arith.constant 1 : index
      %get3A_618 = arith.constant 0 : index
      %get3A_619 = arith.constant 0 : index
      %get3A_620 = vector.load %arg10[%get3A_617, %get3A_618, %get3A_619] : memref<2x160x128xf32, #tpu.memory_space<vmem>>, vector<1x160x128xf32>
      %get3A_621 = vector.shape_cast %get3A_620 : vector<1x160x128xf32> to vector<160x128xf32>
      %get3A_622 = arith.constant 1 : index
      %get3A_623 = arith.constant 0 : index
      %get3A_624 = arith.constant 0 : index
      %get3A_625 = vector.load %arg11[%get3A_622, %get3A_623, %get3A_624] : memref<2x160x128xf32, #tpu.memory_space<vmem>>, vector<1x160x128xf32>
      %get3A_626 = vector.shape_cast %get3A_625 : vector<1x160x128xf32> to vector<160x128xf32>
      %get3A_627 = arith.constant 1 : index
      %get3A_628 = arith.constant 0 : index
      %get3A_629 = arith.constant 0 : index
      %get3A_630 = vector.load %arg5[%get3A_627, %get3A_628, %get3A_629] : memref<2x160x128xf32, #tpu.memory_space<vmem>>, vector<1x160x128xf32>
      %get3A_631 = vector.shape_cast %get3A_630 : vector<1x160x128xf32> to vector<160x128xf32>
      %get3A_632 = arith.constant 1 : index
      %get3A_633 = arith.constant 0 : index
      %get3A_634 = arith.constant 0 : index
      %get3A_635 = vector.load %arg7[%get3A_632, %get3A_633, %get3A_634] : memref<2x160x128xf32, #tpu.memory_space<vmem>>, vector<1x160x128xf32>
      %get3A_636 = vector.shape_cast %get3A_635 : vector<1x160x128xf32> to vector<160x128xf32>
      %max3A_637 = vector.broadcast %slice3A_610 : vector<1x1xf32> to vector<160x128xf32>
      %max3A_638 = arith.maximumf %max3A_637, %get3A_621 : vector<160x128xf32>
      %max3A_639 = vector.broadcast %slice3A_611 : vector<1x1xf32> to vector<160x128xf32>
      %max3A_640 = arith.maximumf %max3A_639, %get3A_631 : vector<160x128xf32>
      %min3A_641 = vector.broadcast %slice3A_612 : vector<1x1xf32> to vector<160x128xf32>
      %min3A_642 = arith.minimumf %min3A_641, %get3A_626 : vector<160x128xf32>
      %min3A_643 = vector.broadcast %slice3A_613 : vector<1x1xf32> to vector<160x128xf32>
      %min3A_644 = arith.minimumf %min3A_643, %get3A_636 : vector<160x128xf32>
      %sub3A_645 = arith.subf %min3A_642, %max3A_638 : vector<160x128xf32>
      %max3A_646 = arith.constant 0.000000e+00 : f32
      %max3A_647 = vector.broadcast %max3A_646 : f32 to vector<160x128xf32>
      %max3A_648 = arith.maximumf %max3A_647, %sub3A_645 : vector<160x128xf32>
      %sub3A_649 = arith.subf %min3A_644, %max3A_640 : vector<160x128xf32>
      %max3A_650 = arith.constant 0.000000e+00 : f32
      %max3A_651 = vector.broadcast %max3A_650 : f32 to vector<160x128xf32>
      %max3A_652 = arith.maximumf %max3A_651, %sub3A_649 : vector<160x128xf32>
      %mul3A_653 = arith.mulf %max3A_648, %max3A_652 : vector<160x128xf32>
      %sub3A_654 = arith.subf %slice3A_612, %slice3A_610 : vector<1x1xf32>
      %max3A_655 = arith.constant 0.000000e+00 : f32
      %max3A_656 = vector.broadcast %max3A_655 : f32 to vector<1x1xf32>
      %max3A_657 = arith.maximumf %max3A_656, %sub3A_654 : vector<1x1xf32>
      %sub3A_658 = arith.subf %slice3A_613, %slice3A_611 : vector<1x1xf32>
      %max3A_659 = arith.constant 0.000000e+00 : f32
      %max3A_660 = vector.broadcast %max3A_659 : f32 to vector<1x1xf32>
      %max3A_661 = arith.maximumf %max3A_660, %sub3A_658 : vector<1x1xf32>
      %mul3A_662 = arith.mulf %max3A_657, %max3A_661 : vector<1x1xf32>
      %get3A_663 = arith.constant 1 : index
      %get3A_664 = arith.constant 0 : index
      %get3A_665 = arith.constant 0 : index
      %get3A_666 = vector.load %arg12[%get3A_663, %get3A_664, %get3A_665] : memref<2x160x128xf32, #tpu.memory_space<vmem>>, vector<1x160x128xf32>
      %get3A_667 = vector.shape_cast %get3A_666 : vector<1x160x128xf32> to vector<160x128xf32>
      %add3A_668 = vector.broadcast %mul3A_662 : vector<1x1xf32> to vector<160x128xf32>
      %add3A_669 = arith.addf %add3A_668, %get3A_667 : vector<160x128xf32>
      %sub3A_670 = arith.subf %add3A_669, %mul3A_653 : vector<160x128xf32>
      %gt3A_671 = arith.constant 0.000000e+00 : f32
      %gt3A_672 = vector.broadcast %gt3A_671 : f32 to vector<160x128xf32>
      %gt3A_673 = arith.cmpf ogt, %sub3A_670, %gt3A_672 : vector<160x128xf32>
      %div3A_674 = arith.divf %mul3A_653, %sub3A_670 : vector<160x128xf32>
      %jit3A_675 = arith.constant 0.000000e+00 : f32
      %broadcast_in_dim3A_676 = vector.broadcast %jit3A_675 : f32 to vector<160x128xf32>
      %select_n3A_677 = arith.select %gt3A_673, %div3A_674, %broadcast_in_dim3A_676 : vector<160x128xi1>, vector<160x128xf32>
      %gt3A_678 = arith.constant 3.000000e-01 : f32
      %gt3A_679 = vector.broadcast %gt3A_678 : f32 to vector<160x128xf32>
      %gt3A_680 = arith.cmpf ogt, %select_n3A_677, %gt3A_679 : vector<160x128xf32>
      %eq3A_681 = vector.broadcast %reduce_min3A_303 : f32 to vector<160x128xf32>
      %eq3A_682 = arith.cmpf oeq, %convert_element_type3A, %eq3A_681 : vector<160x128xf32>
      %or3A_683 = arith.ori %gt3A_680, %eq3A_682 : vector<160x128xi1>
      %jit3A_684 = arith.constant -1.000000e+30 : f32
      %broadcast_in_dim3A_685 = vector.broadcast %jit3A_684 : f32 to vector<160x128xf32>
      %select_n3A_686 = arith.select %or3A_683, %broadcast_in_dim3A_685, %get3A_246 : vector<160x128xi1>, vector<160x128xf32>
      %swap3A_687 = arith.constant 1 : index
      %swap3A_688 = arith.constant 0 : index
      %swap3A_689 = arith.constant 0 : index
      %swap3A_690 = vector.load %arg9[%swap3A_687, %swap3A_688, %swap3A_689] : memref<2x160x128xf32, #tpu.memory_space<vmem>>, vector<1x160x128xf32>
      %swap3A_691 = vector.shape_cast %swap3A_690 : vector<1x160x128xf32> to vector<160x128xf32>
      %swap3A_692 = vector.shape_cast %select_n3A_686 : vector<160x128xf32> to vector<1x160x128xf32>
      tpu.vector_store %arg9[%swap3A_687, %swap3A_688, %swap3A_689], %swap3A_692 {strides = array<i32>} : memref<2x160x128xf32, #tpu.memory_space<vmem>>, vector<1x160x128xf32>,
      %gt3A_693 = arith.constant -1.000000e+29 : f32
      %gt3A_694 = arith.cmpf ogt, %reduce_max3A_261, %gt3A_693 : f32
      %jit3A_695 = arith.constant 1.000000e+00 : f32
      %jit3A_696 = arith.constant 0.000000e+00 : f32
      %select_n3A_697 = arith.select %gt3A_694, %jit3A_695, %jit3A_696 : f32
      %eq3A_698 = arith.constant 0 : i32
      %eq3A_699 = vector.broadcast %eq3A_698 : i32 to vector<1x128xi32>
      %eq3A_700 = arith.cmpi eq, %iota3A_3, %eq3A_699 : vector<1x128xi32>
      %convert_element_type3A_701 = arith.extui %eq3A_700 : vector<1x128xi1> to vector<1x128xi32>
      %convert_element_type3A_702 = arith.sitofp %convert_element_type3A_701 : vector<1x128xi32> to vector<1x128xf32>
      %mul3A_703 = vector.broadcast %slice3A_610 : vector<1x1xf32> to vector<1x128xf32>
      %mul3A_704 = arith.mulf %convert_element_type3A_702, %mul3A_703 : vector<1x128xf32>
      %eq3A_705 = arith.constant 1 : i32
      %eq3A_706 = vector.broadcast %eq3A_705 : i32 to vector<1x128xi32>
      %eq3A_707 = arith.cmpi eq, %iota3A_3, %eq3A_706 : vector<1x128xi32>
      %convert_element_type3A_708 = arith.extui %eq3A_707 : vector<1x128xi1> to vector<1x128xi32>
      %convert_element_type3A_709 = arith.sitofp %convert_element_type3A_708 : vector<1x128xi32> to vector<1x128xf32>
      %mul3A_710 = vector.broadcast %slice3A_611 : vector<1x1xf32> to vector<1x128xf32>
      %mul3A_711 = arith.mulf %convert_element_type3A_709, %mul3A_710 : vector<1x128xf32>
      %add3A_712 = arith.addf %mul3A_704, %mul3A_711 : vector<1x128xf32>
      %eq3A_713 = arith.constant 2 : i32
      %eq3A_714 = vector.broadcast %eq3A_713 : i32 to vector<1x128xi32>
      %eq3A_715 = arith.cmpi eq, %iota3A_3, %eq3A_714 : vector<1x128xi32>
      %convert_element_type3A_716 = arith.extui %eq3A_715 : vector<1x128xi1> to vector<1x128xi32>
      %convert_element_type3A_717 = arith.sitofp %convert_element_type3A_716 : vector<1x128xi32> to vector<1x128xf32>
      %mul3A_718 = vector.broadcast %slice3A_612 : vector<1x1xf32> to vector<1x128xf32>
      %mul3A_719 = arith.mulf %convert_element_type3A_717, %mul3A_718 : vector<1x128xf32>
      %add3A_720 = arith.addf %add3A_712, %mul3A_719 : vector<1x128xf32>
      %eq3A_721 = arith.constant 3 : i32
      %eq3A_722 = vector.broadcast %eq3A_721 : i32 to vector<1x128xi32>
      %eq3A_723 = arith.cmpi eq, %iota3A_3, %eq3A_722 : vector<1x128xi32>
      %convert_element_type3A_724 = arith.extui %eq3A_723 : vector<1x128xi1> to vector<1x128xi32>
      %convert_element_type3A_725 = arith.sitofp %convert_element_type3A_724 : vector<1x128xi32> to vector<1x128xf32>
      %mul3A_726 = vector.broadcast %slice3A_613 : vector<1x1xf32> to vector<1x128xf32>
      %mul3A_727 = arith.mulf %convert_element_type3A_725, %mul3A_726 : vector<1x128xf32>
      %add3A_728 = arith.addf %add3A_720, %mul3A_727 : vector<1x128xf32>
      %eq3A_729 = arith.constant 5 : i32
      %eq3A_730 = vector.broadcast %eq3A_729 : i32 to vector<1x128xi32>
      %eq3A_731 = arith.cmpi eq, %iota3A_3, %eq3A_730 : vector<1x128xi32>
      %convert_element_type3A_732 = arith.extui %eq3A_731 : vector<1x128xi1> to vector<1x128xi32>
      %convert_element_type3A_733 = arith.sitofp %convert_element_type3A_732 : vector<1x128xi32> to vector<1x128xf32>
      %mul3A_734 = vector.broadcast %slice3A_614 : vector<1x1xf32> to vector<1x128xf32>
      %mul3A_735 = arith.mulf %convert_element_type3A_733, %mul3A_734 : vector<1x128xf32>
      %add3A_736 = arith.addf %add3A_728, %mul3A_735 : vector<1x128xf32>
      %eq3A_737 = arith.constant 7 : i32
      %eq3A_738 = vector.broadcast %eq3A_737 : i32 to vector<1x128xi32>
      %eq3A_739 = arith.cmpi eq, %iota3A_3, %eq3A_738 : vector<1x128xi32>
      %convert_element_type3A_740 = arith.extui %eq3A_739 : vector<1x128xi1> to vector<1x128xi32>
      %convert_element_type3A_741 = arith.sitofp %convert_element_type3A_740 : vector<1x128xi32> to vector<1x128xf32>
      %mul3A_742 = vector.broadcast %slice3A_615 : vector<1x1xf32> to vector<1x128xf32>
      %mul3A_743 = arith.mulf %convert_element_type3A_741, %mul3A_742 : vector<1x128xf32>
      %add3A_744 = arith.addf %add3A_736, %mul3A_743 : vector<1x128xf32>
      %eq3A_745 = arith.constant 8 : i32
      %eq3A_746 = vector.broadcast %eq3A_745 : i32 to vector<1x128xi32>
      %eq3A_747 = arith.cmpi eq, %iota3A_3, %eq3A_746 : vector<1x128xi32>
      %convert_element_type3A_748 = arith.extui %eq3A_747 : vector<1x128xi1> to vector<1x128xi32>
      %convert_element_type3A_749 = arith.sitofp %convert_element_type3A_748 : vector<1x128xi32> to vector<1x128xf32>
      %mul3A_750 = vector.broadcast %slice3A_616 : vector<1x1xf32> to vector<1x128xf32>
      %mul3A_751 = arith.mulf %convert_element_type3A_749, %mul3A_750 : vector<1x128xf32>
      %add3A_752 = arith.addf %add3A_744, %mul3A_751 : vector<1x128xf32>
      %eq3A_753 = arith.constant 4 : i32
      %eq3A_754 = vector.broadcast %eq3A_753 : i32 to vector<1x128xi32>
      %eq3A_755 = arith.cmpi eq, %iota3A_3, %eq3A_754 : vector<1x128xi32>
      %convert_element_type3A_756 = arith.extui %eq3A_755 : vector<1x128xi1> to vector<1x128xi32>
      %convert_element_type3A_757 = arith.sitofp %convert_element_type3A_756 : vector<1x128xi32> to vector<1x128xf32>
      %add3A_758 = arith.addf %add3A_752, %convert_element_type3A_757 : vector<1x128xf32>
      %eq3A_759 = arith.constant 6 : i32
      %eq3A_760 = vector.broadcast %eq3A_759 : i32 to vector<1x128xi32>
      %eq3A_761 = arith.cmpi eq, %iota3A_3, %eq3A_760 : vector<1x128xi32>
      %convert_element_type3A_762 = arith.extui %eq3A_761 : vector<1x128xi1> to vector<1x128xi32>
      %convert_element_type3A_763 = arith.sitofp %convert_element_type3A_762 : vector<1x128xi32> to vector<1x128xf32>
      %add3A_764 = arith.addf %add3A_758, %convert_element_type3A_763 : vector<1x128xf32>
      %eq3A_765 = arith.constant 9 : i32
      %eq3A_766 = vector.broadcast %eq3A_765 : i32 to vector<1x128xi32>
      %eq3A_767 = arith.cmpi eq, %iota3A_3, %eq3A_766 : vector<1x128xi32>
      %convert_element_type3A_768 = arith.extui %eq3A_767 : vector<1x128xi1> to vector<1x128xi32>
      %convert_element_type3A_769 = arith.sitofp %convert_element_type3A_768 : vector<1x128xi32> to vector<1x128xf32>
      %add3A_770 = arith.addf %add3A_764, %convert_element_type3A_769 : vector<1x128xf32>
      %mul3A_771 = vector.broadcast %select_n3A_697 : f32 to vector<1x128xf32>
      %mul3A_772 = arith.mulf %add3A_770, %mul3A_771 : vector<1x128xf32>
      %swap3A_773 = arith.constant 1 : index
      %swap3A_774 = arith.index_cast %scan3A_236 : i32 to index
      %swap3A_775 = arith.constant 0 : index
      %swap3A_776 = vector.load %arg8[%swap3A_773, %swap3A_774, %swap3A_775] : memref<2x512x128xf32, #tpu.memory_space<vmem>>, vector<1x1x128xf32>
      %swap3A_777 = vector.shape_cast %swap3A_776 : vector<1x1x128xf32> to vector<1x128xf32>
      %swap3A_778 = vector.shape_cast %mul3A_772 : vector<1x128xf32> to vector<1x1x128xf32>
      tpu.vector_store %arg8[%swap3A_773, %swap3A_774, %swap3A_775], %swap3A_778 {strides = array<i32>} : memref<2x512x128xf32, #tpu.memory_space<vmem>>, vector<1x1x128xf32>,
      %scan3A_779 = arith.constant 1 : i32
      %scan3A_780 = arith.addi %scan3A_236, %scan3A_779 : i32
      %get3A_781 = arith.constant 0 : index
      %get3A_782 = arith.constant 0 : index
      %get3A_783 = arith.constant 0 : index
      %get3A_784 = vector.load %arg9[%get3A_781, %get3A_782, %get3A_783] : memref<2x160x128xf32, #tpu.memory_space<vmem>>, vector<1x160x128xf32>
      %get3A_785 = vector.shape_cast %get3A_784 : vector<1x160x128xf32> to vector<160x128xf32>
      %get3A_786 = arith.constant 1 : index
      %get3A_787 = arith.constant 0 : index
      %get3A_788 = arith.constant 0 : index
      %get3A_789 = vector.load %arg9[%get3A_786, %get3A_787, %get3A_788] : memref<2x160x128xf32, #tpu.memory_space<vmem>>, vector<1x160x128xf32>
      %get3A_790 = vector.shape_cast %get3A_789 : vector<1x160x128xf32> to vector<160x128xf32>
      %reduce_max3A_791 = arith.constant dense<0xFF800000> : vector<128xf32>
      %reduce_max3A_792 = vector.multi_reduction <maximumf>, %get3A_785, %reduce_max3A_791 [0] : vector<160x128xf32> to vector<128xf32>
      %broadcast_in_dim3A_793 = vector.shape_cast %reduce_max3A_792 : vector<128xf32> to vector<1x128xf32>
      %reduce_max3A_794 = arith.constant dense<0xFF800000> : vector<128xf32>
      %reduce_max3A_795 = vector.multi_reduction <maximumf>, %get3A_790, %reduce_max3A_794 [0] : vector<160x128xf32> to vector<128xf32>
      %broadcast_in_dim3A_796 = vector.shape_cast %reduce_max3A_795 : vector<128xf32> to vector<1x128xf32>
      %reduce_max3A_797 = vector.shape_cast %broadcast_in_dim3A_793 : vector<1x128xf32> to vector<1x1x128xf32>
      %reduce_max3A_798 = arith.constant dense<0xFF800000> : vector<1xf32>
      %reduce_max3A_799 = vector.multi_reduction <maximumf>, %reduce_max3A_797, %reduce_max3A_798 [1, 2] : vector<1x1x128xf32> to vector<1xf32>
      %reduce_max3A_800 = vector.shape_cast %reduce_max3A_799 : vector<1xf32> to vector<1x1x1xf32>
      %reduce_max3A_801 = vector.extract %reduce_max3A_800[0, 0, 0] : f32 from vector<1x1x1xf32>
      %reduce_max3A_802 = vector.shape_cast %broadcast_in_dim3A_796 : vector<1x128xf32> to vector<1x1x128xf32>
      %reduce_max3A_803 = arith.constant dense<0xFF800000> : vector<1xf32>
      %reduce_max3A_804 = vector.multi_reduction <maximumf>, %reduce_max3A_802, %reduce_max3A_803 [1, 2] : vector<1x1x128xf32> to vector<1xf32>
      %reduce_max3A_805 = vector.shape_cast %reduce_max3A_804 : vector<1xf32> to vector<1x1x1xf32>
      %reduce_max3A_806 = vector.extract %reduce_max3A_805[0, 0, 0] : f32 from vector<1x1x1xf32>
      %eq3A_807 = vector.broadcast %broadcast_in_dim3A_793 : vector<1x128xf32> to vector<160x128xf32>
      %eq3A_808 = arith.cmpf oeq, %get3A_785, %eq3A_807 : vector<160x128xf32>
      %jit3A_809 = arith.constant 1.600000e+02 : f32
      %broadcast_in_dim3A_810 = vector.broadcast %jit3A_809 : f32 to vector<160x128xf32>
      %select_n3A_811 = arith.select %eq3A_808, %convert_element_type3A_4, %broadcast_in_dim3A_810 : vector<160x128xi1>, vector<160x128xf32>
      %reduce_min3A_812 = arith.constant dense<0x7F800000> : vector<128xf32>
      %reduce_min3A_813 = vector.multi_reduction <minimumf>, %select_n3A_811, %reduce_min3A_812 [0] : vector<160x128xf32> to vector<128xf32>
      %broadcast_in_dim3A_814 = vector.shape_cast %reduce_min3A_813 : vector<128xf32> to vector<1x128xf32>
      %eq3A_815 = vector.broadcast %broadcast_in_dim3A_796 : vector<1x128xf32> to vector<160x128xf32>
      %eq3A_816 = arith.cmpf oeq, %get3A_790, %eq3A_815 : vector<160x128xf32>
      %jit3A_817 = arith.constant 1.600000e+02 : f32
      %broadcast_in_dim3A_818 = vector.broadcast %jit3A_817 : f32 to vector<160x128xf32>
      %select_n3A_819 = arith.select %eq3A_816, %convert_element_type3A_4, %broadcast_in_dim3A_818 : vector<160x128xi1>, vector<160x128xf32>
      %reduce_min3A_820 = arith.constant dense<0x7F800000> : vector<128xf32>
      %reduce_min3A_821 = vector.multi_reduction <minimumf>, %select_n3A_819, %reduce_min3A_820 [0] : vector<160x128xf32> to vector<128xf32>
      %broadcast_in_dim3A_822 = vector.shape_cast %reduce_min3A_821 : vector<128xf32> to vector<1x128xf32>
      %mul3A_823 = arith.constant 1.280000e+02 : f32
      %mul3A_824 = vector.broadcast %mul3A_823 : f32 to vector<1x128xf32>
      %mul3A_825 = arith.mulf %broadcast_in_dim3A_814, %mul3A_824 : vector<1x128xf32>
      %add3A_826 = arith.addf %mul3A_825, %convert_element_type3A_5 : vector<1x128xf32>
      %mul3A_827 = arith.constant 1.280000e+02 : f32
      %mul3A_828 = vector.broadcast %mul3A_827 : f32 to vector<1x128xf32>
      %mul3A_829 = arith.mulf %broadcast_in_dim3A_822, %mul3A_828 : vector<1x128xf32>
      %add3A_830 = arith.addf %mul3A_829, %convert_element_type3A_5 : vector<1x128xf32>
      %eq3A_831 = vector.broadcast %reduce_max3A_801 : f32 to vector<1x128xf32>
      %eq3A_832 = arith.cmpf oeq, %broadcast_in_dim3A_793, %eq3A_831 : vector<1x128xf32>
      %jit3A_833 = arith.constant 2.048000e+04 : f32
      %broadcast_in_dim3A_834 = vector.broadcast %jit3A_833 : f32 to vector<1x128xf32>
      %select_n3A_835 = arith.select %eq3A_832, %add3A_826, %broadcast_in_dim3A_834 : vector<1x128xi1>, vector<1x128xf32>
      %reduce_min3A_836 = vector.shape_cast %select_n3A_835 : vector<1x128xf32> to vector<1x1x128xf32>
      %reduce_min3A_837 = arith.constant dense<0x7F800000> : vector<1xf32>
      %reduce_min3A_838 = vector.multi_reduction <minimumf>, %reduce_min3A_836, %reduce_min3A_837 [1, 2] : vector<1x1x128xf32> to vector<1xf32>
      %reduce_min3A_839 = vector.shape_cast %reduce_min3A_838 : vector<1xf32> to vector<1x1x1xf32>
      %reduce_min3A_840 = vector.extract %reduce_min3A_839[0, 0, 0] : f32 from vector<1x1x1xf32>
      %eq3A_841 = vector.broadcast %reduce_max3A_806 : f32 to vector<1x128xf32>
      %eq3A_842 = arith.cmpf oeq, %broadcast_in_dim3A_796, %eq3A_841 : vector<1x128xf32>
      %jit3A_843 = arith.constant 2.048000e+04 : f32
      %broadcast_in_dim3A_844 = vector.broadcast %jit3A_843 : f32 to vector<1x128xf32>
      %select_n3A_845 = arith.select %eq3A_842, %add3A_830, %broadcast_in_dim3A_844 : vector<1x128xi1>, vector<1x128xf32>
      %reduce_min3A_846 = vector.shape_cast %select_n3A_845 : vector<1x128xf32> to vector<1x1x128xf32>
      %reduce_min3A_847 = arith.constant dense<0x7F800000> : vector<1xf32>
      %reduce_min3A_848 = vector.multi_reduction <minimumf>, %reduce_min3A_846, %reduce_min3A_847 [1, 2] : vector<1x1x128xf32> to vector<1xf32>
      %reduce_min3A_849 = vector.shape_cast %reduce_min3A_848 : vector<1xf32> to vector<1x1x1xf32>
      %reduce_min3A_850 = vector.extract %reduce_min3A_849[0, 0, 0] : f32 from vector<1x1x1xf32>
      %convert_element_type3A_851 = arith.fptosi %reduce_min3A_840 : f32 to i32
      %convert_element_type3A_852 = arith.fptosi %reduce_min3A_850 : f32 to i32
      %jit3A_853 = arith.constant 128 : i32
      %div3A_854 = arith.divsi %convert_element_type3A_851, %jit3A_853 : i32
      %sign3A_855 = arith.constant 0 : i32
      %sign3A_856 = arith.cmpi sgt, %convert_element_type3A_851, %sign3A_855 : i32
      %sign3A_857 = arith.extui %sign3A_856 : i1 to i32
      %sign3A_858 = arith.constant 0 : i32
      %sign3A_859 = arith.cmpi slt, %convert_element_type3A_851, %sign3A_858 : i32
      %sign3A_860 = arith.extui %sign3A_859 : i1 to i32
      %sign3A_861 = arith.subi %sign3A_857, %sign3A_860 : i32
      %sign3A_862 = arith.constant 0 : i32
      %sign3A_863 = arith.cmpi sgt, %jit3A_853, %sign3A_862 : i32
      %sign3A_864 = arith.extui %sign3A_863 : i1 to i32
      %sign3A_865 = arith.constant 0 : i32
      %sign3A_866 = arith.cmpi slt, %jit3A_853, %sign3A_865 : i32
      %sign3A_867 = arith.extui %sign3A_866 : i1 to i32
      %sign3A_868 = arith.subi %sign3A_864, %sign3A_867 : i32
      %ne3A_869 = arith.cmpi ne, %sign3A_861, %sign3A_868 : i32
      %rem3A_870 = arith.remsi %convert_element_type3A_851, %jit3A_853 : i32
      %ne3A_871 = arith.constant 0 : i32
      %ne3A_872 = arith.cmpi ne, %rem3A_870, %ne3A_871 : i32
      %and3A_873 = arith.andi %ne3A_869, %ne3A_872 : i1
      %sub3A_874 = arith.constant 1 : i32
      %sub3A_875 = arith.subi %div3A_854, %sub3A_874 : i32
      %select_n3A_876 = arith.select %and3A_873, %sub3A_875, %div3A_854 : i32
      %jit3A_877 = arith.constant 128 : i32
      %div3A_878 = arith.divsi %convert_element_type3A_852, %jit3A_877 : i32
      %sign3A_879 = arith.constant 0 : i32
      %sign3A_880 = arith.cmpi sgt, %convert_element_type3A_852, %sign3A_879 : i32
      %sign3A_881 = arith.extui %sign3A_880 : i1 to i32
      %sign3A_882 = arith.constant 0 : i32
      %sign3A_883 = arith.cmpi slt, %convert_element_type3A_852, %sign3A_882 : i32
      %sign3A_884 = arith.extui %sign3A_883 : i1 to i32
      %sign3A_885 = arith.subi %sign3A_881, %sign3A_884 : i32
      %sign3A_886 = arith.constant 0 : i32
      %sign3A_887 = arith.cmpi sgt, %jit3A_877, %sign3A_886 : i32
      %sign3A_888 = arith.extui %sign3A_887 : i1 to i32
      %sign3A_889 = arith.constant 0 : i32
      %sign3A_890 = arith.cmpi slt, %jit3A_877, %sign3A_889 : i32
      %sign3A_891 = arith.extui %sign3A_890 : i1 to i32
      %sign3A_892 = arith.subi %sign3A_888, %sign3A_891 : i32
      %ne3A_893 = arith.cmpi ne, %sign3A_885, %sign3A_892 : i32
      %rem3A_894 = arith.remsi %convert_element_type3A_852, %jit3A_877 : i32
      %ne3A_895 = arith.constant 0 : i32
      %ne3A_896 = arith.cmpi ne, %rem3A_894, %ne3A_895 : i32
      %and3A_897 = arith.andi %ne3A_893, %ne3A_896 : i1
      %sub3A_898 = arith.constant 1 : i32
      %sub3A_899 = arith.subi %div3A_878, %sub3A_898 : i32
      %select_n3A_900 = arith.select %and3A_897, %sub3A_899, %div3A_878 : i32
      %mul3A_901 = arith.constant 128 : i32
      %mul3A_902 = arith.muli %select_n3A_876, %mul3A_901 : i32
      %sub3A_903 = arith.subi %convert_element_type3A_851, %mul3A_902 : i32
      %mul3A_904 = arith.constant 128 : i32
      %mul3A_905 = arith.muli %select_n3A_900, %mul3A_904 : i32
      %sub3A_906 = arith.subi %convert_element_type3A_852, %mul3A_905 : i32
      %eq3A_907 = vector.broadcast %sub3A_903 : i32 to vector<1x128xi32>
      %eq3A_908 = arith.cmpi eq, %iota3A_3, %eq3A_907 : vector<1x128xi32>
      %convert_element_type3A_909 = arith.extui %eq3A_908 : vector<1x128xi1> to vector<1x128xi32>
      %convert_element_type3A_910 = arith.sitofp %convert_element_type3A_909 : vector<1x128xi32> to vector<1x128xf32>
      %eq3A_911 = vector.broadcast %sub3A_906 : i32 to vector<1x128xi32>
      %eq3A_912 = arith.cmpi eq, %iota3A_3, %eq3A_911 : vector<1x128xi32>
      %convert_element_type3A_913 = arith.extui %eq3A_912 : vector<1x128xi1> to vector<1x128xi32>
      %convert_element_type3A_914 = arith.sitofp %convert_element_type3A_913 : vector<1x128xi32> to vector<1x128xf32>
      %get3A_915 = arith.constant 0 : index
      %get3A_916 = arith.index_cast %select_n3A_876 : i32 to index
      %get3A_917 = arith.constant 0 : index
      %get3A_918 = vector.load %arg10[%get3A_915, %get3A_916, %get3A_917] : memref<2x160x128xf32, #tpu.memory_space<vmem>>, vector<1x1x128xf32>
      %get3A_919 = vector.shape_cast %get3A_918 : vector<1x1x128xf32> to vector<1x128xf32>
      %get3A_920 = arith.constant 0 : index
      %get3A_921 = arith.index_cast %select_n3A_876 : i32 to index
      %get3A_922 = arith.constant 0 : index
      %get3A_923 = vector.load %arg5[%get3A_920, %get3A_921, %get3A_922] : memref<2x160x128xf32, #tpu.memory_space<vmem>>, vector<1x1x128xf32>
      %get3A_924 = vector.shape_cast %get3A_923 : vector<1x1x128xf32> to vector<1x128xf32>
      %get3A_925 = arith.constant 0 : index
      %get3A_926 = arith.index_cast %select_n3A_876 : i32 to index
      %get3A_927 = arith.constant 0 : index
      %get3A_928 = vector.load %arg11[%get3A_925, %get3A_926, %get3A_927] : memref<2x160x128xf32, #tpu.memory_space<vmem>>, vector<1x1x128xf32>
      %get3A_929 = vector.shape_cast %get3A_928 : vector<1x1x128xf32> to vector<1x128xf32>
      %get3A_930 = arith.constant 0 : index
      %get3A_931 = arith.index_cast %select_n3A_876 : i32 to index
      %get3A_932 = arith.constant 0 : index
      %get3A_933 = vector.load %arg7[%get3A_930, %get3A_931, %get3A_932] : memref<2x160x128xf32, #tpu.memory_space<vmem>>, vector<1x1x128xf32>
      %get3A_934 = vector.shape_cast %get3A_933 : vector<1x1x128xf32> to vector<1x128xf32>
      %get3A_935 = arith.constant 0 : index
      %get3A_936 = arith.index_cast %select_n3A_876 : i32 to index
      %get3A_937 = arith.constant 0 : index
      %get3A_938 = vector.load %arg13[%get3A_935, %get3A_936, %get3A_937] : memref<2x160x128xf32, #tpu.memory_space<vmem>>, vector<1x1x128xf32>
      %get3A_939 = vector.shape_cast %get3A_938 : vector<1x1x128xf32> to vector<1x128xf32>
      %get3A_940 = arith.constant 0 : index
      %get3A_941 = arith.index_cast %select_n3A_876 : i32 to index
      %get3A_942 = arith.constant 0 : index
      %get3A_943 = vector.load %arg2[%get3A_940, %get3A_941, %get3A_942] : memref<2x160x128xf32, #tpu.memory_space<vmem>>, vector<1x1x128xf32>
      %get3A_944 = vector.shape_cast %get3A_943 : vector<1x1x128xf32> to vector<1x128xf32>
      %get3A_945 = arith.constant 0 : index
      %get3A_946 = arith.index_cast %select_n3A_876 : i32 to index
      %get3A_947 = arith.constant 0 : index
      %get3A_948 = vector.load %arg3[%get3A_945, %get3A_946, %get3A_947] : memref<2x160x128xf32, #tpu.memory_space<vmem>>, vector<1x1x128xf32>
      %get3A_949 = vector.shape_cast %get3A_948 : vector<1x1x128xf32> to vector<1x128xf32>
      %concatenate3A_950 = tpu.concatenate %get3A_919, %get3A_924, %get3A_929, %get3A_934, %get3A_939, %get3A_944, %get3A_949 in 0 : vector<1x128xf32>, vector<1x128xf32>, vector<1x128xf32>, vector<1x128xf32>, vector<1x128xf32>, vector<1x128xf32>, vector<1x128xf32> -> vector<7x128xf32>
      %get3A_951 = arith.constant 1 : index
      %get3A_952 = arith.index_cast %select_n3A_900 : i32 to index
      %get3A_953 = arith.constant 0 : index
      %get3A_954 = vector.load %arg10[%get3A_951, %get3A_952, %get3A_953] : memref<2x160x128xf32, #tpu.memory_space<vmem>>, vector<1x1x128xf32>
      %get3A_955 = vector.shape_cast %get3A_954 : vector<1x1x128xf32> to vector<1x128xf32>
      %get3A_956 = arith.constant 1 : index
      %get3A_957 = arith.index_cast %select_n3A_900 : i32 to index
      %get3A_958 = arith.constant 0 : index
      %get3A_959 = vector.load %arg5[%get3A_956, %get3A_957, %get3A_958] : memref<2x160x128xf32, #tpu.memory_space<vmem>>, vector<1x1x128xf32>
      %get3A_960 = vector.shape_cast %get3A_959 : vector<1x1x128xf32> to vector<1x128xf32>
      %get3A_961 = arith.constant 1 : index
      %get3A_962 = arith.index_cast %select_n3A_900 : i32 to index
      %get3A_963 = arith.constant 0 : index
      %get3A_964 = vector.load %arg11[%get3A_961, %get3A_962, %get3A_963] : memref<2x160x128xf32, #tpu.memory_space<vmem>>, vector<1x1x128xf32>
      %get3A_965 = vector.shape_cast %get3A_964 : vector<1x1x128xf32> to vector<1x128xf32>
      %get3A_966 = arith.constant 1 : index
      %get3A_967 = arith.index_cast %select_n3A_900 : i32 to index
      %get3A_968 = arith.constant 0 : index
      %get3A_969 = vector.load %arg7[%get3A_966, %get3A_967, %get3A_968] : memref<2x160x128xf32, #tpu.memory_space<vmem>>, vector<1x1x128xf32>
      %get3A_970 = vector.shape_cast %get3A_969 : vector<1x1x128xf32> to vector<1x128xf32>
      %get3A_971 = arith.constant 1 : index
      %get3A_972 = arith.index_cast %select_n3A_900 : i32 to index
      %get3A_973 = arith.constant 0 : index
      %get3A_974 = vector.load %arg13[%get3A_971, %get3A_972, %get3A_973] : memref<2x160x128xf32, #tpu.memory_space<vmem>>, vector<1x1x128xf32>
      %get3A_975 = vector.shape_cast %get3A_974 : vector<1x1x128xf32> to vector<1x128xf32>
      %get3A_976 = arith.constant 1 : index
      %get3A_977 = arith.index_cast %select_n3A_900 : i32 to index
      %get3A_978 = arith.constant 0 : index
      %get3A_979 = vector.load %arg2[%get3A_976, %get3A_977, %get3A_978] : memref<2x160x128xf32, #tpu.memory_space<vmem>>, vector<1x1x128xf32>
      %get3A_980 = vector.shape_cast %get3A_979 : vector<1x1x128xf32> to vector<1x128xf32>
      %get3A_981 = arith.constant 1 : index
      %get3A_982 = arith.index_cast %select_n3A_900 : i32 to index
      %get3A_983 = arith.constant 0 : index
      %get3A_984 = vector.load %arg3[%get3A_981, %get3A_982, %get3A_983] : memref<2x160x128xf32, #tpu.memory_space<vmem>>, vector<1x1x128xf32>
      %get3A_985 = vector.shape_cast %get3A_984 : vector<1x1x128xf32> to vector<1x128xf32>
      %concatenate3A_986 = tpu.concatenate %get3A_955, %get3A_960, %get3A_965, %get3A_970, %get3A_975, %get3A_980, %get3A_985 in 0 : vector<1x128xf32>, vector<1x128xf32>, vector<1x128xf32>, vector<1x128xf32>, vector<1x128xf32>, vector<1x128xf32>, vector<1x128xf32> -> vector<7x128xf32>
      %mul3A_987 = vector.broadcast %convert_element_type3A_910 : vector<1x128xf32> to vector<7x128xf32>
      %mul3A_988 = arith.mulf %concatenate3A_950, %mul3A_987 : vector<7x128xf32>
      %reduce_sum3A_989 = arith.constant dense<0.000000e+00> : vector<7xf32>
      %reduce_sum3A_990 = vector.multi_reduction <add>, %mul3A_988, %reduce_sum3A_989 [1] : vector<7x128xf32> to vector<7xf32>
      %broadcast_in_dim3A_991 = vector.shape_cast %reduce_sum3A_990 : vector<7xf32> to vector<7x1xf32>
      %mul3A_992 = vector.broadcast %convert_element_type3A_914 : vector<1x128xf32> to vector<7x128xf32>
      %mul3A_993 = arith.mulf %concatenate3A_986, %mul3A_992 : vector<7x128xf32>
      %reduce_sum3A_994 = arith.constant dense<0.000000e+00> : vector<7xf32>
      %reduce_sum3A_995 = vector.multi_reduction <add>, %mul3A_993, %reduce_sum3A_994 [1] : vector<7x128xf32> to vector<7xf32>
      %broadcast_in_dim3A_996 = vector.shape_cast %reduce_sum3A_995 : vector<7xf32> to vector<7x1xf32>
      %slice3A_997 = vector.extract_strided_slice %broadcast_in_dim3A_991 {offsets = [0, 0], sizes = [1, 1], strides = [1, 1]} : vector<7x1xf32> to vector<1x1xf32>
      %slice3A_998 = vector.extract_strided_slice %broadcast_in_dim3A_991 {offsets = [1, 0], sizes = [1, 1], strides = [1, 1]} : vector<7x1xf32> to vector<1x1xf32>
      %slice3A_999 = vector.extract_strided_slice %broadcast_in_dim3A_991 {offsets = [2, 0], sizes = [1, 1], strides = [1, 1]} : vector<7x1xf32> to vector<1x1xf32>
      %slice3A_1000 = vector.extract_strided_slice %broadcast_in_dim3A_991 {offsets = [3, 0], sizes = [1, 1], strides = [1, 1]} : vector<7x1xf32> to vector<1x1xf32>
      %slice3A_1001 = vector.extract_strided_slice %broadcast_in_dim3A_991 {offsets = [4, 0], sizes = [1, 1], strides = [1, 1]} : vector<7x1xf32> to vector<1x1xf32>
      %slice3A_1002 = vector.extract_strided_slice %broadcast_in_dim3A_991 {offsets = [5, 0], sizes = [1, 1], strides = [1, 1]} : vector<7x1xf32> to vector<1x1xf32>
      %slice3A_1003 = vector.extract_strided_slice %broadcast_in_dim3A_991 {offsets = [6, 0], sizes = [1, 1], strides = [1, 1]} : vector<7x1xf32> to vector<1x1xf32>
      %get3A_1004 = arith.constant 0 : index
      %get3A_1005 = arith.constant 0 : index
      %get3A_1006 = arith.constant 0 : index
      %get3A_1007 = vector.load %arg10[%get3A_1004, %get3A_1005, %get3A_1006] : memref<2x160x128xf32, #tpu.memory_space<vmem>>, vector<1x160x128xf32>
      %get3A_1008 = vector.shape_cast %get3A_1007 : vector<1x160x128xf32> to vector<160x128xf32>
      %get3A_1009 = arith.constant 0 : index
      %get3A_1010 = arith.constant 0 : index
      %get3A_1011 = arith.constant 0 : index
      %get3A_1012 = vector.load %arg11[%get3A_1009, %get3A_1010, %get3A_1011] : memref<2x160x128xf32, #tpu.memory_space<vmem>>, vector<1x160x128xf32>
      %get3A_1013 = vector.shape_cast %get3A_1012 : vector<1x160x128xf32> to vector<160x128xf32>
      %get3A_1014 = arith.constant 0 : index
      %get3A_1015 = arith.constant 0 : index
      %get3A_1016 = arith.constant 0 : index
      %get3A_1017 = vector.load %arg5[%get3A_1014, %get3A_1015, %get3A_1016] : memref<2x160x128xf32, #tpu.memory_space<vmem>>, vector<1x160x128xf32>
      %get3A_1018 = vector.shape_cast %get3A_1017 : vector<1x160x128xf32> to vector<160x128xf32>
      %get3A_1019 = arith.constant 0 : index
      %get3A_1020 = arith.constant 0 : index
      %get3A_1021 = arith.constant 0 : index
      %get3A_1022 = vector.load %arg7[%get3A_1019, %get3A_1020, %get3A_1021] : memref<2x160x128xf32, #tpu.memory_space<vmem>>, vector<1x160x128xf32>
      %get3A_1023 = vector.shape_cast %get3A_1022 : vector<1x160x128xf32> to vector<160x128xf32>
      %max3A_1024 = vector.broadcast %slice3A_997 : vector<1x1xf32> to vector<160x128xf32>
      %max3A_1025 = arith.maximumf %max3A_1024, %get3A_1008 : vector<160x128xf32>
      %max3A_1026 = vector.broadcast %slice3A_998 : vector<1x1xf32> to vector<160x128xf32>
      %max3A_1027 = arith.maximumf %max3A_1026, %get3A_1018 : vector<160x128xf32>
      %min3A_1028 = vector.broadcast %slice3A_999 : vector<1x1xf32> to vector<160x128xf32>
      %min3A_1029 = arith.minimumf %min3A_1028, %get3A_1013 : vector<160x128xf32>
      %min3A_1030 = vector.broadcast %slice3A_1000 : vector<1x1xf32> to vector<160x128xf32>
      %min3A_1031 = arith.minimumf %min3A_1030, %get3A_1023 : vector<160x128xf32>
      %sub3A_1032 = arith.subf %min3A_1029, %max3A_1025 : vector<160x128xf32>
      %max3A_1033 = arith.constant 0.000000e+00 : f32
      %max3A_1034 = vector.broadcast %max3A_1033 : f32 to vector<160x128xf32>
      %max3A_1035 = arith.maximumf %max3A_1034, %sub3A_1032 : vector<160x128xf32>
      %sub3A_1036 = arith.subf %min3A_1031, %max3A_1027 : vector<160x128xf32>
      %max3A_1037 = arith.constant 0.000000e+00 : f32
      %max3A_1038 = vector.broadcast %max3A_1037 : f32 to vector<160x128xf32>
      %max3A_1039 = arith.maximumf %max3A_1038, %sub3A_1036 : vector<160x128xf32>
      %mul3A_1040 = arith.mulf %max3A_1035, %max3A_1039 : vector<160x128xf32>
      %sub3A_1041 = arith.subf %slice3A_999, %slice3A_997 : vector<1x1xf32>
      %max3A_1042 = arith.constant 0.000000e+00 : f32
      %max3A_1043 = vector.broadcast %max3A_1042 : f32 to vector<1x1xf32>
      %max3A_1044 = arith.maximumf %max3A_1043, %sub3A_1041 : vector<1x1xf32>
      %sub3A_1045 = arith.subf %slice3A_1000, %slice3A_998 : vector<1x1xf32>
      %max3A_1046 = arith.constant 0.000000e+00 : f32
      %max3A_1047 = vector.broadcast %max3A_1046 : f32 to vector<1x1xf32>
      %max3A_1048 = arith.maximumf %max3A_1047, %sub3A_1045 : vector<1x1xf32>
      %mul3A_1049 = arith.mulf %max3A_1044, %max3A_1048 : vector<1x1xf32>
      %get3A_1050 = arith.constant 0 : index
      %get3A_1051 = arith.constant 0 : index
      %get3A_1052 = arith.constant 0 : index
      %get3A_1053 = vector.load %arg12[%get3A_1050, %get3A_1051, %get3A_1052] : memref<2x160x128xf32, #tpu.memory_space<vmem>>, vector<1x160x128xf32>
      %get3A_1054 = vector.shape_cast %get3A_1053 : vector<1x160x128xf32> to vector<160x128xf32>
      %add3A_1055 = vector.broadcast %mul3A_1049 : vector<1x1xf32> to vector<160x128xf32>
      %add3A_1056 = arith.addf %add3A_1055, %get3A_1054 : vector<160x128xf32>
      %sub3A_1057 = arith.subf %add3A_1056, %mul3A_1040 : vector<160x128xf32>
      %gt3A_1058 = arith.constant 0.000000e+00 : f32
      %gt3A_1059 = vector.broadcast %gt3A_1058 : f32 to vector<160x128xf32>
      %gt3A_1060 = arith.cmpf ogt, %sub3A_1057, %gt3A_1059 : vector<160x128xf32>
      %div3A_1061 = arith.divf %mul3A_1040, %sub3A_1057 : vector<160x128xf32>
      %jit3A_1062 = arith.constant 0.000000e+00 : f32
      %broadcast_in_dim3A_1063 = vector.broadcast %jit3A_1062 : f32 to vector<160x128xf32>
      %select_n3A_1064 = arith.select %gt3A_1060, %div3A_1061, %broadcast_in_dim3A_1063 : vector<160x128xi1>, vector<160x128xf32>
      %gt3A_1065 = arith.constant 3.000000e-01 : f32
      %gt3A_1066 = vector.broadcast %gt3A_1065 : f32 to vector<160x128xf32>
      %gt3A_1067 = arith.cmpf ogt, %select_n3A_1064, %gt3A_1066 : vector<160x128xf32>
      %eq3A_1068 = vector.broadcast %reduce_min3A_840 : f32 to vector<160x128xf32>
      %eq3A_1069 = arith.cmpf oeq, %convert_element_type3A, %eq3A_1068 : vector<160x128xf32>
      %or3A_1070 = arith.ori %gt3A_1067, %eq3A_1069 : vector<160x128xi1>
      %jit3A_1071 = arith.constant -1.000000e+30 : f32
      %broadcast_in_dim3A_1072 = vector.broadcast %jit3A_1071 : f32 to vector<160x128xf32>
      %select_n3A_1073 = arith.select %or3A_1070, %broadcast_in_dim3A_1072, %get3A_785 : vector<160x128xi1>, vector<160x128xf32>
      %swap3A_1074 = arith.constant 0 : index
      %swap3A_1075 = arith.constant 0 : index
      %swap3A_1076 = arith.constant 0 : index
      %swap3A_1077 = vector.load %arg9[%swap3A_1074, %swap3A_1075, %swap3A_1076] : memref<2x160x128xf32, #tpu.memory_space<vmem>>, vector<1x160x128xf32>
      %swap3A_1078 = vector.shape_cast %swap3A_1077 : vector<1x160x128xf32> to vector<160x128xf32>
      %swap3A_1079 = vector.shape_cast %select_n3A_1073 : vector<160x128xf32> to vector<1x160x128xf32>
      tpu.vector_store %arg9[%swap3A_1074, %swap3A_1075, %swap3A_1076], %swap3A_1079 {strides = array<i32>} : memref<2x160x128xf32, #tpu.memory_space<vmem>>, vector<1x160x128xf32>,
      %gt3A_1080 = arith.constant -1.000000e+29 : f32
      %gt3A_1081 = arith.cmpf ogt, %reduce_max3A_801, %gt3A_1080 : f32
      %jit3A_1082 = arith.constant 1.000000e+00 : f32
      %jit3A_1083 = arith.constant 0.000000e+00 : f32
      %select_n3A_1084 = arith.select %gt3A_1081, %jit3A_1082, %jit3A_1083 : f32
      %eq3A_1085 = arith.constant 0 : i32
      %eq3A_1086 = vector.broadcast %eq3A_1085 : i32 to vector<1x128xi32>
      %eq3A_1087 = arith.cmpi eq, %iota3A_3, %eq3A_1086 : vector<1x128xi32>
      %convert_element_type3A_1088 = arith.extui %eq3A_1087 : vector<1x128xi1> to vector<1x128xi32>
      %convert_element_type3A_1089 = arith.sitofp %convert_element_type3A_1088 : vector<1x128xi32> to vector<1x128xf32>
      %mul3A_1090 = vector.broadcast %slice3A_997 : vector<1x1xf32> to vector<1x128xf32>
      %mul3A_1091 = arith.mulf %convert_element_type3A_1089, %mul3A_1090 : vector<1x128xf32>
      %eq3A_1092 = arith.constant 1 : i32
      %eq3A_1093 = vector.broadcast %eq3A_1092 : i32 to vector<1x128xi32>
      %eq3A_1094 = arith.cmpi eq, %iota3A_3, %eq3A_1093 : vector<1x128xi32>
      %convert_element_type3A_1095 = arith.extui %eq3A_1094 : vector<1x128xi1> to vector<1x128xi32>
      %convert_element_type3A_1096 = arith.sitofp %convert_element_type3A_1095 : vector<1x128xi32> to vector<1x128xf32>
      %mul3A_1097 = vector.broadcast %slice3A_998 : vector<1x1xf32> to vector<1x128xf32>
      %mul3A_1098 = arith.mulf %convert_element_type3A_1096, %mul3A_1097 : vector<1x128xf32>
      %add3A_1099 = arith.addf %mul3A_1091, %mul3A_1098 : vector<1x128xf32>
      %eq3A_1100 = arith.constant 2 : i32
      %eq3A_1101 = vector.broadcast %eq3A_1100 : i32 to vector<1x128xi32>
      %eq3A_1102 = arith.cmpi eq, %iota3A_3, %eq3A_1101 : vector<1x128xi32>
      %convert_element_type3A_1103 = arith.extui %eq3A_1102 : vector<1x128xi1> to vector<1x128xi32>
      %convert_element_type3A_1104 = arith.sitofp %convert_element_type3A_1103 : vector<1x128xi32> to vector<1x128xf32>
      %mul3A_1105 = vector.broadcast %slice3A_999 : vector<1x1xf32> to vector<1x128xf32>
      %mul3A_1106 = arith.mulf %convert_element_type3A_1104, %mul3A_1105 : vector<1x128xf32>
      %add3A_1107 = arith.addf %add3A_1099, %mul3A_1106 : vector<1x128xf32>
      %eq3A_1108 = arith.constant 3 : i32
      %eq3A_1109 = vector.broadcast %eq3A_1108 : i32 to vector<1x128xi32>
      %eq3A_1110 = arith.cmpi eq, %iota3A_3, %eq3A_1109 : vector<1x128xi32>
      %convert_element_type3A_1111 = arith.extui %eq3A_1110 : vector<1x128xi1> to vector<1x128xi32>
      %convert_element_type3A_1112 = arith.sitofp %convert_element_type3A_1111 : vector<1x128xi32> to vector<1x128xf32>
      %mul3A_1113 = vector.broadcast %slice3A_1000 : vector<1x1xf32> to vector<1x128xf32>
      %mul3A_1114 = arith.mulf %convert_element_type3A_1112, %mul3A_1113 : vector<1x128xf32>
      %add3A_1115 = arith.addf %add3A_1107, %mul3A_1114 : vector<1x128xf32>
      %eq3A_1116 = arith.constant 5 : i32
      %eq3A_1117 = vector.broadcast %eq3A_1116 : i32 to vector<1x128xi32>
      %eq3A_1118 = arith.cmpi eq, %iota3A_3, %eq3A_1117 : vector<1x128xi32>
      %convert_element_type3A_1119 = arith.extui %eq3A_1118 : vector<1x128xi1> to vector<1x128xi32>
      %convert_element_type3A_1120 = arith.sitofp %convert_element_type3A_1119 : vector<1x128xi32> to vector<1x128xf32>
      %mul3A_1121 = vector.broadcast %slice3A_1001 : vector<1x1xf32> to vector<1x128xf32>
      %mul3A_1122 = arith.mulf %convert_element_type3A_1120, %mul3A_1121 : vector<1x128xf32>
      %add3A_1123 = arith.addf %add3A_1115, %mul3A_1122 : vector<1x128xf32>
      %eq3A_1124 = arith.constant 7 : i32
      %eq3A_1125 = vector.broadcast %eq3A_1124 : i32 to vector<1x128xi32>
      %eq3A_1126 = arith.cmpi eq, %iota3A_3, %eq3A_1125 : vector<1x128xi32>
      %convert_element_type3A_1127 = arith.extui %eq3A_1126 : vector<1x128xi1> to vector<1x128xi32>
      %convert_element_type3A_1128 = arith.sitofp %convert_element_type3A_1127 : vector<1x128xi32> to vector<1x128xf32>
      %mul3A_1129 = vector.broadcast %slice3A_1002 : vector<1x1xf32> to vector<1x128xf32>
      %mul3A_1130 = arith.mulf %convert_element_type3A_1128, %mul3A_1129 : vector<1x128xf32>
      %add3A_1131 = arith.addf %add3A_1123, %mul3A_1130 : vector<1x128xf32>
      %eq3A_1132 = arith.constant 8 : i32
      %eq3A_1133 = vector.broadcast %eq3A_1132 : i32 to vector<1x128xi32>
      %eq3A_1134 = arith.cmpi eq, %iota3A_3, %eq3A_1133 : vector<1x128xi32>
      %convert_element_type3A_1135 = arith.extui %eq3A_1134 : vector<1x128xi1> to vector<1x128xi32>
      %convert_element_type3A_1136 = arith.sitofp %convert_element_type3A_1135 : vector<1x128xi32> to vector<1x128xf32>
      %mul3A_1137 = vector.broadcast %slice3A_1003 : vector<1x1xf32> to vector<1x128xf32>
      %mul3A_1138 = arith.mulf %convert_element_type3A_1136, %mul3A_1137 : vector<1x128xf32>
      %add3A_1139 = arith.addf %add3A_1131, %mul3A_1138 : vector<1x128xf32>
      %eq3A_1140 = arith.constant 4 : i32
      %eq3A_1141 = vector.broadcast %eq3A_1140 : i32 to vector<1x128xi32>
      %eq3A_1142 = arith.cmpi eq, %iota3A_3, %eq3A_1141 : vector<1x128xi32>
      %convert_element_type3A_1143 = arith.extui %eq3A_1142 : vector<1x128xi1> to vector<1x128xi32>
      %convert_element_type3A_1144 = arith.sitofp %convert_element_type3A_1143 : vector<1x128xi32> to vector<1x128xf32>
      %add3A_1145 = arith.addf %add3A_1139, %convert_element_type3A_1144 : vector<1x128xf32>
      %eq3A_1146 = arith.constant 6 : i32
      %eq3A_1147 = vector.broadcast %eq3A_1146 : i32 to vector<1x128xi32>
      %eq3A_1148 = arith.cmpi eq, %iota3A_3, %eq3A_1147 : vector<1x128xi32>
      %convert_element_type3A_1149 = arith.extui %eq3A_1148 : vector<1x128xi1> to vector<1x128xi32>
      %convert_element_type3A_1150 = arith.sitofp %convert_element_type3A_1149 : vector<1x128xi32> to vector<1x128xf32>
      %add3A_1151 = arith.addf %add3A_1145, %convert_element_type3A_1150 : vector<1x128xf32>
      %eq3A_1152 = arith.constant 9 : i32
      %eq3A_1153 = vector.broadcast %eq3A_1152 : i32 to vector<1x128xi32>
      %eq3A_1154 = arith.cmpi eq, %iota3A_3, %eq3A_1153 : vector<1x128xi32>
      %convert_element_type3A_1155 = arith.extui %eq3A_1154 : vector<1x128xi1> to vector<1x128xi32>
      %convert_element_type3A_1156 = arith.sitofp %convert_element_type3A_1155 : vector<1x128xi32> to vector<1x128xf32>
      %add3A_1157 = arith.addf %add3A_1151, %convert_element_type3A_1156 : vector<1x128xf32>
      %mul3A_1158 = vector.broadcast %select_n3A_1084 : f32 to vector<1x128xf32>
      %mul3A_1159 = arith.mulf %add3A_1157, %mul3A_1158 : vector<1x128xf32>
      %swap3A_1160 = arith.constant 0 : index
      %swap3A_1161 = arith.index_cast %scan3A_780 : i32 to index
      %swap3A_1162 = arith.constant 0 : index
      %swap3A_1163 = vector.load %arg8[%swap3A_1160, %swap3A_1161, %swap3A_1162] : memref<2x512x128xf32, #tpu.memory_space<vmem>>, vector<1x1x128xf32>
      %swap3A_1164 = vector.shape_cast %swap3A_1163 : vector<1x1x128xf32> to vector<1x128xf32>
      %swap3A_1165 = vector.shape_cast %mul3A_1159 : vector<1x128xf32> to vector<1x1x128xf32>
      tpu.vector_store %arg8[%swap3A_1160, %swap3A_1161, %swap3A_1162], %swap3A_1165 {strides = array<i32>} : memref<2x512x128xf32, #tpu.memory_space<vmem>>, vector<1x1x128xf32>,
      %slice3A_1166 = vector.extract_strided_slice %broadcast_in_dim3A_996 {offsets = [0, 0], sizes = [1, 1], strides = [1, 1]} : vector<7x1xf32> to vector<1x1xf32>
      %slice3A_1167 = vector.extract_strided_slice %broadcast_in_dim3A_996 {offsets = [1, 0], sizes = [1, 1], strides = [1, 1]} : vector<7x1xf32> to vector<1x1xf32>
      %slice3A_1168 = vector.extract_strided_slice %broadcast_in_dim3A_996 {offsets = [2, 0], sizes = [1, 1], strides = [1, 1]} : vector<7x1xf32> to vector<1x1xf32>
      %slice3A_1169 = vector.extract_strided_slice %broadcast_in_dim3A_996 {offsets = [3, 0], sizes = [1, 1], strides = [1, 1]} : vector<7x1xf32> to vector<1x1xf32>
      %slice3A_1170 = vector.extract_strided_slice %broadcast_in_dim3A_996 {offsets = [4, 0], sizes = [1, 1], strides = [1, 1]} : vector<7x1xf32> to vector<1x1xf32>
      %slice3A_1171 = vector.extract_strided_slice %broadcast_in_dim3A_996 {offsets = [5, 0], sizes = [1, 1], strides = [1, 1]} : vector<7x1xf32> to vector<1x1xf32>
      %slice3A_1172 = vector.extract_strided_slice %broadcast_in_dim3A_996 {offsets = [6, 0], sizes = [1, 1], strides = [1, 1]} : vector<7x1xf32> to vector<1x1xf32>
      %get3A_1173 = arith.constant 1 : index
      %get3A_1174 = arith.constant 0 : index
      %get3A_1175 = arith.constant 0 : index
      %get3A_1176 = vector.load %arg10[%get3A_1173, %get3A_1174, %get3A_1175] : memref<2x160x128xf32, #tpu.memory_space<vmem>>, vector<1x160x128xf32>
      %get3A_1177 = vector.shape_cast %get3A_1176 : vector<1x160x128xf32> to vector<160x128xf32>
      %get3A_1178 = arith.constant 1 : index
      %get3A_1179 = arith.constant 0 : index
      %get3A_1180 = arith.constant 0 : index
      %get3A_1181 = vector.load %arg11[%get3A_1178, %get3A_1179, %get3A_1180] : memref<2x160x128xf32, #tpu.memory_space<vmem>>, vector<1x160x128xf32>
      %get3A_1182 = vector.shape_cast %get3A_1181 : vector<1x160x128xf32> to vector<160x128xf32>
      %get3A_1183 = arith.constant 1 : index
      %get3A_1184 = arith.constant 0 : index
      %get3A_1185 = arith.constant 0 : index
      %get3A_1186 = vector.load %arg5[%get3A_1183, %get3A_1184, %get3A_1185] : memref<2x160x128xf32, #tpu.memory_space<vmem>>, vector<1x160x128xf32>
      %get3A_1187 = vector.shape_cast %get3A_1186 : vector<1x160x128xf32> to vector<160x128xf32>
      %get3A_1188 = arith.constant 1 : index
      %get3A_1189 = arith.constant 0 : index
      %get3A_1190 = arith.constant 0 : index
      %get3A_1191 = vector.load %arg7[%get3A_1188, %get3A_1189, %get3A_1190] : memref<2x160x128xf32, #tpu.memory_space<vmem>>, vector<1x160x128xf32>
      %get3A_1192 = vector.shape_cast %get3A_1191 : vector<1x160x128xf32> to vector<160x128xf32>
      %max3A_1193 = vector.broadcast %slice3A_1166 : vector<1x1xf32> to vector<160x128xf32>
      %max3A_1194 = arith.maximumf %max3A_1193, %get3A_1177 : vector<160x128xf32>
      %max3A_1195 = vector.broadcast %slice3A_1167 : vector<1x1xf32> to vector<160x128xf32>
      %max3A_1196 = arith.maximumf %max3A_1195, %get3A_1187 : vector<160x128xf32>
      %min3A_1197 = vector.broadcast %slice3A_1168 : vector<1x1xf32> to vector<160x128xf32>
      %min3A_1198 = arith.minimumf %min3A_1197, %get3A_1182 : vector<160x128xf32>
      %min3A_1199 = vector.broadcast %slice3A_1169 : vector<1x1xf32> to vector<160x128xf32>
      %min3A_1200 = arith.minimumf %min3A_1199, %get3A_1192 : vector<160x128xf32>
      %sub3A_1201 = arith.subf %min3A_1198, %max3A_1194 : vector<160x128xf32>
      %max3A_1202 = arith.constant 0.000000e+00 : f32
      %max3A_1203 = vector.broadcast %max3A_1202 : f32 to vector<160x128xf32>
      %max3A_1204 = arith.maximumf %max3A_1203, %sub3A_1201 : vector<160x128xf32>
      %sub3A_1205 = arith.subf %min3A_1200, %max3A_1196 : vector<160x128xf32>
      %max3A_1206 = arith.constant 0.000000e+00 : f32
      %max3A_1207 = vector.broadcast %max3A_1206 : f32 to vector<160x128xf32>
      %max3A_1208 = arith.maximumf %max3A_1207, %sub3A_1205 : vector<160x128xf32>
      %mul3A_1209 = arith.mulf %max3A_1204, %max3A_1208 : vector<160x128xf32>
      %sub3A_1210 = arith.subf %slice3A_1168, %slice3A_1166 : vector<1x1xf32>
      %max3A_1211 = arith.constant 0.000000e+00 : f32
      %max3A_1212 = vector.broadcast %max3A_1211 : f32 to vector<1x1xf32>
      %max3A_1213 = arith.maximumf %max3A_1212, %sub3A_1210 : vector<1x1xf32>
      %sub3A_1214 = arith.subf %slice3A_1169, %slice3A_1167 : vector<1x1xf32>
      %max3A_1215 = arith.constant 0.000000e+00 : f32
      %max3A_1216 = vector.broadcast %max3A_1215 : f32 to vector<1x1xf32>
      %max3A_1217 = arith.maximumf %max3A_1216, %sub3A_1214 : vector<1x1xf32>
      %mul3A_1218 = arith.mulf %max3A_1213, %max3A_1217 : vector<1x1xf32>
      %get3A_1219 = arith.constant 1 : index
      %get3A_1220 = arith.constant 0 : index
      %get3A_1221 = arith.constant 0 : index
      %get3A_1222 = vector.load %arg12[%get3A_1219, %get3A_1220, %get3A_1221] : memref<2x160x128xf32, #tpu.memory_space<vmem>>, vector<1x160x128xf32>
      %get3A_1223 = vector.shape_cast %get3A_1222 : vector<1x160x128xf32> to vector<160x128xf32>
      %add3A_1224 = vector.broadcast %mul3A_1218 : vector<1x1xf32> to vector<160x128xf32>
      %add3A_1225 = arith.addf %add3A_1224, %get3A_1223 : vector<160x128xf32>
      %sub3A_1226 = arith.subf %add3A_1225, %mul3A_1209 : vector<160x128xf32>
      %gt3A_1227 = arith.constant 0.000000e+00 : f32
      %gt3A_1228 = vector.broadcast %gt3A_1227 : f32 to vector<160x128xf32>
      %gt3A_1229 = arith.cmpf ogt, %sub3A_1226, %gt3A_1228 : vector<160x128xf32>
      %div3A_1230 = arith.divf %mul3A_1209, %sub3A_1226 : vector<160x128xf32>
      %jit3A_1231 = arith.constant 0.000000e+00 : f32
      %broadcast_in_dim3A_1232 = vector.broadcast %jit3A_1231 : f32 to vector<160x128xf32>
      %select_n3A_1233 = arith.select %gt3A_1229, %div3A_1230, %broadcast_in_dim3A_1232 : vector<160x128xi1>, vector<160x128xf32>
      %gt3A_1234 = arith.constant 3.000000e-01 : f32
      %gt3A_1235 = vector.broadcast %gt3A_1234 : f32 to vector<160x128xf32>
      %gt3A_1236 = arith.cmpf ogt, %select_n3A_1233, %gt3A_1235 : vector<160x128xf32>
      %eq3A_1237 = vector.broadcast %reduce_min3A_850 : f32 to vector<160x128xf32>
      %eq3A_1238 = arith.cmpf oeq, %convert_element_type3A, %eq3A_1237 : vector<160x128xf32>
      %or3A_1239 = arith.ori %gt3A_1236, %eq3A_1238 : vector<160x128xi1>
      %jit3A_1240 = arith.constant -1.000000e+30 : f32
      %broadcast_in_dim3A_1241 = vector.broadcast %jit3A_1240 : f32 to vector<160x128xf32>
      %select_n3A_1242 = arith.select %or3A_1239, %broadcast_in_dim3A_1241, %get3A_790 : vector<160x128xi1>, vector<160x128xf32>
      %swap3A_1243 = arith.constant 1 : index
      %swap3A_1244 = arith.constant 0 : index
      %swap3A_1245 = arith.constant 0 : index
      %swap3A_1246 = vector.load %arg9[%swap3A_1243, %swap3A_1244, %swap3A_1245] : memref<2x160x128xf32, #tpu.memory_space<vmem>>, vector<1x160x128xf32>
      %swap3A_1247 = vector.shape_cast %swap3A_1246 : vector<1x160x128xf32> to vector<160x128xf32>
      %swap3A_1248 = vector.shape_cast %select_n3A_1242 : vector<160x128xf32> to vector<1x160x128xf32>
      tpu.vector_store %arg9[%swap3A_1243, %swap3A_1244, %swap3A_1245], %swap3A_1248 {strides = array<i32>} : memref<2x160x128xf32, #tpu.memory_space<vmem>>, vector<1x160x128xf32>,
      %gt3A_1249 = arith.constant -1.000000e+29 : f32
      %gt3A_1250 = arith.cmpf ogt, %reduce_max3A_806, %gt3A_1249 : f32
      %jit3A_1251 = arith.constant 1.000000e+00 : f32
      %jit3A_1252 = arith.constant 0.000000e+00 : f32
      %select_n3A_1253 = arith.select %gt3A_1250, %jit3A_1251, %jit3A_1252 : f32
      %eq3A_1254 = arith.constant 0 : i32
      %eq3A_1255 = vector.broadcast %eq3A_1254 : i32 to vector<1x128xi32>
      %eq3A_1256 = arith.cmpi eq, %iota3A_3, %eq3A_1255 : vector<1x128xi32>
      %convert_element_type3A_1257 = arith.extui %eq3A_1256 : vector<1x128xi1> to vector<1x128xi32>
      %convert_element_type3A_1258 = arith.sitofp %convert_element_type3A_1257 : vector<1x128xi32> to vector<1x128xf32>
      %mul3A_1259 = vector.broadcast %slice3A_1166 : vector<1x1xf32> to vector<1x128xf32>
      %mul3A_1260 = arith.mulf %convert_element_type3A_1258, %mul3A_1259 : vector<1x128xf32>
      %eq3A_1261 = arith.constant 1 : i32
      %eq3A_1262 = vector.broadcast %eq3A_1261 : i32 to vector<1x128xi32>
      %eq3A_1263 = arith.cmpi eq, %iota3A_3, %eq3A_1262 : vector<1x128xi32>
      %convert_element_type3A_1264 = arith.extui %eq3A_1263 : vector<1x128xi1> to vector<1x128xi32>
      %convert_element_type3A_1265 = arith.sitofp %convert_element_type3A_1264 : vector<1x128xi32> to vector<1x128xf32>
      %mul3A_1266 = vector.broadcast %slice3A_1167 : vector<1x1xf32> to vector<1x128xf32>
      %mul3A_1267 = arith.mulf %convert_element_type3A_1265, %mul3A_1266 : vector<1x128xf32>
      %add3A_1268 = arith.addf %mul3A_1260, %mul3A_1267 : vector<1x128xf32>
      %eq3A_1269 = arith.constant 2 : i32
      %eq3A_1270 = vector.broadcast %eq3A_1269 : i32 to vector<1x128xi32>
      %eq3A_1271 = arith.cmpi eq, %iota3A_3, %eq3A_1270 : vector<1x128xi32>
      %convert_element_type3A_1272 = arith.extui %eq3A_1271 : vector<1x128xi1> to vector<1x128xi32>
      %convert_element_type3A_1273 = arith.sitofp %convert_element_type3A_1272 : vector<1x128xi32> to vector<1x128xf32>
      %mul3A_1274 = vector.broadcast %slice3A_1168 : vector<1x1xf32> to vector<1x128xf32>
      %mul3A_1275 = arith.mulf %convert_element_type3A_1273, %mul3A_1274 : vector<1x128xf32>
      %add3A_1276 = arith.addf %add3A_1268, %mul3A_1275 : vector<1x128xf32>
      %eq3A_1277 = arith.constant 3 : i32
      %eq3A_1278 = vector.broadcast %eq3A_1277 : i32 to vector<1x128xi32>
      %eq3A_1279 = arith.cmpi eq, %iota3A_3, %eq3A_1278 : vector<1x128xi32>
      %convert_element_type3A_1280 = arith.extui %eq3A_1279 : vector<1x128xi1> to vector<1x128xi32>
      %convert_element_type3A_1281 = arith.sitofp %convert_element_type3A_1280 : vector<1x128xi32> to vector<1x128xf32>
      %mul3A_1282 = vector.broadcast %slice3A_1169 : vector<1x1xf32> to vector<1x128xf32>
      %mul3A_1283 = arith.mulf %convert_element_type3A_1281, %mul3A_1282 : vector<1x128xf32>
      %add3A_1284 = arith.addf %add3A_1276, %mul3A_1283 : vector<1x128xf32>
      %eq3A_1285 = arith.constant 5 : i32
      %eq3A_1286 = vector.broadcast %eq3A_1285 : i32 to vector<1x128xi32>
      %eq3A_1287 = arith.cmpi eq, %iota3A_3, %eq3A_1286 : vector<1x128xi32>
      %convert_element_type3A_1288 = arith.extui %eq3A_1287 : vector<1x128xi1> to vector<1x128xi32>
      %convert_element_type3A_1289 = arith.sitofp %convert_element_type3A_1288 : vector<1x128xi32> to vector<1x128xf32>
      %mul3A_1290 = vector.broadcast %slice3A_1170 : vector<1x1xf32> to vector<1x128xf32>
      %mul3A_1291 = arith.mulf %convert_element_type3A_1289, %mul3A_1290 : vector<1x128xf32>
      %add3A_1292 = arith.addf %add3A_1284, %mul3A_1291 : vector<1x128xf32>
      %eq3A_1293 = arith.constant 7 : i32
      %eq3A_1294 = vector.broadcast %eq3A_1293 : i32 to vector<1x128xi32>
      %eq3A_1295 = arith.cmpi eq, %iota3A_3, %eq3A_1294 : vector<1x128xi32>
      %convert_element_type3A_1296 = arith.extui %eq3A_1295 : vector<1x128xi1> to vector<1x128xi32>
      %convert_element_type3A_1297 = arith.sitofp %convert_element_type3A_1296 : vector<1x128xi32> to vector<1x128xf32>
      %mul3A_1298 = vector.broadcast %slice3A_1171 : vector<1x1xf32> to vector<1x128xf32>
      %mul3A_1299 = arith.mulf %convert_element_type3A_1297, %mul3A_1298 : vector<1x128xf32>
      %add3A_1300 = arith.addf %add3A_1292, %mul3A_1299 : vector<1x128xf32>
      %eq3A_1301 = arith.constant 8 : i32
      %eq3A_1302 = vector.broadcast %eq3A_1301 : i32 to vector<1x128xi32>
      %eq3A_1303 = arith.cmpi eq, %iota3A_3, %eq3A_1302 : vector<1x128xi32>
      %convert_element_type3A_1304 = arith.extui %eq3A_1303 : vector<1x128xi1> to vector<1x128xi32>
      %convert_element_type3A_1305 = arith.sitofp %convert_element_type3A_1304 : vector<1x128xi32> to vector<1x128xf32>
      %mul3A_1306 = vector.broadcast %slice3A_1172 : vector<1x1xf32> to vector<1x128xf32>
      %mul3A_1307 = arith.mulf %convert_element_type3A_1305, %mul3A_1306 : vector<1x128xf32>
      %add3A_1308 = arith.addf %add3A_1300, %mul3A_1307 : vector<1x128xf32>
      %eq3A_1309 = arith.constant 4 : i32
      %eq3A_1310 = vector.broadcast %eq3A_1309 : i32 to vector<1x128xi32>
      %eq3A_1311 = arith.cmpi eq, %iota3A_3, %eq3A_1310 : vector<1x128xi32>
      %convert_element_type3A_1312 = arith.extui %eq3A_1311 : vector<1x128xi1> to vector<1x128xi32>
      %convert_element_type3A_1313 = arith.sitofp %convert_element_type3A_1312 : vector<1x128xi32> to vector<1x128xf32>
      %add3A_1314 = arith.addf %add3A_1308, %convert_element_type3A_1313 : vector<1x128xf32>
      %eq3A_1315 = arith.constant 6 : i32
      %eq3A_1316 = vector.broadcast %eq3A_1315 : i32 to vector<1x128xi32>
      %eq3A_1317 = arith.cmpi eq, %iota3A_3, %eq3A_1316 : vector<1x128xi32>
      %convert_element_type3A_1318 = arith.extui %eq3A_1317 : vector<1x128xi1> to vector<1x128xi32>
      %convert_element_type3A_1319 = arith.sitofp %convert_element_type3A_1318 : vector<1x128xi32> to vector<1x128xf32>
      %add3A_1320 = arith.addf %add3A_1314, %convert_element_type3A_1319 : vector<1x128xf32>
      %eq3A_1321 = arith.constant 9 : i32
      %eq3A_1322 = vector.broadcast %eq3A_1321 : i32 to vector<1x128xi32>
      %eq3A_1323 = arith.cmpi eq, %iota3A_3, %eq3A_1322 : vector<1x128xi32>
      %convert_element_type3A_1324 = arith.extui %eq3A_1323 : vector<1x128xi1> to vector<1x128xi32>
      %convert_element_type3A_1325 = arith.sitofp %convert_element_type3A_1324 : vector<1x128xi32> to vector<1x128xf32>
      %add3A_1326 = arith.addf %add3A_1320, %convert_element_type3A_1325 : vector<1x128xf32>
      %mul3A_1327 = vector.broadcast %select_n3A_1253 : f32 to vector<1x128xf32>
      %mul3A_1328 = arith.mulf %add3A_1326, %mul3A_1327 : vector<1x128xf32>
      %swap3A_1329 = arith.constant 1 : index
      %swap3A_1330 = arith.index_cast %scan3A_780 : i32 to index
      %swap3A_1331 = arith.constant 0 : index
      %swap3A_1332 = vector.load %arg8[%swap3A_1329, %swap3A_1330, %swap3A_1331] : memref<2x512x128xf32, #tpu.memory_space<vmem>>, vector<1x1x128xf32>
      %swap3A_1333 = vector.shape_cast %swap3A_1332 : vector<1x1x128xf32> to vector<1x128xf32>
      %swap3A_1334 = vector.shape_cast %mul3A_1328 : vector<1x128xf32> to vector<1x1x128xf32>
      tpu.vector_store %arg8[%swap3A_1329, %swap3A_1330, %swap3A_1331], %swap3A_1334 {strides = array<i32>} : memref<2x512x128xf32, #tpu.memory_space<vmem>>, vector<1x1x128xf32>,
      %scan3A_1335 = arith.constant 2 : i32
      %scan3A_1336 = arith.addi %scan3A_236, %scan3A_1335 : i32
      %get3A_1337 = arith.constant 0 : index
      %get3A_1338 = arith.constant 0 : index
      %get3A_1339 = arith.constant 0 : index
      %get3A_1340 = vector.load %arg9[%get3A_1337, %get3A_1338, %get3A_1339] : memref<2x160x128xf32, #tpu.memory_space<vmem>>, vector<1x160x128xf32>
      %get3A_1341 = vector.shape_cast %get3A_1340 : vector<1x160x128xf32> to vector<160x128xf32>
      %get3A_1342 = arith.constant 1 : index
      %get3A_1343 = arith.constant 0 : index
      %get3A_1344 = arith.constant 0 : index
      %get3A_1345 = vector.load %arg9[%get3A_1342, %get3A_1343, %get3A_1344] : memref<2x160x128xf32, #tpu.memory_space<vmem>>, vector<1x160x128xf32>
      %get3A_1346 = vector.shape_cast %get3A_1345 : vector<1x160x128xf32> to vector<160x128xf32>
      %reduce_max3A_1347 = arith.constant dense<0xFF800000> : vector<128xf32>
      %reduce_max3A_1348 = vector.multi_reduction <maximumf>, %get3A_1341, %reduce_max3A_1347 [0] : vector<160x128xf32> to vector<128xf32>
      %broadcast_in_dim3A_1349 = vector.shape_cast %reduce_max3A_1348 : vector<128xf32> to vector<1x128xf32>
      %reduce_max3A_1350 = arith.constant dense<0xFF800000> : vector<128xf32>
      %reduce_max3A_1351 = vector.multi_reduction <maximumf>, %get3A_1346, %reduce_max3A_1350 [0] : vector<160x128xf32> to vector<128xf32>
      %broadcast_in_dim3A_1352 = vector.shape_cast %reduce_max3A_1351 : vector<128xf32> to vector<1x128xf32>
      %reduce_max3A_1353 = vector.shape_cast %broadcast_in_dim3A_1349 : vector<1x128xf32> to vector<1x1x128xf32>
      %reduce_max3A_1354 = arith.constant dense<0xFF800000> : vector<1xf32>
      %reduce_max3A_1355 = vector.multi_reduction <maximumf>, %reduce_max3A_1353, %reduce_max3A_1354 [1, 2] : vector<1x1x128xf32> to vector<1xf32>
      %reduce_max3A_1356 = vector.shape_cast %reduce_max3A_1355 : vector<1xf32> to vector<1x1x1xf32>
      %reduce_max3A_1357 = vector.extract %reduce_max3A_1356[0, 0, 0] : f32 from vector<1x1x1xf32>
      %reduce_max3A_1358 = vector.shape_cast %broadcast_in_dim3A_1352 : vector<1x128xf32> to vector<1x1x128xf32>
      %reduce_max3A_1359 = arith.constant dense<0xFF800000> : vector<1xf32>
      %reduce_max3A_1360 = vector.multi_reduction <maximumf>, %reduce_max3A_1358, %reduce_max3A_1359 [1, 2] : vector<1x1x128xf32> to vector<1xf32>
      %reduce_max3A_1361 = vector.shape_cast %reduce_max3A_1360 : vector<1xf32> to vector<1x1x1xf32>
      %reduce_max3A_1362 = vector.extract %reduce_max3A_1361[0, 0, 0] : f32 from vector<1x1x1xf32>
      %eq3A_1363 = vector.broadcast %broadcast_in_dim3A_1349 : vector<1x128xf32> to vector<160x128xf32>
      %eq3A_1364 = arith.cmpf oeq, %get3A_1341, %eq3A_1363 : vector<160x128xf32>
      %jit3A_1365 = arith.constant 1.600000e+02 : f32
      %broadcast_in_dim3A_1366 = vector.broadcast %jit3A_1365 : f32 to vector<160x128xf32>
      %select_n3A_1367 = arith.select %eq3A_1364, %convert_element_type3A_4, %broadcast_in_dim3A_1366 : vector<160x128xi1>, vector<160x128xf32>
      %reduce_min3A_1368 = arith.constant dense<0x7F800000> : vector<128xf32>
      %reduce_min3A_1369 = vector.multi_reduction <minimumf>, %select_n3A_1367, %reduce_min3A_1368 [0] : vector<160x128xf32> to vector<128xf32>
      %broadcast_in_dim3A_1370 = vector.shape_cast %reduce_min3A_1369 : vector<128xf32> to vector<1x128xf32>
      %eq3A_1371 = vector.broadcast %broadcast_in_dim3A_1352 : vector<1x128xf32> to vector<160x128xf32>
      %eq3A_1372 = arith.cmpf oeq, %get3A_1346, %eq3A_1371 : vector<160x128xf32>
      %jit3A_1373 = arith.constant 1.600000e+02 : f32
      %broadcast_in_dim3A_1374 = vector.broadcast %jit3A_1373 : f32 to vector<160x128xf32>
      %select_n3A_1375 = arith.select %eq3A_1372, %convert_element_type3A_4, %broadcast_in_dim3A_1374 : vector<160x128xi1>, vector<160x128xf32>
      %reduce_min3A_1376 = arith.constant dense<0x7F800000> : vector<128xf32>
      %reduce_min3A_1377 = vector.multi_reduction <minimumf>, %select_n3A_1375, %reduce_min3A_1376 [0] : vector<160x128xf32> to vector<128xf32>
      %broadcast_in_dim3A_1378 = vector.shape_cast %reduce_min3A_1377 : vector<128xf32> to vector<1x128xf32>
      %mul3A_1379 = arith.constant 1.280000e+02 : f32
      %mul3A_1380 = vector.broadcast %mul3A_1379 : f32 to vector<1x128xf32>
      %mul3A_1381 = arith.mulf %broadcast_in_dim3A_1370, %mul3A_1380 : vector<1x128xf32>
      %add3A_1382 = arith.addf %mul3A_1381, %convert_element_type3A_5 : vector<1x128xf32>
      %mul3A_1383 = arith.constant 1.280000e+02 : f32
      %mul3A_1384 = vector.broadcast %mul3A_1383 : f32 to vector<1x128xf32>
      %mul3A_1385 = arith.mulf %broadcast_in_dim3A_1378, %mul3A_1384 : vector<1x128xf32>
      %add3A_1386 = arith.addf %mul3A_1385, %convert_element_type3A_5 : vector<1x128xf32>
      %eq3A_1387 = vector.broadcast %reduce_max3A_1357 : f32 to vector<1x128xf32>
      %eq3A_1388 = arith.cmpf oeq, %broadcast_in_dim3A_1349, %eq3A_1387 : vector<1x128xf32>
      %jit3A_1389 = arith.constant 2.048000e+04 : f32
      %broadcast_in_dim3A_1390 = vector.broadcast %jit3A_1389 : f32 to vector<1x128xf32>
      %select_n3A_1391 = arith.select %eq3A_1388, %add3A_1382, %broadcast_in_dim3A_1390 : vector<1x128xi1>, vector<1x128xf32>
      %reduce_min3A_1392 = vector.shape_cast %select_n3A_1391 : vector<1x128xf32> to vector<1x1x128xf32>
      %reduce_min3A_1393 = arith.constant dense<0x7F800000> : vector<1xf32>
      %reduce_min3A_1394 = vector.multi_reduction <minimumf>, %reduce_min3A_1392, %reduce_min3A_1393 [1, 2] : vector<1x1x128xf32> to vector<1xf32>
      %reduce_min3A_1395 = vector.shape_cast %reduce_min3A_1394 : vector<1xf32> to vector<1x1x1xf32>
      %reduce_min3A_1396 = vector.extract %reduce_min3A_1395[0, 0, 0] : f32 from vector<1x1x1xf32>
      %eq3A_1397 = vector.broadcast %reduce_max3A_1362 : f32 to vector<1x128xf32>
      %eq3A_1398 = arith.cmpf oeq, %broadcast_in_dim3A_1352, %eq3A_1397 : vector<1x128xf32>
      %jit3A_1399 = arith.constant 2.048000e+04 : f32
      %broadcast_in_dim3A_1400 = vector.broadcast %jit3A_1399 : f32 to vector<1x128xf32>
      %select_n3A_1401 = arith.select %eq3A_1398, %add3A_1386, %broadcast_in_dim3A_1400 : vector<1x128xi1>, vector<1x128xf32>
      %reduce_min3A_1402 = vector.shape_cast %select_n3A_1401 : vector<1x128xf32> to vector<1x1x128xf32>
      %reduce_min3A_1403 = arith.constant dense<0x7F800000> : vector<1xf32>
      %reduce_min3A_1404 = vector.multi_reduction <minimumf>, %reduce_min3A_1402, %reduce_min3A_1403 [1, 2] : vector<1x1x128xf32> to vector<1xf32>
      %reduce_min3A_1405 = vector.shape_cast %reduce_min3A_1404 : vector<1xf32> to vector<1x1x1xf32>
      %reduce_min3A_1406 = vector.extract %reduce_min3A_1405[0, 0, 0] : f32 from vector<1x1x1xf32>
      %convert_element_type3A_1407 = arith.fptosi %reduce_min3A_1396 : f32 to i32
      %convert_element_type3A_1408 = arith.fptosi %reduce_min3A_1406 : f32 to i32
      %jit3A_1409 = arith.constant 128 : i32
      %div3A_1410 = arith.divsi %convert_element_type3A_1407, %jit3A_1409 : i32
      %sign3A_1411 = arith.constant 0 : i32
      %sign3A_1412 = arith.cmpi sgt, %convert_element_type3A_1407, %sign3A_1411 : i32
      %sign3A_1413 = arith.extui %sign3A_1412 : i1 to i32
      %sign3A_1414 = arith.constant 0 : i32
      %sign3A_1415 = arith.cmpi slt, %convert_element_type3A_1407, %sign3A_1414 : i32
      %sign3A_1416 = arith.extui %sign3A_1415 : i1 to i32
      %sign3A_1417 = arith.subi %sign3A_1413, %sign3A_1416 : i32
      %sign3A_1418 = arith.constant 0 : i32
      %sign3A_1419 = arith.cmpi sgt, %jit3A_1409, %sign3A_1418 : i32
      %sign3A_1420 = arith.extui %sign3A_1419 : i1 to i32
      %sign3A_1421 = arith.constant 0 : i32
      %sign3A_1422 = arith.cmpi slt, %jit3A_1409, %sign3A_1421 : i32
      %sign3A_1423 = arith.extui %sign3A_1422 : i1 to i32
      %sign3A_1424 = arith.subi %sign3A_1420, %sign3A_1423 : i32
      %ne3A_1425 = arith.cmpi ne, %sign3A_1417, %sign3A_1424 : i32
      %rem3A_1426 = arith.remsi %convert_element_type3A_1407, %jit3A_1409 : i32
      %ne3A_1427 = arith.constant 0 : i32
      %ne3A_1428 = arith.cmpi ne, %rem3A_1426, %ne3A_1427 : i32
      %and3A_1429 = arith.andi %ne3A_1425, %ne3A_1428 : i1
      %sub3A_1430 = arith.constant 1 : i32
      %sub3A_1431 = arith.subi %div3A_1410, %sub3A_1430 : i32
      %select_n3A_1432 = arith.select %and3A_1429, %sub3A_1431, %div3A_1410 : i32
      %jit3A_1433 = arith.constant 128 : i32
      %div3A_1434 = arith.divsi %convert_element_type3A_1408, %jit3A_1433 : i32
      %sign3A_1435 = arith.constant 0 : i32
      %sign3A_1436 = arith.cmpi sgt, %convert_element_type3A_1408, %sign3A_1435 : i32
      %sign3A_1437 = arith.extui %sign3A_1436 : i1 to i32
      %sign3A_1438 = arith.constant 0 : i32
      %sign3A_1439 = arith.cmpi slt, %convert_element_type3A_1408, %sign3A_1438 : i32
      %sign3A_1440 = arith.extui %sign3A_1439 : i1 to i32
      %sign3A_1441 = arith.subi %sign3A_1437, %sign3A_1440 : i32
      %sign3A_1442 = arith.constant 0 : i32
      %sign3A_1443 = arith.cmpi sgt, %jit3A_1433, %sign3A_1442 : i32
      %sign3A_1444 = arith.extui %sign3A_1443 : i1 to i32
      %sign3A_1445 = arith.constant 0 : i32
      %sign3A_1446 = arith.cmpi slt, %jit3A_1433, %sign3A_1445 : i32
      %sign3A_1447 = arith.extui %sign3A_1446 : i1 to i32
      %sign3A_1448 = arith.subi %sign3A_1444, %sign3A_1447 : i32
      %ne3A_1449 = arith.cmpi ne, %sign3A_1441, %sign3A_1448 : i32
      %rem3A_1450 = arith.remsi %convert_element_type3A_1408, %jit3A_1433 : i32
      %ne3A_1451 = arith.constant 0 : i32
      %ne3A_1452 = arith.cmpi ne, %rem3A_1450, %ne3A_1451 : i32
      %and3A_1453 = arith.andi %ne3A_1449, %ne3A_1452 : i1
      %sub3A_1454 = arith.constant 1 : i32
      %sub3A_1455 = arith.subi %div3A_1434, %sub3A_1454 : i32
      %select_n3A_1456 = arith.select %and3A_1453, %sub3A_1455, %div3A_1434 : i32
      %mul3A_1457 = arith.constant 128 : i32
      %mul3A_1458 = arith.muli %select_n3A_1432, %mul3A_1457 : i32
      %sub3A_1459 = arith.subi %convert_element_type3A_1407, %mul3A_1458 : i32
      %mul3A_1460 = arith.constant 128 : i32
      %mul3A_1461 = arith.muli %select_n3A_1456, %mul3A_1460 : i32
      %sub3A_1462 = arith.subi %convert_element_type3A_1408, %mul3A_1461 : i32
      %eq3A_1463 = vector.broadcast %sub3A_1459 : i32 to vector<1x128xi32>
      %eq3A_1464 = arith.cmpi eq, %iota3A_3, %eq3A_1463 : vector<1x128xi32>
      %convert_element_type3A_1465 = arith.extui %eq3A_1464 : vector<1x128xi1> to vector<1x128xi32>
      %convert_element_type3A_1466 = arith.sitofp %convert_element_type3A_1465 : vector<1x128xi32> to vector<1x128xf32>
      %eq3A_1467 = vector.broadcast %sub3A_1462 : i32 to vector<1x128xi32>
      %eq3A_1468 = arith.cmpi eq, %iota3A_3, %eq3A_1467 : vector<1x128xi32>
      %convert_element_type3A_1469 = arith.extui %eq3A_1468 : vector<1x128xi1> to vector<1x128xi32>
      %convert_element_type3A_1470 = arith.sitofp %convert_element_type3A_1469 : vector<1x128xi32> to vector<1x128xf32>
      %get3A_1471 = arith.constant 0 : index
      %get3A_1472 = arith.index_cast %select_n3A_1432 : i32 to index
      %get3A_1473 = arith.constant 0 : index
      %get3A_1474 = vector.load %arg10[%get3A_1471, %get3A_1472, %get3A_1473] : memref<2x160x128xf32, #tpu.memory_space<vmem>>, vector<1x1x128xf32>
      %get3A_1475 = vector.shape_cast %get3A_1474 : vector<1x1x128xf32> to vector<1x128xf32>
      %get3A_1476 = arith.constant 0 : index
      %get3A_1477 = arith.index_cast %select_n3A_1432 : i32 to index
      %get3A_1478 = arith.constant 0 : index
      %get3A_1479 = vector.load %arg5[%get3A_1476, %get3A_1477, %get3A_1478] : memref<2x160x128xf32, #tpu.memory_space<vmem>>, vector<1x1x128xf32>
      %get3A_1480 = vector.shape_cast %get3A_1479 : vector<1x1x128xf32> to vector<1x128xf32>
      %get3A_1481 = arith.constant 0 : index
      %get3A_1482 = arith.index_cast %select_n3A_1432 : i32 to index
      %get3A_1483 = arith.constant 0 : index
      %get3A_1484 = vector.load %arg11[%get3A_1481, %get3A_1482, %get3A_1483] : memref<2x160x128xf32, #tpu.memory_space<vmem>>, vector<1x1x128xf32>
      %get3A_1485 = vector.shape_cast %get3A_1484 : vector<1x1x128xf32> to vector<1x128xf32>
      %get3A_1486 = arith.constant 0 : index
      %get3A_1487 = arith.index_cast %select_n3A_1432 : i32 to index
      %get3A_1488 = arith.constant 0 : index
      %get3A_1489 = vector.load %arg7[%get3A_1486, %get3A_1487, %get3A_1488] : memref<2x160x128xf32, #tpu.memory_space<vmem>>, vector<1x1x128xf32>
      %get3A_1490 = vector.shape_cast %get3A_1489 : vector<1x1x128xf32> to vector<1x128xf32>
      %get3A_1491 = arith.constant 0 : index
      %get3A_1492 = arith.index_cast %select_n3A_1432 : i32 to index
      %get3A_1493 = arith.constant 0 : index
      %get3A_1494 = vector.load %arg13[%get3A_1491, %get3A_1492, %get3A_1493] : memref<2x160x128xf32, #tpu.memory_space<vmem>>, vector<1x1x128xf32>
      %get3A_1495 = vector.shape_cast %get3A_1494 : vector<1x1x128xf32> to vector<1x128xf32>
      %get3A_1496 = arith.constant 0 : index
      %get3A_1497 = arith.index_cast %select_n3A_1432 : i32 to index
      %get3A_1498 = arith.constant 0 : index
      %get3A_1499 = vector.load %arg2[%get3A_1496, %get3A_1497, %get3A_1498] : memref<2x160x128xf32, #tpu.memory_space<vmem>>, vector<1x1x128xf32>
      %get3A_1500 = vector.shape_cast %get3A_1499 : vector<1x1x128xf32> to vector<1x128xf32>
      %get3A_1501 = arith.constant 0 : index
      %get3A_1502 = arith.index_cast %select_n3A_1432 : i32 to index
      %get3A_1503 = arith.constant 0 : index
      %get3A_1504 = vector.load %arg3[%get3A_1501, %get3A_1502, %get3A_1503] : memref<2x160x128xf32, #tpu.memory_space<vmem>>, vector<1x1x128xf32>
      %get3A_1505 = vector.shape_cast %get3A_1504 : vector<1x1x128xf32> to vector<1x128xf32>
      %concatenate3A_1506 = tpu.concatenate %get3A_1475, %get3A_1480, %get3A_1485, %get3A_1490, %get3A_1495, %get3A_1500, %get3A_1505 in 0 : vector<1x128xf32>, vector<1x128xf32>, vector<1x128xf32>, vector<1x128xf32>, vector<1x128xf32>, vector<1x128xf32>, vector<1x128xf32> -> vector<7x128xf32>
      %get3A_1507 = arith.constant 1 : index
      %get3A_1508 = arith.index_cast %select_n3A_1456 : i32 to index
      %get3A_1509 = arith.constant 0 : index
      %get3A_1510 = vector.load %arg10[%get3A_1507, %get3A_1508, %get3A_1509] : memref<2x160x128xf32, #tpu.memory_space<vmem>>, vector<1x1x128xf32>
      %get3A_1511 = vector.shape_cast %get3A_1510 : vector<1x1x128xf32> to vector<1x128xf32>
      %get3A_1512 = arith.constant 1 : index
      %get3A_1513 = arith.index_cast %select_n3A_1456 : i32 to index
      %get3A_1514 = arith.constant 0 : index
      %get3A_1515 = vector.load %arg5[%get3A_1512, %get3A_1513, %get3A_1514] : memref<2x160x128xf32, #tpu.memory_space<vmem>>, vector<1x1x128xf32>
      %get3A_1516 = vector.shape_cast %get3A_1515 : vector<1x1x128xf32> to vector<1x128xf32>
      %get3A_1517 = arith.constant 1 : index
      %get3A_1518 = arith.index_cast %select_n3A_1456 : i32 to index
      %get3A_1519 = arith.constant 0 : index
      %get3A_1520 = vector.load %arg11[%get3A_1517, %get3A_1518, %get3A_1519] : memref<2x160x128xf32, #tpu.memory_space<vmem>>, vector<1x1x128xf32>
      %get3A_1521 = vector.shape_cast %get3A_1520 : vector<1x1x128xf32> to vector<1x128xf32>
      %get3A_1522 = arith.constant 1 : index
      %get3A_1523 = arith.index_cast %select_n3A_1456 : i32 to index
      %get3A_1524 = arith.constant 0 : index
      %get3A_1525 = vector.load %arg7[%get3A_1522, %get3A_1523, %get3A_1524] : memref<2x160x128xf32, #tpu.memory_space<vmem>>, vector<1x1x128xf32>
      %get3A_1526 = vector.shape_cast %get3A_1525 : vector<1x1x128xf32> to vector<1x128xf32>
      %get3A_1527 = arith.constant 1 : index
      %get3A_1528 = arith.index_cast %select_n3A_1456 : i32 to index
      %get3A_1529 = arith.constant 0 : index
      %get3A_1530 = vector.load %arg13[%get3A_1527, %get3A_1528, %get3A_1529] : memref<2x160x128xf32, #tpu.memory_space<vmem>>, vector<1x1x128xf32>
      %get3A_1531 = vector.shape_cast %get3A_1530 : vector<1x1x128xf32> to vector<1x128xf32>
      %get3A_1532 = arith.constant 1 : index
      %get3A_1533 = arith.index_cast %select_n3A_1456 : i32 to index
      %get3A_1534 = arith.constant 0 : index
      %get3A_1535 = vector.load %arg2[%get3A_1532, %get3A_1533, %get3A_1534] : memref<2x160x128xf32, #tpu.memory_space<vmem>>, vector<1x1x128xf32>
      %get3A_1536 = vector.shape_cast %get3A_1535 : vector<1x1x128xf32> to vector<1x128xf32>
      %get3A_1537 = arith.constant 1 : index
      %get3A_1538 = arith.index_cast %select_n3A_1456 : i32 to index
      %get3A_1539 = arith.constant 0 : index
      %get3A_1540 = vector.load %arg3[%get3A_1537, %get3A_1538, %get3A_1539] : memref<2x160x128xf32, #tpu.memory_space<vmem>>, vector<1x1x128xf32>
      %get3A_1541 = vector.shape_cast %get3A_1540 : vector<1x1x128xf32> to vector<1x128xf32>
      %concatenate3A_1542 = tpu.concatenate %get3A_1511, %get3A_1516, %get3A_1521, %get3A_1526, %get3A_1531, %get3A_1536, %get3A_1541 in 0 : vector<1x128xf32>, vector<1x128xf32>, vector<1x128xf32>, vector<1x128xf32>, vector<1x128xf32>, vector<1x128xf32>, vector<1x128xf32> -> vector<7x128xf32>
      %mul3A_1543 = vector.broadcast %convert_element_type3A_1466 : vector<1x128xf32> to vector<7x128xf32>
      %mul3A_1544 = arith.mulf %concatenate3A_1506, %mul3A_1543 : vector<7x128xf32>
      %reduce_sum3A_1545 = arith.constant dense<0.000000e+00> : vector<7xf32>
      %reduce_sum3A_1546 = vector.multi_reduction <add>, %mul3A_1544, %reduce_sum3A_1545 [1] : vector<7x128xf32> to vector<7xf32>
      %broadcast_in_dim3A_1547 = vector.shape_cast %reduce_sum3A_1546 : vector<7xf32> to vector<7x1xf32>
      %mul3A_1548 = vector.broadcast %convert_element_type3A_1470 : vector<1x128xf32> to vector<7x128xf32>
      %mul3A_1549 = arith.mulf %concatenate3A_1542, %mul3A_1548 : vector<7x128xf32>
      %reduce_sum3A_1550 = arith.constant dense<0.000000e+00> : vector<7xf32>
      %reduce_sum3A_1551 = vector.multi_reduction <add>, %mul3A_1549, %reduce_sum3A_1550 [1] : vector<7x128xf32> to vector<7xf32>
      %broadcast_in_dim3A_1552 = vector.shape_cast %reduce_sum3A_1551 : vector<7xf32> to vector<7x1xf32>
      %slice3A_1553 = vector.extract_strided_slice %broadcast_in_dim3A_1547 {offsets = [0, 0], sizes = [1, 1], strides = [1, 1]} : vector<7x1xf32> to vector<1x1xf32>
      %slice3A_1554 = vector.extract_strided_slice %broadcast_in_dim3A_1547 {offsets = [1, 0], sizes = [1, 1], strides = [1, 1]} : vector<7x1xf32> to vector<1x1xf32>
      %slice3A_1555 = vector.extract_strided_slice %broadcast_in_dim3A_1547 {offsets = [2, 0], sizes = [1, 1], strides = [1, 1]} : vector<7x1xf32> to vector<1x1xf32>
      %slice3A_1556 = vector.extract_strided_slice %broadcast_in_dim3A_1547 {offsets = [3, 0], sizes = [1, 1], strides = [1, 1]} : vector<7x1xf32> to vector<1x1xf32>
      %slice3A_1557 = vector.extract_strided_slice %broadcast_in_dim3A_1547 {offsets = [4, 0], sizes = [1, 1], strides = [1, 1]} : vector<7x1xf32> to vector<1x1xf32>
      %slice3A_1558 = vector.extract_strided_slice %broadcast_in_dim3A_1547 {offsets = [5, 0], sizes = [1, 1], strides = [1, 1]} : vector<7x1xf32> to vector<1x1xf32>
      %slice3A_1559 = vector.extract_strided_slice %broadcast_in_dim3A_1547 {offsets = [6, 0], sizes = [1, 1], strides = [1, 1]} : vector<7x1xf32> to vector<1x1xf32>
      %get3A_1560 = arith.constant 0 : index
      %get3A_1561 = arith.constant 0 : index
      %get3A_1562 = arith.constant 0 : index
      %get3A_1563 = vector.load %arg10[%get3A_1560, %get3A_1561, %get3A_1562] : memref<2x160x128xf32, #tpu.memory_space<vmem>>, vector<1x160x128xf32>
      %get3A_1564 = vector.shape_cast %get3A_1563 : vector<1x160x128xf32> to vector<160x128xf32>
      %get3A_1565 = arith.constant 0 : index
      %get3A_1566 = arith.constant 0 : index
      %get3A_1567 = arith.constant 0 : index
      %get3A_1568 = vector.load %arg11[%get3A_1565, %get3A_1566, %get3A_1567] : memref<2x160x128xf32, #tpu.memory_space<vmem>>, vector<1x160x128xf32>
      %get3A_1569 = vector.shape_cast %get3A_1568 : vector<1x160x128xf32> to vector<160x128xf32>
      %get3A_1570 = arith.constant 0 : index
      %get3A_1571 = arith.constant 0 : index
      %get3A_1572 = arith.constant 0 : index
      %get3A_1573 = vector.load %arg5[%get3A_1570, %get3A_1571, %get3A_1572] : memref<2x160x128xf32, #tpu.memory_space<vmem>>, vector<1x160x128xf32>
      %get3A_1574 = vector.shape_cast %get3A_1573 : vector<1x160x128xf32> to vector<160x128xf32>
      %get3A_1575 = arith.constant 0 : index
      %get3A_1576 = arith.constant 0 : index
      %get3A_1577 = arith.constant 0 : index
      %get3A_1578 = vector.load %arg7[%get3A_1575, %get3A_1576, %get3A_1577] : memref<2x160x128xf32, #tpu.memory_space<vmem>>, vector<1x160x128xf32>
      %get3A_1579 = vector.shape_cast %get3A_1578 : vector<1x160x128xf32> to vector<160x128xf32>
      %max3A_1580 = vector.broadcast %slice3A_1553 : vector<1x1xf32> to vector<160x128xf32>
      %max3A_1581 = arith.maximumf %max3A_1580, %get3A_1564 : vector<160x128xf32>
      %max3A_1582 = vector.broadcast %slice3A_1554 : vector<1x1xf32> to vector<160x128xf32>
      %max3A_1583 = arith.maximumf %max3A_1582, %get3A_1574 : vector<160x128xf32>
      %min3A_1584 = vector.broadcast %slice3A_1555 : vector<1x1xf32> to vector<160x128xf32>
      %min3A_1585 = arith.minimumf %min3A_1584, %get3A_1569 : vector<160x128xf32>
      %min3A_1586 = vector.broadcast %slice3A_1556 : vector<1x1xf32> to vector<160x128xf32>
      %min3A_1587 = arith.minimumf %min3A_1586, %get3A_1579 : vector<160x128xf32>
      %sub3A_1588 = arith.subf %min3A_1585, %max3A_1581 : vector<160x128xf32>
      %max3A_1589 = arith.constant 0.000000e+00 : f32
      %max3A_1590 = vector.broadcast %max3A_1589 : f32 to vector<160x128xf32>
      %max3A_1591 = arith.maximumf %max3A_1590, %sub3A_1588 : vector<160x128xf32>
      %sub3A_1592 = arith.subf %min3A_1587, %max3A_1583 : vector<160x128xf32>
      %max3A_1593 = arith.constant 0.000000e+00 : f32
      %max3A_1594 = vector.broadcast %max3A_1593 : f32 to vector<160x128xf32>
      %max3A_1595 = arith.maximumf %max3A_1594, %sub3A_1592 : vector<160x128xf32>
      %mul3A_1596 = arith.mulf %max3A_1591, %max3A_1595 : vector<160x128xf32>
      %sub3A_1597 = arith.subf %slice3A_1555, %slice3A_1553 : vector<1x1xf32>
      %max3A_1598 = arith.constant 0.000000e+00 : f32
      %max3A_1599 = vector.broadcast %max3A_1598 : f32 to vector<1x1xf32>
      %max3A_1600 = arith.maximumf %max3A_1599, %sub3A_1597 : vector<1x1xf32>
      %sub3A_1601 = arith.subf %slice3A_1556, %slice3A_1554 : vector<1x1xf32>
      %max3A_1602 = arith.constant 0.000000e+00 : f32
      %max3A_1603 = vector.broadcast %max3A_1602 : f32 to vector<1x1xf32>
      %max3A_1604 = arith.maximumf %max3A_1603, %sub3A_1601 : vector<1x1xf32>
      %mul3A_1605 = arith.mulf %max3A_1600, %max3A_1604 : vector<1x1xf32>
      %get3A_1606 = arith.constant 0 : index
      %get3A_1607 = arith.constant 0 : index
      %get3A_1608 = arith.constant 0 : index
      %get3A_1609 = vector.load %arg12[%get3A_1606, %get3A_1607, %get3A_1608] : memref<2x160x128xf32, #tpu.memory_space<vmem>>, vector<1x160x128xf32>
      %get3A_1610 = vector.shape_cast %get3A_1609 : vector<1x160x128xf32> to vector<160x128xf32>
      %add3A_1611 = vector.broadcast %mul3A_1605 : vector<1x1xf32> to vector<160x128xf32>
      %add3A_1612 = arith.addf %add3A_1611, %get3A_1610 : vector<160x128xf32>
      %sub3A_1613 = arith.subf %add3A_1612, %mul3A_1596 : vector<160x128xf32>
      %gt3A_1614 = arith.constant 0.000000e+00 : f32
      %gt3A_1615 = vector.broadcast %gt3A_1614 : f32 to vector<160x128xf32>
      %gt3A_1616 = arith.cmpf ogt, %sub3A_1613, %gt3A_1615 : vector<160x128xf32>
      %div3A_1617 = arith.divf %mul3A_1596, %sub3A_1613 : vector<160x128xf32>
      %jit3A_1618 = arith.constant 0.000000e+00 : f32
      %broadcast_in_dim3A_1619 = vector.broadcast %jit3A_1618 : f32 to vector<160x128xf32>
      %select_n3A_1620 = arith.select %gt3A_1616, %div3A_1617, %broadcast_in_dim3A_1619 : vector<160x128xi1>, vector<160x128xf32>
      %gt3A_1621 = arith.constant 3.000000e-01 : f32
      %gt3A_1622 = vector.broadcast %gt3A_1621 : f32 to vector<160x128xf32>
      %gt3A_1623 = arith.cmpf ogt, %select_n3A_1620, %gt3A_1622 : vector<160x128xf32>
      %eq3A_1624 = vector.broadcast %reduce_min3A_1396 : f32 to vector<160x128xf32>
      %eq3A_1625 = arith.cmpf oeq, %convert_element_type3A, %eq3A_1624 : vector<160x128xf32>
      %or3A_1626 = arith.ori %gt3A_1623, %eq3A_1625 : vector<160x128xi1>
      %jit3A_1627 = arith.constant -1.000000e+30 : f32
      %broadcast_in_dim3A_1628 = vector.broadcast %jit3A_1627 : f32 to vector<160x128xf32>
      %select_n3A_1629 = arith.select %or3A_1626, %broadcast_in_dim3A_1628, %get3A_1341 : vector<160x128xi1>, vector<160x128xf32>
      %swap3A_1630 = arith.constant 0 : index
      %swap3A_1631 = arith.constant 0 : index
      %swap3A_1632 = arith.constant 0 : index
      %swap3A_1633 = vector.load %arg9[%swap3A_1630, %swap3A_1631, %swap3A_1632] : memref<2x160x128xf32, #tpu.memory_space<vmem>>, vector<1x160x128xf32>
      %swap3A_1634 = vector.shape_cast %swap3A_1633 : vector<1x160x128xf32> to vector<160x128xf32>
      %swap3A_1635 = vector.shape_cast %select_n3A_1629 : vector<160x128xf32> to vector<1x160x128xf32>
      tpu.vector_store %arg9[%swap3A_1630, %swap3A_1631, %swap3A_1632], %swap3A_1635 {strides = array<i32>} : memref<2x160x128xf32, #tpu.memory_space<vmem>>, vector<1x160x128xf32>,
      %gt3A_1636 = arith.constant -1.000000e+29 : f32
      %gt3A_1637 = arith.cmpf ogt, %reduce_max3A_1357, %gt3A_1636 : f32
      %jit3A_1638 = arith.constant 1.000000e+00 : f32
      %jit3A_1639 = arith.constant 0.000000e+00 : f32
      %select_n3A_1640 = arith.select %gt3A_1637, %jit3A_1638, %jit3A_1639 : f32
      %eq3A_1641 = arith.constant 0 : i32
      %eq3A_1642 = vector.broadcast %eq3A_1641 : i32 to vector<1x128xi32>
      %eq3A_1643 = arith.cmpi eq, %iota3A_3, %eq3A_1642 : vector<1x128xi32>
      %convert_element_type3A_1644 = arith.extui %eq3A_1643 : vector<1x128xi1> to vector<1x128xi32>
      %convert_element_type3A_1645 = arith.sitofp %convert_element_type3A_1644 : vector<1x128xi32> to vector<1x128xf32>
      %mul3A_1646 = vector.broadcast %slice3A_1553 : vector<1x1xf32> to vector<1x128xf32>
      %mul3A_1647 = arith.mulf %convert_element_type3A_1645, %mul3A_1646 : vector<1x128xf32>
      %eq3A_1648 = arith.constant 1 : i32
      %eq3A_1649 = vector.broadcast %eq3A_1648 : i32 to vector<1x128xi32>
      %eq3A_1650 = arith.cmpi eq, %iota3A_3, %eq3A_1649 : vector<1x128xi32>
      %convert_element_type3A_1651 = arith.extui %eq3A_1650 : vector<1x128xi1> to vector<1x128xi32>
      %convert_element_type3A_1652 = arith.sitofp %convert_element_type3A_1651 : vector<1x128xi32> to vector<1x128xf32>
      %mul3A_1653 = vector.broadcast %slice3A_1554 : vector<1x1xf32> to vector<1x128xf32>
      %mul3A_1654 = arith.mulf %convert_element_type3A_1652, %mul3A_1653 : vector<1x128xf32>
      %add3A_1655 = arith.addf %mul3A_1647, %mul3A_1654 : vector<1x128xf32>
      %eq3A_1656 = arith.constant 2 : i32
      %eq3A_1657 = vector.broadcast %eq3A_1656 : i32 to vector<1x128xi32>
      %eq3A_1658 = arith.cmpi eq, %iota3A_3, %eq3A_1657 : vector<1x128xi32>
      %convert_element_type3A_1659 = arith.extui %eq3A_1658 : vector<1x128xi1> to vector<1x128xi32>
      %convert_element_type3A_1660 = arith.sitofp %convert_element_type3A_1659 : vector<1x128xi32> to vector<1x128xf32>
      %mul3A_1661 = vector.broadcast %slice3A_1555 : vector<1x1xf32> to vector<1x128xf32>
      %mul3A_1662 = arith.mulf %convert_element_type3A_1660, %mul3A_1661 : vector<1x128xf32>
      %add3A_1663 = arith.addf %add3A_1655, %mul3A_1662 : vector<1x128xf32>
      %eq3A_1664 = arith.constant 3 : i32
      %eq3A_1665 = vector.broadcast %eq3A_1664 : i32 to vector<1x128xi32>
      %eq3A_1666 = arith.cmpi eq, %iota3A_3, %eq3A_1665 : vector<1x128xi32>
      %convert_element_type3A_1667 = arith.extui %eq3A_1666 : vector<1x128xi1> to vector<1x128xi32>
      %convert_element_type3A_1668 = arith.sitofp %convert_element_type3A_1667 : vector<1x128xi32> to vector<1x128xf32>
      %mul3A_1669 = vector.broadcast %slice3A_1556 : vector<1x1xf32> to vector<1x128xf32>
      %mul3A_1670 = arith.mulf %convert_element_type3A_1668, %mul3A_1669 : vector<1x128xf32>
      %add3A_1671 = arith.addf %add3A_1663, %mul3A_1670 : vector<1x128xf32>
      %eq3A_1672 = arith.constant 5 : i32
      %eq3A_1673 = vector.broadcast %eq3A_1672 : i32 to vector<1x128xi32>
      %eq3A_1674 = arith.cmpi eq, %iota3A_3, %eq3A_1673 : vector<1x128xi32>
      %convert_element_type3A_1675 = arith.extui %eq3A_1674 : vector<1x128xi1> to vector<1x128xi32>
      %convert_element_type3A_1676 = arith.sitofp %convert_element_type3A_1675 : vector<1x128xi32> to vector<1x128xf32>
      %mul3A_1677 = vector.broadcast %slice3A_1557 : vector<1x1xf32> to vector<1x128xf32>
      %mul3A_1678 = arith.mulf %convert_element_type3A_1676, %mul3A_1677 : vector<1x128xf32>
      %add3A_1679 = arith.addf %add3A_1671, %mul3A_1678 : vector<1x128xf32>
      %eq3A_1680 = arith.constant 7 : i32
      %eq3A_1681 = vector.broadcast %eq3A_1680 : i32 to vector<1x128xi32>
      %eq3A_1682 = arith.cmpi eq, %iota3A_3, %eq3A_1681 : vector<1x128xi32>
      %convert_element_type3A_1683 = arith.extui %eq3A_1682 : vector<1x128xi1> to vector<1x128xi32>
      %convert_element_type3A_1684 = arith.sitofp %convert_element_type3A_1683 : vector<1x128xi32> to vector<1x128xf32>
      %mul3A_1685 = vector.broadcast %slice3A_1558 : vector<1x1xf32> to vector<1x128xf32>
      %mul3A_1686 = arith.mulf %convert_element_type3A_1684, %mul3A_1685 : vector<1x128xf32>
      %add3A_1687 = arith.addf %add3A_1679, %mul3A_1686 : vector<1x128xf32>
      %eq3A_1688 = arith.constant 8 : i32
      %eq3A_1689 = vector.broadcast %eq3A_1688 : i32 to vector<1x128xi32>
      %eq3A_1690 = arith.cmpi eq, %iota3A_3, %eq3A_1689 : vector<1x128xi32>
      %convert_element_type3A_1691 = arith.extui %eq3A_1690 : vector<1x128xi1> to vector<1x128xi32>
      %convert_element_type3A_1692 = arith.sitofp %convert_element_type3A_1691 : vector<1x128xi32> to vector<1x128xf32>
      %mul3A_1693 = vector.broadcast %slice3A_1559 : vector<1x1xf32> to vector<1x128xf32>
      %mul3A_1694 = arith.mulf %convert_element_type3A_1692, %mul3A_1693 : vector<1x128xf32>
      %add3A_1695 = arith.addf %add3A_1687, %mul3A_1694 : vector<1x128xf32>
      %eq3A_1696 = arith.constant 4 : i32
      %eq3A_1697 = vector.broadcast %eq3A_1696 : i32 to vector<1x128xi32>
      %eq3A_1698 = arith.cmpi eq, %iota3A_3, %eq3A_1697 : vector<1x128xi32>
      %convert_element_type3A_1699 = arith.extui %eq3A_1698 : vector<1x128xi1> to vector<1x128xi32>
      %convert_element_type3A_1700 = arith.sitofp %convert_element_type3A_1699 : vector<1x128xi32> to vector<1x128xf32>
      %add3A_1701 = arith.addf %add3A_1695, %convert_element_type3A_1700 : vector<1x128xf32>
      %eq3A_1702 = arith.constant 6 : i32
      %eq3A_1703 = vector.broadcast %eq3A_1702 : i32 to vector<1x128xi32>
      %eq3A_1704 = arith.cmpi eq, %iota3A_3, %eq3A_1703 : vector<1x128xi32>
      %convert_element_type3A_1705 = arith.extui %eq3A_1704 : vector<1x128xi1> to vector<1x128xi32>
      %convert_element_type3A_1706 = arith.sitofp %convert_element_type3A_1705 : vector<1x128xi32> to vector<1x128xf32>
      %add3A_1707 = arith.addf %add3A_1701, %convert_element_type3A_1706 : vector<1x128xf32>
      %eq3A_1708 = arith.constant 9 : i32
      %eq3A_1709 = vector.broadcast %eq3A_1708 : i32 to vector<1x128xi32>
      %eq3A_1710 = arith.cmpi eq, %iota3A_3, %eq3A_1709 : vector<1x128xi32>
      %convert_element_type3A_1711 = arith.extui %eq3A_1710 : vector<1x128xi1> to vector<1x128xi32>
      %convert_element_type3A_1712 = arith.sitofp %convert_element_type3A_1711 : vector<1x128xi32> to vector<1x128xf32>
      %add3A_1713 = arith.addf %add3A_1707, %convert_element_type3A_1712 : vector<1x128xf32>
      %mul3A_1714 = vector.broadcast %select_n3A_1640 : f32 to vector<1x128xf32>
      %mul3A_1715 = arith.mulf %add3A_1713, %mul3A_1714 : vector<1x128xf32>
      %swap3A_1716 = arith.constant 0 : index
      %swap3A_1717 = arith.index_cast %scan3A_1336 : i32 to index
      %swap3A_1718 = arith.constant 0 : index
      %swap3A_1719 = vector.load %arg8[%swap3A_1716, %swap3A_1717, %swap3A_1718] : memref<2x512x128xf32, #tpu.memory_space<vmem>>, vector<1x1x128xf32>
      %swap3A_1720 = vector.shape_cast %swap3A_1719 : vector<1x1x128xf32> to vector<1x128xf32>
      %swap3A_1721 = vector.shape_cast %mul3A_1715 : vector<1x128xf32> to vector<1x1x128xf32>
      tpu.vector_store %arg8[%swap3A_1716, %swap3A_1717, %swap3A_1718], %swap3A_1721 {strides = array<i32>} : memref<2x512x128xf32, #tpu.memory_space<vmem>>, vector<1x1x128xf32>,
      %slice3A_1722 = vector.extract_strided_slice %broadcast_in_dim3A_1552 {offsets = [0, 0], sizes = [1, 1], strides = [1, 1]} : vector<7x1xf32> to vector<1x1xf32>
      %slice3A_1723 = vector.extract_strided_slice %broadcast_in_dim3A_1552 {offsets = [1, 0], sizes = [1, 1], strides = [1, 1]} : vector<7x1xf32> to vector<1x1xf32>
      %slice3A_1724 = vector.extract_strided_slice %broadcast_in_dim3A_1552 {offsets = [2, 0], sizes = [1, 1], strides = [1, 1]} : vector<7x1xf32> to vector<1x1xf32>
      %slice3A_1725 = vector.extract_strided_slice %broadcast_in_dim3A_1552 {offsets = [3, 0], sizes = [1, 1], strides = [1, 1]} : vector<7x1xf32> to vector<1x1xf32>
      %slice3A_1726 = vector.extract_strided_slice %broadcast_in_dim3A_1552 {offsets = [4, 0], sizes = [1, 1], strides = [1, 1]} : vector<7x1xf32> to vector<1x1xf32>
      %slice3A_1727 = vector.extract_strided_slice %broadcast_in_dim3A_1552 {offsets = [5, 0], sizes = [1, 1], strides = [1, 1]} : vector<7x1xf32> to vector<1x1xf32>
      %slice3A_1728 = vector.extract_strided_slice %broadcast_in_dim3A_1552 {offsets = [6, 0], sizes = [1, 1], strides = [1, 1]} : vector<7x1xf32> to vector<1x1xf32>
      %get3A_1729 = arith.constant 1 : index
      %get3A_1730 = arith.constant 0 : index
      %get3A_1731 = arith.constant 0 : index
      %get3A_1732 = vector.load %arg10[%get3A_1729, %get3A_1730, %get3A_1731] : memref<2x160x128xf32, #tpu.memory_space<vmem>>, vector<1x160x128xf32>
      %get3A_1733 = vector.shape_cast %get3A_1732 : vector<1x160x128xf32> to vector<160x128xf32>
      %get3A_1734 = arith.constant 1 : index
      %get3A_1735 = arith.constant 0 : index
      %get3A_1736 = arith.constant 0 : index
      %get3A_1737 = vector.load %arg11[%get3A_1734, %get3A_1735, %get3A_1736] : memref<2x160x128xf32, #tpu.memory_space<vmem>>, vector<1x160x128xf32>
      %get3A_1738 = vector.shape_cast %get3A_1737 : vector<1x160x128xf32> to vector<160x128xf32>
      %get3A_1739 = arith.constant 1 : index
      %get3A_1740 = arith.constant 0 : index
      %get3A_1741 = arith.constant 0 : index
      %get3A_1742 = vector.load %arg5[%get3A_1739, %get3A_1740, %get3A_1741] : memref<2x160x128xf32, #tpu.memory_space<vmem>>, vector<1x160x128xf32>
      %get3A_1743 = vector.shape_cast %get3A_1742 : vector<1x160x128xf32> to vector<160x128xf32>
      %get3A_1744 = arith.constant 1 : index
      %get3A_1745 = arith.constant 0 : index
      %get3A_1746 = arith.constant 0 : index
      %get3A_1747 = vector.load %arg7[%get3A_1744, %get3A_1745, %get3A_1746] : memref<2x160x128xf32, #tpu.memory_space<vmem>>, vector<1x160x128xf32>
      %get3A_1748 = vector.shape_cast %get3A_1747 : vector<1x160x128xf32> to vector<160x128xf32>
      %max3A_1749 = vector.broadcast %slice3A_1722 : vector<1x1xf32> to vector<160x128xf32>
      %max3A_1750 = arith.maximumf %max3A_1749, %get3A_1733 : vector<160x128xf32>
      %max3A_1751 = vector.broadcast %slice3A_1723 : vector<1x1xf32> to vector<160x128xf32>
      %max3A_1752 = arith.maximumf %max3A_1751, %get3A_1743 : vector<160x128xf32>
      %min3A_1753 = vector.broadcast %slice3A_1724 : vector<1x1xf32> to vector<160x128xf32>
      %min3A_1754 = arith.minimumf %min3A_1753, %get3A_1738 : vector<160x128xf32>
      %min3A_1755 = vector.broadcast %slice3A_1725 : vector<1x1xf32> to vector<160x128xf32>
      %min3A_1756 = arith.minimumf %min3A_1755, %get3A_1748 : vector<160x128xf32>
      %sub3A_1757 = arith.subf %min3A_1754, %max3A_1750 : vector<160x128xf32>
      %max3A_1758 = arith.constant 0.000000e+00 : f32
      %max3A_1759 = vector.broadcast %max3A_1758 : f32 to vector<160x128xf32>
      %max3A_1760 = arith.maximumf %max3A_1759, %sub3A_1757 : vector<160x128xf32>
      %sub3A_1761 = arith.subf %min3A_1756, %max3A_1752 : vector<160x128xf32>
      %max3A_1762 = arith.constant 0.000000e+00 : f32
      %max3A_1763 = vector.broadcast %max3A_1762 : f32 to vector<160x128xf32>
      %max3A_1764 = arith.maximumf %max3A_1763, %sub3A_1761 : vector<160x128xf32>
      %mul3A_1765 = arith.mulf %max3A_1760, %max3A_1764 : vector<160x128xf32>
      %sub3A_1766 = arith.subf %slice3A_1724, %slice3A_1722 : vector<1x1xf32>
      %max3A_1767 = arith.constant 0.000000e+00 : f32
      %max3A_1768 = vector.broadcast %max3A_1767 : f32 to vector<1x1xf32>
      %max3A_1769 = arith.maximumf %max3A_1768, %sub3A_1766 : vector<1x1xf32>
      %sub3A_1770 = arith.subf %slice3A_1725, %slice3A_1723 : vector<1x1xf32>
      %max3A_1771 = arith.constant 0.000000e+00 : f32
      %max3A_1772 = vector.broadcast %max3A_1771 : f32 to vector<1x1xf32>
      %max3A_1773 = arith.maximumf %max3A_1772, %sub3A_1770 : vector<1x1xf32>
      %mul3A_1774 = arith.mulf %max3A_1769, %max3A_1773 : vector<1x1xf32>
      %get3A_1775 = arith.constant 1 : index
      %get3A_1776 = arith.constant 0 : index
      %get3A_1777 = arith.constant 0 : index
      %get3A_1778 = vector.load %arg12[%get3A_1775, %get3A_1776, %get3A_1777] : memref<2x160x128xf32, #tpu.memory_space<vmem>>, vector<1x160x128xf32>
      %get3A_1779 = vector.shape_cast %get3A_1778 : vector<1x160x128xf32> to vector<160x128xf32>
      %add3A_1780 = vector.broadcast %mul3A_1774 : vector<1x1xf32> to vector<160x128xf32>
      %add3A_1781 = arith.addf %add3A_1780, %get3A_1779 : vector<160x128xf32>
      %sub3A_1782 = arith.subf %add3A_1781, %mul3A_1765 : vector<160x128xf32>
      %gt3A_1783 = arith.constant 0.000000e+00 : f32
      %gt3A_1784 = vector.broadcast %gt3A_1783 : f32 to vector<160x128xf32>
      %gt3A_1785 = arith.cmpf ogt, %sub3A_1782, %gt3A_1784 : vector<160x128xf32>
      %div3A_1786 = arith.divf %mul3A_1765, %sub3A_1782 : vector<160x128xf32>
      %jit3A_1787 = arith.constant 0.000000e+00 : f32
      %broadcast_in_dim3A_1788 = vector.broadcast %jit3A_1787 : f32 to vector<160x128xf32>
      %select_n3A_1789 = arith.select %gt3A_1785, %div3A_1786, %broadcast_in_dim3A_1788 : vector<160x128xi1>, vector<160x128xf32>
      %gt3A_1790 = arith.constant 3.000000e-01 : f32
      %gt3A_1791 = vector.broadcast %gt3A_1790 : f32 to vector<160x128xf32>
      %gt3A_1792 = arith.cmpf ogt, %select_n3A_1789, %gt3A_1791 : vector<160x128xf32>
      %eq3A_1793 = vector.broadcast %reduce_min3A_1406 : f32 to vector<160x128xf32>
      %eq3A_1794 = arith.cmpf oeq, %convert_element_type3A, %eq3A_1793 : vector<160x128xf32>
      %or3A_1795 = arith.ori %gt3A_1792, %eq3A_1794 : vector<160x128xi1>
      %jit3A_1796 = arith.constant -1.000000e+30 : f32
      %broadcast_in_dim3A_1797 = vector.broadcast %jit3A_1796 : f32 to vector<160x128xf32>
      %select_n3A_1798 = arith.select %or3A_1795, %broadcast_in_dim3A_1797, %get3A_1346 : vector<160x128xi1>, vector<160x128xf32>
      %swap3A_1799 = arith.constant 1 : index
      %swap3A_1800 = arith.constant 0 : index
      %swap3A_1801 = arith.constant 0 : index
      %swap3A_1802 = vector.load %arg9[%swap3A_1799, %swap3A_1800, %swap3A_1801] : memref<2x160x128xf32, #tpu.memory_space<vmem>>, vector<1x160x128xf32>
      %swap3A_1803 = vector.shape_cast %swap3A_1802 : vector<1x160x128xf32> to vector<160x128xf32>
      %swap3A_1804 = vector.shape_cast %select_n3A_1798 : vector<160x128xf32> to vector<1x160x128xf32>
      tpu.vector_store %arg9[%swap3A_1799, %swap3A_1800, %swap3A_1801], %swap3A_1804 {strides = array<i32>} : memref<2x160x128xf32, #tpu.memory_space<vmem>>, vector<1x160x128xf32>,
      %gt3A_1805 = arith.constant -1.000000e+29 : f32
      %gt3A_1806 = arith.cmpf ogt, %reduce_max3A_1362, %gt3A_1805 : f32
      %jit3A_1807 = arith.constant 1.000000e+00 : f32
      %jit3A_1808 = arith.constant 0.000000e+00 : f32
      %select_n3A_1809 = arith.select %gt3A_1806, %jit3A_1807, %jit3A_1808 : f32
      %eq3A_1810 = arith.constant 0 : i32
      %eq3A_1811 = vector.broadcast %eq3A_1810 : i32 to vector<1x128xi32>
      %eq3A_1812 = arith.cmpi eq, %iota3A_3, %eq3A_1811 : vector<1x128xi32>
      %convert_element_type3A_1813 = arith.extui %eq3A_1812 : vector<1x128xi1> to vector<1x128xi32>
      %convert_element_type3A_1814 = arith.sitofp %convert_element_type3A_1813 : vector<1x128xi32> to vector<1x128xf32>
      %mul3A_1815 = vector.broadcast %slice3A_1722 : vector<1x1xf32> to vector<1x128xf32>
      %mul3A_1816 = arith.mulf %convert_element_type3A_1814, %mul3A_1815 : vector<1x128xf32>
      %eq3A_1817 = arith.constant 1 : i32
      %eq3A_1818 = vector.broadcast %eq3A_1817 : i32 to vector<1x128xi32>
      %eq3A_1819 = arith.cmpi eq, %iota3A_3, %eq3A_1818 : vector<1x128xi32>
      %convert_element_type3A_1820 = arith.extui %eq3A_1819 : vector<1x128xi1> to vector<1x128xi32>
      %convert_element_type3A_1821 = arith.sitofp %convert_element_type3A_1820 : vector<1x128xi32> to vector<1x128xf32>
      %mul3A_1822 = vector.broadcast %slice3A_1723 : vector<1x1xf32> to vector<1x128xf32>
      %mul3A_1823 = arith.mulf %convert_element_type3A_1821, %mul3A_1822 : vector<1x128xf32>
      %add3A_1824 = arith.addf %mul3A_1816, %mul3A_1823 : vector<1x128xf32>
      %eq3A_1825 = arith.constant 2 : i32
      %eq3A_1826 = vector.broadcast %eq3A_1825 : i32 to vector<1x128xi32>
      %eq3A_1827 = arith.cmpi eq, %iota3A_3, %eq3A_1826 : vector<1x128xi32>
      %convert_element_type3A_1828 = arith.extui %eq3A_1827 : vector<1x128xi1> to vector<1x128xi32>
      %convert_element_type3A_1829 = arith.sitofp %convert_element_type3A_1828 : vector<1x128xi32> to vector<1x128xf32>
      %mul3A_1830 = vector.broadcast %slice3A_1724 : vector<1x1xf32> to vector<1x128xf32>
      %mul3A_1831 = arith.mulf %convert_element_type3A_1829, %mul3A_1830 : vector<1x128xf32>
      %add3A_1832 = arith.addf %add3A_1824, %mul3A_1831 : vector<1x128xf32>
      %eq3A_1833 = arith.constant 3 : i32
      %eq3A_1834 = vector.broadcast %eq3A_1833 : i32 to vector<1x128xi32>
      %eq3A_1835 = arith.cmpi eq, %iota3A_3, %eq3A_1834 : vector<1x128xi32>
      %convert_element_type3A_1836 = arith.extui %eq3A_1835 : vector<1x128xi1> to vector<1x128xi32>
      %convert_element_type3A_1837 = arith.sitofp %convert_element_type3A_1836 : vector<1x128xi32> to vector<1x128xf32>
      %mul3A_1838 = vector.broadcast %slice3A_1725 : vector<1x1xf32> to vector<1x128xf32>
      %mul3A_1839 = arith.mulf %convert_element_type3A_1837, %mul3A_1838 : vector<1x128xf32>
      %add3A_1840 = arith.addf %add3A_1832, %mul3A_1839 : vector<1x128xf32>
      %eq3A_1841 = arith.constant 5 : i32
      %eq3A_1842 = vector.broadcast %eq3A_1841 : i32 to vector<1x128xi32>
      %eq3A_1843 = arith.cmpi eq, %iota3A_3, %eq3A_1842 : vector<1x128xi32>
      %convert_element_type3A_1844 = arith.extui %eq3A_1843 : vector<1x128xi1> to vector<1x128xi32>
      %convert_element_type3A_1845 = arith.sitofp %convert_element_type3A_1844 : vector<1x128xi32> to vector<1x128xf32>
      %mul3A_1846 = vector.broadcast %slice3A_1726 : vector<1x1xf32> to vector<1x128xf32>
      %mul3A_1847 = arith.mulf %convert_element_type3A_1845, %mul3A_1846 : vector<1x128xf32>
      %add3A_1848 = arith.addf %add3A_1840, %mul3A_1847 : vector<1x128xf32>
      %eq3A_1849 = arith.constant 7 : i32
      %eq3A_1850 = vector.broadcast %eq3A_1849 : i32 to vector<1x128xi32>
      %eq3A_1851 = arith.cmpi eq, %iota3A_3, %eq3A_1850 : vector<1x128xi32>
      %convert_element_type3A_1852 = arith.extui %eq3A_1851 : vector<1x128xi1> to vector<1x128xi32>
      %convert_element_type3A_1853 = arith.sitofp %convert_element_type3A_1852 : vector<1x128xi32> to vector<1x128xf32>
      %mul3A_1854 = vector.broadcast %slice3A_1727 : vector<1x1xf32> to vector<1x128xf32>
      %mul3A_1855 = arith.mulf %convert_element_type3A_1853, %mul3A_1854 : vector<1x128xf32>
      %add3A_1856 = arith.addf %add3A_1848, %mul3A_1855 : vector<1x128xf32>
      %eq3A_1857 = arith.constant 8 : i32
      %eq3A_1858 = vector.broadcast %eq3A_1857 : i32 to vector<1x128xi32>
      %eq3A_1859 = arith.cmpi eq, %iota3A_3, %eq3A_1858 : vector<1x128xi32>
      %convert_element_type3A_1860 = arith.extui %eq3A_1859 : vector<1x128xi1> to vector<1x128xi32>
      %convert_element_type3A_1861 = arith.sitofp %convert_element_type3A_1860 : vector<1x128xi32> to vector<1x128xf32>
      %mul3A_1862 = vector.broadcast %slice3A_1728 : vector<1x1xf32> to vector<1x128xf32>
      %mul3A_1863 = arith.mulf %convert_element_type3A_1861, %mul3A_1862 : vector<1x128xf32>
      %add3A_1864 = arith.addf %add3A_1856, %mul3A_1863 : vector<1x128xf32>
      %eq3A_1865 = arith.constant 4 : i32
      %eq3A_1866 = vector.broadcast %eq3A_1865 : i32 to vector<1x128xi32>
      %eq3A_1867 = arith.cmpi eq, %iota3A_3, %eq3A_1866 : vector<1x128xi32>
      %convert_element_type3A_1868 = arith.extui %eq3A_1867 : vector<1x128xi1> to vector<1x128xi32>
      %convert_element_type3A_1869 = arith.sitofp %convert_element_type3A_1868 : vector<1x128xi32> to vector<1x128xf32>
      %add3A_1870 = arith.addf %add3A_1864, %convert_element_type3A_1869 : vector<1x128xf32>
      %eq3A_1871 = arith.constant 6 : i32
      %eq3A_1872 = vector.broadcast %eq3A_1871 : i32 to vector<1x128xi32>
      %eq3A_1873 = arith.cmpi eq, %iota3A_3, %eq3A_1872 : vector<1x128xi32>
      %convert_element_type3A_1874 = arith.extui %eq3A_1873 : vector<1x128xi1> to vector<1x128xi32>
      %convert_element_type3A_1875 = arith.sitofp %convert_element_type3A_1874 : vector<1x128xi32> to vector<1x128xf32>
      %add3A_1876 = arith.addf %add3A_1870, %convert_element_type3A_1875 : vector<1x128xf32>
      %eq3A_1877 = arith.constant 9 : i32
      %eq3A_1878 = vector.broadcast %eq3A_1877 : i32 to vector<1x128xi32>
      %eq3A_1879 = arith.cmpi eq, %iota3A_3, %eq3A_1878 : vector<1x128xi32>
      %convert_element_type3A_1880 = arith.extui %eq3A_1879 : vector<1x128xi1> to vector<1x128xi32>
      %convert_element_type3A_1881 = arith.sitofp %convert_element_type3A_1880 : vector<1x128xi32> to vector<1x128xf32>
      %add3A_1882 = arith.addf %add3A_1876, %convert_element_type3A_1881 : vector<1x128xf32>
      %mul3A_1883 = vector.broadcast %select_n3A_1809 : f32 to vector<1x128xf32>
      %mul3A_1884 = arith.mulf %add3A_1882, %mul3A_1883 : vector<1x128xf32>
      %swap3A_1885 = arith.constant 1 : index
      %swap3A_1886 = arith.index_cast %scan3A_1336 : i32 to index
      %swap3A_1887 = arith.constant 0 : index
      %swap3A_1888 = vector.load %arg8[%swap3A_1885, %swap3A_1886, %swap3A_1887] : memref<2x512x128xf32, #tpu.memory_space<vmem>>, vector<1x1x128xf32>
      %swap3A_1889 = vector.shape_cast %swap3A_1888 : vector<1x1x128xf32> to vector<1x128xf32>
      %swap3A_1890 = vector.shape_cast %mul3A_1884 : vector<1x128xf32> to vector<1x1x128xf32>
      tpu.vector_store %arg8[%swap3A_1885, %swap3A_1886, %swap3A_1887], %swap3A_1890 {strides = array<i32>} : memref<2x512x128xf32, #tpu.memory_space<vmem>>, vector<1x1x128xf32>,
      %scan3A_1891 = arith.constant 3 : i32
      %scan3A_1892 = arith.addi %scan3A_236, %scan3A_1891 : i32
      %get3A_1893 = arith.constant 0 : index
      %get3A_1894 = arith.constant 0 : index
      %get3A_1895 = arith.constant 0 : index
      %get3A_1896 = vector.load %arg9[%get3A_1893, %get3A_1894, %get3A_1895] : memref<2x160x128xf32, #tpu.memory_space<vmem>>, vector<1x160x128xf32>
      %get3A_1897 = vector.shape_cast %get3A_1896 : vector<1x160x128xf32> to vector<160x128xf32>
      %get3A_1898 = arith.constant 1 : index
      %get3A_1899 = arith.constant 0 : index
      %get3A_1900 = arith.constant 0 : index
      %get3A_1901 = vector.load %arg9[%get3A_1898, %get3A_1899, %get3A_1900] : memref<2x160x128xf32, #tpu.memory_space<vmem>>, vector<1x160x128xf32>
      %get3A_1902 = vector.shape_cast %get3A_1901 : vector<1x160x128xf32> to vector<160x128xf32>
      %reduce_max3A_1903 = arith.constant dense<0xFF800000> : vector<128xf32>
      %reduce_max3A_1904 = vector.multi_reduction <maximumf>, %get3A_1897, %reduce_max3A_1903 [0] : vector<160x128xf32> to vector<128xf32>
      %broadcast_in_dim3A_1905 = vector.shape_cast %reduce_max3A_1904 : vector<128xf32> to vector<1x128xf32>
      %reduce_max3A_1906 = arith.constant dense<0xFF800000> : vector<128xf32>
      %reduce_max3A_1907 = vector.multi_reduction <maximumf>, %get3A_1902, %reduce_max3A_1906 [0] : vector<160x128xf32> to vector<128xf32>
      %broadcast_in_dim3A_1908 = vector.shape_cast %reduce_max3A_1907 : vector<128xf32> to vector<1x128xf32>
      %reduce_max3A_1909 = vector.shape_cast %broadcast_in_dim3A_1905 : vector<1x128xf32> to vector<1x1x128xf32>
      %reduce_max3A_1910 = arith.constant dense<0xFF800000> : vector<1xf32>
      %reduce_max3A_1911 = vector.multi_reduction <maximumf>, %reduce_max3A_1909, %reduce_max3A_1910 [1, 2] : vector<1x1x128xf32> to vector<1xf32>
      %reduce_max3A_1912 = vector.shape_cast %reduce_max3A_1911 : vector<1xf32> to vector<1x1x1xf32>
      %reduce_max3A_1913 = vector.extract %reduce_max3A_1912[0, 0, 0] : f32 from vector<1x1x1xf32>
      %reduce_max3A_1914 = vector.shape_cast %broadcast_in_dim3A_1908 : vector<1x128xf32> to vector<1x1x128xf32>
      %reduce_max3A_1915 = arith.constant dense<0xFF800000> : vector<1xf32>
      %reduce_max3A_1916 = vector.multi_reduction <maximumf>, %reduce_max3A_1914, %reduce_max3A_1915 [1, 2] : vector<1x1x128xf32> to vector<1xf32>
      %reduce_max3A_1917 = vector.shape_cast %reduce_max3A_1916 : vector<1xf32> to vector<1x1x1xf32>
      %reduce_max3A_1918 = vector.extract %reduce_max3A_1917[0, 0, 0] : f32 from vector<1x1x1xf32>
      %eq3A_1919 = vector.broadcast %broadcast_in_dim3A_1905 : vector<1x128xf32> to vector<160x128xf32>
      %eq3A_1920 = arith.cmpf oeq, %get3A_1897, %eq3A_1919 : vector<160x128xf32>
      %jit3A_1921 = arith.constant 1.600000e+02 : f32
      %broadcast_in_dim3A_1922 = vector.broadcast %jit3A_1921 : f32 to vector<160x128xf32>
      %select_n3A_1923 = arith.select %eq3A_1920, %convert_element_type3A_4, %broadcast_in_dim3A_1922 : vector<160x128xi1>, vector<160x128xf32>
      %reduce_min3A_1924 = arith.constant dense<0x7F800000> : vector<128xf32>
      %reduce_min3A_1925 = vector.multi_reduction <minimumf>, %select_n3A_1923, %reduce_min3A_1924 [0] : vector<160x128xf32> to vector<128xf32>
      %broadcast_in_dim3A_1926 = vector.shape_cast %reduce_min3A_1925 : vector<128xf32> to vector<1x128xf32>
      %eq3A_1927 = vector.broadcast %broadcast_in_dim3A_1908 : vector<1x128xf32> to vector<160x128xf32>
      %eq3A_1928 = arith.cmpf oeq, %get3A_1902, %eq3A_1927 : vector<160x128xf32>
      %jit3A_1929 = arith.constant 1.600000e+02 : f32
      %broadcast_in_dim3A_1930 = vector.broadcast %jit3A_1929 : f32 to vector<160x128xf32>
      %select_n3A_1931 = arith.select %eq3A_1928, %convert_element_type3A_4, %broadcast_in_dim3A_1930 : vector<160x128xi1>, vector<160x128xf32>
      %reduce_min3A_1932 = arith.constant dense<0x7F800000> : vector<128xf32>
      %reduce_min3A_1933 = vector.multi_reduction <minimumf>, %select_n3A_1931, %reduce_min3A_1932 [0] : vector<160x128xf32> to vector<128xf32>
      %broadcast_in_dim3A_1934 = vector.shape_cast %reduce_min3A_1933 : vector<128xf32> to vector<1x128xf32>
      %mul3A_1935 = arith.constant 1.280000e+02 : f32
      %mul3A_1936 = vector.broadcast %mul3A_1935 : f32 to vector<1x128xf32>
      %mul3A_1937 = arith.mulf %broadcast_in_dim3A_1926, %mul3A_1936 : vector<1x128xf32>
      %add3A_1938 = arith.addf %mul3A_1937, %convert_element_type3A_5 : vector<1x128xf32>
      %mul3A_1939 = arith.constant 1.280000e+02 : f32
      %mul3A_1940 = vector.broadcast %mul3A_1939 : f32 to vector<1x128xf32>
      %mul3A_1941 = arith.mulf %broadcast_in_dim3A_1934, %mul3A_1940 : vector<1x128xf32>
      %add3A_1942 = arith.addf %mul3A_1941, %convert_element_type3A_5 : vector<1x128xf32>
      %eq3A_1943 = vector.broadcast %reduce_max3A_1913 : f32 to vector<1x128xf32>
      %eq3A_1944 = arith.cmpf oeq, %broadcast_in_dim3A_1905, %eq3A_1943 : vector<1x128xf32>
      %jit3A_1945 = arith.constant 2.048000e+04 : f32
      %broadcast_in_dim3A_1946 = vector.broadcast %jit3A_1945 : f32 to vector<1x128xf32>
      %select_n3A_1947 = arith.select %eq3A_1944, %add3A_1938, %broadcast_in_dim3A_1946 : vector<1x128xi1>, vector<1x128xf32>
      %reduce_min3A_1948 = vector.shape_cast %select_n3A_1947 : vector<1x128xf32> to vector<1x1x128xf32>
      %reduce_min3A_1949 = arith.constant dense<0x7F800000> : vector<1xf32>
      %reduce_min3A_1950 = vector.multi_reduction <minimumf>, %reduce_min3A_1948, %reduce_min3A_1949 [1, 2] : vector<1x1x128xf32> to vector<1xf32>
      %reduce_min3A_1951 = vector.shape_cast %reduce_min3A_1950 : vector<1xf32> to vector<1x1x1xf32>
      %reduce_min3A_1952 = vector.extract %reduce_min3A_1951[0, 0, 0] : f32 from vector<1x1x1xf32>
      %eq3A_1953 = vector.broadcast %reduce_max3A_1918 : f32 to vector<1x128xf32>
      %eq3A_1954 = arith.cmpf oeq, %broadcast_in_dim3A_1908, %eq3A_1953 : vector<1x128xf32>
      %jit3A_1955 = arith.constant 2.048000e+04 : f32
      %broadcast_in_dim3A_1956 = vector.broadcast %jit3A_1955 : f32 to vector<1x128xf32>
      %select_n3A_1957 = arith.select %eq3A_1954, %add3A_1942, %broadcast_in_dim3A_1956 : vector<1x128xi1>, vector<1x128xf32>
      %reduce_min3A_1958 = vector.shape_cast %select_n3A_1957 : vector<1x128xf32> to vector<1x1x128xf32>
      %reduce_min3A_1959 = arith.constant dense<0x7F800000> : vector<1xf32>
      %reduce_min3A_1960 = vector.multi_reduction <minimumf>, %reduce_min3A_1958, %reduce_min3A_1959 [1, 2] : vector<1x1x128xf32> to vector<1xf32>
      %reduce_min3A_1961 = vector.shape_cast %reduce_min3A_1960 : vector<1xf32> to vector<1x1x1xf32>
      %reduce_min3A_1962 = vector.extract %reduce_min3A_1961[0, 0, 0] : f32 from vector<1x1x1xf32>
      %convert_element_type3A_1963 = arith.fptosi %reduce_min3A_1952 : f32 to i32
      %convert_element_type3A_1964 = arith.fptosi %reduce_min3A_1962 : f32 to i32
      %jit3A_1965 = arith.constant 128 : i32
      %div3A_1966 = arith.divsi %convert_element_type3A_1963, %jit3A_1965 : i32
      %sign3A_1967 = arith.constant 0 : i32
      %sign3A_1968 = arith.cmpi sgt, %convert_element_type3A_1963, %sign3A_1967 : i32
      %sign3A_1969 = arith.extui %sign3A_1968 : i1 to i32
      %sign3A_1970 = arith.constant 0 : i32
      %sign3A_1971 = arith.cmpi slt, %convert_element_type3A_1963, %sign3A_1970 : i32
      %sign3A_1972 = arith.extui %sign3A_1971 : i1 to i32
      %sign3A_1973 = arith.subi %sign3A_1969, %sign3A_1972 : i32
      %sign3A_1974 = arith.constant 0 : i32
      %sign3A_1975 = arith.cmpi sgt, %jit3A_1965, %sign3A_1974 : i32
      %sign3A_1976 = arith.extui %sign3A_1975 : i1 to i32
      %sign3A_1977 = arith.constant 0 : i32
      %sign3A_1978 = arith.cmpi slt, %jit3A_1965, %sign3A_1977 : i32
      %sign3A_1979 = arith.extui %sign3A_1978 : i1 to i32
      %sign3A_1980 = arith.subi %sign3A_1976, %sign3A_1979 : i32
      %ne3A_1981 = arith.cmpi ne, %sign3A_1973, %sign3A_1980 : i32
      %rem3A_1982 = arith.remsi %convert_element_type3A_1963, %jit3A_1965 : i32
      %ne3A_1983 = arith.constant 0 : i32
      %ne3A_1984 = arith.cmpi ne, %rem3A_1982, %ne3A_1983 : i32
      %and3A_1985 = arith.andi %ne3A_1981, %ne3A_1984 : i1
      %sub3A_1986 = arith.constant 1 : i32
      %sub3A_1987 = arith.subi %div3A_1966, %sub3A_1986 : i32
      %select_n3A_1988 = arith.select %and3A_1985, %sub3A_1987, %div3A_1966 : i32
      %jit3A_1989 = arith.constant 128 : i32
      %div3A_1990 = arith.divsi %convert_element_type3A_1964, %jit3A_1989 : i32
      %sign3A_1991 = arith.constant 0 : i32
      %sign3A_1992 = arith.cmpi sgt, %convert_element_type3A_1964, %sign3A_1991 : i32
      %sign3A_1993 = arith.extui %sign3A_1992 : i1 to i32
      %sign3A_1994 = arith.constant 0 : i32
      %sign3A_1995 = arith.cmpi slt, %convert_element_type3A_1964, %sign3A_1994 : i32
      %sign3A_1996 = arith.extui %sign3A_1995 : i1 to i32
      %sign3A_1997 = arith.subi %sign3A_1993, %sign3A_1996 : i32
      %sign3A_1998 = arith.constant 0 : i32
      %sign3A_1999 = arith.cmpi sgt, %jit3A_1989, %sign3A_1998 : i32
      %sign3A_2000 = arith.extui %sign3A_1999 : i1 to i32
      %sign3A_2001 = arith.constant 0 : i32
      %sign3A_2002 = arith.cmpi slt, %jit3A_1989, %sign3A_2001 : i32
      %sign3A_2003 = arith.extui %sign3A_2002 : i1 to i32
      %sign3A_2004 = arith.subi %sign3A_2000, %sign3A_2003 : i32
      %ne3A_2005 = arith.cmpi ne, %sign3A_1997, %sign3A_2004 : i32
      %rem3A_2006 = arith.remsi %convert_element_type3A_1964, %jit3A_1989 : i32
      %ne3A_2007 = arith.constant 0 : i32
      %ne3A_2008 = arith.cmpi ne, %rem3A_2006, %ne3A_2007 : i32
      %and3A_2009 = arith.andi %ne3A_2005, %ne3A_2008 : i1
      %sub3A_2010 = arith.constant 1 : i32
      %sub3A_2011 = arith.subi %div3A_1990, %sub3A_2010 : i32
      %select_n3A_2012 = arith.select %and3A_2009, %sub3A_2011, %div3A_1990 : i32
      %mul3A_2013 = arith.constant 128 : i32
      %mul3A_2014 = arith.muli %select_n3A_1988, %mul3A_2013 : i32
      %sub3A_2015 = arith.subi %convert_element_type3A_1963, %mul3A_2014 : i32
      %mul3A_2016 = arith.constant 128 : i32
      %mul3A_2017 = arith.muli %select_n3A_2012, %mul3A_2016 : i32
      %sub3A_2018 = arith.subi %convert_element_type3A_1964, %mul3A_2017 : i32
      %eq3A_2019 = vector.broadcast %sub3A_2015 : i32 to vector<1x128xi32>
      %eq3A_2020 = arith.cmpi eq, %iota3A_3, %eq3A_2019 : vector<1x128xi32>
      %convert_element_type3A_2021 = arith.extui %eq3A_2020 : vector<1x128xi1> to vector<1x128xi32>
      %convert_element_type3A_2022 = arith.sitofp %convert_element_type3A_2021 : vector<1x128xi32> to vector<1x128xf32>
      %eq3A_2023 = vector.broadcast %sub3A_2018 : i32 to vector<1x128xi32>
      %eq3A_2024 = arith.cmpi eq, %iota3A_3, %eq3A_2023 : vector<1x128xi32>
      %convert_element_type3A_2025 = arith.extui %eq3A_2024 : vector<1x128xi1> to vector<1x128xi32>
      %convert_element_type3A_2026 = arith.sitofp %convert_element_type3A_2025 : vector<1x128xi32> to vector<1x128xf32>
      %get3A_2027 = arith.constant 0 : index
      %get3A_2028 = arith.index_cast %select_n3A_1988 : i32 to index
      %get3A_2029 = arith.constant 0 : index
      %get3A_2030 = vector.load %arg10[%get3A_2027, %get3A_2028, %get3A_2029] : memref<2x160x128xf32, #tpu.memory_space<vmem>>, vector<1x1x128xf32>
      %get3A_2031 = vector.shape_cast %get3A_2030 : vector<1x1x128xf32> to vector<1x128xf32>
      %get3A_2032 = arith.constant 0 : index
      %get3A_2033 = arith.index_cast %select_n3A_1988 : i32 to index
      %get3A_2034 = arith.constant 0 : index
      %get3A_2035 = vector.load %arg5[%get3A_2032, %get3A_2033, %get3A_2034] : memref<2x160x128xf32, #tpu.memory_space<vmem>>, vector<1x1x128xf32>
      %get3A_2036 = vector.shape_cast %get3A_2035 : vector<1x1x128xf32> to vector<1x128xf32>
      %get3A_2037 = arith.constant 0 : index
      %get3A_2038 = arith.index_cast %select_n3A_1988 : i32 to index
      %get3A_2039 = arith.constant 0 : index
      %get3A_2040 = vector.load %arg11[%get3A_2037, %get3A_2038, %get3A_2039] : memref<2x160x128xf32, #tpu.memory_space<vmem>>, vector<1x1x128xf32>
      %get3A_2041 = vector.shape_cast %get3A_2040 : vector<1x1x128xf32> to vector<1x128xf32>
      %get3A_2042 = arith.constant 0 : index
      %get3A_2043 = arith.index_cast %select_n3A_1988 : i32 to index
      %get3A_2044 = arith.constant 0 : index
      %get3A_2045 = vector.load %arg7[%get3A_2042, %get3A_2043, %get3A_2044] : memref<2x160x128xf32, #tpu.memory_space<vmem>>, vector<1x1x128xf32>
      %get3A_2046 = vector.shape_cast %get3A_2045 : vector<1x1x128xf32> to vector<1x128xf32>
      %get3A_2047 = arith.constant 0 : index
      %get3A_2048 = arith.index_cast %select_n3A_1988 : i32 to index
      %get3A_2049 = arith.constant 0 : index
      %get3A_2050 = vector.load %arg13[%get3A_2047, %get3A_2048, %get3A_2049] : memref<2x160x128xf32, #tpu.memory_space<vmem>>, vector<1x1x128xf32>
      %get3A_2051 = vector.shape_cast %get3A_2050 : vector<1x1x128xf32> to vector<1x128xf32>
      %get3A_2052 = arith.constant 0 : index
      %get3A_2053 = arith.index_cast %select_n3A_1988 : i32 to index
      %get3A_2054 = arith.constant 0 : index
      %get3A_2055 = vector.load %arg2[%get3A_2052, %get3A_2053, %get3A_2054] : memref<2x160x128xf32, #tpu.memory_space<vmem>>, vector<1x1x128xf32>
      %get3A_2056 = vector.shape_cast %get3A_2055 : vector<1x1x128xf32> to vector<1x128xf32>
      %get3A_2057 = arith.constant 0 : index
      %get3A_2058 = arith.index_cast %select_n3A_1988 : i32 to index
      %get3A_2059 = arith.constant 0 : index
      %get3A_2060 = vector.load %arg3[%get3A_2057, %get3A_2058, %get3A_2059] : memref<2x160x128xf32, #tpu.memory_space<vmem>>, vector<1x1x128xf32>
      %get3A_2061 = vector.shape_cast %get3A_2060 : vector<1x1x128xf32> to vector<1x128xf32>
      %concatenate3A_2062 = tpu.concatenate %get3A_2031, %get3A_2036, %get3A_2041, %get3A_2046, %get3A_2051, %get3A_2056, %get3A_2061 in 0 : vector<1x128xf32>, vector<1x128xf32>, vector<1x128xf32>, vector<1x128xf32>, vector<1x128xf32>, vector<1x128xf32>, vector<1x128xf32> -> vector<7x128xf32>
      %get3A_2063 = arith.constant 1 : index
      %get3A_2064 = arith.index_cast %select_n3A_2012 : i32 to index
      %get3A_2065 = arith.constant 0 : index
      %get3A_2066 = vector.load %arg10[%get3A_2063, %get3A_2064, %get3A_2065] : memref<2x160x128xf32, #tpu.memory_space<vmem>>, vector<1x1x128xf32>
      %get3A_2067 = vector.shape_cast %get3A_2066 : vector<1x1x128xf32> to vector<1x128xf32>
      %get3A_2068 = arith.constant 1 : index
      %get3A_2069 = arith.index_cast %select_n3A_2012 : i32 to index
      %get3A_2070 = arith.constant 0 : index
      %get3A_2071 = vector.load %arg5[%get3A_2068, %get3A_2069, %get3A_2070] : memref<2x160x128xf32, #tpu.memory_space<vmem>>, vector<1x1x128xf32>
      %get3A_2072 = vector.shape_cast %get3A_2071 : vector<1x1x128xf32> to vector<1x128xf32>
      %get3A_2073 = arith.constant 1 : index
      %get3A_2074 = arith.index_cast %select_n3A_2012 : i32 to index
      %get3A_2075 = arith.constant 0 : index
      %get3A_2076 = vector.load %arg11[%get3A_2073, %get3A_2074, %get3A_2075] : memref<2x160x128xf32, #tpu.memory_space<vmem>>, vector<1x1x128xf32>
      %get3A_2077 = vector.shape_cast %get3A_2076 : vector<1x1x128xf32> to vector<1x128xf32>
      %get3A_2078 = arith.constant 1 : index
      %get3A_2079 = arith.index_cast %select_n3A_2012 : i32 to index
      %get3A_2080 = arith.constant 0 : index
      %get3A_2081 = vector.load %arg7[%get3A_2078, %get3A_2079, %get3A_2080] : memref<2x160x128xf32, #tpu.memory_space<vmem>>, vector<1x1x128xf32>
      %get3A_2082 = vector.shape_cast %get3A_2081 : vector<1x1x128xf32> to vector<1x128xf32>
      %get3A_2083 = arith.constant 1 : index
      %get3A_2084 = arith.index_cast %select_n3A_2012 : i32 to index
      %get3A_2085 = arith.constant 0 : index
      %get3A_2086 = vector.load %arg13[%get3A_2083, %get3A_2084, %get3A_2085] : memref<2x160x128xf32, #tpu.memory_space<vmem>>, vector<1x1x128xf32>
      %get3A_2087 = vector.shape_cast %get3A_2086 : vector<1x1x128xf32> to vector<1x128xf32>
      %get3A_2088 = arith.constant 1 : index
      %get3A_2089 = arith.index_cast %select_n3A_2012 : i32 to index
      %get3A_2090 = arith.constant 0 : index
      %get3A_2091 = vector.load %arg2[%get3A_2088, %get3A_2089, %get3A_2090] : memref<2x160x128xf32, #tpu.memory_space<vmem>>, vector<1x1x128xf32>
      %get3A_2092 = vector.shape_cast %get3A_2091 : vector<1x1x128xf32> to vector<1x128xf32>
      %get3A_2093 = arith.constant 1 : index
      %get3A_2094 = arith.index_cast %select_n3A_2012 : i32 to index
      %get3A_2095 = arith.constant 0 : index
      %get3A_2096 = vector.load %arg3[%get3A_2093, %get3A_2094, %get3A_2095] : memref<2x160x128xf32, #tpu.memory_space<vmem>>, vector<1x1x128xf32>
      %get3A_2097 = vector.shape_cast %get3A_2096 : vector<1x1x128xf32> to vector<1x128xf32>
      %concatenate3A_2098 = tpu.concatenate %get3A_2067, %get3A_2072, %get3A_2077, %get3A_2082, %get3A_2087, %get3A_2092, %get3A_2097 in 0 : vector<1x128xf32>, vector<1x128xf32>, vector<1x128xf32>, vector<1x128xf32>, vector<1x128xf32>, vector<1x128xf32>, vector<1x128xf32> -> vector<7x128xf32>
      %mul3A_2099 = vector.broadcast %convert_element_type3A_2022 : vector<1x128xf32> to vector<7x128xf32>
      %mul3A_2100 = arith.mulf %concatenate3A_2062, %mul3A_2099 : vector<7x128xf32>
      %reduce_sum3A_2101 = arith.constant dense<0.000000e+00> : vector<7xf32>
      %reduce_sum3A_2102 = vector.multi_reduction <add>, %mul3A_2100, %reduce_sum3A_2101 [1] : vector<7x128xf32> to vector<7xf32>
      %broadcast_in_dim3A_2103 = vector.shape_cast %reduce_sum3A_2102 : vector<7xf32> to vector<7x1xf32>
      %mul3A_2104 = vector.broadcast %convert_element_type3A_2026 : vector<1x128xf32> to vector<7x128xf32>
      %mul3A_2105 = arith.mulf %concatenate3A_2098, %mul3A_2104 : vector<7x128xf32>
      %reduce_sum3A_2106 = arith.constant dense<0.000000e+00> : vector<7xf32>
      %reduce_sum3A_2107 = vector.multi_reduction <add>, %mul3A_2105, %reduce_sum3A_2106 [1] : vector<7x128xf32> to vector<7xf32>
      %broadcast_in_dim3A_2108 = vector.shape_cast %reduce_sum3A_2107 : vector<7xf32> to vector<7x1xf32>
      %slice3A_2109 = vector.extract_strided_slice %broadcast_in_dim3A_2103 {offsets = [0, 0], sizes = [1, 1], strides = [1, 1]} : vector<7x1xf32> to vector<1x1xf32>
      %slice3A_2110 = vector.extract_strided_slice %broadcast_in_dim3A_2103 {offsets = [1, 0], sizes = [1, 1], strides = [1, 1]} : vector<7x1xf32> to vector<1x1xf32>
      %slice3A_2111 = vector.extract_strided_slice %broadcast_in_dim3A_2103 {offsets = [2, 0], sizes = [1, 1], strides = [1, 1]} : vector<7x1xf32> to vector<1x1xf32>
      %slice3A_2112 = vector.extract_strided_slice %broadcast_in_dim3A_2103 {offsets = [3, 0], sizes = [1, 1], strides = [1, 1]} : vector<7x1xf32> to vector<1x1xf32>
      %slice3A_2113 = vector.extract_strided_slice %broadcast_in_dim3A_2103 {offsets = [4, 0], sizes = [1, 1], strides = [1, 1]} : vector<7x1xf32> to vector<1x1xf32>
      %slice3A_2114 = vector.extract_strided_slice %broadcast_in_dim3A_2103 {offsets = [5, 0], sizes = [1, 1], strides = [1, 1]} : vector<7x1xf32> to vector<1x1xf32>
      %slice3A_2115 = vector.extract_strided_slice %broadcast_in_dim3A_2103 {offsets = [6, 0], sizes = [1, 1], strides = [1, 1]} : vector<7x1xf32> to vector<1x1xf32>
      %get3A_2116 = arith.constant 0 : index
      %get3A_2117 = arith.constant 0 : index
      %get3A_2118 = arith.constant 0 : index
      %get3A_2119 = vector.load %arg10[%get3A_2116, %get3A_2117, %get3A_2118] : memref<2x160x128xf32, #tpu.memory_space<vmem>>, vector<1x160x128xf32>
      %get3A_2120 = vector.shape_cast %get3A_2119 : vector<1x160x128xf32> to vector<160x128xf32>
      %get3A_2121 = arith.constant 0 : index
      %get3A_2122 = arith.constant 0 : index
      %get3A_2123 = arith.constant 0 : index
      %get3A_2124 = vector.load %arg11[%get3A_2121, %get3A_2122, %get3A_2123] : memref<2x160x128xf32, #tpu.memory_space<vmem>>, vector<1x160x128xf32>
      %get3A_2125 = vector.shape_cast %get3A_2124 : vector<1x160x128xf32> to vector<160x128xf32>
      %get3A_2126 = arith.constant 0 : index
      %get3A_2127 = arith.constant 0 : index
      %get3A_2128 = arith.constant 0 : index
      %get3A_2129 = vector.load %arg5[%get3A_2126, %get3A_2127, %get3A_2128] : memref<2x160x128xf32, #tpu.memory_space<vmem>>, vector<1x160x128xf32>
      %get3A_2130 = vector.shape_cast %get3A_2129 : vector<1x160x128xf32> to vector<160x128xf32>
      %get3A_2131 = arith.constant 0 : index
      %get3A_2132 = arith.constant 0 : index
      %get3A_2133 = arith.constant 0 : index
      %get3A_2134 = vector.load %arg7[%get3A_2131, %get3A_2132, %get3A_2133] : memref<2x160x128xf32, #tpu.memory_space<vmem>>, vector<1x160x128xf32>
      %get3A_2135 = vector.shape_cast %get3A_2134 : vector<1x160x128xf32> to vector<160x128xf32>
      %max3A_2136 = vector.broadcast %slice3A_2109 : vector<1x1xf32> to vector<160x128xf32>
      %max3A_2137 = arith.maximumf %max3A_2136, %get3A_2120 : vector<160x128xf32>
      %max3A_2138 = vector.broadcast %slice3A_2110 : vector<1x1xf32> to vector<160x128xf32>
      %max3A_2139 = arith.maximumf %max3A_2138, %get3A_2130 : vector<160x128xf32>
      %min3A_2140 = vector.broadcast %slice3A_2111 : vector<1x1xf32> to vector<160x128xf32>
      %min3A_2141 = arith.minimumf %min3A_2140, %get3A_2125 : vector<160x128xf32>
      %min3A_2142 = vector.broadcast %slice3A_2112 : vector<1x1xf32> to vector<160x128xf32>
      %min3A_2143 = arith.minimumf %min3A_2142, %get3A_2135 : vector<160x128xf32>
      %sub3A_2144 = arith.subf %min3A_2141, %max3A_2137 : vector<160x128xf32>
      %max3A_2145 = arith.constant 0.000000e+00 : f32
      %max3A_2146 = vector.broadcast %max3A_2145 : f32 to vector<160x128xf32>
      %max3A_2147 = arith.maximumf %max3A_2146, %sub3A_2144 : vector<160x128xf32>
      %sub3A_2148 = arith.subf %min3A_2143, %max3A_2139 : vector<160x128xf32>
      %max3A_2149 = arith.constant 0.000000e+00 : f32
      %max3A_2150 = vector.broadcast %max3A_2149 : f32 to vector<160x128xf32>
      %max3A_2151 = arith.maximumf %max3A_2150, %sub3A_2148 : vector<160x128xf32>
      %mul3A_2152 = arith.mulf %max3A_2147, %max3A_2151 : vector<160x128xf32>
      %sub3A_2153 = arith.subf %slice3A_2111, %slice3A_2109 : vector<1x1xf32>
      %max3A_2154 = arith.constant 0.000000e+00 : f32
      %max3A_2155 = vector.broadcast %max3A_2154 : f32 to vector<1x1xf32>
      %max3A_2156 = arith.maximumf %max3A_2155, %sub3A_2153 : vector<1x1xf32>
      %sub3A_2157 = arith.subf %slice3A_2112, %slice3A_2110 : vector<1x1xf32>
      %max3A_2158 = arith.constant 0.000000e+00 : f32
      %max3A_2159 = vector.broadcast %max3A_2158 : f32 to vector<1x1xf32>
      %max3A_2160 = arith.maximumf %max3A_2159, %sub3A_2157 : vector<1x1xf32>
      %mul3A_2161 = arith.mulf %max3A_2156, %max3A_2160 : vector<1x1xf32>
      %get3A_2162 = arith.constant 0 : index
      %get3A_2163 = arith.constant 0 : index
      %get3A_2164 = arith.constant 0 : index
      %get3A_2165 = vector.load %arg12[%get3A_2162, %get3A_2163, %get3A_2164] : memref<2x160x128xf32, #tpu.memory_space<vmem>>, vector<1x160x128xf32>
      %get3A_2166 = vector.shape_cast %get3A_2165 : vector<1x160x128xf32> to vector<160x128xf32>
      %add3A_2167 = vector.broadcast %mul3A_2161 : vector<1x1xf32> to vector<160x128xf32>
      %add3A_2168 = arith.addf %add3A_2167, %get3A_2166 : vector<160x128xf32>
      %sub3A_2169 = arith.subf %add3A_2168, %mul3A_2152 : vector<160x128xf32>
      %gt3A_2170 = arith.constant 0.000000e+00 : f32
      %gt3A_2171 = vector.broadcast %gt3A_2170 : f32 to vector<160x128xf32>
      %gt3A_2172 = arith.cmpf ogt, %sub3A_2169, %gt3A_2171 : vector<160x128xf32>
      %div3A_2173 = arith.divf %mul3A_2152, %sub3A_2169 : vector<160x128xf32>
      %jit3A_2174 = arith.constant 0.000000e+00 : f32
      %broadcast_in_dim3A_2175 = vector.broadcast %jit3A_2174 : f32 to vector<160x128xf32>
      %select_n3A_2176 = arith.select %gt3A_2172, %div3A_2173, %broadcast_in_dim3A_2175 : vector<160x128xi1>, vector<160x128xf32>
      %gt3A_2177 = arith.constant 3.000000e-01 : f32
      %gt3A_2178 = vector.broadcast %gt3A_2177 : f32 to vector<160x128xf32>
      %gt3A_2179 = arith.cmpf ogt, %select_n3A_2176, %gt3A_2178 : vector<160x128xf32>
      %eq3A_2180 = vector.broadcast %reduce_min3A_1952 : f32 to vector<160x128xf32>
      %eq3A_2181 = arith.cmpf oeq, %convert_element_type3A, %eq3A_2180 : vector<160x128xf32>
      %or3A_2182 = arith.ori %gt3A_2179, %eq3A_2181 : vector<160x128xi1>
      %jit3A_2183 = arith.constant -1.000000e+30 : f32
      %broadcast_in_dim3A_2184 = vector.broadcast %jit3A_2183 : f32 to vector<160x128xf32>
      %select_n3A_2185 = arith.select %or3A_2182, %broadcast_in_dim3A_2184, %get3A_1897 : vector<160x128xi1>, vector<160x128xf32>
      %swap3A_2186 = arith.constant 0 : index
      %swap3A_2187 = arith.constant 0 : index
      %swap3A_2188 = arith.constant 0 : index
      %swap3A_2189 = vector.load %arg9[%swap3A_2186, %swap3A_2187, %swap3A_2188] : memref<2x160x128xf32, #tpu.memory_space<vmem>>, vector<1x160x128xf32>
      %swap3A_2190 = vector.shape_cast %swap3A_2189 : vector<1x160x128xf32> to vector<160x128xf32>
      %swap3A_2191 = vector.shape_cast %select_n3A_2185 : vector<160x128xf32> to vector<1x160x128xf32>
      tpu.vector_store %arg9[%swap3A_2186, %swap3A_2187, %swap3A_2188], %swap3A_2191 {strides = array<i32>} : memref<2x160x128xf32, #tpu.memory_space<vmem>>, vector<1x160x128xf32>,
      %gt3A_2192 = arith.constant -1.000000e+29 : f32
      %gt3A_2193 = arith.cmpf ogt, %reduce_max3A_1913, %gt3A_2192 : f32
      %jit3A_2194 = arith.constant 1.000000e+00 : f32
      %jit3A_2195 = arith.constant 0.000000e+00 : f32
      %select_n3A_2196 = arith.select %gt3A_2193, %jit3A_2194, %jit3A_2195 : f32
      %eq3A_2197 = arith.constant 0 : i32
      %eq3A_2198 = vector.broadcast %eq3A_2197 : i32 to vector<1x128xi32>
      %eq3A_2199 = arith.cmpi eq, %iota3A_3, %eq3A_2198 : vector<1x128xi32>
      %convert_element_type3A_2200 = arith.extui %eq3A_2199 : vector<1x128xi1> to vector<1x128xi32>
      %convert_element_type3A_2201 = arith.sitofp %convert_element_type3A_2200 : vector<1x128xi32> to vector<1x128xf32>
      %mul3A_2202 = vector.broadcast %slice3A_2109 : vector<1x1xf32> to vector<1x128xf32>
      %mul3A_2203 = arith.mulf %convert_element_type3A_2201, %mul3A_2202 : vector<1x128xf32>
      %eq3A_2204 = arith.constant 1 : i32
      %eq3A_2205 = vector.broadcast %eq3A_2204 : i32 to vector<1x128xi32>
      %eq3A_2206 = arith.cmpi eq, %iota3A_3, %eq3A_2205 : vector<1x128xi32>
      %convert_element_type3A_2207 = arith.extui %eq3A_2206 : vector<1x128xi1> to vector<1x128xi32>
      %convert_element_type3A_2208 = arith.sitofp %convert_element_type3A_2207 : vector<1x128xi32> to vector<1x128xf32>
      %mul3A_2209 = vector.broadcast %slice3A_2110 : vector<1x1xf32> to vector<1x128xf32>
      %mul3A_2210 = arith.mulf %convert_element_type3A_2208, %mul3A_2209 : vector<1x128xf32>
      %add3A_2211 = arith.addf %mul3A_2203, %mul3A_2210 : vector<1x128xf32>
      %eq3A_2212 = arith.constant 2 : i32
      %eq3A_2213 = vector.broadcast %eq3A_2212 : i32 to vector<1x128xi32>
      %eq3A_2214 = arith.cmpi eq, %iota3A_3, %eq3A_2213 : vector<1x128xi32>
      %convert_element_type3A_2215 = arith.extui %eq3A_2214 : vector<1x128xi1> to vector<1x128xi32>
      %convert_element_type3A_2216 = arith.sitofp %convert_element_type3A_2215 : vector<1x128xi32> to vector<1x128xf32>
      %mul3A_2217 = vector.broadcast %slice3A_2111 : vector<1x1xf32> to vector<1x128xf32>
      %mul3A_2218 = arith.mulf %convert_element_type3A_2216, %mul3A_2217 : vector<1x128xf32>
      %add3A_2219 = arith.addf %add3A_2211, %mul3A_2218 : vector<1x128xf32>
      %eq3A_2220 = arith.constant 3 : i32
      %eq3A_2221 = vector.broadcast %eq3A_2220 : i32 to vector<1x128xi32>
      %eq3A_2222 = arith.cmpi eq, %iota3A_3, %eq3A_2221 : vector<1x128xi32>
      %convert_element_type3A_2223 = arith.extui %eq3A_2222 : vector<1x128xi1> to vector<1x128xi32>
      %convert_element_type3A_2224 = arith.sitofp %convert_element_type3A_2223 : vector<1x128xi32> to vector<1x128xf32>
      %mul3A_2225 = vector.broadcast %slice3A_2112 : vector<1x1xf32> to vector<1x128xf32>
      %mul3A_2226 = arith.mulf %convert_element_type3A_2224, %mul3A_2225 : vector<1x128xf32>
      %add3A_2227 = arith.addf %add3A_2219, %mul3A_2226 : vector<1x128xf32>
      %eq3A_2228 = arith.constant 5 : i32
      %eq3A_2229 = vector.broadcast %eq3A_2228 : i32 to vector<1x128xi32>
      %eq3A_2230 = arith.cmpi eq, %iota3A_3, %eq3A_2229 : vector<1x128xi32>
      %convert_element_type3A_2231 = arith.extui %eq3A_2230 : vector<1x128xi1> to vector<1x128xi32>
      %convert_element_type3A_2232 = arith.sitofp %convert_element_type3A_2231 : vector<1x128xi32> to vector<1x128xf32>
      %mul3A_2233 = vector.broadcast %slice3A_2113 : vector<1x1xf32> to vector<1x128xf32>
      %mul3A_2234 = arith.mulf %convert_element_type3A_2232, %mul3A_2233 : vector<1x128xf32>
      %add3A_2235 = arith.addf %add3A_2227, %mul3A_2234 : vector<1x128xf32>
      %eq3A_2236 = arith.constant 7 : i32
      %eq3A_2237 = vector.broadcast %eq3A_2236 : i32 to vector<1x128xi32>
      %eq3A_2238 = arith.cmpi eq, %iota3A_3, %eq3A_2237 : vector<1x128xi32>
      %convert_element_type3A_2239 = arith.extui %eq3A_2238 : vector<1x128xi1> to vector<1x128xi32>
      %convert_element_type3A_2240 = arith.sitofp %convert_element_type3A_2239 : vector<1x128xi32> to vector<1x128xf32>
      %mul3A_2241 = vector.broadcast %slice3A_2114 : vector<1x1xf32> to vector<1x128xf32>
      %mul3A_2242 = arith.mulf %convert_element_type3A_2240, %mul3A_2241 : vector<1x128xf32>
      %add3A_2243 = arith.addf %add3A_2235, %mul3A_2242 : vector<1x128xf32>
      %eq3A_2244 = arith.constant 8 : i32
      %eq3A_2245 = vector.broadcast %eq3A_2244 : i32 to vector<1x128xi32>
      %eq3A_2246 = arith.cmpi eq, %iota3A_3, %eq3A_2245 : vector<1x128xi32>
      %convert_element_type3A_2247 = arith.extui %eq3A_2246 : vector<1x128xi1> to vector<1x128xi32>
      %convert_element_type3A_2248 = arith.sitofp %convert_element_type3A_2247 : vector<1x128xi32> to vector<1x128xf32>
      %mul3A_2249 = vector.broadcast %slice3A_2115 : vector<1x1xf32> to vector<1x128xf32>
      %mul3A_2250 = arith.mulf %convert_element_type3A_2248, %mul3A_2249 : vector<1x128xf32>
      %add3A_2251 = arith.addf %add3A_2243, %mul3A_2250 : vector<1x128xf32>
      %eq3A_2252 = arith.constant 4 : i32
      %eq3A_2253 = vector.broadcast %eq3A_2252 : i32 to vector<1x128xi32>
      %eq3A_2254 = arith.cmpi eq, %iota3A_3, %eq3A_2253 : vector<1x128xi32>
      %convert_element_type3A_2255 = arith.extui %eq3A_2254 : vector<1x128xi1> to vector<1x128xi32>
      %convert_element_type3A_2256 = arith.sitofp %convert_element_type3A_2255 : vector<1x128xi32> to vector<1x128xf32>
      %add3A_2257 = arith.addf %add3A_2251, %convert_element_type3A_2256 : vector<1x128xf32>
      %eq3A_2258 = arith.constant 6 : i32
      %eq3A_2259 = vector.broadcast %eq3A_2258 : i32 to vector<1x128xi32>
      %eq3A_2260 = arith.cmpi eq, %iota3A_3, %eq3A_2259 : vector<1x128xi32>
      %convert_element_type3A_2261 = arith.extui %eq3A_2260 : vector<1x128xi1> to vector<1x128xi32>
      %convert_element_type3A_2262 = arith.sitofp %convert_element_type3A_2261 : vector<1x128xi32> to vector<1x128xf32>
      %add3A_2263 = arith.addf %add3A_2257, %convert_element_type3A_2262 : vector<1x128xf32>
      %eq3A_2264 = arith.constant 9 : i32
      %eq3A_2265 = vector.broadcast %eq3A_2264 : i32 to vector<1x128xi32>
      %eq3A_2266 = arith.cmpi eq, %iota3A_3, %eq3A_2265 : vector<1x128xi32>
      %convert_element_type3A_2267 = arith.extui %eq3A_2266 : vector<1x128xi1> to vector<1x128xi32>
      %convert_element_type3A_2268 = arith.sitofp %convert_element_type3A_2267 : vector<1x128xi32> to vector<1x128xf32>
      %add3A_2269 = arith.addf %add3A_2263, %convert_element_type3A_2268 : vector<1x128xf32>
      %mul3A_2270 = vector.broadcast %select_n3A_2196 : f32 to vector<1x128xf32>
      %mul3A_2271 = arith.mulf %add3A_2269, %mul3A_2270 : vector<1x128xf32>
      %swap3A_2272 = arith.constant 0 : index
      %swap3A_2273 = arith.index_cast %scan3A_1892 : i32 to index
      %swap3A_2274 = arith.constant 0 : index
      %swap3A_2275 = vector.load %arg8[%swap3A_2272, %swap3A_2273, %swap3A_2274] : memref<2x512x128xf32, #tpu.memory_space<vmem>>, vector<1x1x128xf32>
      %swap3A_2276 = vector.shape_cast %swap3A_2275 : vector<1x1x128xf32> to vector<1x128xf32>
      %swap3A_2277 = vector.shape_cast %mul3A_2271 : vector<1x128xf32> to vector<1x1x128xf32>
      tpu.vector_store %arg8[%swap3A_2272, %swap3A_2273, %swap3A_2274], %swap3A_2277 {strides = array<i32>} : memref<2x512x128xf32, #tpu.memory_space<vmem>>, vector<1x1x128xf32>,
      %slice3A_2278 = vector.extract_strided_slice %broadcast_in_dim3A_2108 {offsets = [0, 0], sizes = [1, 1], strides = [1, 1]} : vector<7x1xf32> to vector<1x1xf32>
      %slice3A_2279 = vector.extract_strided_slice %broadcast_in_dim3A_2108 {offsets = [1, 0], sizes = [1, 1], strides = [1, 1]} : vector<7x1xf32> to vector<1x1xf32>
      %slice3A_2280 = vector.extract_strided_slice %broadcast_in_dim3A_2108 {offsets = [2, 0], sizes = [1, 1], strides = [1, 1]} : vector<7x1xf32> to vector<1x1xf32>
      %slice3A_2281 = vector.extract_strided_slice %broadcast_in_dim3A_2108 {offsets = [3, 0], sizes = [1, 1], strides = [1, 1]} : vector<7x1xf32> to vector<1x1xf32>
      %slice3A_2282 = vector.extract_strided_slice %broadcast_in_dim3A_2108 {offsets = [4, 0], sizes = [1, 1], strides = [1, 1]} : vector<7x1xf32> to vector<1x1xf32>
      %slice3A_2283 = vector.extract_strided_slice %broadcast_in_dim3A_2108 {offsets = [5, 0], sizes = [1, 1], strides = [1, 1]} : vector<7x1xf32> to vector<1x1xf32>
      %slice3A_2284 = vector.extract_strided_slice %broadcast_in_dim3A_2108 {offsets = [6, 0], sizes = [1, 1], strides = [1, 1]} : vector<7x1xf32> to vector<1x1xf32>
      %get3A_2285 = arith.constant 1 : index
      %get3A_2286 = arith.constant 0 : index
      %get3A_2287 = arith.constant 0 : index
      %get3A_2288 = vector.load %arg10[%get3A_2285, %get3A_2286, %get3A_2287] : memref<2x160x128xf32, #tpu.memory_space<vmem>>, vector<1x160x128xf32>
      %get3A_2289 = vector.shape_cast %get3A_2288 : vector<1x160x128xf32> to vector<160x128xf32>
      %get3A_2290 = arith.constant 1 : index
      %get3A_2291 = arith.constant 0 : index
      %get3A_2292 = arith.constant 0 : index
      %get3A_2293 = vector.load %arg11[%get3A_2290, %get3A_2291, %get3A_2292] : memref<2x160x128xf32, #tpu.memory_space<vmem>>, vector<1x160x128xf32>
      %get3A_2294 = vector.shape_cast %get3A_2293 : vector<1x160x128xf32> to vector<160x128xf32>
      %get3A_2295 = arith.constant 1 : index
      %get3A_2296 = arith.constant 0 : index
      %get3A_2297 = arith.constant 0 : index
      %get3A_2298 = vector.load %arg5[%get3A_2295, %get3A_2296, %get3A_2297] : memref<2x160x128xf32, #tpu.memory_space<vmem>>, vector<1x160x128xf32>
      %get3A_2299 = vector.shape_cast %get3A_2298 : vector<1x160x128xf32> to vector<160x128xf32>
      %get3A_2300 = arith.constant 1 : index
      %get3A_2301 = arith.constant 0 : index
      %get3A_2302 = arith.constant 0 : index
      %get3A_2303 = vector.load %arg7[%get3A_2300, %get3A_2301, %get3A_2302] : memref<2x160x128xf32, #tpu.memory_space<vmem>>, vector<1x160x128xf32>
      %get3A_2304 = vector.shape_cast %get3A_2303 : vector<1x160x128xf32> to vector<160x128xf32>
      %max3A_2305 = vector.broadcast %slice3A_2278 : vector<1x1xf32> to vector<160x128xf32>
      %max3A_2306 = arith.maximumf %max3A_2305, %get3A_2289 : vector<160x128xf32>
      %max3A_2307 = vector.broadcast %slice3A_2279 : vector<1x1xf32> to vector<160x128xf32>
      %max3A_2308 = arith.maximumf %max3A_2307, %get3A_2299 : vector<160x128xf32>
      %min3A_2309 = vector.broadcast %slice3A_2280 : vector<1x1xf32> to vector<160x128xf32>
      %min3A_2310 = arith.minimumf %min3A_2309, %get3A_2294 : vector<160x128xf32>
      %min3A_2311 = vector.broadcast %slice3A_2281 : vector<1x1xf32> to vector<160x128xf32>
      %min3A_2312 = arith.minimumf %min3A_2311, %get3A_2304 : vector<160x128xf32>
      %sub3A_2313 = arith.subf %min3A_2310, %max3A_2306 : vector<160x128xf32>
      %max3A_2314 = arith.constant 0.000000e+00 : f32
      %max3A_2315 = vector.broadcast %max3A_2314 : f32 to vector<160x128xf32>
      %max3A_2316 = arith.maximumf %max3A_2315, %sub3A_2313 : vector<160x128xf32>
      %sub3A_2317 = arith.subf %min3A_2312, %max3A_2308 : vector<160x128xf32>
      %max3A_2318 = arith.constant 0.000000e+00 : f32
      %max3A_2319 = vector.broadcast %max3A_2318 : f32 to vector<160x128xf32>
      %max3A_2320 = arith.maximumf %max3A_2319, %sub3A_2317 : vector<160x128xf32>
      %mul3A_2321 = arith.mulf %max3A_2316, %max3A_2320 : vector<160x128xf32>
      %sub3A_2322 = arith.subf %slice3A_2280, %slice3A_2278 : vector<1x1xf32>
      %max3A_2323 = arith.constant 0.000000e+00 : f32
      %max3A_2324 = vector.broadcast %max3A_2323 : f32 to vector<1x1xf32>
      %max3A_2325 = arith.maximumf %max3A_2324, %sub3A_2322 : vector<1x1xf32>
      %sub3A_2326 = arith.subf %slice3A_2281, %slice3A_2279 : vector<1x1xf32>
      %max3A_2327 = arith.constant 0.000000e+00 : f32
      %max3A_2328 = vector.broadcast %max3A_2327 : f32 to vector<1x1xf32>
      %max3A_2329 = arith.maximumf %max3A_2328, %sub3A_2326 : vector<1x1xf32>
      %mul3A_2330 = arith.mulf %max3A_2325, %max3A_2329 : vector<1x1xf32>
      %get3A_2331 = arith.constant 1 : index
      %get3A_2332 = arith.constant 0 : index
      %get3A_2333 = arith.constant 0 : index
      %get3A_2334 = vector.load %arg12[%get3A_2331, %get3A_2332, %get3A_2333] : memref<2x160x128xf32, #tpu.memory_space<vmem>>, vector<1x160x128xf32>
      %get3A_2335 = vector.shape_cast %get3A_2334 : vector<1x160x128xf32> to vector<160x128xf32>
      %add3A_2336 = vector.broadcast %mul3A_2330 : vector<1x1xf32> to vector<160x128xf32>
      %add3A_2337 = arith.addf %add3A_2336, %get3A_2335 : vector<160x128xf32>
      %sub3A_2338 = arith.subf %add3A_2337, %mul3A_2321 : vector<160x128xf32>
      %gt3A_2339 = arith.constant 0.000000e+00 : f32
      %gt3A_2340 = vector.broadcast %gt3A_2339 : f32 to vector<160x128xf32>
      %gt3A_2341 = arith.cmpf ogt, %sub3A_2338, %gt3A_2340 : vector<160x128xf32>
      %div3A_2342 = arith.divf %mul3A_2321, %sub3A_2338 : vector<160x128xf32>
      %jit3A_2343 = arith.constant 0.000000e+00 : f32
      %broadcast_in_dim3A_2344 = vector.broadcast %jit3A_2343 : f32 to vector<160x128xf32>
      %select_n3A_2345 = arith.select %gt3A_2341, %div3A_2342, %broadcast_in_dim3A_2344 : vector<160x128xi1>, vector<160x128xf32>
      %gt3A_2346 = arith.constant 3.000000e-01 : f32
      %gt3A_2347 = vector.broadcast %gt3A_2346 : f32 to vector<160x128xf32>
      %gt3A_2348 = arith.cmpf ogt, %select_n3A_2345, %gt3A_2347 : vector<160x128xf32>
      %eq3A_2349 = vector.broadcast %reduce_min3A_1962 : f32 to vector<160x128xf32>
      %eq3A_2350 = arith.cmpf oeq, %convert_element_type3A, %eq3A_2349 : vector<160x128xf32>
      %or3A_2351 = arith.ori %gt3A_2348, %eq3A_2350 : vector<160x128xi1>
      %jit3A_2352 = arith.constant -1.000000e+30 : f32
      %broadcast_in_dim3A_2353 = vector.broadcast %jit3A_2352 : f32 to vector<160x128xf32>
      %select_n3A_2354 = arith.select %or3A_2351, %broadcast_in_dim3A_2353, %get3A_1902 : vector<160x128xi1>, vector<160x128xf32>
      %swap3A_2355 = arith.constant 1 : index
      %swap3A_2356 = arith.constant 0 : index
      %swap3A_2357 = arith.constant 0 : index
      %swap3A_2358 = vector.load %arg9[%swap3A_2355, %swap3A_2356, %swap3A_2357] : memref<2x160x128xf32, #tpu.memory_space<vmem>>, vector<1x160x128xf32>
      %swap3A_2359 = vector.shape_cast %swap3A_2358 : vector<1x160x128xf32> to vector<160x128xf32>
      %swap3A_2360 = vector.shape_cast %select_n3A_2354 : vector<160x128xf32> to vector<1x160x128xf32>
      tpu.vector_store %arg9[%swap3A_2355, %swap3A_2356, %swap3A_2357], %swap3A_2360 {strides = array<i32>} : memref<2x160x128xf32, #tpu.memory_space<vmem>>, vector<1x160x128xf32>,
      %gt3A_2361 = arith.constant -1.000000e+29 : f32
      %gt3A_2362 = arith.cmpf ogt, %reduce_max3A_1918, %gt3A_2361 : f32
      %jit3A_2363 = arith.constant 1.000000e+00 : f32
      %jit3A_2364 = arith.constant 0.000000e+00 : f32
      %select_n3A_2365 = arith.select %gt3A_2362, %jit3A_2363, %jit3A_2364 : f32
      %eq3A_2366 = arith.constant 0 : i32
      %eq3A_2367 = vector.broadcast %eq3A_2366 : i32 to vector<1x128xi32>
      %eq3A_2368 = arith.cmpi eq, %iota3A_3, %eq3A_2367 : vector<1x128xi32>
      %convert_element_type3A_2369 = arith.extui %eq3A_2368 : vector<1x128xi1> to vector<1x128xi32>
      %convert_element_type3A_2370 = arith.sitofp %convert_element_type3A_2369 : vector<1x128xi32> to vector<1x128xf32>
      %mul3A_2371 = vector.broadcast %slice3A_2278 : vector<1x1xf32> to vector<1x128xf32>
      %mul3A_2372 = arith.mulf %convert_element_type3A_2370, %mul3A_2371 : vector<1x128xf32>
      %eq3A_2373 = arith.constant 1 : i32
      %eq3A_2374 = vector.broadcast %eq3A_2373 : i32 to vector<1x128xi32>
      %eq3A_2375 = arith.cmpi eq, %iota3A_3, %eq3A_2374 : vector<1x128xi32>
      %convert_element_type3A_2376 = arith.extui %eq3A_2375 : vector<1x128xi1> to vector<1x128xi32>
      %convert_element_type3A_2377 = arith.sitofp %convert_element_type3A_2376 : vector<1x128xi32> to vector<1x128xf32>
      %mul3A_2378 = vector.broadcast %slice3A_2279 : vector<1x1xf32> to vector<1x128xf32>
      %mul3A_2379 = arith.mulf %convert_element_type3A_2377, %mul3A_2378 : vector<1x128xf32>
      %add3A_2380 = arith.addf %mul3A_2372, %mul3A_2379 : vector<1x128xf32>
      %eq3A_2381 = arith.constant 2 : i32
      %eq3A_2382 = vector.broadcast %eq3A_2381 : i32 to vector<1x128xi32>
      %eq3A_2383 = arith.cmpi eq, %iota3A_3, %eq3A_2382 : vector<1x128xi32>
      %convert_element_type3A_2384 = arith.extui %eq3A_2383 : vector<1x128xi1> to vector<1x128xi32>
      %convert_element_type3A_2385 = arith.sitofp %convert_element_type3A_2384 : vector<1x128xi32> to vector<1x128xf32>
      %mul3A_2386 = vector.broadcast %slice3A_2280 : vector<1x1xf32> to vector<1x128xf32>
      %mul3A_2387 = arith.mulf %convert_element_type3A_2385, %mul3A_2386 : vector<1x128xf32>
      %add3A_2388 = arith.addf %add3A_2380, %mul3A_2387 : vector<1x128xf32>
      %eq3A_2389 = arith.constant 3 : i32
      %eq3A_2390 = vector.broadcast %eq3A_2389 : i32 to vector<1x128xi32>
      %eq3A_2391 = arith.cmpi eq, %iota3A_3, %eq3A_2390 : vector<1x128xi32>
      %convert_element_type3A_2392 = arith.extui %eq3A_2391 : vector<1x128xi1> to vector<1x128xi32>
      %convert_element_type3A_2393 = arith.sitofp %convert_element_type3A_2392 : vector<1x128xi32> to vector<1x128xf32>
      %mul3A_2394 = vector.broadcast %slice3A_2281 : vector<1x1xf32> to vector<1x128xf32>
      %mul3A_2395 = arith.mulf %convert_element_type3A_2393, %mul3A_2394 : vector<1x128xf32>
      %add3A_2396 = arith.addf %add3A_2388, %mul3A_2395 : vector<1x128xf32>
      %eq3A_2397 = arith.constant 5 : i32
      %eq3A_2398 = vector.broadcast %eq3A_2397 : i32 to vector<1x128xi32>
      %eq3A_2399 = arith.cmpi eq, %iota3A_3, %eq3A_2398 : vector<1x128xi32>
      %convert_element_type3A_2400 = arith.extui %eq3A_2399 : vector<1x128xi1> to vector<1x128xi32>
      %convert_element_type3A_2401 = arith.sitofp %convert_element_type3A_2400 : vector<1x128xi32> to vector<1x128xf32>
      %mul3A_2402 = vector.broadcast %slice3A_2282 : vector<1x1xf32> to vector<1x128xf32>
      %mul3A_2403 = arith.mulf %convert_element_type3A_2401, %mul3A_2402 : vector<1x128xf32>
      %add3A_2404 = arith.addf %add3A_2396, %mul3A_2403 : vector<1x128xf32>
      %eq3A_2405 = arith.constant 7 : i32
      %eq3A_2406 = vector.broadcast %eq3A_2405 : i32 to vector<1x128xi32>
      %eq3A_2407 = arith.cmpi eq, %iota3A_3, %eq3A_2406 : vector<1x128xi32>
      %convert_element_type3A_2408 = arith.extui %eq3A_2407 : vector<1x128xi1> to vector<1x128xi32>
      %convert_element_type3A_2409 = arith.sitofp %convert_element_type3A_2408 : vector<1x128xi32> to vector<1x128xf32>
      %mul3A_2410 = vector.broadcast %slice3A_2283 : vector<1x1xf32> to vector<1x128xf32>
      %mul3A_2411 = arith.mulf %convert_element_type3A_2409, %mul3A_2410 : vector<1x128xf32>
      %add3A_2412 = arith.addf %add3A_2404, %mul3A_2411 : vector<1x128xf32>
      %eq3A_2413 = arith.constant 8 : i32
      %eq3A_2414 = vector.broadcast %eq3A_2413 : i32 to vector<1x128xi32>
      %eq3A_2415 = arith.cmpi eq, %iota3A_3, %eq3A_2414 : vector<1x128xi32>
      %convert_element_type3A_2416 = arith.extui %eq3A_2415 : vector<1x128xi1> to vector<1x128xi32>
      %convert_element_type3A_2417 = arith.sitofp %convert_element_type3A_2416 : vector<1x128xi32> to vector<1x128xf32>
      %mul3A_2418 = vector.broadcast %slice3A_2284 : vector<1x1xf32> to vector<1x128xf32>
      %mul3A_2419 = arith.mulf %convert_element_type3A_2417, %mul3A_2418 : vector<1x128xf32>
      %add3A_2420 = arith.addf %add3A_2412, %mul3A_2419 : vector<1x128xf32>
      %eq3A_2421 = arith.constant 4 : i32
      %eq3A_2422 = vector.broadcast %eq3A_2421 : i32 to vector<1x128xi32>
      %eq3A_2423 = arith.cmpi eq, %iota3A_3, %eq3A_2422 : vector<1x128xi32>
      %convert_element_type3A_2424 = arith.extui %eq3A_2423 : vector<1x128xi1> to vector<1x128xi32>
      %convert_element_type3A_2425 = arith.sitofp %convert_element_type3A_2424 : vector<1x128xi32> to vector<1x128xf32>
      %add3A_2426 = arith.addf %add3A_2420, %convert_element_type3A_2425 : vector<1x128xf32>
      %eq3A_2427 = arith.constant 6 : i32
      %eq3A_2428 = vector.broadcast %eq3A_2427 : i32 to vector<1x128xi32>
      %eq3A_2429 = arith.cmpi eq, %iota3A_3, %eq3A_2428 : vector<1x128xi32>
      %convert_element_type3A_2430 = arith.extui %eq3A_2429 : vector<1x128xi1> to vector<1x128xi32>
      %convert_element_type3A_2431 = arith.sitofp %convert_element_type3A_2430 : vector<1x128xi32> to vector<1x128xf32>
      %add3A_2432 = arith.addf %add3A_2426, %convert_element_type3A_2431 : vector<1x128xf32>
      %eq3A_2433 = arith.constant 9 : i32
      %eq3A_2434 = vector.broadcast %eq3A_2433 : i32 to vector<1x128xi32>
      %eq3A_2435 = arith.cmpi eq, %iota3A_3, %eq3A_2434 : vector<1x128xi32>
      %convert_element_type3A_2436 = arith.extui %eq3A_2435 : vector<1x128xi1> to vector<1x128xi32>
      %convert_element_type3A_2437 = arith.sitofp %convert_element_type3A_2436 : vector<1x128xi32> to vector<1x128xf32>
      %add3A_2438 = arith.addf %add3A_2432, %convert_element_type3A_2437 : vector<1x128xf32>
      %mul3A_2439 = vector.broadcast %select_n3A_2365 : f32 to vector<1x128xf32>
      %mul3A_2440 = arith.mulf %add3A_2438, %mul3A_2439 : vector<1x128xf32>
      %swap3A_2441 = arith.constant 1 : index
      %swap3A_2442 = arith.index_cast %scan3A_1892 : i32 to index
      %swap3A_2443 = arith.constant 0 : index
      %swap3A_2444 = vector.load %arg8[%swap3A_2441, %swap3A_2442, %swap3A_2443] : memref<2x512x128xf32, #tpu.memory_space<vmem>>, vector<1x1x128xf32>
      %swap3A_2445 = vector.shape_cast %swap3A_2444 : vector<1x1x128xf32> to vector<1x128xf32>
      %swap3A_2446 = vector.shape_cast %mul3A_2440 : vector<1x128xf32> to vector<1x1x128xf32>
      tpu.vector_store %arg8[%swap3A_2441, %swap3A_2442, %swap3A_2443], %swap3A_2446 {strides = array<i32>} : memref<2x512x128xf32, #tpu.memory_space<vmem>>, vector<1x1x128xf32>,
    }
    %scan3A_235 = arith.constant 500 : i32
    return
  }
}

</mosaic_0001>

<sc_bundles>
// kernel: kernel.4.cloned.1.call-start
scs
__scs_entry_jumppad:
0x0: {  	(pc) =	sbr.rel $0x88, $3  }
0x1: {  	(tag) =	ssettag $0x0;
	lr =	simm.s32 $0x1  }
0x2: {  	[smem:$0x3F9D] =	sst lr;
	_ =	strace $0xD0000000  }
0x3: {  	_ = 	snop  }
0x4: {  	_ = 	snop  }
0x5: {  	_ = 	snop  }
0x6: {  	_ = 	snop  }
0x7: {  	_ = 	snop  }
__scs_overlays_trampoline_lowered:
0x8: {  	[smem:$0x3FAC] =	sst s0  }
0x9: {  	[smem:$0x3FAD] =	sst s1  }
0xa: {  	[smem:$0x3FAE] =	sst s2  }
0xb: {  	[smem:$0x3FAF] =	sst s3  }
0xc: {  	[smem:$0x3FB0] =	sst s4  }
0xd: {  	[smem:$0x3FB1] =	sst s5  }
0xe: {  	[smem:$0x3FB2] =	sst s6  }
0xf: {  	[smem:$0x3FB3] =	sst s7  }
0x10: {  	[smem:$0x3FB4] =	sst s8  }
0x11: {  	[smem:$0x3FB5] =	sst s9;
	s0 =	simm.s32 @!p0 $0x0  }
0x12: {  	s1 =	sld [smem:$0x3F9B];
	s0 =	simm.s32 @p0 $0x1  }
0x13: {  	[smem:$0x3FB6] =	sst s0;
	s0 =	simm.s32 @!p1 $0x0  }
0x14: {  	s2 =	sld [smem:$0x3F9A];
	s0 =	simm.s32 @p1 $0x1  }
0x15: {  	[smem:$0x3FB7] =	sst s0;
	s0 =	simm.s32 @!p2 $0x0  }
0x16: {  	s3 =	sld [smem:$0x3FDB];
	s0 =	simm.s32 @p2 $0x1  }
0x17: {  	s4 =	simm.s32 $0x1BF5;
	[smem:$0x3FB9] =	sst s0  }
0x18: {  	s0 =	sld [smem:$0x3F9C];
	_ =	swait.ge [sflag:s4], $0x0  }
0x19: {  	s7 =	sld [smem:$0x3F9D]  }
0x1a: {  	s8 =	sadd.s32 $0xFFFFE003, lr  }
0x1b: {  	s9 =	sadd.s32 $0xFFFFFEF7, lr;
	s5 =	simm.s32 $0xFFFFFFFF;
	p2 =	slt.u32 s8, $0xFFFFF086  }
0x1c: {  	p1 =	slt.u32 s9, $0xF7A;
	s5 =	simm.s32 @!p2 $0x0  }
0x1d: {  	s5 =	simm.s32 @p1 $0x1;
	p0 =	seq.s32 s7, s2  }
0x1e: {  	s7 =	smul.u32 @!p0 $0xF7A, s2;
	p2 =	seq.s32 @!p0 s5, $0x0  }
0x1f: {  	s9 =	smul.u32 $0xF7A, s1;
	s8 =	simm.s32 @!p0 $0x1BF5;
	p2 =	por !p2, p0  }
0x20: {  	[sflag:s8] =	ssyncset.s32 @!p0 $0xFFFFF086;
	s6 =	sadd.s32 @!p0 s3, s7;
	s7 =	simm.s32 @!p0 $0x108  }
0x21: {  	s3 =	sadd.s32 s3, s9;
	s6 =	sadd.s32 @!p0 $0x88, s6;
	s7 =	simm.s32 @p2 $0x1082  }
0x22: {  	[simem:s7], [sflag:s8] =	dma.local @!p0 [hbm:s6], $0xF7A  }
0x23: {  	s9 =	sor.u32 $0xD0000000, s2;
	s6 =	simm.s32 $0x108;
	_ =	swait.ge @!p0 [sflag:s8], $0x0  }
0x24: {  	s3 =	sadd.s32 $0x88, s3;
	s6 =	simm.s32 @!p1 $0x1082;
	[sflag:s4] =	ssyncset.s32 $0xFFFFF086  }
0x25: {  	[simem:s6], [sflag:s4] =	dma.local [hbm:s3], $0xF7A  }
0x26: {  	[smem:$0x3F9D] =	sst s1;
	(tag) =	ssettag s2;
	_ =	strace s9  }
0x27: {  	s1 =	sld [smem:$0x3FAD]  }
0x28: {  	s2 =	sld [smem:$0x3FAE]  }
0x29: {  	s4 =	sld [smem:$0x3FB0]  }
0x2a: {  	p0 =	seq.s32 s5, $0x0;
	s5 =	sld [smem:$0x3FB1]  }
0x2b: {  	s6 =	sld [smem:$0x3FB2]  }
0x2c: {  	s7 =	sld [smem:$0x3FB3]  }
0x2d: {  	s3 =	simm.s32 $0x108;
	s8 =	sld [smem:$0x3FB4]  }
0x2e: {  	s3 =	simm.s32 @!p0 $0x1082;
	s9 =	sld [smem:$0x3FB5]  }
0x2f: {  	lr =	sadd.s32 s0, s3;
	s0 =	sld [smem:$0x3FAC]  }
0x30: {  	s3 =	sld [smem:$0x3FAF]  }
0x31: {  	[smem:$0x3FB8] =	sst s10  }
0x32: {  	s10 =	sld [smem:$0x3FB6];
	_ =	sdelay $0x3  }
0x33: {  	p0 =	seq.s32 s10, $0x1;
	s10 =	sld [smem:$0x3FB8];
	_ =	sdelay $0x3  }
0x34: {  	[smem:$0x3FB8] =	sst s10  }
0x35: {  	s10 =	sld [smem:$0x3FB7];
	_ =	sdelay $0x3  }
0x36: {  	p1 =	seq.s32 s10, $0x1;
	s10 =	sld [smem:$0x3FB8];
	_ =	sdelay $0x3  }
0x37: {  	[smem:$0x3FB8] =	sst s10  }
0x38: {  	s10 =	sld [smem:$0x3FB9]  }
0x39: {  	_ = 	snop;
	(pc) =	sbr.ind lr, $3  }
0x3a: {  	_ = 	snop  }
0x3b: {  	_ = 	snop  }
0x3c: {  	p2 =	seq.s32 s10, $0x1;
	s10 =	sld [smem:$0x3FB8]  }
0x3d: {  	_ =	shalt  }
0x3e: {  	_ =	shalt  }
0x3f: {  	_ =	shalt  }
0x40: {  	_ =	shalt  }
0x41: {  	_ =	shalt  }
0x42: {  	_ =	shalt  }
0x43: {  	_ =	shalt  }
0x44: {  	_ =	shalt  }
0x45: {  	_ =	shalt  }
0x46: {  	_ =	shalt  }
0x47: {  	_ =	shalt  }
0x48: {  	_ =	shalt  }
0x49: {  	_ =	shalt  }
0x4a: {  	_ =	shalt  }
0x4b: {  	_ =	shalt  }
0x4c: {  	_ =	shalt  }
0x4d: {  	_ =	shalt  }
0x4e: {  	_ =	shalt  }
0x4f: {  	_ =	shalt  }
0x50: {  	_ =	shalt  }
0x51: {  	_ =	shalt  }
0x52: {  	_ =	shalt  }
0x53: {  	_ =	shalt  }
0x54: {  	_ =	shalt  }
0x55: {  	_ =	shalt  }
0x56: {  	_ =	shalt  }
0x57: {  	_ =	shalt  }
0x58: {  	_ =	shalt  }
0x59: {  	_ =	shalt  }
0x5a: {  	_ =	shalt  }
0x5b: {  	_ =	shalt  }
0x5c: {  	_ =	shalt  }
0x5d: {  	_ =	shalt  }
0x5e: {  	_ =	shalt  }
0x5f: {  	_ =	shalt  }
0x60: {  	_ =	shalt  }
0x61: {  	_ =	shalt  }
0x62: {  	_ =	shalt  }
0x63: {  	_ =	shalt  }
0x64: {  	_ =	shalt  }
0x65: {  	_ =	shalt  }
0x66: {  	_ =	shalt  }
0x67: {  	_ =	shalt  }
0x68: {  	_ =	shalt  }
0x69: {  	_ =	shalt  }
0x6a: {  	_ =	shalt  }
0x6b: {  	_ =	shalt  }
0x6c: {  	_ =	shalt  }
0x6d: {  	_ =	shalt  }
0x6e: {  	_ =	shalt  }
0x6f: {  	_ =	shalt  }
0x70: {  	_ =	shalt  }
0x71: {  	_ =	shalt  }
0x72: {  	_ =	shalt  }
0x73: {  	_ =	shalt  }
0x74: {  	_ =	shalt  }
0x75: {  	_ =	shalt  }
0x76: {  	_ =	shalt  }
0x77: {  	_ =	shalt  }
0x78: {  	_ =	shalt  }
0x79: {  	_ =	shalt  }
0x7a: {  	_ =	shalt  }
0x7b: {  	_ =	shalt  }
0x7c: {  	_ =	shalt  }
0x7d: {  	_ =	shalt  }
0x7e: {  	_ =	shalt  }
0x7f: {  	_ =	shalt  }
0x80: {  	_ =	shalt  }
0x81: {  	_ =	shalt  }
0x82: {  	_ =	shalt  }
0x83: {  	_ =	shalt  }
0x84: {  	_ =	shalt  }
0x85: {  	_ =	shalt  }
0x86: {  	_ =	shalt  }
0x87: {  	_ =	shalt  }
.Lfunc_end0:
.L_simem_size_0:
called_computation_lowered:
.L_overlay_start_0:
0x88: {  	s2 =	sld [smem:$0x3FD9]  }
0x89: {  	s3 =	sld [smem:$0x3FFE];
	_ =	sdelay $0x1  }
0x8a: {  	s1 =	srdreg.scid  }
0x8b: {  	s0 =	sand.u32 $0x1, s1  }
0x8c: {  	s16 =	sshll.u32 s0, $0xA;
	s2 =	sadd.s32 s3, s2  }
0x8d: {  	s2 =	sadd.s32 s2, s16  }
0x8e: {  	[smem:$0x3FC4] =	sst s2  }
0x8f: {  	_ = 	snop  }
0x90: {  	(tm) =	ssettm $0x1  }
0x91: {  	s17 =	sld [smem:$0x3FFB];
	_ =	sdelay $0x3  }
0x92: {  	_ =	strace s17  }
0x93: {  	s2 =	sld [smem:$0x3FFC];
	_ =	sdelay $0x3  }
0x94: {  	_ =	strace s2  }
0x95: {  	s2 =	sld [smem:$0x3FFD];
	_ =	sdelay $0x3  }
0x96: {  	_ =	strace s2  }
0x97: {  	_ =	strace $0x8FFFFFFF  }
0x98: {  	s18 =	sld [smem:$0x3FDB];
	_ =	sdelay $0x1  }
0x99: {  	s19 =	simm.s32 $_scs_section_size  }
0x9a: {  	s4 =	simm.s32 $_size__tile_overlayer_lowered;
	s5 =	simm.s32 $_tile_overlayer_lowered  }
0x9b: {  	s22 =	simm.s32 $0x1BFF;
	s21 =	sshll.u32 s5, $0x1;
	s2 =	sadd.s32 s19, s18  }
0x9c: {  	s6 =	simm.s32 $0x0;
	s20 =	sshll.u32 s4, $0x1;
	s4 =	sadd.s32 s21, s2  }
0x9d: {  	[timem:s6], [sflag:s22] =	dma.local [hbm:s4], s20  }
0x9e: {  	_ =	swait.ge [sflag:s22], s20  }
0x9f: {  	s3 =	ssub.s32 $0x0, s20;
	[sflag:s22] =	ssyncset.done $0x0  }
0xa0: {  	[sflag:s22] =	ssyncadd.s32 s3;
	_ =	sdelay $0x1  }
0xa1: {  	s23 =	simm.s32 $0x1B8B  }
0xa2: {  	_ =	swait.ge [sflag:s23], $0x1  }
0xa3: {  	[sflag:s23] =	ssyncset.done $0x0  }
0xa4: {  	s25 =	simm.s32 $0x1B8E;
	s24 =	sld [smem:$0x3FFE];
	[sflag:s23] =	ssyncadd.s32 $0xFFFFFFFF  }
0xa5: {  	s26 =	simm.s32 $execute0_lowered;
	[smem:$0x3FD2] =	sst s25  }
0xa6: {  	s4 =	sshll.u32 s26, $0x1;
	_ =	strace $0x80000046;
	[dreg:$0x1] =	wrdreg $0xFFFFFFFF  }
0xa7: {  	s28 =	simm.s32 $_size_execute0_lowered;
	s2 =	sadd.s32 s2, s4;
	[dreg:$0x0] =	wrdreg $0x0  }
0xa8: {  	s4 =	sshll.u32 s28, $0x1;
	[dreg:$0x2] =	wrdreg s2  }
0xa9: {  	[dreg:$0x3] =	wrdreg s4  }
0xaa: {  	[dreg:$0x4] =	wrdreg $0xC0  }
0xab: {  	_ =	task [dreg:s6], $0x5FFFF  }
0xac: {  	[dreg:$0x1] =	wrdreg $0xFFFFFFFF  }
0xad: {  	[dreg:$0x0] =	wrdreg $0x60  }
0xae: {  	[dreg:$0x2] =	wrdreg s24  }
0xaf: {  	[dreg:$0x3] =	wrdreg $0x9  }
0xb0: {  	_ =	task.clear_ibuf [dreg:s6], $0x4FFFF;
	_ =	strace $0x90000046  }
0xb1: {  	s29 =	simm.s32 $0x9;
	_ =	strace $0x80000048  }
0xb2: {  	_ =	swait.ge [sflag:s29], $0x1  }
0xb3: {  	[sflag:s29] =	ssyncadd.s32 $0xFFFFFFFF  }
0xb4: {  	_ =	strace $0x90000048  }
0xb5: {  	_ =	sfence  }
0xb6: {  	s30 =	sld [smem:$0x0];
	_ =	sdelay $0x2  }
0xb7: {  	s31 =	sshll.u32 s1, $0xD;
	s1 =	sshrl.u32 s1, $0x2  }
0xb8: {  	s3 =	sand.u32 $0x4000, s31;
	s1 =	sadd.s32 s1, s30  }
0xb9: {  	s0 =	sor.u32 s3, s0;
	s1 =	sshll.u32 s1, $0x11  }
0xba: {  	s0 =	sor.u32 s1, s0  }
0xbb: {  	s0 =	sadd.s32 $0x8F2B, s0  }
0xbc: {  	[sflag:s0] =	ssyncadd.remote.s32 $0x1  }
0xbd: {  	_ =	sfence.sel $0xFFFF  }
0xbe: {  	[dreg:$0x0] =	wrdreg $0xFFFFFFFF;
	(pc) =	sbr.abs _section_cstart, $3  }
0xbf: {  	[dreg:$0x1] =	wrdreg $0xFFFFFFFF  }
0xc0: {  	_ =	task.clear_ibuf [dreg:s6], $0x2FFFF;
	_ =	strace $0x9FFFFFFF  }
0xc1: {  	(tm) =	ssettm $0x7FFFFFFF  }
tec
execute0_lowered:
.L_overlay_start_1:
0x0: {  	(tag) =	ssettag $0x1  }
0x1: {  	s8 =	rddreg [dreg:$0x0];
	s6 =	simm.s32 $0x0  }
0x2: {  	s19 =	simm.s32 $0x580;
	[smem:$0x7FF] =	sst s6  }
0x3: {  	s20 =	simm.s32 $0x600;
	_ =	strace $0x80000047;
	[dreg:$0x4] =	wrdreg s19  }
0x4: {  	s21 =	simm.s32 $0x680;
	[dreg:$0x5] =	wrdreg s20  }
0x5: {  	s22 =	simm.s32 $0x700;
	[dreg:$0x6] =	wrdreg s21  }
0x6: {  	s23 =	simm.s32 $0x780;
	[dreg:$0x7] =	wrdreg s22  }
0x7: {  	s0 =	srdreg.scid;
	s24 =	simm.s32 $0x800;
	[dreg:$0x8] =	wrdreg s23  }
0x8: {  	s5 =	stileid.u32;
	s25 =	simm.s32 $0x880;
	[dreg:$0x9] =	wrdreg s24  }
0x9: {  	s26 =	simm.s32 $0x900;
	s3 =	simm.s32 $0xA00;
	[dreg:$0xa] =	wrdreg s25  }
0xa: {  	s4 =	simm.s32 $0xA80;
	s9 =	simm.s32 $0xB00;
	[dreg:$0xb] =	wrdreg s26  }
0xb: {  	s10 =	simm.s32 $0xB80;
	s12 =	simm.s32 $0xC00;
	[dreg:$0xd] =	wrdreg s3  }
0xc: {  	s13 =	simm.s32 $0xC80;
	s14 =	simm.s32 $0xD00;
	[dreg:$0xe] =	wrdreg s4  }
0xd: {  	s15 =	simm.s32 $0xD80;
	s16 =	simm.s32 $0xE00;
	[dreg:$0xf] =	wrdreg s9  }
0xe: {  	s17 =	simm.s32 $0xE80;
	s18 =	simm.s32 $0xF00;
	[dreg:$0x10] =	wrdreg s10  }
0xf: {  	s28 =	simm.s32 $0x1680;
	p0 =	por $0x0, $0x0;
	[dreg:$0x11] =	wrdreg s12  }
0x10: {  	s29 =	simm.s32 $0x1700;
	s30 =	simm.s32 $0x1780;
	[dreg:$0x12] =	wrdreg s13  }
0x11: {  	s31 =	simm.s32 $0x1800;
	s0 =	sand.u32 $0x1, s0;
	[dreg:$0x13] =	wrdreg s14  }
0x12: {  	s1 =	sshll.u32 s5, $0x1;
	s11 =	sadd.s32 $0x1388, s8;
	[dreg:$0x14] =	wrdreg s15  }
0x13: {  	s1 =	sor.u32 s0, s1;
	s0 =	ssub.s32 $0x2, s0;
	[dreg:$0x15] =	wrdreg s16  }
0x14: {  	s9 =	sadd.s32 $0x2710, s8;
	s10 =	simm.s32 $0x80;
	[dreg:$0x16] =	wrdreg s17  }
0x15: {  	s3 =	simm.s32 $0x500;
	s12 =	simm.s32 $0x100;
	[dreg:$0x17] =	wrdreg s18  }
0x16: {  	s19 =	simm.s32 $0xF80;
	s13 =	simm.s32 $0x180;
	s20 =	simm.s32 $0x1000  }
0x17: {  	s14 =	simm.s32 $0x200;
	s21 =	simm.s32 $0x1080;
	[dreg:$0x18] =	wrdreg s19  }
0x18: {  	s15 =	simm.s32 $0x280;
	s22 =	simm.s32 $0x1100;
	[dreg:$0x19] =	wrdreg s20  }
0x19: {  	s16 =	simm.s32 $0x300;
	s23 =	simm.s32 $0x1180;
	[dreg:$0x1a] =	wrdreg s21  }
0x1a: {  	s17 =	simm.s32 $0x380;
	s24 =	simm.s32 $0x1200;
	[dreg:$0x1b] =	wrdreg s22  }
0x1b: {  	s18 =	simm.s32 $0x400;
	s25 =	simm.s32 $0x1280;
	[dreg:$0x1c] =	wrdreg s23  }
0x1c: {  	s26 =	simm.s32 $0x1300;
	s4 =	simm.s32 $0x1;
	[dreg:$0x1d] =	wrdreg s24  }
0x1d: {  	s1 =	smul.u32 $0xA0, s1;
	s7 =	sshrl.u32 s0, $0x1;
	[dreg:$0x1e] =	wrdreg s25  }
0x1e: {  	s19 =	simm.s32 $0x480;
	[dreg:$0x1f] =	wrdreg s26;
	s0 =	ssub.s32 s0, s7  }
0x1f: {  	s22 =	simm.s32 $0x1400;
	s23 =	simm.s32 $0x1480;
	s0 =	smax.u32 s0, $0x1  }
0x20: {  	s24 =	simm.s32 $0x1500;
	s1 =	sadd.s32 s1, s8;
	p1 =	sne.s32 s0, $0x1  }
.Ltmp0:
0x21: {  	s25 =	simm.s32 $0x1580;
	s2 =	sadd.s32 $0x5000, s1;
	(pc) =	sbr.rel @!p1 .LBB2_1-.Ltmp0, $4  }
0x22: {  	s26 =	simm.s32 $0x1600;
	s1 =	sadd.s32 $0x6400, s1;
	[dreg:$0x2] =	wrdreg s2  }
0x23: {  	s21 =	simm.s32 $0x1880;
	[dreg:$0x3] =	wrdreg s1;
	s2 =	simm.s32 $0x980  }
0x24: {  	s20 =	simm.s32 $0xA000;
	s7 =	sadd.s32 $0x3A98, s8;
	[dreg:$0xc] =	wrdreg s2  }
0x25: {  	s1 =	sadd.s32 $0xFFFFFFFF, s0;
	s2 =	simm.s32 $0x2;
	s0 =	rddreg [dreg:$0x2]  }
0x26: {  	[tilespmem:s6], [sflag:$0x2] =	stream.linear.gather [hbm4b:s0+s6], $0x500, $0x38;
	[tilespmem:$0x1900] =	vst v63  }
0x27: {  	_ =	swait.ge [sflag:s2], $0x500  }
0x28: {  	[sflag:s2] =	ssyncset.done $0x0  }
0x29: {  	[sflag:s2] =	ssyncadd.s32 $0xFFFFFB00  }
0x2a: {  	[tilespmem:s3], [sflag:$0x1] =	stream.indirect.gather [hbm4b:s8+s10], $0x1, s6, s10, $0xb8;
	[tilespmem:$0x1900] =	vst v63  }
0x2b: {  	s0 =	rddreg [dreg:$0x4]  }
0x2c: {  	[tilespmem:s0], [sflag:$0x1] =	stream.indirect.gather [hbm4b:s8+s10], $0x1, s10, s10, $0xb8;
	[tilespmem:$0x1900] =	vst v63  }
0x2d: {  	s5 =	smov.u32 s1;
	s1 =	rddreg [dreg:$0x5]  }
0x2e: {  	[tilespmem:s1], [sflag:$0x1] =	stream.indirect.gather [hbm4b:s8+s10], $0x1, s12, s10, $0xb8;
	[tilespmem:$0x1900] =	vst v63  }
0x2f: {  	s0 =	rddreg [dreg:$0x6]  }
0x30: {  	[tilespmem:s0], [sflag:$0x1] =	stream.indirect.gather [hbm4b:s8+s10], $0x1, s13, s10, $0xb8;
	[tilespmem:$0x1900] =	vst v63  }
0x31: {  	s1 =	rddreg [dreg:$0x7]  }
0x32: {  	[tilespmem:s1], [sflag:$0x1] =	stream.indirect.gather [hbm4b:s8+s10], $0x1, s14, s10, $0xb8;
	[tilespmem:$0x1900] =	vst v63  }
0x33: {  	s0 =	rddreg [dreg:$0x8]  }
0x34: {  	[tilespmem:s0], [sflag:$0x1] =	stream.indirect.gather [hbm4b:s8+s10], $0x1, s15, s10, $0xb8;
	[tilespmem:$0x1900] =	vst v63  }
0x35: {  	s1 =	rddreg [dreg:$0x9]  }
0x36: {  	[tilespmem:s1], [sflag:$0x1] =	stream.indirect.gather [hbm4b:s8+s10], $0x1, s16, s10, $0xb8;
	[tilespmem:$0x1900] =	vst v63  }
0x37: {  	s0 =	rddreg [dreg:$0xa]  }
0x38: {  	[tilespmem:s0], [sflag:$0x1] =	stream.indirect.gather [hbm4b:s8+s10], $0x1, s17, s10, $0xb8;
	[tilespmem:$0x1900] =	vst v63  }
0x39: {  	s1 =	rddreg [dreg:$0xb]  }
0x3a: {  	[tilespmem:s1], [sflag:$0x1] =	stream.indirect.gather [hbm4b:s8+s10], $0x1, s18, s10, $0xb8;
	[tilespmem:$0x1900] =	vst v63  }
0x3b: {  	s0 =	rddreg [dreg:$0xc]  }
0x3c: {  	[tilespmem:s0], [sflag:$0x1] =	stream.indirect.gather [hbm4b:s8+s10], $0x1, s19, s10, $0xb8;
	[tilespmem:$0x1900] =	vst v63  }
0x3d: {  	s1 =	rddreg [dreg:$0xd]  }
0x3e: {  	[tilespmem:s1], [sflag:$0x1] =	stream.indirect.gather [hbm4b:s11+s10], $0x1, s6, s10, $0xb8;
	[tilespmem:$0x1900] =	vst v63  }
0x3f: {  	s0 =	rddreg [dreg:$0xe]  }
0x40: {  	[tilespmem:s0], [sflag:$0x1] =	stream.indirect.gather [hbm4b:s11+s10], $0x1, s10, s10, $0xb8;
	[tilespmem:$0x1900] =	vst v63  }
0x41: {  	s1 =	rddreg [dreg:$0xf]  }
0x42: {  	[tilespmem:s1], [sflag:$0x1] =	stream.indirect.gather [hbm4b:s11+s10], $0x1, s12, s10, $0xb8;
	[tilespmem:$0x1900] =	vst v63  }
0x43: {  	s0 =	rddreg [dreg:$0x10]  }
0x44: {  	[tilespmem:s0], [sflag:$0x1] =	stream.indirect.gather [hbm4b:s11+s10], $0x1, s13, s10, $0xb8;
	[tilespmem:$0x1900] =	vst v63  }
0x45: {  	s1 =	rddreg [dreg:$0x11]  }
0x46: {  	[tilespmem:s1], [sflag:$0x1] =	stream.indirect.gather [hbm4b:s11+s10], $0x1, s14, s10, $0xb8;
	[tilespmem:$0x1900] =	vst v63  }
0x47: {  	s0 =	rddreg [dreg:$0x12]  }
0x48: {  	[tilespmem:s0], [sflag:$0x1] =	stream.indirect.gather [hbm4b:s11+s10], $0x1, s15, s10, $0xb8;
	[tilespmem:$0x1900] =	vst v63  }
0x49: {  	s1 =	rddreg [dreg:$0x13]  }
0x4a: {  	[tilespmem:s1], [sflag:$0x1] =	stream.indirect.gather [hbm4b:s11+s10], $0x1, s16, s10, $0xb8;
	[tilespmem:$0x1900] =	vst v63  }
0x4b: {  	s0 =	rddreg [dreg:$0x14]  }
0x4c: {  	[tilespmem:s0], [sflag:$0x1] =	stream.indirect.gather [hbm4b:s11+s10], $0x1, s17, s10, $0xb8;
	[tilespmem:$0x1900] =	vst v63  }
0x4d: {  	s1 =	rddreg [dreg:$0x15]  }
0x4e: {  	[tilespmem:s1], [sflag:$0x1] =	stream.indirect.gather [hbm4b:s11+s10], $0x1, s18, s10, $0xb8;
	[tilespmem:$0x1900] =	vst v63  }
0x4f: {  	s0 =	rddreg [dreg:$0x16]  }
0x50: {  	[tilespmem:s0], [sflag:$0x1] =	stream.indirect.gather [hbm4b:s11+s10], $0x1, s19, s10, $0xb8;
	[tilespmem:$0x1900] =	vst v63  }
0x51: {  	s1 =	rddreg [dreg:$0x17]  }
0x52: {  	[tilespmem:s1], [sflag:$0x1] =	stream.indirect.gather [hbm4b:s9+s10], $0x1, s6, s10, $0xb8;
	[tilespmem:$0x1900] =	vst v63  }
0x53: {  	s0 =	rddreg [dreg:$0x18]  }
0x54: {  	[tilespmem:s0], [sflag:$0x1] =	stream.indirect.gather [hbm4b:s9+s10], $0x1, s10, s10, $0xb8;
	[tilespmem:$0x1900] =	vst v63  }
0x55: {  	s1 =	rddreg [dreg:$0x19]  }
0x56: {  	[tilespmem:s1], [sflag:$0x1] =	stream.indirect.gather [hbm4b:s9+s10], $0x1, s12, s10, $0xb8;
	[tilespmem:$0x1900] =	vst v63  }
0x57: {  	s0 =	rddreg [dreg:$0x1a]  }
0x58: {  	[tilespmem:s0], [sflag:$0x1] =	stream.indirect.gather [hbm4b:s9+s10], $0x1, s13, s10, $0xb8;
	[tilespmem:$0x1900] =	vst v63  }
0x59: {  	s1 =	rddreg [dreg:$0x1b]  }
0x5a: {  	[tilespmem:s1], [sflag:$0x1] =	stream.indirect.gather [hbm4b:s9+s10], $0x1, s14, s10, $0xb8;
	[tilespmem:$0x1900] =	vst v63  }
0x5b: {  	s0 =	rddreg [dreg:$0x1c]  }
0x5c: {  	[tilespmem:s0], [sflag:$0x1] =	stream.indirect.gather [hbm4b:s9+s10], $0x1, s15, s10, $0xb8;
	[tilespmem:$0x1900] =	vst v63  }
0x5d: {  	s1 =	rddreg [dreg:$0x1d]  }
0x5e: {  	[tilespmem:s1], [sflag:$0x1] =	stream.indirect.gather [hbm4b:s9+s10], $0x1, s16, s10, $0xb8;
	[tilespmem:$0x1900] =	vst v63  }
0x5f: {  	s0 =	rddreg [dreg:$0x1e]  }
0x60: {  	[tilespmem:s0], [sflag:$0x1] =	stream.indirect.gather [hbm4b:s9+s10], $0x1, s17, s10, $0xb8;
	[tilespmem:$0x1900] =	vst v63  }
0x61: {  	s1 =	rddreg [dreg:$0x1f]  }
0x62: {  	[tilespmem:s1], [sflag:$0x1] =	stream.indirect.gather [hbm4b:s9+s10], $0x1, s18, s10, $0xb8;
	[tilespmem:$0x1900] =	vst v63  }
0x63: {  	s1 =	simm.s32 $0x1380  }
0x64: {  	[tilespmem:s1], [sflag:$0x1] =	stream.indirect.gather [hbm4b:s9+s10], $0x1, s19, s10, $0xb8;
	[tilespmem:$0x1900] =	vst v63  }
0x65: {  	_ = 	snop  }
0x66: {  	[tilespmem:s22], [sflag:$0x1] =	stream.indirect.gather [hbm4b:s7+s10], $0x1, s6, s10, $0xb8;
	[tilespmem:$0x1900] =	vst v63  }
0x67: {  	_ = 	snop  }
0x68: {  	[tilespmem:s23], [sflag:$0x1] =	stream.indirect.gather [hbm4b:s7+s10], $0x1, s10, s10, $0xb8;
	[tilespmem:$0x1900] =	vst v63  }
0x69: {  	_ = 	snop  }
0x6a: {  	[tilespmem:s24], [sflag:$0x1] =	stream.indirect.gather [hbm4b:s7+s10], $0x1, s12, s10, $0xb8;
	[tilespmem:$0x1900] =	vst v63  }
0x6b: {  	_ = 	snop  }
0x6c: {  	[tilespmem:s25], [sflag:$0x1] =	stream.indirect.gather [hbm4b:s7+s10], $0x1, s13, s10, $0xb8;
	[tilespmem:$0x1900] =	vst v63  }
0x6d: {  	_ = 	snop  }
0x6e: {  	[tilespmem:s26], [sflag:$0x1] =	stream.indirect.gather [hbm4b:s7+s10], $0x1, s14, s10, $0xb8;
	[tilespmem:$0x1900] =	vst v63  }
0x6f: {  	_ = 	snop  }
0x70: {  	[tilespmem:s28], [sflag:$0x1] =	stream.indirect.gather [hbm4b:s7+s10], $0x1, s15, s10, $0xb8;
	[tilespmem:$0x1900] =	vst v63  }
0x71: {  	_ = 	snop  }
0x72: {  	[tilespmem:s29], [sflag:$0x1] =	stream.indirect.gather [hbm4b:s7+s10], $0x1, s16, s10, $0xb8;
	[tilespmem:$0x1900] =	vst v63  }
0x73: {  	_ = 	snop  }
0x74: {  	[tilespmem:s30], [sflag:$0x1] =	stream.indirect.gather [hbm4b:s7+s10], $0x1, s17, s10, $0xb8;
	[tilespmem:$0x1900] =	vst v63  }
0x75: {  	_ = 	snop  }
0x76: {  	[tilespmem:s31], [sflag:$0x1] =	stream.indirect.gather [hbm4b:s7+s10], $0x1, s18, s10, $0xb8;
	[tilespmem:$0x1900] =	vst v63  }
0x77: {  	_ = 	snop  }
0x78: {  	[tilespmem:s21], [sflag:$0x1] =	stream.indirect.gather [hbm4b:s7+s10], $0x1, s19, s10, $0xb8;
	[tilespmem:$0x1900] =	vst v63  }
0x79: {  	_ =	swait.ge [sflag:s4], $0x80  }
0x7a: {  	[sflag:s4] =	ssyncset.done $0x0  }
0x7b: {  	[sflag:s4] =	ssyncadd.s32 $0xFFFFFF80  }
0x7c: {  	_ =	swait.ge [sflag:s4], $0x80  }
0x7d: {  	[sflag:s4] =	ssyncset.done $0x0  }
0x7e: {  	[sflag:s4] =	ssyncadd.s32 $0xFFFFFF80  }
0x7f: {  	_ =	swait.ge [sflag:s4], $0x80  }
0x80: {  	[sflag:s4] =	ssyncset.done $0x0  }
0x81: {  	[sflag:s4] =	ssyncadd.s32 $0xFFFFFF80  }
0x82: {  	_ =	swait.ge [sflag:s4], $0x80  }
0x83: {  	[sflag:s4] =	ssyncset.done $0x0  }
0x84: {  	[sflag:s4] =	ssyncadd.s32 $0xFFFFFF80  }
0x85: {  	_ =	swait.ge [sflag:s4], $0x80  }
0x86: {  	[sflag:s4] =	ssyncset.done $0x0  }
0x87: {  	[sflag:s4] =	ssyncadd.s32 $0xFFFFFF80  }
0x88: {  	_ =	swait.ge [sflag:s4], $0x80  }
0x89: {  	[sflag:s4] =	ssyncset.done $0x0  }
0x8a: {  	[sflag:s4] =	ssyncadd.s32 $0xFFFFFF80  }
0x8b: {  	_ =	swait.ge [sflag:s4], $0x80  }
0x8c: {  	[sflag:s4] =	ssyncset.done $0x0  }
0x8d: {  	[sflag:s4] =	ssyncadd.s32 $0xFFFFFF80  }
0x8e: {  	_ =	swait.ge [sflag:s4], $0x80  }
0x8f: {  	[sflag:s4] =	ssyncset.done $0x0  }
0x90: {  	[sflag:s4] =	ssyncadd.s32 $0xFFFFFF80  }
0x91: {  	_ =	swait.ge [sflag:s4], $0x80  }
0x92: {  	[sflag:s4] =	ssyncset.done $0x0  }
0x93: {  	[sflag:s4] =	ssyncadd.s32 $0xFFFFFF80  }
0x94: {  	_ =	swait.ge [sflag:s4], $0x80  }
0x95: {  	[sflag:s4] =	ssyncset.done $0x0  }
0x96: {  	[sflag:s4] =	ssyncadd.s32 $0xFFFFFF80  }
0x97: {  	_ =	swait.ge [sflag:s4], $0x80  }
0x98: {  	[sflag:s4] =	ssyncset.done $0x0  }
0x99: {  	[sflag:s4] =	ssyncadd.s32 $0xFFFFFF80  }
0x9a: {  	_ =	swait.ge [sflag:s4], $0x80  }
0x9b: {  	[sflag:s4] =	ssyncset.done $0x0  }
0x9c: {  	[sflag:s4] =	ssyncadd.s32 $0xFFFFFF80  }
0x9d: {  	_ =	swait.ge [sflag:s4], $0x80  }
0x9e: {  	[sflag:s4] =	ssyncset.done $0x0  }
0x9f: {  	[sflag:s4] =	ssyncadd.s32 $0xFFFFFF80  }
0xa0: {  	_ =	swait.ge [sflag:s4], $0x80  }
0xa1: {  	[sflag:s4] =	ssyncset.done $0x0  }
0xa2: {  	[sflag:s4] =	ssyncadd.s32 $0xFFFFFF80  }
0xa3: {  	_ =	swait.ge [sflag:s4], $0x80  }
0xa4: {  	[sflag:s4] =	ssyncset.done $0x0  }
0xa5: {  	[sflag:s4] =	ssyncadd.s32 $0xFFFFFF80  }
0xa6: {  	_ =	swait.ge [sflag:s4], $0x80  }
0xa7: {  	[sflag:s4] =	ssyncset.done $0x0  }
0xa8: {  	[sflag:s4] =	ssyncadd.s32 $0xFFFFFF80  }
0xa9: {  	_ =	swait.ge [sflag:s4], $0x80  }
0xaa: {  	[sflag:s4] =	ssyncset.done $0x0  }
0xab: {  	[sflag:s4] =	ssyncadd.s32 $0xFFFFFF80  }
0xac: {  	_ =	swait.ge [sflag:s4], $0x80  }
0xad: {  	[sflag:s4] =	ssyncset.done $0x0  }
0xae: {  	[sflag:s4] =	ssyncadd.s32 $0xFFFFFF80  }
0xaf: {  	_ =	swait.ge [sflag:s4], $0x80  }
0xb0: {  	[sflag:s4] =	ssyncset.done $0x0  }
0xb1: {  	[sflag:s4] =	ssyncadd.s32 $0xFFFFFF80  }
0xb2: {  	_ =	swait.ge [sflag:s4], $0x80  }
0xb3: {  	[sflag:s4] =	ssyncset.done $0x0  }
0xb4: {  	[sflag:s4] =	ssyncadd.s32 $0xFFFFFF80  }
0xb5: {  	_ =	swait.ge [sflag:s4], $0x80  }
0xb6: {  	[sflag:s4] =	ssyncset.done $0x0  }
0xb7: {  	[sflag:s4] =	ssyncadd.s32 $0xFFFFFF80  }
0xb8: {  	_ =	swait.ge [sflag:s4], $0x80  }
0xb9: {  	[sflag:s4] =	ssyncset.done $0x0  }
0xba: {  	[sflag:s4] =	ssyncadd.s32 $0xFFFFFF80  }
0xbb: {  	_ =	swait.ge [sflag:s4], $0x80  }
0xbc: {  	[sflag:s4] =	ssyncset.done $0x0  }
0xbd: {  	[sflag:s4] =	ssyncadd.s32 $0xFFFFFF80  }
0xbe: {  	_ =	swait.ge [sflag:s4], $0x80  }
0xbf: {  	[sflag:s4] =	ssyncset.done $0x0  }
0xc0: {  	[sflag:s4] =	ssyncadd.s32 $0xFFFFFF80  }
0xc1: {  	_ =	swait.ge [sflag:s4], $0x80  }
0xc2: {  	[sflag:s4] =	ssyncset.done $0x0  }
0xc3: {  	[sflag:s4] =	ssyncadd.s32 $0xFFFFFF80  }
0xc4: {  	_ =	swait.ge [sflag:s4], $0x80  }
0xc5: {  	[sflag:s4] =	ssyncset.done $0x0  }
0xc6: {  	[sflag:s4] =	ssyncadd.s32 $0xFFFFFF80  }
0xc7: {  	_ =	swait.ge [sflag:s4], $0x80  }
0xc8: {  	[sflag:s4] =	ssyncset.done $0x0  }
0xc9: {  	[sflag:s4] =	ssyncadd.s32 $0xFFFFFF80  }
0xca: {  	_ =	swait.ge [sflag:s4], $0x80  }
0xcb: {  	[sflag:s4] =	ssyncset.done $0x0  }
0xcc: {  	[sflag:s4] =	ssyncadd.s32 $0xFFFFFF80  }
0xcd: {  	_ =	swait.ge [sflag:s4], $0x80  }
0xce: {  	[sflag:s4] =	ssyncset.done $0x0  }
0xcf: {  	[sflag:s4] =	ssyncadd.s32 $0xFFFFFF80  }
0xd0: {  	_ =	swait.ge [sflag:s4], $0x80  }
0xd1: {  	[sflag:s4] =	ssyncset.done $0x0  }
0xd2: {  	[sflag:s4] =	ssyncadd.s32 $0xFFFFFF80  }
0xd3: {  	_ =	swait.ge [sflag:s4], $0x80  }
0xd4: {  	[sflag:s4] =	ssyncset.done $0x0  }
0xd5: {  	[sflag:s4] =	ssyncadd.s32 $0xFFFFFF80  }
0xd6: {  	_ =	swait.ge [sflag:s4], $0x80  }
0xd7: {  	[sflag:s4] =	ssyncset.done $0x0  }
0xd8: {  	[sflag:s4] =	ssyncadd.s32 $0xFFFFFF80  }
0xd9: {  	_ =	swait.ge [sflag:s4], $0x80  }
0xda: {  	[sflag:s4] =	ssyncset.done $0x0  }
0xdb: {  	[sflag:s4] =	ssyncadd.s32 $0xFFFFFF80  }
0xdc: {  	_ =	swait.ge [sflag:s4], $0x80  }
0xdd: {  	[sflag:s4] =	ssyncset.done $0x0  }
0xde: {  	[sflag:s4] =	ssyncadd.s32 $0xFFFFFF80  }
0xdf: {  	_ =	swait.ge [sflag:s4], $0x80  }
0xe0: {  	[sflag:s4] =	ssyncset.done $0x0  }
0xe1: {  	[sflag:s4] =	ssyncadd.s32 $0xFFFFFF80  }
0xe2: {  	_ =	swait.ge [sflag:s4], $0x80  }
0xe3: {  	[sflag:s4] =	ssyncset.done $0x0  }
0xe4: {  	[sflag:s4] =	ssyncadd.s32 $0xFFFFFF80  }
0xe5: {  	_ =	swait.ge [sflag:s4], $0x80  }
0xe6: {  	[sflag:s4] =	ssyncset.done $0x0  }
0xe7: {  	[sflag:s4] =	ssyncadd.s32 $0xFFFFFF80  }
0xe8: {  	_ =	swait.ge [sflag:s4], $0x80  }
0xe9: {  	[sflag:s4] =	ssyncset.done $0x0  }
0xea: {  	[sflag:s4] =	ssyncadd.s32 $0xFFFFFF80  }
0xeb: {  	_ =	swait.ge [sflag:s4], $0x80  }
0xec: {  	[sflag:s4] =	ssyncset.done $0x0  }
0xed: {  	[sflag:s4] =	ssyncadd.s32 $0xFFFFFF80  }
0xee: {  	p1 =	sne.s32 s5, $0x1;
	_ =	swait.ge [sflag:s4], $0x80  }
.Ltmp1:
0xef: {  	[sflag:s4] =	ssyncset.done $0x0;
	(pc) =	sbr.rel @!p1 .LBB2_3-.Ltmp1, $4  }
0xf0: {  	s1 =	rddreg [dreg:$0x3];
	[sflag:s4] =	ssyncadd.s32 $0xFFFFFF80  }
0xf1: {  	[hbm4b:s1+s3] =	stream.strided.scatter [tilespmem:s3], [sflag:$0x2], $0x1400, s20, s3, $0x38;
	[tilespmem:$0x1900] =	vst v63  }
0xf2: {  	p0 =	por $0x1, $0x1;
	_ =	swait.ge [sflag:s2], $0x1400  }
0xf3: {  	s1 =	sadd.s32 $0xFFFFFFFF, s5;
	s0 =	rddreg [dreg:$0x2];
	[sflag:s2] =	ssyncset.done $0x0  }
.LBB2_4:
0xf4: {  	[sflag:s2] =	ssyncadd.s32 $0xFFFFEC00  }
0xf5: {  	[tilespmem:s6], [sflag:$0x2] =	stream.linear.gather [hbm4b:s0+s6], $0x500, $0x38;
	[tilespmem:$0x1900] =	vst v63  }
0xf6: {  	_ =	swait.ge [sflag:s2], $0x500  }
0xf7: {  	[sflag:s2] =	ssyncset.done $0x0  }
0xf8: {  	[sflag:s2] =	ssyncadd.s32 $0xFFFFFB00  }
0xf9: {  	[tilespmem:s3], [sflag:$0x1] =	stream.indirect.gather [hbm4b:s8+s10], $0x1, s6, s10, $0xb8;
	[tilespmem:$0x1900] =	vst v63  }
0xfa: {  	s0 =	rddreg [dreg:$0x4]  }
0xfb: {  	[tilespmem:s0], [sflag:$0x1] =	stream.indirect.gather [hbm4b:s8+s10], $0x1, s10, s10, $0xb8;
	[tilespmem:$0x1900] =	vst v63  }
0xfc: {  	s5 =	rddreg [dreg:$0x5]  }
0xfd: {  	[tilespmem:s5], [sflag:$0x1] =	stream.indirect.gather [hbm4b:s8+s10], $0x1, s12, s10, $0xb8;
	[tilespmem:$0x1900] =	vst v63  }
0xfe: {  	s0 =	rddreg [dreg:$0x6]  }
0xff: {  	[tilespmem:s0], [sflag:$0x1] =	stream.indirect.gather [hbm4b:s8+s10], $0x1, s13, s10, $0xb8;
	[tilespmem:$0x1900] =	vst v63  }
0x100: {  	s5 =	rddreg [dreg:$0x7]  }
0x101: {  	[tilespmem:s5], [sflag:$0x1] =	stream.indirect.gather [hbm4b:s8+s10], $0x1, s14, s10, $0xb8;
	[tilespmem:$0x1900] =	vst v63  }
0x102: {  	s0 =	rddreg [dreg:$0x8]  }
0x103: {  	[tilespmem:s0], [sflag:$0x1] =	stream.indirect.gather [hbm4b:s8+s10], $0x1, s15, s10, $0xb8;
	[tilespmem:$0x1900] =	vst v63  }
0x104: {  	s5 =	rddreg [dreg:$0x9]  }
0x105: {  	[tilespmem:s5], [sflag:$0x1] =	stream.indirect.gather [hbm4b:s8+s10], $0x1, s16, s10, $0xb8;
	[tilespmem:$0x1900] =	vst v63  }
0x106: {  	s0 =	rddreg [dreg:$0xa]  }
0x107: {  	[tilespmem:s0], [sflag:$0x1] =	stream.indirect.gather [hbm4b:s8+s10], $0x1, s17, s10, $0xb8;
	[tilespmem:$0x1900] =	vst v63  }
0x108: {  	s5 =	rddreg [dreg:$0xb]  }
0x109: {  	[tilespmem:s5], [sflag:$0x1] =	stream.indirect.gather [hbm4b:s8+s10], $0x1, s18, s10, $0xb8;
	[tilespmem:$0x1900] =	vst v63  }
0x10a: {  	s0 =	rddreg [dreg:$0xc]  }
0x10b: {  	[tilespmem:s0], [sflag:$0x1] =	stream.indirect.gather [hbm4b:s8+s10], $0x1, s19, s10, $0xb8;
	[tilespmem:$0x1900] =	vst v63  }
0x10c: {  	s5 =	rddreg [dreg:$0xd]  }
0x10d: {  	[tilespmem:s5], [sflag:$0x1] =	stream.indirect.gather [hbm4b:s11+s10], $0x1, s6, s10, $0xb8;
	[tilespmem:$0x1900] =	vst v63  }
0x10e: {  	s0 =	rddreg [dreg:$0xe]  }
0x10f: {  	[tilespmem:s0], [sflag:$0x1] =	stream.indirect.gather [hbm4b:s11+s10], $0x1, s10, s10, $0xb8;
	[tilespmem:$0x1900] =	vst v63  }
0x110: {  	s5 =	rddreg [dreg:$0xf]  }
0x111: {  	[tilespmem:s5], [sflag:$0x1] =	stream.indirect.gather [hbm4b:s11+s10], $0x1, s12, s10, $0xb8;
	[tilespmem:$0x1900] =	vst v63  }
0x112: {  	s0 =	rddreg [dreg:$0x10]  }
0x113: {  	[tilespmem:s0], [sflag:$0x1] =	stream.indirect.gather [hbm4b:s11+s10], $0x1, s13, s10, $0xb8;
	[tilespmem:$0x1900] =	vst v63  }
0x114: {  	s5 =	rddreg [dreg:$0x11]  }
0x115: {  	[tilespmem:s5], [sflag:$0x1] =	stream.indirect.gather [hbm4b:s11+s10], $0x1, s14, s10, $0xb8;
	[tilespmem:$0x1900] =	vst v63  }
0x116: {  	s0 =	rddreg [dreg:$0x12]  }
0x117: {  	[tilespmem:s0], [sflag:$0x1] =	stream.indirect.gather [hbm4b:s11+s10], $0x1, s15, s10, $0xb8;
	[tilespmem:$0x1900] =	vst v63  }
0x118: {  	s5 =	rddreg [dreg:$0x13]  }
0x119: {  	[tilespmem:s5], [sflag:$0x1] =	stream.indirect.gather [hbm4b:s11+s10], $0x1, s16, s10, $0xb8;
	[tilespmem:$0x1900] =	vst v63  }
0x11a: {  	s0 =	rddreg [dreg:$0x14]  }
0x11b: {  	[tilespmem:s0], [sflag:$0x1] =	stream.indirect.gather [hbm4b:s11+s10], $0x1, s17, s10, $0xb8;
	[tilespmem:$0x1900] =	vst v63  }
0x11c: {  	s5 =	rddreg [dreg:$0x15]  }
0x11d: {  	[tilespmem:s5], [sflag:$0x1] =	stream.indirect.gather [hbm4b:s11+s10], $0x1, s18, s10, $0xb8;
	[tilespmem:$0x1900] =	vst v63  }
0x11e: {  	s0 =	rddreg [dreg:$0x16]  }
0x11f: {  	[tilespmem:s0], [sflag:$0x1] =	stream.indirect.gather [hbm4b:s11+s10], $0x1, s19, s10, $0xb8;
	[tilespmem:$0x1900] =	vst v63  }
0x120: {  	s5 =	rddreg [dreg:$0x17]  }
0x121: {  	[tilespmem:s5], [sflag:$0x1] =	stream.indirect.gather [hbm4b:s9+s10], $0x1, s6, s10, $0xb8;
	[tilespmem:$0x1900] =	vst v63  }
0x122: {  	s0 =	rddreg [dreg:$0x18]  }
0x123: {  	[tilespmem:s0], [sflag:$0x1] =	stream.indirect.gather [hbm4b:s9+s10], $0x1, s10, s10, $0xb8;
	[tilespmem:$0x1900] =	vst v63  }
0x124: {  	s5 =	rddreg [dreg:$0x19]  }
0x125: {  	[tilespmem:s5], [sflag:$0x1] =	stream.indirect.gather [hbm4b:s9+s10], $0x1, s12, s10, $0xb8;
	[tilespmem:$0x1900] =	vst v63  }
0x126: {  	s0 =	rddreg [dreg:$0x1a]  }
0x127: {  	[tilespmem:s0], [sflag:$0x1] =	stream.indirect.gather [hbm4b:s9+s10], $0x1, s13, s10, $0xb8;
	[tilespmem:$0x1900] =	vst v63  }
0x128: {  	s5 =	rddreg [dreg:$0x1b]  }
0x129: {  	[tilespmem:s5], [sflag:$0x1] =	stream.indirect.gather [hbm4b:s9+s10], $0x1, s14, s10, $0xb8;
	[tilespmem:$0x1900] =	vst v63  }
0x12a: {  	s0 =	rddreg [dreg:$0x1c]  }
0x12b: {  	[tilespmem:s0], [sflag:$0x1] =	stream.indirect.gather [hbm4b:s9+s10], $0x1, s15, s10, $0xb8;
	[tilespmem:$0x1900] =	vst v63  }
0x12c: {  	s5 =	rddreg [dreg:$0x1d]  }
0x12d: {  	[tilespmem:s5], [sflag:$0x1] =	stream.indirect.gather [hbm4b:s9+s10], $0x1, s16, s10, $0xb8;
	[tilespmem:$0x1900] =	vst v63  }
0x12e: {  	s0 =	rddreg [dreg:$0x1e]  }
0x12f: {  	[tilespmem:s0], [sflag:$0x1] =	stream.indirect.gather [hbm4b:s9+s10], $0x1, s17, s10, $0xb8;
	[tilespmem:$0x1900] =	vst v63  }
0x130: {  	s5 =	rddreg [dreg:$0x1f]  }
0x131: {  	[tilespmem:s5], [sflag:$0x1] =	stream.indirect.gather [hbm4b:s9+s10], $0x1, s18, s10, $0xb8;
	[tilespmem:$0x1900] =	vst v63  }
0x132: {  	s5 =	simm.s32 $0x1380  }
0x133: {  	[tilespmem:s5], [sflag:$0x1] =	stream.indirect.gather [hbm4b:s9+s10], $0x1, s19, s10, $0xb8;
	[tilespmem:$0x1900] =	vst v63  }
0x134: {  	_ = 	snop  }
0x135: {  	[tilespmem:s22], [sflag:$0x1] =	stream.indirect.gather [hbm4b:s7+s10], $0x1, s6, s10, $0xb8;
	[tilespmem:$0x1900] =	vst v63  }
0x136: {  	_ = 	snop  }
0x137: {  	[tilespmem:s23], [sflag:$0x1] =	stream.indirect.gather [hbm4b:s7+s10], $0x1, s10, s10, $0xb8;
	[tilespmem:$0x1900] =	vst v63  }
0x138: {  	_ = 	snop  }
0x139: {  	[tilespmem:s24], [sflag:$0x1] =	stream.indirect.gather [hbm4b:s7+s10], $0x1, s12, s10, $0xb8;
	[tilespmem:$0x1900] =	vst v63  }
0x13a: {  	_ = 	snop  }
0x13b: {  	[tilespmem:s25], [sflag:$0x1] =	stream.indirect.gather [hbm4b:s7+s10], $0x1, s13, s10, $0xb8;
	[tilespmem:$0x1900] =	vst v63  }
0x13c: {  	_ = 	snop  }
0x13d: {  	[tilespmem:s26], [sflag:$0x1] =	stream.indirect.gather [hbm4b:s7+s10], $0x1, s14, s10, $0xb8;
	[tilespmem:$0x1900] =	vst v63  }
0x13e: {  	_ = 	snop  }
0x13f: {  	[tilespmem:s28], [sflag:$0x1] =	stream.indirect.gather [hbm4b:s7+s10], $0x1, s15, s10, $0xb8;
	[tilespmem:$0x1900] =	vst v63  }
0x140: {  	_ = 	snop  }
0x141: {  	[tilespmem:s29], [sflag:$0x1] =	stream.indirect.gather [hbm4b:s7+s10], $0x1, s16, s10, $0xb8;
	[tilespmem:$0x1900] =	vst v63  }
0x142: {  	_ = 	snop  }
0x143: {  	[tilespmem:s30], [sflag:$0x1] =	stream.indirect.gather [hbm4b:s7+s10], $0x1, s17, s10, $0xb8;
	[tilespmem:$0x1900] =	vst v63  }
0x144: {  	_ = 	snop  }
0x145: {  	[tilespmem:s31], [sflag:$0x1] =	stream.indirect.gather [hbm4b:s7+s10], $0x1, s18, s10, $0xb8;
	[tilespmem:$0x1900] =	vst v63  }
0x146: {  	_ = 	snop  }
0x147: {  	[tilespmem:s21], [sflag:$0x1] =	stream.indirect.gather [hbm4b:s7+s10], $0x1, s19, s10, $0xb8;
	[tilespmem:$0x1900] =	vst v63  }
0x148: {  	_ =	swait.ge [sflag:s4], $0x80  }
0x149: {  	[sflag:s4] =	ssyncset.done $0x0  }
0x14a: {  	[sflag:s4] =	ssyncadd.s32 $0xFFFFFF80  }
0x14b: {  	_ =	swait.ge [sflag:s4], $0x80  }
0x14c: {  	[sflag:s4] =	ssyncset.done $0x0  }
0x14d: {  	[sflag:s4] =	ssyncadd.s32 $0xFFFFFF80  }
0x14e: {  	_ =	swait.ge [sflag:s4], $0x80  }
0x14f: {  	[sflag:s4] =	ssyncset.done $0x0  }
0x150: {  	[sflag:s4] =	ssyncadd.s32 $0xFFFFFF80  }
0x151: {  	_ =	swait.ge [sflag:s4], $0x80  }
0x152: {  	[sflag:s4] =	ssyncset.done $0x0  }
0x153: {  	[sflag:s4] =	ssyncadd.s32 $0xFFFFFF80  }
0x154: {  	_ =	swait.ge [sflag:s4], $0x80  }
0x155: {  	[sflag:s4] =	ssyncset.done $0x0  }
0x156: {  	[sflag:s4] =	ssyncadd.s32 $0xFFFFFF80  }
0x157: {  	_ =	swait.ge [sflag:s4], $0x80  }
0x158: {  	[sflag:s4] =	ssyncset.done $0x0  }
0x159: {  	[sflag:s4] =	ssyncadd.s32 $0xFFFFFF80  }
0x15a: {  	_ =	swait.ge [sflag:s4], $0x80  }
0x15b: {  	[sflag:s4] =	ssyncset.done $0x0  }
0x15c: {  	[sflag:s4] =	ssyncadd.s32 $0xFFFFFF80  }
0x15d: {  	_ =	swait.ge [sflag:s4], $0x80  }
0x15e: {  	[sflag:s4] =	ssyncset.done $0x0  }
0x15f: {  	[sflag:s4] =	ssyncadd.s32 $0xFFFFFF80  }
0x160: {  	_ =	swait.ge [sflag:s4], $0x80  }
0x161: {  	[sflag:s4] =	ssyncset.done $0x0  }
0x162: {  	[sflag:s4] =	ssyncadd.s32 $0xFFFFFF80  }
0x163: {  	_ =	swait.ge [sflag:s4], $0x80  }
0x164: {  	[sflag:s4] =	ssyncset.done $0x0  }
0x165: {  	[sflag:s4] =	ssyncadd.s32 $0xFFFFFF80  }
0x166: {  	_ =	swait.ge [sflag:s4], $0x80  }
0x167: {  	[sflag:s4] =	ssyncset.done $0x0  }
0x168: {  	[sflag:s4] =	ssyncadd.s32 $0xFFFFFF80  }
0x169: {  	_ =	swait.ge [sflag:s4], $0x80  }
0x16a: {  	[sflag:s4] =	ssyncset.done $0x0  }
0x16b: {  	[sflag:s4] =	ssyncadd.s32 $0xFFFFFF80  }
0x16c: {  	_ =	swait.ge [sflag:s4], $0x80  }
0x16d: {  	[sflag:s4] =	ssyncset.done $0x0  }
0x16e: {  	[sflag:s4] =	ssyncadd.s32 $0xFFFFFF80  }
0x16f: {  	_ =	swait.ge [sflag:s4], $0x80  }
0x170: {  	[sflag:s4] =	ssyncset.done $0x0  }
0x171: {  	[sflag:s4] =	ssyncadd.s32 $0xFFFFFF80  }
0x172: {  	_ =	swait.ge [sflag:s4], $0x80  }
0x173: {  	[sflag:s4] =	ssyncset.done $0x0  }
0x174: {  	[sflag:s4] =	ssyncadd.s32 $0xFFFFFF80  }
0x175: {  	_ =	swait.ge [sflag:s4], $0x80  }
0x176: {  	[sflag:s4] =	ssyncset.done $0x0  }
0x177: {  	[sflag:s4] =	ssyncadd.s32 $0xFFFFFF80  }
0x178: {  	_ =	swait.ge [sflag:s4], $0x80  }
0x179: {  	[sflag:s4] =	ssyncset.done $0x0  }
0x17a: {  	[sflag:s4] =	ssyncadd.s32 $0xFFFFFF80  }
0x17b: {  	_ =	swait.ge [sflag:s4], $0x80  }
0x17c: {  	[sflag:s4] =	ssyncset.done $0x0  }
0x17d: {  	[sflag:s4] =	ssyncadd.s32 $0xFFFFFF80  }
0x17e: {  	_ =	swait.ge [sflag:s4], $0x80  }
0x17f: {  	[sflag:s4] =	ssyncset.done $0x0  }
0x180: {  	[sflag:s4] =	ssyncadd.s32 $0xFFFFFF80  }
0x181: {  	_ =	swait.ge [sflag:s4], $0x80  }
0x182: {  	[sflag:s4] =	ssyncset.done $0x0  }
0x183: {  	[sflag:s4] =	ssyncadd.s32 $0xFFFFFF80  }
0x184: {  	_ =	swait.ge [sflag:s4], $0x80  }
0x185: {  	[sflag:s4] =	ssyncset.done $0x0  }
0x186: {  	[sflag:s4] =	ssyncadd.s32 $0xFFFFFF80  }
0x187: {  	_ =	swait.ge [sflag:s4], $0x80  }
0x188: {  	[sflag:s4] =	ssyncset.done $0x0  }
0x189: {  	[sflag:s4] =	ssyncadd.s32 $0xFFFFFF80  }
0x18a: {  	_ =	swait.ge [sflag:s4], $0x80  }
0x18b: {  	[sflag:s4] =	ssyncset.done $0x0  }
0x18c: {  	[sflag:s4] =	ssyncadd.s32 $0xFFFFFF80  }
0x18d: {  	_ =	swait.ge [sflag:s4], $0x80  }
0x18e: {  	[sflag:s4] =	ssyncset.done $0x0  }
0x18f: {  	[sflag:s4] =	ssyncadd.s32 $0xFFFFFF80  }
0x190: {  	_ =	swait.ge [sflag:s4], $0x80  }
0x191: {  	[sflag:s4] =	ssyncset.done $0x0  }
0x192: {  	[sflag:s4] =	ssyncadd.s32 $0xFFFFFF80  }
0x193: {  	_ =	swait.ge [sflag:s4], $0x80  }
0x194: {  	[sflag:s4] =	ssyncset.done $0x0  }
0x195: {  	[sflag:s4] =	ssyncadd.s32 $0xFFFFFF80  }
0x196: {  	_ =	swait.ge [sflag:s4], $0x80  }
0x197: {  	[sflag:s4] =	ssyncset.done $0x0  }
0x198: {  	[sflag:s4] =	ssyncadd.s32 $0xFFFFFF80  }
0x199: {  	_ =	swait.ge [sflag:s4], $0x80  }
0x19a: {  	[sflag:s4] =	ssyncset.done $0x0  }
0x19b: {  	[sflag:s4] =	ssyncadd.s32 $0xFFFFFF80  }
0x19c: {  	_ =	swait.ge [sflag:s4], $0x80  }
0x19d: {  	[sflag:s4] =	ssyncset.done $0x0  }
0x19e: {  	[sflag:s4] =	ssyncadd.s32 $0xFFFFFF80  }
0x19f: {  	_ =	swait.ge [sflag:s4], $0x80  }
0x1a0: {  	[sflag:s4] =	ssyncset.done $0x0  }
0x1a1: {  	[sflag:s4] =	ssyncadd.s32 $0xFFFFFF80  }
0x1a2: {  	_ =	swait.ge [sflag:s4], $0x80  }
0x1a3: {  	[sflag:s4] =	ssyncset.done $0x0  }
0x1a4: {  	[sflag:s4] =	ssyncadd.s32 $0xFFFFFF80  }
0x1a5: {  	_ =	swait.ge [sflag:s4], $0x80  }
0x1a6: {  	[sflag:s4] =	ssyncset.done $0x0  }
0x1a7: {  	[sflag:s4] =	ssyncadd.s32 $0xFFFFFF80  }
0x1a8: {  	_ =	swait.ge [sflag:s4], $0x80  }
0x1a9: {  	[sflag:s4] =	ssyncset.done $0x0  }
0x1aa: {  	[sflag:s4] =	ssyncadd.s32 $0xFFFFFF80  }
0x1ab: {  	_ =	swait.ge [sflag:s4], $0x80  }
0x1ac: {  	[sflag:s4] =	ssyncset.done $0x0  }
0x1ad: {  	[sflag:s4] =	ssyncadd.s32 $0xFFFFFF80  }
0x1ae: {  	_ =	swait.ge [sflag:s4], $0x80  }
0x1af: {  	[sflag:s4] =	ssyncset.done $0x0  }
0x1b0: {  	[sflag:s4] =	ssyncadd.s32 $0xFFFFFF80  }
0x1b1: {  	_ =	swait.ge [sflag:s4], $0x80  }
0x1b2: {  	[sflag:s4] =	ssyncset.done $0x0  }
0x1b3: {  	[sflag:s4] =	ssyncadd.s32 $0xFFFFFF80  }
0x1b4: {  	_ =	swait.ge [sflag:s4], $0x80  }
0x1b5: {  	[sflag:s4] =	ssyncset.done $0x0  }
0x1b6: {  	[sflag:s4] =	ssyncadd.s32 $0xFFFFFF80  }
0x1b7: {  	_ =	swait.ge [sflag:s4], $0x80  }
0x1b8: {  	[sflag:s4] =	ssyncset.done $0x0  }
0x1b9: {  	[sflag:s4] =	ssyncadd.s32 $0xFFFFFF80  }
0x1ba: {  	_ =	swait.ge [sflag:s4], $0x80  }
0x1bb: {  	[sflag:s4] =	ssyncset.done $0x0  }
0x1bc: {  	[sflag:s4] =	ssyncadd.s32 $0xFFFFFF80  }
0x1bd: {  	p1 =	sne.s32 s1, $0x1;
	_ =	swait.ge [sflag:s4], $0x80  }
.Ltmp2:
0x1be: {  	[sflag:s4] =	ssyncset.done $0x0;
	(pc) =	sbr.rel @p1 .LBB2_4-.Ltmp2, $4  }
0x1bf: {  	s5 =	rddreg [dreg:$0x3];
	[sflag:s4] =	ssyncadd.s32 $0xFFFFFF80  }
0x1c0: {  	[hbm4b:s5+s3] =	stream.strided.scatter [tilespmem:s3], [sflag:$0x2], $0x1400, s20, s3, $0x38;
	[tilespmem:$0x1900] =	vst v63  }
0x1c1: {  	_ =	swait.ge [sflag:s2], $0x1400  }
0x1c2: {  	s1 =	sadd.s32 $0xFFFFFFFF, s1;
	s0 =	rddreg [dreg:$0x2];
	[sflag:s2] =	ssyncset.done $0x0  }
0x1c3: {  	s20 =	simm.s32 $0x1880;
	s31 =	simm.s32 $0x1800;
	s30 =	simm.s32 $0x1780  }
0x1c4: {  	s29 =	simm.s32 $0x1700;
	s28 =	simm.s32 $0x1680;
	s26 =	simm.s32 $0x1600  }
0x1c5: {  	s25 =	simm.s32 $0x1580;
	s24 =	simm.s32 $0x1500;
	s23 =	simm.s32 $0x1480  }
0x1c6: {  	s22 =	simm.s32 $0x1400;
	s21 =	simm.s32 $0x1380;
	s5 =	stileid.u32  }
.LBB2_6:
0x1c7: {  	[sflag:s2] =	ssyncadd.s32 @p0 $0xFFFFEC00  }
0x1c8: {  	[tilespmem:s6], [sflag:$0x2] =	stream.linear.gather [hbm4b:s0+s6], $0x500, $0x38;
	[tilespmem:$0x1900] =	vst v63  }
0x1c9: {  	_ =	swait.ge [sflag:s2], $0x500  }
0x1ca: {  	[sflag:s2] =	ssyncset.done $0x0  }
0x1cb: {  	[sflag:s2] =	ssyncadd.s32 $0xFFFFFB00  }
0x1cc: {  	[tilespmem:s3], [sflag:$0x1] =	stream.indirect.gather [hbm4b:s8+s10], $0x1, s6, s10, $0xb8;
	[tilespmem:$0x1900] =	vst v63  }
0x1cd: {  	s0 =	rddreg [dreg:$0x4]  }
0x1ce: {  	[tilespmem:s0], [sflag:$0x1] =	stream.indirect.gather [hbm4b:s8+s10], $0x1, s10, s10, $0xb8;
	[tilespmem:$0x1900] =	vst v63  }
0x1cf: {  	s1 =	rddreg [dreg:$0x5]  }
0x1d0: {  	[tilespmem:s1], [sflag:$0x1] =	stream.indirect.gather [hbm4b:s8+s10], $0x1, s12, s10, $0xb8;
	[tilespmem:$0x1900] =	vst v63  }
0x1d1: {  	s0 =	rddreg [dreg:$0x6]  }
0x1d2: {  	[tilespmem:s0], [sflag:$0x1] =	stream.indirect.gather [hbm4b:s8+s10], $0x1, s13, s10, $0xb8;
	[tilespmem:$0x1900] =	vst v63  }
0x1d3: {  	s1 =	rddreg [dreg:$0x7]  }
0x1d4: {  	[tilespmem:s1], [sflag:$0x1] =	stream.indirect.gather [hbm4b:s8+s10], $0x1, s14, s10, $0xb8;
	[tilespmem:$0x1900] =	vst v63  }
0x1d5: {  	s0 =	rddreg [dreg:$0x8]  }
0x1d6: {  	[tilespmem:s0], [sflag:$0x1] =	stream.indirect.gather [hbm4b:s8+s10], $0x1, s15, s10, $0xb8;
	[tilespmem:$0x1900] =	vst v63  }
0x1d7: {  	s1 =	rddreg [dreg:$0x9]  }
0x1d8: {  	[tilespmem:s1], [sflag:$0x1] =	stream.indirect.gather [hbm4b:s8+s10], $0x1, s16, s10, $0xb8;
	[tilespmem:$0x1900] =	vst v63  }
0x1d9: {  	s0 =	rddreg [dreg:$0xa]  }
0x1da: {  	[tilespmem:s0], [sflag:$0x1] =	stream.indirect.gather [hbm4b:s8+s10], $0x1, s17, s10, $0xb8;
	[tilespmem:$0x1900] =	vst v63  }
0x1db: {  	s1 =	rddreg [dreg:$0xb]  }
0x1dc: {  	[tilespmem:s1], [sflag:$0x1] =	stream.indirect.gather [hbm4b:s8+s10], $0x1, s18, s10, $0xb8;
	[tilespmem:$0x1900] =	vst v63  }
0x1dd: {  	s0 =	rddreg [dreg:$0xc]  }
0x1de: {  	[tilespmem:s0], [sflag:$0x1] =	stream.indirect.gather [hbm4b:s8+s10], $0x1, s19, s10, $0xb8;
	[tilespmem:$0x1900] =	vst v63  }
0x1df: {  	s1 =	rddreg [dreg:$0xd]  }
0x1e0: {  	[tilespmem:s1], [sflag:$0x1] =	stream.indirect.gather [hbm4b:s11+s10], $0x1, s6, s10, $0xb8;
	[tilespmem:$0x1900] =	vst v63  }
0x1e1: {  	s8 =	rddreg [dreg:$0xe]  }
0x1e2: {  	[tilespmem:s8], [sflag:$0x1] =	stream.indirect.gather [hbm4b:s11+s10], $0x1, s10, s10, $0xb8;
	[tilespmem:$0x1900] =	vst v63  }
0x1e3: {  	s1 =	rddreg [dreg:$0xf]  }
0x1e4: {  	[tilespmem:s1], [sflag:$0x1] =	stream.indirect.gather [hbm4b:s11+s10], $0x1, s12, s10, $0xb8;
	[tilespmem:$0x1900] =	vst v63  }
0x1e5: {  	s8 =	rddreg [dreg:$0x10]  }
0x1e6: {  	[tilespmem:s8], [sflag:$0x1] =	stream.indirect.gather [hbm4b:s11+s10], $0x1, s13, s10, $0xb8;
	[tilespmem:$0x1900] =	vst v63  }
0x1e7: {  	s1 =	rddreg [dreg:$0x11]  }
0x1e8: {  	[tilespmem:s1], [sflag:$0x1] =	stream.indirect.gather [hbm4b:s11+s10], $0x1, s14, s10, $0xb8;
	[tilespmem:$0x1900] =	vst v63  }
0x1e9: {  	s8 =	rddreg [dreg:$0x12]  }
0x1ea: {  	[tilespmem:s8], [sflag:$0x1] =	stream.indirect.gather [hbm4b:s11+s10], $0x1, s15, s10, $0xb8;
	[tilespmem:$0x1900] =	vst v63  }
0x1eb: {  	s1 =	rddreg [dreg:$0x13]  }
0x1ec: {  	[tilespmem:s1], [sflag:$0x1] =	stream.indirect.gather [hbm4b:s11+s10], $0x1, s16, s10, $0xb8;
	[tilespmem:$0x1900] =	vst v63  }
0x1ed: {  	s8 =	rddreg [dreg:$0x14]  }
0x1ee: {  	[tilespmem:s8], [sflag:$0x1] =	stream.indirect.gather [hbm4b:s11+s10], $0x1, s17, s10, $0xb8;
	[tilespmem:$0x1900] =	vst v63  }
0x1ef: {  	s1 =	rddreg [dreg:$0x15]  }
0x1f0: {  	[tilespmem:s1], [sflag:$0x1] =	stream.indirect.gather [hbm4b:s11+s10], $0x1, s18, s10, $0xb8;
	[tilespmem:$0x1900] =	vst v63  }
0x1f1: {  	s8 =	rddreg [dreg:$0x16]  }
0x1f2: {  	[tilespmem:s8], [sflag:$0x1] =	stream.indirect.gather [hbm4b:s11+s10], $0x1, s19, s10, $0xb8;
	[tilespmem:$0x1900] =	vst v63  }
0x1f3: {  	s1 =	rddreg [dreg:$0x17]  }
0x1f4: {  	[tilespmem:s1], [sflag:$0x1] =	stream.indirect.gather [hbm4b:s9+s10], $0x1, s6, s10, $0xb8;
	[tilespmem:$0x1900] =	vst v63  }
0x1f5: {  	s8 =	rddreg [dreg:$0x18]  }
0x1f6: {  	[tilespmem:s8], [sflag:$0x1] =	stream.indirect.gather [hbm4b:s9+s10], $0x1, s10, s10, $0xb8;
	[tilespmem:$0x1900] =	vst v63  }
0x1f7: {  	s11 =	rddreg [dreg:$0x19]  }
0x1f8: {  	[tilespmem:s11], [sflag:$0x1] =	stream.indirect.gather [hbm4b:s9+s10], $0x1, s12, s10, $0xb8;
	[tilespmem:$0x1900] =	vst v63  }
0x1f9: {  	s8 =	rddreg [dreg:$0x1a]  }
0x1fa: {  	[tilespmem:s8], [sflag:$0x1] =	stream.indirect.gather [hbm4b:s9+s10], $0x1, s13, s10, $0xb8;
	[tilespmem:$0x1900] =	vst v63  }
0x1fb: {  	s11 =	rddreg [dreg:$0x1b]  }
0x1fc: {  	[tilespmem:s11], [sflag:$0x1] =	stream.indirect.gather [hbm4b:s9+s10], $0x1, s14, s10, $0xb8;
	[tilespmem:$0x1900] =	vst v63  }
0x1fd: {  	s8 =	rddreg [dreg:$0x1c]  }
0x1fe: {  	[tilespmem:s8], [sflag:$0x1] =	stream.indirect.gather [hbm4b:s9+s10], $0x1, s15, s10, $0xb8;
	[tilespmem:$0x1900] =	vst v63  }
0x1ff: {  	s11 =	rddreg [dreg:$0x1d]  }
0x200: {  	[tilespmem:s11], [sflag:$0x1] =	stream.indirect.gather [hbm4b:s9+s10], $0x1, s16, s10, $0xb8;
	[tilespmem:$0x1900] =	vst v63  }
0x201: {  	s8 =	rddreg [dreg:$0x1e]  }
0x202: {  	[tilespmem:s8], [sflag:$0x1] =	stream.indirect.gather [hbm4b:s9+s10], $0x1, s17, s10, $0xb8;
	[tilespmem:$0x1900] =	vst v63  }
0x203: {  	s11 =	rddreg [dreg:$0x1f]  }
0x204: {  	[tilespmem:s11], [sflag:$0x1] =	stream.indirect.gather [hbm4b:s9+s10], $0x1, s18, s10, $0xb8;
	[tilespmem:$0x1900] =	vst v63  }
0x205: {  	_ = 	snop  }
0x206: {  	[tilespmem:s21], [sflag:$0x1] =	stream.indirect.gather [hbm4b:s9+s10], $0x1, s19, s10, $0xb8;
	[tilespmem:$0x1900] =	vst v63  }
0x207: {  	_ = 	snop  }
0x208: {  	[tilespmem:s22], [sflag:$0x1] =	stream.indirect.gather [hbm4b:s7+s10], $0x1, s6, s10, $0xb8;
	[tilespmem:$0x1900] =	vst v63  }
0x209: {  	_ = 	snop  }
0x20a: {  	[tilespmem:s23], [sflag:$0x1] =	stream.indirect.gather [hbm4b:s7+s10], $0x1, s10, s10, $0xb8;
	[tilespmem:$0x1900] =	vst v63  }
0x20b: {  	_ = 	snop  }
0x20c: {  	[tilespmem:s24], [sflag:$0x1] =	stream.indirect.gather [hbm4b:s7+s10], $0x1, s12, s10, $0xb8;
	[tilespmem:$0x1900] =	vst v63  }
0x20d: {  	_ = 	snop  }
0x20e: {  	[tilespmem:s25], [sflag:$0x1] =	stream.indirect.gather [hbm4b:s7+s10], $0x1, s13, s10, $0xb8;
	[tilespmem:$0x1900] =	vst v63  }
0x20f: {  	_ = 	snop  }
0x210: {  	[tilespmem:s26], [sflag:$0x1] =	stream.indirect.gather [hbm4b:s7+s10], $0x1, s14, s10, $0xb8;
	[tilespmem:$0x1900] =	vst v63  }
0x211: {  	_ = 	snop  }
0x212: {  	[tilespmem:s28], [sflag:$0x1] =	stream.indirect.gather [hbm4b:s7+s10], $0x1, s15, s10, $0xb8;
	[tilespmem:$0x1900] =	vst v63  }
0x213: {  	_ = 	snop  }
0x214: {  	[tilespmem:s29], [sflag:$0x1] =	stream.indirect.gather [hbm4b:s7+s10], $0x1, s16, s10, $0xb8;
	[tilespmem:$0x1900] =	vst v63  }
0x215: {  	_ = 	snop  }
0x216: {  	[tilespmem:s30], [sflag:$0x1] =	stream.indirect.gather [hbm4b:s7+s10], $0x1, s17, s10, $0xb8;
	[tilespmem:$0x1900] =	vst v63  }
0x217: {  	_ = 	snop  }
0x218: {  	[tilespmem:s31], [sflag:$0x1] =	stream.indirect.gather [hbm4b:s7+s10], $0x1, s18, s10, $0xb8;
	[tilespmem:$0x1900] =	vst v63  }
0x219: {  	_ = 	snop  }
0x21a: {  	[tilespmem:s20], [sflag:$0x1] =	stream.indirect.gather [hbm4b:s7+s10], $0x1, s19, s10, $0xb8;
	[tilespmem:$0x1900] =	vst v63  }
0x21b: {  	_ =	swait.ge [sflag:s4], $0x80  }
0x21c: {  	[sflag:s4] =	ssyncset.done $0x0  }
0x21d: {  	[sflag:s4] =	ssyncadd.s32 $0xFFFFFF80  }
0x21e: {  	_ =	swait.ge [sflag:s4], $0x80  }
0x21f: {  	[sflag:s4] =	ssyncset.done $0x0  }
0x220: {  	[sflag:s4] =	ssyncadd.s32 $0xFFFFFF80  }
0x221: {  	_ =	swait.ge [sflag:s4], $0x80  }
0x222: {  	[sflag:s4] =	ssyncset.done $0x0  }
0x223: {  	[sflag:s4] =	ssyncadd.s32 $0xFFFFFF80  }
0x224: {  	_ =	swait.ge [sflag:s4], $0x80  }
0x225: {  	[sflag:s4] =	ssyncset.done $0x0  }
0x226: {  	[sflag:s4] =	ssyncadd.s32 $0xFFFFFF80  }
0x227: {  	_ =	swait.ge [sflag:s4], $0x80  }
0x228: {  	[sflag:s4] =	ssyncset.done $0x0  }
0x229: {  	[sflag:s4] =	ssyncadd.s32 $0xFFFFFF80  }
0x22a: {  	_ =	swait.ge [sflag:s4], $0x80  }
0x22b: {  	[sflag:s4] =	ssyncset.done $0x0  }
0x22c: {  	[sflag:s4] =	ssyncadd.s32 $0xFFFFFF80  }
0x22d: {  	_ =	swait.ge [sflag:s4], $0x80  }
0x22e: {  	[sflag:s4] =	ssyncset.done $0x0  }
0x22f: {  	[sflag:s4] =	ssyncadd.s32 $0xFFFFFF80  }
0x230: {  	_ =	swait.ge [sflag:s4], $0x80  }
0x231: {  	[sflag:s4] =	ssyncset.done $0x0  }
0x232: {  	[sflag:s4] =	ssyncadd.s32 $0xFFFFFF80  }
0x233: {  	_ =	swait.ge [sflag:s4], $0x80  }
0x234: {  	[sflag:s4] =	ssyncset.done $0x0  }
0x235: {  	[sflag:s4] =	ssyncadd.s32 $0xFFFFFF80  }
0x236: {  	_ =	swait.ge [sflag:s4], $0x80  }
0x237: {  	[sflag:s4] =	ssyncset.done $0x0  }
0x238: {  	[sflag:s4] =	ssyncadd.s32 $0xFFFFFF80  }
0x239: {  	_ =	swait.ge [sflag:s4], $0x80  }
0x23a: {  	[sflag:s4] =	ssyncset.done $0x0  }
0x23b: {  	[sflag:s4] =	ssyncadd.s32 $0xFFFFFF80  }
0x23c: {  	_ =	swait.ge [sflag:s4], $0x80  }
0x23d: {  	[sflag:s4] =	ssyncset.done $0x0  }
0x23e: {  	[sflag:s4] =	ssyncadd.s32 $0xFFFFFF80  }
0x23f: {  	_ =	swait.ge [sflag:s4], $0x80  }
0x240: {  	[sflag:s4] =	ssyncset.done $0x0  }
0x241: {  	[sflag:s4] =	ssyncadd.s32 $0xFFFFFF80  }
0x242: {  	_ =	swait.ge [sflag:s4], $0x80  }
0x243: {  	[sflag:s4] =	ssyncset.done $0x0  }
0x244: {  	[sflag:s4] =	ssyncadd.s32 $0xFFFFFF80  }
0x245: {  	_ =	swait.ge [sflag:s4], $0x80  }
0x246: {  	[sflag:s4] =	ssyncset.done $0x0  }
0x247: {  	[sflag:s4] =	ssyncadd.s32 $0xFFFFFF80  }
0x248: {  	_ =	swait.ge [sflag:s4], $0x80  }
0x249: {  	[sflag:s4] =	ssyncset.done $0x0  }
0x24a: {  	[sflag:s4] =	ssyncadd.s32 $0xFFFFFF80  }
0x24b: {  	_ =	swait.ge [sflag:s4], $0x80  }
0x24c: {  	[sflag:s4] =	ssyncset.done $0x0  }
0x24d: {  	[sflag:s4] =	ssyncadd.s32 $0xFFFFFF80  }
0x24e: {  	_ =	swait.ge [sflag:s4], $0x80  }
0x24f: {  	[sflag:s4] =	ssyncset.done $0x0  }
0x250: {  	[sflag:s4] =	ssyncadd.s32 $0xFFFFFF80  }
0x251: {  	_ =	swait.ge [sflag:s4], $0x80  }
0x252: {  	[sflag:s4] =	ssyncset.done $0x0  }
0x253: {  	[sflag:s4] =	ssyncadd.s32 $0xFFFFFF80  }
0x254: {  	_ =	swait.ge [sflag:s4], $0x80  }
0x255: {  	[sflag:s4] =	ssyncset.done $0x0  }
0x256: {  	[sflag:s4] =	ssyncadd.s32 $0xFFFFFF80  }
0x257: {  	_ =	swait.ge [sflag:s4], $0x80  }
0x258: {  	[sflag:s4] =	ssyncset.done $0x0  }
0x259: {  	[sflag:s4] =	ssyncadd.s32 $0xFFFFFF80  }
0x25a: {  	_ =	swait.ge [sflag:s4], $0x80  }
0x25b: {  	[sflag:s4] =	ssyncset.done $0x0  }
0x25c: {  	[sflag:s4] =	ssyncadd.s32 $0xFFFFFF80  }
0x25d: {  	_ =	swait.ge [sflag:s4], $0x80  }
0x25e: {  	[sflag:s4] =	ssyncset.done $0x0  }
0x25f: {  	[sflag:s4] =	ssyncadd.s32 $0xFFFFFF80  }
0x260: {  	_ =	swait.ge [sflag:s4], $0x80  }
0x261: {  	[sflag:s4] =	ssyncset.done $0x0  }
0x262: {  	[sflag:s4] =	ssyncadd.s32 $0xFFFFFF80  }
0x263: {  	_ =	swait.ge [sflag:s4], $0x80  }
0x264: {  	[sflag:s4] =	ssyncset.done $0x0  }
0x265: {  	[sflag:s4] =	ssyncadd.s32 $0xFFFFFF80  }
0x266: {  	_ =	swait.ge [sflag:s4], $0x80  }
0x267: {  	[sflag:s4] =	ssyncset.done $0x0  }
0x268: {  	[sflag:s4] =	ssyncadd.s32 $0xFFFFFF80  }
0x269: {  	_ =	swait.ge [sflag:s4], $0x80  }
0x26a: {  	[sflag:s4] =	ssyncset.done $0x0  }
0x26b: {  	[sflag:s4] =	ssyncadd.s32 $0xFFFFFF80  }
0x26c: {  	_ =	swait.ge [sflag:s4], $0x80  }
0x26d: {  	[sflag:s4] =	ssyncset.done $0x0  }
0x26e: {  	[sflag:s4] =	ssyncadd.s32 $0xFFFFFF80  }
0x26f: {  	_ =	swait.ge [sflag:s4], $0x80  }
0x270: {  	[sflag:s4] =	ssyncset.done $0x0  }
0x271: {  	[sflag:s4] =	ssyncadd.s32 $0xFFFFFF80  }
0x272: {  	_ =	swait.ge [sflag:s4], $0x80  }
0x273: {  	[sflag:s4] =	ssyncset.done $0x0  }
0x274: {  	[sflag:s4] =	ssyncadd.s32 $0xFFFFFF80  }
0x275: {  	_ =	swait.ge [sflag:s4], $0x80  }
0x276: {  	[sflag:s4] =	ssyncset.done $0x0  }
0x277: {  	[sflag:s4] =	ssyncadd.s32 $0xFFFFFF80  }
0x278: {  	_ =	swait.ge [sflag:s4], $0x80  }
0x279: {  	[sflag:s4] =	ssyncset.done $0x0  }
0x27a: {  	[sflag:s4] =	ssyncadd.s32 $0xFFFFFF80  }
0x27b: {  	_ =	swait.ge [sflag:s4], $0x80  }
0x27c: {  	[sflag:s4] =	ssyncset.done $0x0  }
0x27d: {  	[sflag:s4] =	ssyncadd.s32 $0xFFFFFF80  }
0x27e: {  	_ =	swait.ge [sflag:s4], $0x80  }
0x27f: {  	[sflag:s4] =	ssyncset.done $0x0  }
0x280: {  	[sflag:s4] =	ssyncadd.s32 $0xFFFFFF80  }
0x281: {  	_ =	swait.ge [sflag:s4], $0x80  }
0x282: {  	[sflag:s4] =	ssyncset.done $0x0  }
0x283: {  	[sflag:s4] =	ssyncadd.s32 $0xFFFFFF80  }
0x284: {  	_ =	swait.ge [sflag:s4], $0x80  }
0x285: {  	[sflag:s4] =	ssyncset.done $0x0  }
0x286: {  	[sflag:s4] =	ssyncadd.s32 $0xFFFFFF80  }
0x287: {  	_ =	swait.ge [sflag:s4], $0x80  }
0x288: {  	[sflag:s4] =	ssyncset.done $0x0  }
0x289: {  	[sflag:s4] =	ssyncadd.s32 $0xFFFFFF80  }
0x28a: {  	_ =	swait.ge [sflag:s4], $0x80  }
0x28b: {  	[sflag:s4] =	ssyncset.done $0x0  }
0x28c: {  	[sflag:s4] =	ssyncadd.s32 $0xFFFFFF80  }
0x28d: {  	_ =	swait.ge [sflag:s4], $0x80  }
0x28e: {  	[sflag:s4] =	ssyncset.done $0x0  }
0x28f: {  	[sflag:s4] =	ssyncadd.s32 $0xFFFFFF80  }
0x290: {  	_ =	swait.ge [sflag:s4], $0x80  }
0x291: {  	[sflag:s4] =	ssyncset.done $0x0  }
0x292: {  	s31 =	simm.s32 $0xA000;
	s30 =	rddreg [dreg:$0x3];
	[sflag:s4] =	ssyncadd.s32 $0xFFFFFF80  }
0x293: {  	[hbm4b:s30+s3] =	stream.strided.scatter [tilespmem:s3], [sflag:$0x2], $0x1400, s31, s3, $0x38;
	[tilespmem:$0x1900] =	vst v63  }
0x294: {  	_ =	swait.ge [sflag:s2], $0x1400  }
0x295: {  	[sflag:s2] =	ssyncset.done $0x0  }
0x296: {  	[sflag:s2] =	ssyncadd.s32 $0xFFFFEC00  }
0x297: {  	_ =	sfence.sel $0x180000  }
0x298: {  	[bflag:$0x0] =	sbarrier.arrive $0xFFFF  }
0x299: {  	_ =	strace $0x90000047  }
0x29a: {  	[bflag:$0x2] =	sbarrier.arrive $0xFFFF  }
0x29b: {  	p0 =	sne.s32 s5, $0x0;
	s0 =	rddreg [dreg:$0x1]  }
0x29c: {  	s0 =	sadd.s32 @!p0 $0x100000, s0  }
0x29d: {  	[sflag:s0] =	ssyncadd.tile.s32 @!p0 $0x1;
	_ =	shalt  }
.LBB2_1:
.Ltmp3:
0x29e: {  	(pc) =	sbr.rel .LBB2_6-.Ltmp3, $4  }
0x29f: {  	s20 =	simm.s32 $0x1880;
	s31 =	simm.s32 $0x1800  }
0x2a0: {  	s30 =	simm.s32 $0x1780;
	s29 =	simm.s32 $0x1700;
	s28 =	simm.s32 $0x1680  }
0x2a1: {  	s26 =	simm.s32 $0x1600;
	s25 =	simm.s32 $0x1580;
	s24 =	simm.s32 $0x1500  }
0x2a2: {  	s23 =	simm.s32 $0x1480;
	s22 =	simm.s32 $0x1400;
	s21 =	simm.s32 $0x1380  }
.LBB2_3:
.Ltmp4:
0x2a3: {  	(pc) =	sbr.rel .LBB2_6-.Ltmp4, $4  }
0x2a4: {  	s20 =	simm.s32 $0x1880;
	s31 =	simm.s32 $0x1800;
	s30 =	simm.s32 $0x1780  }
0x2a5: {  	s29 =	simm.s32 $0x1700;
	s28 =	simm.s32 $0x1680;
	s26 =	simm.s32 $0x1600  }
0x2a6: {  	s25 =	simm.s32 $0x1580;
	s24 =	simm.s32 $0x1500;
	s23 =	simm.s32 $0x1480  }
0x2a7: {  	s22 =	simm.s32 $0x1400;
	s21 =	simm.s32 $0x1380;
	s5 =	stileid.u32  }
.Lfunc_end2:
_tile_overlayer_lowered:
.L_overlay_start_2:
0x2a8: {  	(tag) =	ssettag $0x2  }
0x2a9: {  	s0 =	rddreg [dreg:$0x0];
	s2 =	stileid.u32  }
0x2aa: {  	s1 =	rddreg [dreg:$0x1];
	p0 =	sne.s32 s2, $0x0  }
0x2ab: {  	s3 =	rddreg [dreg:$0x2];
	[bflag:$0x3] =	sbarrier.arrive $0xFFFF;
	s2 =	simm.s32 @!p0 $0x1C02  }
0x2ac: {  	[timem:s3], [sflag:s2] =	dma.local @!p0 [hbm:s0], s1  }
0x2ad: {  	s0 =	simm.s32 @!p0 $0x2  }
0x2ae: {  	_ =	swait.ge @!p0 [sflag:s0], s1  }
0x2af: {  	s1 =	ssub.s32 @!p0 $0x0, s1;
	[sflag:s0] =	ssyncset.done @!p0 $0x0  }
0x2b0: {  	[sflag:s0] =	ssyncadd.s32 @!p0 s1  }
0x2b1: {  	[bflag:$0x3] =	sbarrier.arrive $0xFFFF  }
0x2b2: {  	_ =	shalt  }

</sc_bundles>
